<compile_context>
chip_gen: v7x
topology: tpu7x:2x2x1
jax: 0.10.2.dev20260603
libtpu: 0.0.44.dev20260713+nightly
codegen_flags: <defaults>
</compile_context>

<pallas_src>
import functools

import jax
import jax.numpy as jnp
from jax import lax
from jax.experimental import pallas as pl
from jax.experimental.pallas import tpu as pltpu
from jax.experimental.pallas import tpu_sc as plsc

NUM_RELS = 10
L = 16
NC = 2
NS = 16
NW = NC * NS
C = 4000
U = 5


def _s1_body(a_ref, w_ref, b_ref, o_ref):
    p = jnp.dot(a_ref[...], w_ref[...], preferred_element_type=jnp.float32)
    s = jax.nn.sigmoid(p + b_ref[0, 0])
    o_ref[...] = jnp.broadcast_to(s, (s.shape[0], 128))


def _compute_s1(ability, w_relation, bias):
    n, d = ability.shape
    br = 20000
    return pl.pallas_call(
        _s1_body,
        grid=(n // br,),
        in_specs=[
            pl.BlockSpec((br, d), lambda i: (i, 0)),
            pl.BlockSpec((d, 1), lambda i: (0, 0)),
            pl.BlockSpec(memory_space=pltpu.SMEM),
        ],
        out_specs=pl.BlockSpec((br, 128), lambda i: (i, 0)),
        out_shape=jax.ShapeDtypeStruct((n, 128), jnp.float32),
    )(ability, w_relation, bias.reshape(1, 1))


@functools.partial(jax.jit, static_argnums=(5,))
def _sc_scores(s1, labf, wkr, tsk, rel, e):
    nchunks = e // C
    slots = (nchunks + NW - 1) // NW
    mesh = plsc.VectorSubcoreMesh(core_axis_name="c", subcore_axis_name="s")

    @functools.partial(
        pl.kernel,
        mesh=mesh,
        out_type=jax.ShapeDtypeStruct((e,), jnp.float32),
        scratch_types=[
            pltpu.VMEM((C,), jnp.int32),
            pltpu.VMEM((C,), jnp.int32),
            pltpu.VMEM((C,), jnp.int32),
            pltpu.VMEM((C,), jnp.int32),
            pltpu.VMEM((C,), jnp.int32),
            pltpu.VMEM((C,), jnp.int32),
            pltpu.VMEM((C,), jnp.int32),
            pltpu.VMEM((C,), jnp.int32),
            pltpu.VMEM((C,), jnp.int32),
            pltpu.VMEM((C,), jnp.int32),
            pltpu.VMEM((C,), jnp.float32),
            pltpu.VMEM((C,), jnp.float32),
            pltpu.VMEM((C,), jnp.float32),
            pltpu.VMEM((C,), jnp.float32),
            pltpu.VMEM((C,), jnp.float32),
            pltpu.VMEM((C,), jnp.float32),
            pltpu.SemaphoreType.DMA,
            pltpu.SemaphoreType.DMA,
            pltpu.SemaphoreType.DMA,
            pltpu.SemaphoreType.DMA,
            pltpu.SemaphoreType.DMA,
        ],
    )
    def sc(s1_hbm, lab_hbm, wkr_hbm, tsk_hbm, rel_hbm, out_hbm,
           wkr0, tsk0, rel0, wkr1, tsk1, rel1,
           gidx0, gidx1, widx0, widx1, sv0, sv1, tv0, tv1, ov0, ov1,
           sem_ld, sem_g0, sem_g1, sem_o0, sem_o1):
        cax = lax.axis_index("c")
        sax = lax.axis_index("s")
        wid = sax * NC + cax
        bufs = ((wkr0, tsk0, rel0), (wkr1, tsk1, rel1))
        gidxs, widxs = (gidx0, gidx1), (widx0, widx1)
        svs, tvs, ovs = (sv0, sv1), (tv0, tv1), (ov0, ov1)
        sgs, sos = (sem_g0, sem_g1), (sem_o0, sem_o1)

        def cid_of(k):
            return wid + k * NW

        def issue_loads(k):
            @pl.when(cid_of(k) < nchunks)
            def _():
                base = cid_of(k) * C
                w, t, r = bufs[k % 2]
                pltpu.async_copy(wkr_hbm.at[pl.ds(base, C)], w, sem_ld)
                pltpu.async_copy(tsk_hbm.at[pl.ds(base, C)], t, sem_ld)
                pltpu.async_copy(rel_hbm.at[pl.ds(base, C)], r, sem_ld)

        def stage_a(k):
            @pl.when(cid_of(k) < nchunks)
            def _():
                base = cid_of(k) * C
                w, t, r = bufs[k % 2]
                gx, wx = gidxs[k % 2], widxs[k % 2]
                pltpu.make_async_copy(wkr_hbm.at[pl.ds(base, C)], w, sem_ld).wait()
                pltpu.make_async_copy(tsk_hbm.at[pl.ds(base, C)], t, sem_ld).wait()
                pltpu.make_async_copy(rel_hbm.at[pl.ds(base, C)], r, sem_ld).wait()

                def gix(j, c):
                    o = j * (L * U)
                    for u in range(U):
                        oo = o + u * L
                        gx[pl.ds(oo, L)] = (t[pl.ds(oo, L)] * NUM_RELS
                                            + r[pl.ds(oo, L)])
                        wx[pl.ds(oo, L)] = w[pl.ds(oo, L)] * 128
                    return c
                lax.fori_loop(0, C // (L * U), gix, 0)

                pltpu.async_copy(s1_hbm.at[wx], svs[k % 2], sgs[k % 2])
                pltpu.async_copy(lab_hbm.at[gx], tvs[k % 2], sgs[k % 2])

        def stage_b(k):
            @pl.when(cid_of(k) < nchunks)
            def _():
                base = cid_of(k) * C
                gx, wx = gidxs[k % 2], widxs[k % 2]
                sv, tv, ov = svs[k % 2], tvs[k % 2], ovs[k % 2]
                pltpu.make_async_copy(s1_hbm.at[wx], sv, sgs[k % 2]).wait()
                pltpu.make_async_copy(lab_hbm.at[gx], tv, sgs[k % 2]).wait()
                if k >= 2:
                    pltpu.make_async_copy(
                        ov, out_hbm.at[pl.ds(cid_of(k - 2) * C, C)],
                        sos[k % 2]).wait()

                def blend(j, c):
                    o = j * (L * U)
                    for u in range(U):
                        oo = o + u * L
                        s1x = sv[pl.ds(oo, L)]
                        tf = tv[pl.ds(oo, L)]
                        s2 = (1.0 - s1x) * (1.0 / (NUM_RELS - 1))
                        ov[pl.ds(oo, L)] = s1x * tf + s2 * (1.0 - tf)
                    return c
                lax.fori_loop(0, C // (L * U), blend, 0)

                pltpu.async_copy(ov, out_hbm.at[pl.ds(base, C)], sos[k % 2])

        issue_loads(0)
        stage_a(0)
        issue_loads(1)
        for k in range(slots):
            if k + 1 < slots:
                stage_a(k + 1)
                if k + 2 < slots:
                    issue_loads(k + 2)
            stage_b(k)

        for k in (slots - 2, slots - 1):
            if k >= 0:
                @pl.when(cid_of(k) < nchunks)
                def _(k=k):
                    pltpu.make_async_copy(
                        ovs[k % 2], out_hbm.at[pl.ds(cid_of(k) * C, C)],
                        sos[k % 2]).wait()

    return sc(s1, labf, wkr, tsk, rel)


def kernel(ability, labels, wkr_idx, rel_idx, tsk_idx, w_relation, bias):
    e = wkr_idx.shape[0]
    s1 = _compute_s1(ability, w_relation, bias).reshape(-1)
    labf = labels.reshape(-1)
    score = _sc_scores(s1, labf,
                       wkr_idx.astype(jnp.int32),
                       tsk_idx.astype(jnp.int32),
                       rel_idx.astype(jnp.int32), e)
    return score.reshape(e, 1)

# --- scband reference (transcript-rebuilt; emitter-appended) ---
"""Pipeline reference for scband-gladlink-predict-10136122818669 (READ-ONLY COPY).

The authoritative reference and input builder live on the scoring server;
editing this copy changes nothing except your own understanding.
"""

import jax, jax.numpy as jnp
import numpy as np

NUM_RELS = 10
NUM_WKR = 100000
NUM_TSK = 100000
WKR_DIM = 64
E = 1000000


def setup_inputs(seed: int = 0) -> dict:
    key = jax.random.key(seed)
    ks = jax.random.split(key, 6)
    ability = jax.random.normal(ks[0], (NUM_WKR, WKR_DIM), dtype=jnp.float32)
    labels = jax.random.uniform(ks[1], (NUM_TSK, 1, NUM_RELS), dtype=jnp.float32)
    wkr_idx = jax.random.randint(ks[2], (E,), 0, NUM_WKR)
    rel_idx = jax.random.randint(ks[3], (E,), 0, NUM_RELS)
    tsk_idx = jax.random.randint(ks[4], (E,), 0, NUM_TSK)
    w_relation = jax.random.normal(ks[5], (WKR_DIM, 1), dtype=jnp.float32) * (2.0 ** 0.5) * (6.0 / (WKR_DIM + 1)) ** 0.5
    bias = jnp.zeros((1,), dtype=jnp.float32)
    return {"ability": ability, "labels": labels, "wkr_idx": wkr_idx,
            "rel_idx": rel_idx, "tsk_idx": tsk_idx,
            "w_relation": w_relation, "bias": bias}


def reference(ability, labels, wkr_idx, rel_idx, tsk_idx, w_relation, bias):
    # calc_score from GLADLinkPredict:
    # wkr_feature = nodes['ability'][wkr]
    wkr_feature = jnp.take(ability, wkr_idx, axis=0)  # [E, wkr_dim] gather
    # tsk_feature = nodes['labels'][tsk, :, relation]  -> advanced indexing [E, 1]
    tsk_feature = labels[tsk_idx, :, rel_idx]  # [E, 1] gather
    score_part1 = jax.nn.sigmoid(jnp.matmul(wkr_feature, w_relation) + bias)  # [E, 1]
    score_part2 = (1.0 - score_part1) / (NUM_RELS - 1)
    score = score_part1 * tsk_feature + score_part2 * (1.0 - tsk_feature)
    return score

if __name__ == "__main__":
    import jax
    _d = setup_inputs()
    print(jax.jit(kernel)(*tuple(_d.values())))

</pallas_src>

<mosaic_0001>
#map = affine_map<(d0, d1) -> (0)>
module attributes {stable_mosaic.version = 14 : i64} {
  func.func @sc(%arg0: i32, %arg1: i32, %arg2: memref<12800000xf32, #tpu.memory_space<hbm>>, %arg3: memref<1000000xf32, #tpu.memory_space<hbm>>, %arg4: memref<1000000xi32, #tpu.memory_space<hbm>>, %arg5: memref<1000000xi32, #tpu.memory_space<hbm>>, %arg6: memref<1000000xi32, #tpu.memory_space<hbm>>, %arg7: memref<1000000xf32, #tpu.memory_space<hbm>>, %arg8: memref<4000xi32, #tpu.memory_space<vmem>>, %arg9: memref<4000xi32, #tpu.memory_space<vmem>>, %arg10: memref<4000xi32, #tpu.memory_space<vmem>>, %arg11: memref<4000xi32, #tpu.memory_space<vmem>>, %arg12: memref<4000xi32, #tpu.memory_space<vmem>>, %arg13: memref<4000xi32, #tpu.memory_space<vmem>>, %arg14: memref<4000xi32, #tpu.memory_space<vmem>>, %arg15: memref<4000xi32, #tpu.memory_space<vmem>>, %arg16: memref<4000xi32, #tpu.memory_space<vmem>>, %arg17: memref<4000xi32, #tpu.memory_space<vmem>>, %arg18: memref<4000xf32, #tpu.memory_space<vmem>>, %arg19: memref<4000xf32, #tpu.memory_space<vmem>>, %arg20: memref<4000xf32, #tpu.memory_space<vmem>>, %arg21: memref<4000xf32, #tpu.memory_space<vmem>>, %arg22: memref<4000xf32, #tpu.memory_space<vmem>>, %arg23: memref<4000xf32, #tpu.memory_space<vmem>>, %arg24: memref<!tpu.dma_semaphore, #tpu.memory_space<semaphore_mem>>, %arg25: memref<!tpu.dma_semaphore, #tpu.memory_space<semaphore_mem>>, %arg26: memref<!tpu.dma_semaphore, #tpu.memory_space<semaphore_mem>>, %arg27: memref<!tpu.dma_semaphore, #tpu.memory_space<semaphore_mem>>, %arg28: memref<!tpu.dma_semaphore, #tpu.memory_space<semaphore_mem>>) attributes {dimension_semantics = [#tpu.dimension_semantics<core_parallel>, #tpu.dimension_semantics<subcore_parallel>], iteration_bounds = array<i64: 2, 16>, scalar_prefetch = 0 : i64, scratch_operands = 21 : i64, tpu.core_type = #tpu.core_type<sc_vector_subcore>, window_params = [{transform_indices = #map}, {transform_indices = #map}, {transform_indices = #map}, {transform_indices = #map}, {transform_indices = #map}, {transform_indices = #map}]} {
    %mul3A = arith.constant 2 : i32
    %mul3A_0 = arith.muli %arg1, %mul3A : i32
    %add3A = arith.addi %mul3A_0, %arg0 : i32
    %add3A_1 = arith.constant 0 : i32
    %add3A_2 = arith.addi %add3A, %add3A_1 : i32
    %lt3A = arith.constant 250 : i32
    %lt3A_3 = arith.cmpi slt, %add3A_2, %lt3A : i32
    %convert_element_type3A = arith.extui %lt3A_3 : i1 to i32
    %cond3A = arith.constant 0 : i32
    %cond3A_4 = arith.cmpi ne, %convert_element_type3A, %cond3A : i32
    scf.if %cond3A_4 {
      %add3A_180 = arith.constant 0 : i32
      %add3A_181 = arith.addi %add3A, %add3A_180 : i32
      %mul3A_182 = arith.constant 4000 : i32
      %mul3A_183 = arith.muli %add3A_181, %mul3A_182 : i32
      %dma_start3A = tpu.memref_slice %arg4[%mul3A_183] : memref<1000000xi32, #tpu.memory_space<hbm>> -> memref<4000xi32, #tpu.memory_space<hbm>>
      %dma_start3A_184 = tpu.memref_slice %arg4[%mul3A_183] : memref<1000000xi32, #tpu.memory_space<hbm>> -> memref<4000xi32, #tpu.memory_space<hbm>>
      tpu.enqueue_dma source(%dma_start3A_184 : memref<4000xi32, #tpu.memory_space<hbm>>) target(%arg8 : memref<4000xi32, #tpu.memory_space<vmem>>) target_semaphore(%arg24 : memref<!tpu.dma_semaphore, #tpu.memory_space<semaphore_mem>>)
      %dma_start3A_185 = tpu.memref_slice %arg5[%mul3A_183] : memref<1000000xi32, #tpu.memory_space<hbm>> -> memref<4000xi32, #tpu.memory_space<hbm>>
      %dma_start3A_186 = tpu.memref_slice %arg5[%mul3A_183] : memref<1000000xi32, #tpu.memory_space<hbm>> -> memref<4000xi32, #tpu.memory_space<hbm>>
      tpu.enqueue_dma source(%dma_start3A_186 : memref<4000xi32, #tpu.memory_space<hbm>>) target(%arg9 : memref<4000xi32, #tpu.memory_space<vmem>>) target_semaphore(%arg24 : memref<!tpu.dma_semaphore, #tpu.memory_space<semaphore_mem>>)
      %dma_start3A_187 = tpu.memref_slice %arg6[%mul3A_183] : memref<1000000xi32, #tpu.memory_space<hbm>> -> memref<4000xi32, #tpu.memory_space<hbm>>
      %dma_start3A_188 = tpu.memref_slice %arg6[%mul3A_183] : memref<1000000xi32, #tpu.memory_space<hbm>> -> memref<4000xi32, #tpu.memory_space<hbm>>
      tpu.enqueue_dma source(%dma_start3A_188 : memref<4000xi32, #tpu.memory_space<hbm>>) target(%arg10 : memref<4000xi32, #tpu.memory_space<vmem>>) target_semaphore(%arg24 : memref<!tpu.dma_semaphore, #tpu.memory_space<semaphore_mem>>)
    } else {
    }
    %add3A_5 = arith.constant 0 : i32
    %add3A_6 = arith.addi %add3A, %add3A_5 : i32
    %lt3A_7 = arith.constant 250 : i32
    %lt3A_8 = arith.cmpi slt, %add3A_6, %lt3A_7 : i32
    %convert_element_type3A_9 = arith.extui %lt3A_8 : i1 to i32
    %cond3A_10 = arith.constant 0 : i32
    %cond3A_11 = arith.cmpi ne, %convert_element_type3A_9, %cond3A_10 : i32
    scf.if %cond3A_11 {
      %add3A_180 = arith.constant 0 : i32
      %add3A_181 = arith.addi %add3A, %add3A_180 : i32
      %mul3A_182 = arith.constant 4000 : i32
      %mul3A_183 = arith.muli %add3A_181, %mul3A_182 : i32
      %dma_wait3A = tpu.memref_slice %arg4[%mul3A_183] : memref<1000000xi32, #tpu.memory_space<hbm>> -> memref<4000xi32, #tpu.memory_space<hbm>>
      %dma_wait3A_184 = tpu.memref_slice %arg4[%mul3A_183] : memref<1000000xi32, #tpu.memory_space<hbm>> -> memref<4000xi32, #tpu.memory_space<hbm>>
      tpu.wait_dma2 semaphore(%arg24 : memref<!tpu.dma_semaphore, #tpu.memory_space<semaphore_mem>>) src(%dma_wait3A_184 : memref<4000xi32, #tpu.memory_space<hbm>>) dst(%arg8 : memref<4000xi32, #tpu.memory_space<vmem>>)
      %dma_wait3A_185 = tpu.memref_slice %arg5[%mul3A_183] : memref<1000000xi32, #tpu.memory_space<hbm>> -> memref<4000xi32, #tpu.memory_space<hbm>>
      %dma_wait3A_186 = tpu.memref_slice %arg5[%mul3A_183] : memref<1000000xi32, #tpu.memory_space<hbm>> -> memref<4000xi32, #tpu.memory_space<hbm>>
      tpu.wait_dma2 semaphore(%arg24 : memref<!tpu.dma_semaphore, #tpu.memory_space<semaphore_mem>>) src(%dma_wait3A_186 : memref<4000xi32, #tpu.memory_space<hbm>>) dst(%arg9 : memref<4000xi32, #tpu.memory_space<vmem>>)
      %dma_wait3A_187 = tpu.memref_slice %arg6[%mul3A_183] : memref<1000000xi32, #tpu.memory_space<hbm>> -> memref<4000xi32, #tpu.memory_space<hbm>>
      %dma_wait3A_188 = tpu.memref_slice %arg6[%mul3A_183] : memref<1000000xi32, #tpu.memory_space<hbm>> -> memref<4000xi32, #tpu.memory_space<hbm>>
      tpu.wait_dma2 semaphore(%arg24 : memref<!tpu.dma_semaphore, #tpu.memory_space<semaphore_mem>>) src(%dma_wait3A_188 : memref<4000xi32, #tpu.memory_space<hbm>>) dst(%arg10 : memref<4000xi32, #tpu.memory_space<vmem>>)
      %scan3A = arith.constant 0 : i32
      %scan3A_189 = arith.constant 0 : i32
      %scan3A_190 = arith.constant 50 : i32
      %scan3A_191 = arith.addi %scan3A_189, %scan3A_190 : i32
      %scan3A_192 = arith.constant 1 : i32
      scf.for %scan3A_197 = %scan3A_189 to %scan3A_191 step %scan3A_192  : i32 {
        %mul3A_198 = arith.constant 80 : i32
        %mul3A_199 = arith.muli %scan3A_197, %mul3A_198 : i32
        %add3A_200 = arith.constant 0 : i32
        %add3A_201 = arith.addi %mul3A_199, %add3A_200 : i32
        %get3A = arith.index_cast %add3A_201 : i32 to index
        %get3A_202 = tpu.vector_load %arg9[%get3A] {strides = array<i32>} : memref<4000xi32, #tpu.memory_space<vmem>>, vector<16xi32>,
        %get3A_203 = vector.shape_cast %get3A_202 : vector<16xi32> to vector<16xi32>
        %mul3A_204 = arith.constant 10 : i32
        %mul3A_205 = vector.broadcast %mul3A_204 : i32 to vector<16xi32>
        %mul3A_206 = arith.muli %get3A_203, %mul3A_205 : vector<16xi32>
        %get3A_207 = arith.index_cast %add3A_201 : i32 to index
        %get3A_208 = tpu.vector_load %arg10[%get3A_207] {strides = array<i32>} : memref<4000xi32, #tpu.memory_space<vmem>>, vector<16xi32>,
        %get3A_209 = vector.shape_cast %get3A_208 : vector<16xi32> to vector<16xi32>
        %add3A_210 = arith.addi %mul3A_206, %get3A_209 : vector<16xi32>
        %swap3A = arith.index_cast %add3A_201 : i32 to index
        %swap3A_211 = tpu.vector_load %arg14[%swap3A] {strides = array<i32>} : memref<4000xi32, #tpu.memory_space<vmem>>, vector<16xi32>,
        %swap3A_212 = vector.shape_cast %swap3A_211 : vector<16xi32> to vector<16xi32>
        %swap3A_213 = vector.shape_cast %add3A_210 : vector<16xi32> to vector<16xi32>
        tpu.vector_store %arg14[%swap3A], %swap3A_213 {strides = array<i32>} : memref<4000xi32, #tpu.memory_space<vmem>>, vector<16xi32>,
        %get3A_214 = arith.index_cast %add3A_201 : i32 to index
        %get3A_215 = tpu.vector_load %arg8[%get3A_214] {strides = array<i32>} : memref<4000xi32, #tpu.memory_space<vmem>>, vector<16xi32>,
        %get3A_216 = vector.shape_cast %get3A_215 : vector<16xi32> to vector<16xi32>
        %mul3A_217 = arith.constant 128 : i32
        %mul3A_218 = vector.broadcast %mul3A_217 : i32 to vector<16xi32>
        %mul3A_219 = arith.muli %get3A_216, %mul3A_218 : vector<16xi32>
        %swap3A_220 = arith.index_cast %add3A_201 : i32 to index
        %swap3A_221 = tpu.vector_load %arg16[%swap3A_220] {strides = array<i32>} : memref<4000xi32, #tpu.memory_space<vmem>>, vector<16xi32>,
        %swap3A_222 = vector.shape_cast %swap3A_221 : vector<16xi32> to vector<16xi32>
        %swap3A_223 = vector.shape_cast %mul3A_219 : vector<16xi32> to vector<16xi32>
        tpu.vector_store %arg16[%swap3A_220], %swap3A_223 {strides = array<i32>} : memref<4000xi32, #tpu.memory_space<vmem>>, vector<16xi32>,
        %add3A_224 = arith.constant 16 : i32
        %add3A_225 = arith.addi %mul3A_199, %add3A_224 : i32
        %get3A_226 = arith.index_cast %add3A_225 : i32 to index
        %get3A_227 = tpu.vector_load %arg9[%get3A_226] {strides = array<i32>} : memref<4000xi32, #tpu.memory_space<vmem>>, vector<16xi32>,
        %get3A_228 = vector.shape_cast %get3A_227 : vector<16xi32> to vector<16xi32>
        %mul3A_229 = arith.constant 10 : i32
        %mul3A_230 = vector.broadcast %mul3A_229 : i32 to vector<16xi32>
        %mul3A_231 = arith.muli %get3A_228, %mul3A_230 : vector<16xi32>
        %get3A_232 = arith.index_cast %add3A_225 : i32 to index
        %get3A_233 = tpu.vector_load %arg10[%get3A_232] {strides = array<i32>} : memref<4000xi32, #tpu.memory_space<vmem>>, vector<16xi32>,
        %get3A_234 = vector.shape_cast %get3A_233 : vector<16xi32> to vector<16xi32>
        %add3A_235 = arith.addi %mul3A_231, %get3A_234 : vector<16xi32>
        %swap3A_236 = arith.index_cast %add3A_225 : i32 to index
        %swap3A_237 = tpu.vector_load %arg14[%swap3A_236] {strides = array<i32>} : memref<4000xi32, #tpu.memory_space<vmem>>, vector<16xi32>,
        %swap3A_238 = vector.shape_cast %swap3A_237 : vector<16xi32> to vector<16xi32>
        %swap3A_239 = vector.shape_cast %add3A_235 : vector<16xi32> to vector<16xi32>
        tpu.vector_store %arg14[%swap3A_236], %swap3A_239 {strides = array<i32>} : memref<4000xi32, #tpu.memory_space<vmem>>, vector<16xi32>,
        %get3A_240 = arith.index_cast %add3A_225 : i32 to index
        %get3A_241 = tpu.vector_load %arg8[%get3A_240] {strides = array<i32>} : memref<4000xi32, #tpu.memory_space<vmem>>, vector<16xi32>,
        %get3A_242 = vector.shape_cast %get3A_241 : vector<16xi32> to vector<16xi32>
        %mul3A_243 = arith.constant 128 : i32
        %mul3A_244 = vector.broadcast %mul3A_243 : i32 to vector<16xi32>
        %mul3A_245 = arith.muli %get3A_242, %mul3A_244 : vector<16xi32>
        %swap3A_246 = arith.index_cast %add3A_225 : i32 to index
        %swap3A_247 = tpu.vector_load %arg16[%swap3A_246] {strides = array<i32>} : memref<4000xi32, #tpu.memory_space<vmem>>, vector<16xi32>,
        %swap3A_248 = vector.shape_cast %swap3A_247 : vector<16xi32> to vector<16xi32>
        %swap3A_249 = vector.shape_cast %mul3A_245 : vector<16xi32> to vector<16xi32>
        tpu.vector_store %arg16[%swap3A_246], %swap3A_249 {strides = array<i32>} : memref<4000xi32, #tpu.memory_space<vmem>>, vector<16xi32>,
        %add3A_250 = arith.constant 32 : i32
        %add3A_251 = arith.addi %mul3A_199, %add3A_250 : i32
        %get3A_252 = arith.index_cast %add3A_251 : i32 to index
        %get3A_253 = tpu.vector_load %arg9[%get3A_252] {strides = array<i32>} : memref<4000xi32, #tpu.memory_space<vmem>>, vector<16xi32>,
        %get3A_254 = vector.shape_cast %get3A_253 : vector<16xi32> to vector<16xi32>
        %mul3A_255 = arith.constant 10 : i32
        %mul3A_256 = vector.broadcast %mul3A_255 : i32 to vector<16xi32>
        %mul3A_257 = arith.muli %get3A_254, %mul3A_256 : vector<16xi32>
        %get3A_258 = arith.index_cast %add3A_251 : i32 to index
        %get3A_259 = tpu.vector_load %arg10[%get3A_258] {strides = array<i32>} : memref<4000xi32, #tpu.memory_space<vmem>>, vector<16xi32>,
        %get3A_260 = vector.shape_cast %get3A_259 : vector<16xi32> to vector<16xi32>
        %add3A_261 = arith.addi %mul3A_257, %get3A_260 : vector<16xi32>
        %swap3A_262 = arith.index_cast %add3A_251 : i32 to index
        %swap3A_263 = tpu.vector_load %arg14[%swap3A_262] {strides = array<i32>} : memref<4000xi32, #tpu.memory_space<vmem>>, vector<16xi32>,
        %swap3A_264 = vector.shape_cast %swap3A_263 : vector<16xi32> to vector<16xi32>
        %swap3A_265 = vector.shape_cast %add3A_261 : vector<16xi32> to vector<16xi32>
        tpu.vector_store %arg14[%swap3A_262], %swap3A_265 {strides = array<i32>} : memref<4000xi32, #tpu.memory_space<vmem>>, vector<16xi32>,
        %get3A_266 = arith.index_cast %add3A_251 : i32 to index
        %get3A_267 = tpu.vector_load %arg8[%get3A_266] {strides = array<i32>} : memref<4000xi32, #tpu.memory_space<vmem>>, vector<16xi32>,
        %get3A_268 = vector.shape_cast %get3A_267 : vector<16xi32> to vector<16xi32>
        %mul3A_269 = arith.constant 128 : i32
        %mul3A_270 = vector.broadcast %mul3A_269 : i32 to vector<16xi32>
        %mul3A_271 = arith.muli %get3A_268, %mul3A_270 : vector<16xi32>
        %swap3A_272 = arith.index_cast %add3A_251 : i32 to index
        %swap3A_273 = tpu.vector_load %arg16[%swap3A_272] {strides = array<i32>} : memref<4000xi32, #tpu.memory_space<vmem>>, vector<16xi32>,
        %swap3A_274 = vector.shape_cast %swap3A_273 : vector<16xi32> to vector<16xi32>
        %swap3A_275 = vector.shape_cast %mul3A_271 : vector<16xi32> to vector<16xi32>
        tpu.vector_store %arg16[%swap3A_272], %swap3A_275 {strides = array<i32>} : memref<4000xi32, #tpu.memory_space<vmem>>, vector<16xi32>,
        %add3A_276 = arith.constant 48 : i32
        %add3A_277 = arith.addi %mul3A_199, %add3A_276 : i32
        %get3A_278 = arith.index_cast %add3A_277 : i32 to index
        %get3A_279 = tpu.vector_load %arg9[%get3A_278] {strides = array<i32>} : memref<4000xi32, #tpu.memory_space<vmem>>, vector<16xi32>,
        %get3A_280 = vector.shape_cast %get3A_279 : vector<16xi32> to vector<16xi32>
        %mul3A_281 = arith.constant 10 : i32
        %mul3A_282 = vector.broadcast %mul3A_281 : i32 to vector<16xi32>
        %mul3A_283 = arith.muli %get3A_280, %mul3A_282 : vector<16xi32>
        %get3A_284 = arith.index_cast %add3A_277 : i32 to index
        %get3A_285 = tpu.vector_load %arg10[%get3A_284] {strides = array<i32>} : memref<4000xi32, #tpu.memory_space<vmem>>, vector<16xi32>,
        %get3A_286 = vector.shape_cast %get3A_285 : vector<16xi32> to vector<16xi32>
        %add3A_287 = arith.addi %mul3A_283, %get3A_286 : vector<16xi32>
        %swap3A_288 = arith.index_cast %add3A_277 : i32 to index
        %swap3A_289 = tpu.vector_load %arg14[%swap3A_288] {strides = array<i32>} : memref<4000xi32, #tpu.memory_space<vmem>>, vector<16xi32>,
        %swap3A_290 = vector.shape_cast %swap3A_289 : vector<16xi32> to vector<16xi32>
        %swap3A_291 = vector.shape_cast %add3A_287 : vector<16xi32> to vector<16xi32>
        tpu.vector_store %arg14[%swap3A_288], %swap3A_291 {strides = array<i32>} : memref<4000xi32, #tpu.memory_space<vmem>>, vector<16xi32>,
        %get3A_292 = arith.index_cast %add3A_277 : i32 to index
        %get3A_293 = tpu.vector_load %arg8[%get3A_292] {strides = array<i32>} : memref<4000xi32, #tpu.memory_space<vmem>>, vector<16xi32>,
        %get3A_294 = vector.shape_cast %get3A_293 : vector<16xi32> to vector<16xi32>
        %mul3A_295 = arith.constant 128 : i32
        %mul3A_296 = vector.broadcast %mul3A_295 : i32 to vector<16xi32>
        %mul3A_297 = arith.muli %get3A_294, %mul3A_296 : vector<16xi32>
        %swap3A_298 = arith.index_cast %add3A_277 : i32 to index
        %swap3A_299 = tpu.vector_load %arg16[%swap3A_298] {strides = array<i32>} : memref<4000xi32, #tpu.memory_space<vmem>>, vector<16xi32>,
        %swap3A_300 = vector.shape_cast %swap3A_299 : vector<16xi32> to vector<16xi32>
        %swap3A_301 = vector.shape_cast %mul3A_297 : vector<16xi32> to vector<16xi32>
        tpu.vector_store %arg16[%swap3A_298], %swap3A_301 {strides = array<i32>} : memref<4000xi32, #tpu.memory_space<vmem>>, vector<16xi32>,
        %add3A_302 = arith.constant 64 : i32
        %add3A_303 = arith.addi %mul3A_199, %add3A_302 : i32
        %get3A_304 = arith.index_cast %add3A_303 : i32 to index
        %get3A_305 = tpu.vector_load %arg9[%get3A_304] {strides = array<i32>} : memref<4000xi32, #tpu.memory_space<vmem>>, vector<16xi32>,
        %get3A_306 = vector.shape_cast %get3A_305 : vector<16xi32> to vector<16xi32>
        %mul3A_307 = arith.constant 10 : i32
        %mul3A_308 = vector.broadcast %mul3A_307 : i32 to vector<16xi32>
        %mul3A_309 = arith.muli %get3A_306, %mul3A_308 : vector<16xi32>
        %get3A_310 = arith.index_cast %add3A_303 : i32 to index
        %get3A_311 = tpu.vector_load %arg10[%get3A_310] {strides = array<i32>} : memref<4000xi32, #tpu.memory_space<vmem>>, vector<16xi32>,
        %get3A_312 = vector.shape_cast %get3A_311 : vector<16xi32> to vector<16xi32>
        %add3A_313 = arith.addi %mul3A_309, %get3A_312 : vector<16xi32>
        %swap3A_314 = arith.index_cast %add3A_303 : i32 to index
        %swap3A_315 = tpu.vector_load %arg14[%swap3A_314] {strides = array<i32>} : memref<4000xi32, #tpu.memory_space<vmem>>, vector<16xi32>,
        %swap3A_316 = vector.shape_cast %swap3A_315 : vector<16xi32> to vector<16xi32>
        %swap3A_317 = vector.shape_cast %add3A_313 : vector<16xi32> to vector<16xi32>
        tpu.vector_store %arg14[%swap3A_314], %swap3A_317 {strides = array<i32>} : memref<4000xi32, #tpu.memory_space<vmem>>, vector<16xi32>,
        %get3A_318 = arith.index_cast %add3A_303 : i32 to index
        %get3A_319 = tpu.vector_load %arg8[%get3A_318] {strides = array<i32>} : memref<4000xi32, #tpu.memory_space<vmem>>, vector<16xi32>,
        %get3A_320 = vector.shape_cast %get3A_319 : vector<16xi32> to vector<16xi32>
        %mul3A_321 = arith.constant 128 : i32
        %mul3A_322 = vector.broadcast %mul3A_321 : i32 to vector<16xi32>
        %mul3A_323 = arith.muli %get3A_320, %mul3A_322 : vector<16xi32>
        %swap3A_324 = arith.index_cast %add3A_303 : i32 to index
        %swap3A_325 = tpu.vector_load %arg16[%swap3A_324] {strides = array<i32>} : memref<4000xi32, #tpu.memory_space<vmem>>, vector<16xi32>,
        %swap3A_326 = vector.shape_cast %swap3A_325 : vector<16xi32> to vector<16xi32>
        %swap3A_327 = vector.shape_cast %mul3A_323 : vector<16xi32> to vector<16xi32>
        tpu.vector_store %arg16[%swap3A_324], %swap3A_327 {strides = array<i32>} : memref<4000xi32, #tpu.memory_space<vmem>>, vector<16xi32>,
      }
      %scan3A_193 = arith.constant 50 : i32
      %dma_start3A = arith.constant 0 : i32
      %dma_start3A_194 = tpu.memref_slice %arg2[%dma_start3A] : memref<12800000xf32, #tpu.memory_space<hbm>> -> memref<12800000xf32, #tpu.memory_space<hbm>>
      tpu.enqueue_indirect_dma source(%dma_start3A_194 : memref<12800000xf32, #tpu.memory_space<hbm>>) target(%arg18 : memref<4000xf32, #tpu.memory_space<vmem>>) offsets(%arg16 : memref<4000xi32, #tpu.memory_space<vmem>>) semaphore(%arg25 : memref<!tpu.dma_semaphore, #tpu.memory_space<semaphore_mem>>)
      %dma_start3A_195 = arith.constant 0 : i32
      %dma_start3A_196 = tpu.memref_slice %arg3[%dma_start3A_195] : memref<1000000xf32, #tpu.memory_space<hbm>> -> memref<1000000xf32, #tpu.memory_space<hbm>>
      tpu.enqueue_indirect_dma source(%dma_start3A_196 : memref<1000000xf32, #tpu.memory_space<hbm>>) target(%arg20 : memref<4000xf32, #tpu.memory_space<vmem>>) offsets(%arg14 : memref<4000xi32, #tpu.memory_space<vmem>>) semaphore(%arg25 : memref<!tpu.dma_semaphore, #tpu.memory_space<semaphore_mem>>)
    } else {
    }
    %add3A_12 = arith.constant 32 : i32
    %add3A_13 = arith.addi %add3A, %add3A_12 : i32
    %lt3A_14 = arith.constant 250 : i32
    %lt3A_15 = arith.cmpi slt, %add3A_13, %lt3A_14 : i32
    %convert_element_type3A_16 = arith.extui %lt3A_15 : i1 to i32
    %cond3A_17 = arith.constant 0 : i32
    %cond3A_18 = arith.cmpi ne, %convert_element_type3A_16, %cond3A_17 : i32
    scf.if %cond3A_18 {
      %add3A_180 = arith.constant 32 : i32
      %add3A_181 = arith.addi %add3A, %add3A_180 : i32
      %mul3A_182 = arith.constant 4000 : i32
      %mul3A_183 = arith.muli %add3A_181, %mul3A_182 : i32
      %dma_start3A = tpu.memref_slice %arg4[%mul3A_183] : memref<1000000xi32, #tpu.memory_space<hbm>> -> memref<4000xi32, #tpu.memory_space<hbm>>
      %dma_start3A_184 = tpu.memref_slice %arg4[%mul3A_183] : memref<1000000xi32, #tpu.memory_space<hbm>> -> memref<4000xi32, #tpu.memory_space<hbm>>
      tpu.enqueue_dma source(%dma_start3A_184 : memref<4000xi32, #tpu.memory_space<hbm>>) target(%arg11 : memref<4000xi32, #tpu.memory_space<vmem>>) target_semaphore(%arg24 : memref<!tpu.dma_semaphore, #tpu.memory_space<semaphore_mem>>)
      %dma_start3A_185 = tpu.memref_slice %arg5[%mul3A_183] : memref<1000000xi32, #tpu.memory_space<hbm>> -> memref<4000xi32, #tpu.memory_space<hbm>>
      %dma_start3A_186 = tpu.memref_slice %arg5[%mul3A_183] : memref<1000000xi32, #tpu.memory_space<hbm>> -> memref<4000xi32, #tpu.memory_space<hbm>>
      tpu.enqueue_dma source(%dma_start3A_186 : memref<4000xi32, #tpu.memory_space<hbm>>) target(%arg12 : memref<4000xi32, #tpu.memory_space<vmem>>) target_semaphore(%arg24 : memref<!tpu.dma_semaphore, #tpu.memory_space<semaphore_mem>>)
      %dma_start3A_187 = tpu.memref_slice %arg6[%mul3A_183] : memref<1000000xi32, #tpu.memory_space<hbm>> -> memref<4000xi32, #tpu.memory_space<hbm>>
      %dma_start3A_188 = tpu.memref_slice %arg6[%mul3A_183] : memref<1000000xi32, #tpu.memory_space<hbm>> -> memref<4000xi32, #tpu.memory_space<hbm>>
      tpu.enqueue_dma source(%dma_start3A_188 : memref<4000xi32, #tpu.memory_space<hbm>>) target(%arg13 : memref<4000xi32, #tpu.memory_space<vmem>>) target_semaphore(%arg24 : memref<!tpu.dma_semaphore, #tpu.memory_space<semaphore_mem>>)
    } else {
    }
    %add3A_19 = arith.constant 32 : i32
    %add3A_20 = arith.addi %add3A, %add3A_19 : i32
    %lt3A_21 = arith.constant 250 : i32
    %lt3A_22 = arith.cmpi slt, %add3A_20, %lt3A_21 : i32
    %convert_element_type3A_23 = arith.extui %lt3A_22 : i1 to i32
    %cond3A_24 = arith.constant 0 : i32
    %cond3A_25 = arith.cmpi ne, %convert_element_type3A_23, %cond3A_24 : i32
    scf.if %cond3A_25 {
      %add3A_180 = arith.constant 32 : i32
      %add3A_181 = arith.addi %add3A, %add3A_180 : i32
      %mul3A_182 = arith.constant 4000 : i32
      %mul3A_183 = arith.muli %add3A_181, %mul3A_182 : i32
      %dma_wait3A = tpu.memref_slice %arg4[%mul3A_183] : memref<1000000xi32, #tpu.memory_space<hbm>> -> memref<4000xi32, #tpu.memory_space<hbm>>
      %dma_wait3A_184 = tpu.memref_slice %arg4[%mul3A_183] : memref<1000000xi32, #tpu.memory_space<hbm>> -> memref<4000xi32, #tpu.memory_space<hbm>>
      tpu.wait_dma2 semaphore(%arg24 : memref<!tpu.dma_semaphore, #tpu.memory_space<semaphore_mem>>) src(%dma_wait3A_184 : memref<4000xi32, #tpu.memory_space<hbm>>) dst(%arg11 : memref<4000xi32, #tpu.memory_space<vmem>>)
      %dma_wait3A_185 = tpu.memref_slice %arg5[%mul3A_183] : memref<1000000xi32, #tpu.memory_space<hbm>> -> memref<4000xi32, #tpu.memory_space<hbm>>
      %dma_wait3A_186 = tpu.memref_slice %arg5[%mul3A_183] : memref<1000000xi32, #tpu.memory_space<hbm>> -> memref<4000xi32, #tpu.memory_space<hbm>>
      tpu.wait_dma2 semaphore(%arg24 : memref<!tpu.dma_semaphore, #tpu.memory_space<semaphore_mem>>) src(%dma_wait3A_186 : memref<4000xi32, #tpu.memory_space<hbm>>) dst(%arg12 : memref<4000xi32, #tpu.memory_space<vmem>>)
      %dma_wait3A_187 = tpu.memref_slice %arg6[%mul3A_183] : memref<1000000xi32, #tpu.memory_space<hbm>> -> memref<4000xi32, #tpu.memory_space<hbm>>
      %dma_wait3A_188 = tpu.memref_slice %arg6[%mul3A_183] : memref<1000000xi32, #tpu.memory_space<hbm>> -> memref<4000xi32, #tpu.memory_space<hbm>>
      tpu.wait_dma2 semaphore(%arg24 : memref<!tpu.dma_semaphore, #tpu.memory_space<semaphore_mem>>) src(%dma_wait3A_188 : memref<4000xi32, #tpu.memory_space<hbm>>) dst(%arg13 : memref<4000xi32, #tpu.memory_space<vmem>>)
      %scan3A = arith.constant 0 : i32
      %scan3A_189 = arith.constant 0 : i32
      %scan3A_190 = arith.constant 50 : i32
      %scan3A_191 = arith.addi %scan3A_189, %scan3A_190 : i32
      %scan3A_192 = arith.constant 1 : i32
      scf.for %scan3A_197 = %scan3A_189 to %scan3A_191 step %scan3A_192  : i32 {
        %mul3A_198 = arith.constant 80 : i32
        %mul3A_199 = arith.muli %scan3A_197, %mul3A_198 : i32
        %add3A_200 = arith.constant 0 : i32
        %add3A_201 = arith.addi %mul3A_199, %add3A_200 : i32
        %get3A = arith.index_cast %add3A_201 : i32 to index
        %get3A_202 = tpu.vector_load %arg12[%get3A] {strides = array<i32>} : memref<4000xi32, #tpu.memory_space<vmem>>, vector<16xi32>,
        %get3A_203 = vector.shape_cast %get3A_202 : vector<16xi32> to vector<16xi32>
        %mul3A_204 = arith.constant 10 : i32
        %mul3A_205 = vector.broadcast %mul3A_204 : i32 to vector<16xi32>
        %mul3A_206 = arith.muli %get3A_203, %mul3A_205 : vector<16xi32>
        %get3A_207 = arith.index_cast %add3A_201 : i32 to index
        %get3A_208 = tpu.vector_load %arg13[%get3A_207] {strides = array<i32>} : memref<4000xi32, #tpu.memory_space<vmem>>, vector<16xi32>,
        %get3A_209 = vector.shape_cast %get3A_208 : vector<16xi32> to vector<16xi32>
        %add3A_210 = arith.addi %mul3A_206, %get3A_209 : vector<16xi32>
        %swap3A = arith.index_cast %add3A_201 : i32 to index
        %swap3A_211 = tpu.vector_load %arg15[%swap3A] {strides = array<i32>} : memref<4000xi32, #tpu.memory_space<vmem>>, vector<16xi32>,
        %swap3A_212 = vector.shape_cast %swap3A_211 : vector<16xi32> to vector<16xi32>
        %swap3A_213 = vector.shape_cast %add3A_210 : vector<16xi32> to vector<16xi32>
        tpu.vector_store %arg15[%swap3A], %swap3A_213 {strides = array<i32>} : memref<4000xi32, #tpu.memory_space<vmem>>, vector<16xi32>,
        %get3A_214 = arith.index_cast %add3A_201 : i32 to index
        %get3A_215 = tpu.vector_load %arg11[%get3A_214] {strides = array<i32>} : memref<4000xi32, #tpu.memory_space<vmem>>, vector<16xi32>,
        %get3A_216 = vector.shape_cast %get3A_215 : vector<16xi32> to vector<16xi32>
        %mul3A_217 = arith.constant 128 : i32
        %mul3A_218 = vector.broadcast %mul3A_217 : i32 to vector<16xi32>
        %mul3A_219 = arith.muli %get3A_216, %mul3A_218 : vector<16xi32>
        %swap3A_220 = arith.index_cast %add3A_201 : i32 to index
        %swap3A_221 = tpu.vector_load %arg17[%swap3A_220] {strides = array<i32>} : memref<4000xi32, #tpu.memory_space<vmem>>, vector<16xi32>,
        %swap3A_222 = vector.shape_cast %swap3A_221 : vector<16xi32> to vector<16xi32>
        %swap3A_223 = vector.shape_cast %mul3A_219 : vector<16xi32> to vector<16xi32>
        tpu.vector_store %arg17[%swap3A_220], %swap3A_223 {strides = array<i32>} : memref<4000xi32, #tpu.memory_space<vmem>>, vector<16xi32>,
        %add3A_224 = arith.constant 16 : i32
        %add3A_225 = arith.addi %mul3A_199, %add3A_224 : i32
        %get3A_226 = arith.index_cast %add3A_225 : i32 to index
        %get3A_227 = tpu.vector_load %arg12[%get3A_226] {strides = array<i32>} : memref<4000xi32, #tpu.memory_space<vmem>>, vector<16xi32>,
        %get3A_228 = vector.shape_cast %get3A_227 : vector<16xi32> to vector<16xi32>
        %mul3A_229 = arith.constant 10 : i32
        %mul3A_230 = vector.broadcast %mul3A_229 : i32 to vector<16xi32>
        %mul3A_231 = arith.muli %get3A_228, %mul3A_230 : vector<16xi32>
        %get3A_232 = arith.index_cast %add3A_225 : i32 to index
        %get3A_233 = tpu.vector_load %arg13[%get3A_232] {strides = array<i32>} : memref<4000xi32, #tpu.memory_space<vmem>>, vector<16xi32>,
        %get3A_234 = vector.shape_cast %get3A_233 : vector<16xi32> to vector<16xi32>
        %add3A_235 = arith.addi %mul3A_231, %get3A_234 : vector<16xi32>
        %swap3A_236 = arith.index_cast %add3A_225 : i32 to index
        %swap3A_237 = tpu.vector_load %arg15[%swap3A_236] {strides = array<i32>} : memref<4000xi32, #tpu.memory_space<vmem>>, vector<16xi32>,
        %swap3A_238 = vector.shape_cast %swap3A_237 : vector<16xi32> to vector<16xi32>
        %swap3A_239 = vector.shape_cast %add3A_235 : vector<16xi32> to vector<16xi32>
        tpu.vector_store %arg15[%swap3A_236], %swap3A_239 {strides = array<i32>} : memref<4000xi32, #tpu.memory_space<vmem>>, vector<16xi32>,
        %get3A_240 = arith.index_cast %add3A_225 : i32 to index
        %get3A_241 = tpu.vector_load %arg11[%get3A_240] {strides = array<i32>} : memref<4000xi32, #tpu.memory_space<vmem>>, vector<16xi32>,
        %get3A_242 = vector.shape_cast %get3A_241 : vector<16xi32> to vector<16xi32>
        %mul3A_243 = arith.constant 128 : i32
        %mul3A_244 = vector.broadcast %mul3A_243 : i32 to vector<16xi32>
        %mul3A_245 = arith.muli %get3A_242, %mul3A_244 : vector<16xi32>
        %swap3A_246 = arith.index_cast %add3A_225 : i32 to index
        %swap3A_247 = tpu.vector_load %arg17[%swap3A_246] {strides = array<i32>} : memref<4000xi32, #tpu.memory_space<vmem>>, vector<16xi32>,
        %swap3A_248 = vector.shape_cast %swap3A_247 : vector<16xi32> to vector<16xi32>
        %swap3A_249 = vector.shape_cast %mul3A_245 : vector<16xi32> to vector<16xi32>
        tpu.vector_store %arg17[%swap3A_246], %swap3A_249 {strides = array<i32>} : memref<4000xi32, #tpu.memory_space<vmem>>, vector<16xi32>,
        %add3A_250 = arith.constant 32 : i32
        %add3A_251 = arith.addi %mul3A_199, %add3A_250 : i32
        %get3A_252 = arith.index_cast %add3A_251 : i32 to index
        %get3A_253 = tpu.vector_load %arg12[%get3A_252] {strides = array<i32>} : memref<4000xi32, #tpu.memory_space<vmem>>, vector<16xi32>,
        %get3A_254 = vector.shape_cast %get3A_253 : vector<16xi32> to vector<16xi32>
        %mul3A_255 = arith.constant 10 : i32
        %mul3A_256 = vector.broadcast %mul3A_255 : i32 to vector<16xi32>
        %mul3A_257 = arith.muli %get3A_254, %mul3A_256 : vector<16xi32>
        %get3A_258 = arith.index_cast %add3A_251 : i32 to index
        %get3A_259 = tpu.vector_load %arg13[%get3A_258] {strides = array<i32>} : memref<4000xi32, #tpu.memory_space<vmem>>, vector<16xi32>,
        %get3A_260 = vector.shape_cast %get3A_259 : vector<16xi32> to vector<16xi32>
        %add3A_261 = arith.addi %mul3A_257, %get3A_260 : vector<16xi32>
        %swap3A_262 = arith.index_cast %add3A_251 : i32 to index
        %swap3A_263 = tpu.vector_load %arg15[%swap3A_262] {strides = array<i32>} : memref<4000xi32, #tpu.memory_space<vmem>>, vector<16xi32>,
        %swap3A_264 = vector.shape_cast %swap3A_263 : vector<16xi32> to vector<16xi32>
        %swap3A_265 = vector.shape_cast %add3A_261 : vector<16xi32> to vector<16xi32>
        tpu.vector_store %arg15[%swap3A_262], %swap3A_265 {strides = array<i32>} : memref<4000xi32, #tpu.memory_space<vmem>>, vector<16xi32>,
        %get3A_266 = arith.index_cast %add3A_251 : i32 to index
        %get3A_267 = tpu.vector_load %arg11[%get3A_266] {strides = array<i32>} : memref<4000xi32, #tpu.memory_space<vmem>>, vector<16xi32>,
        %get3A_268 = vector.shape_cast %get3A_267 : vector<16xi32> to vector<16xi32>
        %mul3A_269 = arith.constant 128 : i32
        %mul3A_270 = vector.broadcast %mul3A_269 : i32 to vector<16xi32>
        %mul3A_271 = arith.muli %get3A_268, %mul3A_270 : vector<16xi32>
        %swap3A_272 = arith.index_cast %add3A_251 : i32 to index
        %swap3A_273 = tpu.vector_load %arg17[%swap3A_272] {strides = array<i32>} : memref<4000xi32, #tpu.memory_space<vmem>>, vector<16xi32>,
        %swap3A_274 = vector.shape_cast %swap3A_273 : vector<16xi32> to vector<16xi32>
        %swap3A_275 = vector.shape_cast %mul3A_271 : vector<16xi32> to vector<16xi32>
        tpu.vector_store %arg17[%swap3A_272], %swap3A_275 {strides = array<i32>} : memref<4000xi32, #tpu.memory_space<vmem>>, vector<16xi32>,
        %add3A_276 = arith.constant 48 : i32
        %add3A_277 = arith.addi %mul3A_199, %add3A_276 : i32
        %get3A_278 = arith.index_cast %add3A_277 : i32 to index
        %get3A_279 = tpu.vector_load %arg12[%get3A_278] {strides = array<i32>} : memref<4000xi32, #tpu.memory_space<vmem>>, vector<16xi32>,
        %get3A_280 = vector.shape_cast %get3A_279 : vector<16xi32> to vector<16xi32>
        %mul3A_281 = arith.constant 10 : i32
        %mul3A_282 = vector.broadcast %mul3A_281 : i32 to vector<16xi32>
        %mul3A_283 = arith.muli %get3A_280, %mul3A_282 : vector<16xi32>
        %get3A_284 = arith.index_cast %add3A_277 : i32 to index
        %get3A_285 = tpu.vector_load %arg13[%get3A_284] {strides = array<i32>} : memref<4000xi32, #tpu.memory_space<vmem>>, vector<16xi32>,
        %get3A_286 = vector.shape_cast %get3A_285 : vector<16xi32> to vector<16xi32>
        %add3A_287 = arith.addi %mul3A_283, %get3A_286 : vector<16xi32>
        %swap3A_288 = arith.index_cast %add3A_277 : i32 to index
        %swap3A_289 = tpu.vector_load %arg15[%swap3A_288] {strides = array<i32>} : memref<4000xi32, #tpu.memory_space<vmem>>, vector<16xi32>,
        %swap3A_290 = vector.shape_cast %swap3A_289 : vector<16xi32> to vector<16xi32>
        %swap3A_291 = vector.shape_cast %add3A_287 : vector<16xi32> to vector<16xi32>
        tpu.vector_store %arg15[%swap3A_288], %swap3A_291 {strides = array<i32>} : memref<4000xi32, #tpu.memory_space<vmem>>, vector<16xi32>,
        %get3A_292 = arith.index_cast %add3A_277 : i32 to index
        %get3A_293 = tpu.vector_load %arg11[%get3A_292] {strides = array<i32>} : memref<4000xi32, #tpu.memory_space<vmem>>, vector<16xi32>,
        %get3A_294 = vector.shape_cast %get3A_293 : vector<16xi32> to vector<16xi32>
        %mul3A_295 = arith.constant 128 : i32
        %mul3A_296 = vector.broadcast %mul3A_295 : i32 to vector<16xi32>
        %mul3A_297 = arith.muli %get3A_294, %mul3A_296 : vector<16xi32>
        %swap3A_298 = arith.index_cast %add3A_277 : i32 to index
        %swap3A_299 = tpu.vector_load %arg17[%swap3A_298] {strides = array<i32>} : memref<4000xi32, #tpu.memory_space<vmem>>, vector<16xi32>,
        %swap3A_300 = vector.shape_cast %swap3A_299 : vector<16xi32> to vector<16xi32>
        %swap3A_301 = vector.shape_cast %mul3A_297 : vector<16xi32> to vector<16xi32>
        tpu.vector_store %arg17[%swap3A_298], %swap3A_301 {strides = array<i32>} : memref<4000xi32, #tpu.memory_space<vmem>>, vector<16xi32>,
        %add3A_302 = arith.constant 64 : i32
        %add3A_303 = arith.addi %mul3A_199, %add3A_302 : i32
        %get3A_304 = arith.index_cast %add3A_303 : i32 to index
        %get3A_305 = tpu.vector_load %arg12[%get3A_304] {strides = array<i32>} : memref<4000xi32, #tpu.memory_space<vmem>>, vector<16xi32>,
        %get3A_306 = vector.shape_cast %get3A_305 : vector<16xi32> to vector<16xi32>
        %mul3A_307 = arith.constant 10 : i32
        %mul3A_308 = vector.broadcast %mul3A_307 : i32 to vector<16xi32>
        %mul3A_309 = arith.muli %get3A_306, %mul3A_308 : vector<16xi32>
        %get3A_310 = arith.index_cast %add3A_303 : i32 to index
        %get3A_311 = tpu.vector_load %arg13[%get3A_310] {strides = array<i32>} : memref<4000xi32, #tpu.memory_space<vmem>>, vector<16xi32>,
        %get3A_312 = vector.shape_cast %get3A_311 : vector<16xi32> to vector<16xi32>
        %add3A_313 = arith.addi %mul3A_309, %get3A_312 : vector<16xi32>
        %swap3A_314 = arith.index_cast %add3A_303 : i32 to index
        %swap3A_315 = tpu.vector_load %arg15[%swap3A_314] {strides = array<i32>} : memref<4000xi32, #tpu.memory_space<vmem>>, vector<16xi32>,
        %swap3A_316 = vector.shape_cast %swap3A_315 : vector<16xi32> to vector<16xi32>
        %swap3A_317 = vector.shape_cast %add3A_313 : vector<16xi32> to vector<16xi32>
        tpu.vector_store %arg15[%swap3A_314], %swap3A_317 {strides = array<i32>} : memref<4000xi32, #tpu.memory_space<vmem>>, vector<16xi32>,
        %get3A_318 = arith.index_cast %add3A_303 : i32 to index
        %get3A_319 = tpu.vector_load %arg11[%get3A_318] {strides = array<i32>} : memref<4000xi32, #tpu.memory_space<vmem>>, vector<16xi32>,
        %get3A_320 = vector.shape_cast %get3A_319 : vector<16xi32> to vector<16xi32>
        %mul3A_321 = arith.constant 128 : i32
        %mul3A_322 = vector.broadcast %mul3A_321 : i32 to vector<16xi32>
        %mul3A_323 = arith.muli %get3A_320, %mul3A_322 : vector<16xi32>
        %swap3A_324 = arith.index_cast %add3A_303 : i32 to index
        %swap3A_325 = tpu.vector_load %arg17[%swap3A_324] {strides = array<i32>} : memref<4000xi32, #tpu.memory_space<vmem>>, vector<16xi32>,
        %swap3A_326 = vector.shape_cast %swap3A_325 : vector<16xi32> to vector<16xi32>
        %swap3A_327 = vector.shape_cast %mul3A_323 : vector<16xi32> to vector<16xi32>
        tpu.vector_store %arg17[%swap3A_324], %swap3A_327 {strides = array<i32>} : memref<4000xi32, #tpu.memory_space<vmem>>, vector<16xi32>,
      }
      %scan3A_193 = arith.constant 50 : i32
      %dma_start3A = arith.constant 0 : i32
      %dma_start3A_194 = tpu.memref_slice %arg2[%dma_start3A] : memref<12800000xf32, #tpu.memory_space<hbm>> -> memref<12800000xf32, #tpu.memory_space<hbm>>
      tpu.enqueue_indirect_dma source(%dma_start3A_194 : memref<12800000xf32, #tpu.memory_space<hbm>>) target(%arg19 : memref<4000xf32, #tpu.memory_space<vmem>>) offsets(%arg17 : memref<4000xi32, #tpu.memory_space<vmem>>) semaphore(%arg26 : memref<!tpu.dma_semaphore, #tpu.memory_space<semaphore_mem>>)
      %dma_start3A_195 = arith.constant 0 : i32
      %dma_start3A_196 = tpu.memref_slice %arg3[%dma_start3A_195] : memref<1000000xf32, #tpu.memory_space<hbm>> -> memref<1000000xf32, #tpu.memory_space<hbm>>
      tpu.enqueue_indirect_dma source(%dma_start3A_196 : memref<1000000xf32, #tpu.memory_space<hbm>>) target(%arg21 : memref<4000xf32, #tpu.memory_space<vmem>>) offsets(%arg15 : memref<4000xi32, #tpu.memory_space<vmem>>) semaphore(%arg26 : memref<!tpu.dma_semaphore, #tpu.memory_space<semaphore_mem>>)
    } else {
    }
    %add3A_26 = arith.constant 64 : i32
    %add3A_27 = arith.addi %add3A, %add3A_26 : i32
    %lt3A_28 = arith.constant 250 : i32
    %lt3A_29 = arith.cmpi slt, %add3A_27, %lt3A_28 : i32
    %convert_element_type3A_30 = arith.extui %lt3A_29 : i1 to i32
    %cond3A_31 = arith.constant 0 : i32
    %cond3A_32 = arith.cmpi ne, %convert_element_type3A_30, %cond3A_31 : i32
    scf.if %cond3A_32 {
      %add3A_180 = arith.constant 64 : i32
      %add3A_181 = arith.addi %add3A, %add3A_180 : i32
      %mul3A_182 = arith.constant 4000 : i32
      %mul3A_183 = arith.muli %add3A_181, %mul3A_182 : i32
      %dma_start3A = tpu.memref_slice %arg4[%mul3A_183] : memref<1000000xi32, #tpu.memory_space<hbm>> -> memref<4000xi32, #tpu.memory_space<hbm>>
      %dma_start3A_184 = tpu.memref_slice %arg4[%mul3A_183] : memref<1000000xi32, #tpu.memory_space<hbm>> -> memref<4000xi32, #tpu.memory_space<hbm>>
      tpu.enqueue_dma source(%dma_start3A_184 : memref<4000xi32, #tpu.memory_space<hbm>>) target(%arg8 : memref<4000xi32, #tpu.memory_space<vmem>>) target_semaphore(%arg24 : memref<!tpu.dma_semaphore, #tpu.memory_space<semaphore_mem>>)
      %dma_start3A_185 = tpu.memref_slice %arg5[%mul3A_183] : memref<1000000xi32, #tpu.memory_space<hbm>> -> memref<4000xi32, #tpu.memory_space<hbm>>
      %dma_start3A_186 = tpu.memref_slice %arg5[%mul3A_183] : memref<1000000xi32, #tpu.memory_space<hbm>> -> memref<4000xi32, #tpu.memory_space<hbm>>
      tpu.enqueue_dma source(%dma_start3A_186 : memref<4000xi32, #tpu.memory_space<hbm>>) target(%arg9 : memref<4000xi32, #tpu.memory_space<vmem>>) target_semaphore(%arg24 : memref<!tpu.dma_semaphore, #tpu.memory_space<semaphore_mem>>)
      %dma_start3A_187 = tpu.memref_slice %arg6[%mul3A_183] : memref<1000000xi32, #tpu.memory_space<hbm>> -> memref<4000xi32, #tpu.memory_space<hbm>>
      %dma_start3A_188 = tpu.memref_slice %arg6[%mul3A_183] : memref<1000000xi32, #tpu.memory_space<hbm>> -> memref<4000xi32, #tpu.memory_space<hbm>>
      tpu.enqueue_dma source(%dma_start3A_188 : memref<4000xi32, #tpu.memory_space<hbm>>) target(%arg10 : memref<4000xi32, #tpu.memory_space<vmem>>) target_semaphore(%arg24 : memref<!tpu.dma_semaphore, #tpu.memory_space<semaphore_mem>>)
    } else {
    }
    %add3A_33 = arith.constant 0 : i32
    %add3A_34 = arith.addi %add3A, %add3A_33 : i32
    %lt3A_35 = arith.constant 250 : i32
    %lt3A_36 = arith.cmpi slt, %add3A_34, %lt3A_35 : i32
    %convert_element_type3A_37 = arith.extui %lt3A_36 : i1 to i32
    %cond3A_38 = arith.constant 0 : i32
    %cond3A_39 = arith.cmpi ne, %convert_element_type3A_37, %cond3A_38 : i32
    scf.if %cond3A_39 {
      %add3A_180 = arith.constant 0 : i32
      %add3A_181 = arith.addi %add3A, %add3A_180 : i32
      %mul3A_182 = arith.constant 4000 : i32
      %mul3A_183 = arith.muli %add3A_181, %mul3A_182 : i32
      %dma_wait3A = arith.constant 0 : i32
      %dma_wait3A_184 = tpu.memref_slice %arg2[%dma_wait3A] : memref<12800000xf32, #tpu.memory_space<hbm>> -> memref<12800000xf32, #tpu.memory_space<hbm>>
      tpu.wait_indirect_dma semaphore(%arg25 : memref<!tpu.dma_semaphore, #tpu.memory_space<semaphore_mem>>) src(%dma_wait3A_184 : memref<12800000xf32, #tpu.memory_space<hbm>>) dst(%arg18 : memref<4000xf32, #tpu.memory_space<vmem>>)
      %dma_wait3A_185 = arith.constant 0 : i32
      %dma_wait3A_186 = tpu.memref_slice %arg3[%dma_wait3A_185] : memref<1000000xf32, #tpu.memory_space<hbm>> -> memref<1000000xf32, #tpu.memory_space<hbm>>
      tpu.wait_indirect_dma semaphore(%arg25 : memref<!tpu.dma_semaphore, #tpu.memory_space<semaphore_mem>>) src(%dma_wait3A_186 : memref<1000000xf32, #tpu.memory_space<hbm>>) dst(%arg20 : memref<4000xf32, #tpu.memory_space<vmem>>)
      %scan3A = arith.constant 0 : i32
      %scan3A_187 = arith.constant 0 : i32
      %scan3A_188 = arith.constant 50 : i32
      %scan3A_189 = arith.addi %scan3A_187, %scan3A_188 : i32
      %scan3A_190 = arith.constant 1 : i32
      scf.for %scan3A_193 = %scan3A_187 to %scan3A_189 step %scan3A_190  : i32 {
        %mul3A_194 = arith.constant 80 : i32
        %mul3A_195 = arith.muli %scan3A_193, %mul3A_194 : i32
        %add3A_196 = arith.constant 0 : i32
        %add3A_197 = arith.addi %mul3A_195, %add3A_196 : i32
        %get3A = arith.index_cast %add3A_197 : i32 to index
        %get3A_198 = tpu.vector_load %arg18[%get3A] {strides = array<i32>} : memref<4000xf32, #tpu.memory_space<vmem>>, vector<16xf32>,
        %get3A_199 = vector.shape_cast %get3A_198 : vector<16xf32> to vector<16xf32>
        %get3A_200 = arith.index_cast %add3A_197 : i32 to index
        %get3A_201 = tpu.vector_load %arg20[%get3A_200] {strides = array<i32>} : memref<4000xf32, #tpu.memory_space<vmem>>, vector<16xf32>,
        %get3A_202 = vector.shape_cast %get3A_201 : vector<16xf32> to vector<16xf32>
        %sub3A = arith.constant 1.000000e+00 : f32
        %sub3A_203 = vector.broadcast %sub3A : f32 to vector<16xf32>
        %sub3A_204 = arith.subf %sub3A_203, %get3A_199 : vector<16xf32>
        %mul3A_205 = arith.constant 0.111111112 : f32
        %mul3A_206 = vector.broadcast %mul3A_205 : f32 to vector<16xf32>
        %mul3A_207 = arith.mulf %sub3A_204, %mul3A_206 : vector<16xf32>
        %mul3A_208 = arith.mulf %get3A_199, %get3A_202 : vector<16xf32>
        %sub3A_209 = arith.constant 1.000000e+00 : f32
        %sub3A_210 = vector.broadcast %sub3A_209 : f32 to vector<16xf32>
        %sub3A_211 = arith.subf %sub3A_210, %get3A_202 : vector<16xf32>
        %mul3A_212 = arith.mulf %mul3A_207, %sub3A_211 : vector<16xf32>
        %add3A_213 = arith.addf %mul3A_208, %mul3A_212 : vector<16xf32>
        %swap3A = arith.index_cast %add3A_197 : i32 to index
        %swap3A_214 = tpu.vector_load %arg22[%swap3A] {strides = array<i32>} : memref<4000xf32, #tpu.memory_space<vmem>>, vector<16xf32>,
        %swap3A_215 = vector.shape_cast %swap3A_214 : vector<16xf32> to vector<16xf32>
        %swap3A_216 = vector.shape_cast %add3A_213 : vector<16xf32> to vector<16xf32>
        tpu.vector_store %arg22[%swap3A], %swap3A_216 {strides = array<i32>} : memref<4000xf32, #tpu.memory_space<vmem>>, vector<16xf32>,
        %add3A_217 = arith.constant 16 : i32
        %add3A_218 = arith.addi %mul3A_195, %add3A_217 : i32
        %get3A_219 = arith.index_cast %add3A_218 : i32 to index
        %get3A_220 = tpu.vector_load %arg18[%get3A_219] {strides = array<i32>} : memref<4000xf32, #tpu.memory_space<vmem>>, vector<16xf32>,
        %get3A_221 = vector.shape_cast %get3A_220 : vector<16xf32> to vector<16xf32>
        %get3A_222 = arith.index_cast %add3A_218 : i32 to index
        %get3A_223 = tpu.vector_load %arg20[%get3A_222] {strides = array<i32>} : memref<4000xf32, #tpu.memory_space<vmem>>, vector<16xf32>,
        %get3A_224 = vector.shape_cast %get3A_223 : vector<16xf32> to vector<16xf32>
        %sub3A_225 = arith.constant 1.000000e+00 : f32
        %sub3A_226 = vector.broadcast %sub3A_225 : f32 to vector<16xf32>
        %sub3A_227 = arith.subf %sub3A_226, %get3A_221 : vector<16xf32>
        %mul3A_228 = arith.constant 0.111111112 : f32
        %mul3A_229 = vector.broadcast %mul3A_228 : f32 to vector<16xf32>
        %mul3A_230 = arith.mulf %sub3A_227, %mul3A_229 : vector<16xf32>
        %mul3A_231 = arith.mulf %get3A_221, %get3A_224 : vector<16xf32>
        %sub3A_232 = arith.constant 1.000000e+00 : f32
        %sub3A_233 = vector.broadcast %sub3A_232 : f32 to vector<16xf32>
        %sub3A_234 = arith.subf %sub3A_233, %get3A_224 : vector<16xf32>
        %mul3A_235 = arith.mulf %mul3A_230, %sub3A_234 : vector<16xf32>
        %add3A_236 = arith.addf %mul3A_231, %mul3A_235 : vector<16xf32>
        %swap3A_237 = arith.index_cast %add3A_218 : i32 to index
        %swap3A_238 = tpu.vector_load %arg22[%swap3A_237] {strides = array<i32>} : memref<4000xf32, #tpu.memory_space<vmem>>, vector<16xf32>,
        %swap3A_239 = vector.shape_cast %swap3A_238 : vector<16xf32> to vector<16xf32>
        %swap3A_240 = vector.shape_cast %add3A_236 : vector<16xf32> to vector<16xf32>
        tpu.vector_store %arg22[%swap3A_237], %swap3A_240 {strides = array<i32>} : memref<4000xf32, #tpu.memory_space<vmem>>, vector<16xf32>,
        %add3A_241 = arith.constant 32 : i32
        %add3A_242 = arith.addi %mul3A_195, %add3A_241 : i32
        %get3A_243 = arith.index_cast %add3A_242 : i32 to index
        %get3A_244 = tpu.vector_load %arg18[%get3A_243] {strides = array<i32>} : memref<4000xf32, #tpu.memory_space<vmem>>, vector<16xf32>,
        %get3A_245 = vector.shape_cast %get3A_244 : vector<16xf32> to vector<16xf32>
        %get3A_246 = arith.index_cast %add3A_242 : i32 to index
        %get3A_247 = tpu.vector_load %arg20[%get3A_246] {strides = array<i32>} : memref<4000xf32, #tpu.memory_space<vmem>>, vector<16xf32>,
        %get3A_248 = vector.shape_cast %get3A_247 : vector<16xf32> to vector<16xf32>
        %sub3A_249 = arith.constant 1.000000e+00 : f32
        %sub3A_250 = vector.broadcast %sub3A_249 : f32 to vector<16xf32>
        %sub3A_251 = arith.subf %sub3A_250, %get3A_245 : vector<16xf32>
        %mul3A_252 = arith.constant 0.111111112 : f32
        %mul3A_253 = vector.broadcast %mul3A_252 : f32 to vector<16xf32>
        %mul3A_254 = arith.mulf %sub3A_251, %mul3A_253 : vector<16xf32>
        %mul3A_255 = arith.mulf %get3A_245, %get3A_248 : vector<16xf32>
        %sub3A_256 = arith.constant 1.000000e+00 : f32
        %sub3A_257 = vector.broadcast %sub3A_256 : f32 to vector<16xf32>
        %sub3A_258 = arith.subf %sub3A_257, %get3A_248 : vector<16xf32>
        %mul3A_259 = arith.mulf %mul3A_254, %sub3A_258 : vector<16xf32>
        %add3A_260 = arith.addf %mul3A_255, %mul3A_259 : vector<16xf32>
        %swap3A_261 = arith.index_cast %add3A_242 : i32 to index
        %swap3A_262 = tpu.vector_load %arg22[%swap3A_261] {strides = array<i32>} : memref<4000xf32, #tpu.memory_space<vmem>>, vector<16xf32>,
        %swap3A_263 = vector.shape_cast %swap3A_262 : vector<16xf32> to vector<16xf32>
        %swap3A_264 = vector.shape_cast %add3A_260 : vector<16xf32> to vector<16xf32>
        tpu.vector_store %arg22[%swap3A_261], %swap3A_264 {strides = array<i32>} : memref<4000xf32, #tpu.memory_space<vmem>>, vector<16xf32>,
        %add3A_265 = arith.constant 48 : i32
        %add3A_266 = arith.addi %mul3A_195, %add3A_265 : i32
        %get3A_267 = arith.index_cast %add3A_266 : i32 to index
        %get3A_268 = tpu.vector_load %arg18[%get3A_267] {strides = array<i32>} : memref<4000xf32, #tpu.memory_space<vmem>>, vector<16xf32>,
        %get3A_269 = vector.shape_cast %get3A_268 : vector<16xf32> to vector<16xf32>
        %get3A_270 = arith.index_cast %add3A_266 : i32 to index
        %get3A_271 = tpu.vector_load %arg20[%get3A_270] {strides = array<i32>} : memref<4000xf32, #tpu.memory_space<vmem>>, vector<16xf32>,
        %get3A_272 = vector.shape_cast %get3A_271 : vector<16xf32> to vector<16xf32>
        %sub3A_273 = arith.constant 1.000000e+00 : f32
        %sub3A_274 = vector.broadcast %sub3A_273 : f32 to vector<16xf32>
        %sub3A_275 = arith.subf %sub3A_274, %get3A_269 : vector<16xf32>
        %mul3A_276 = arith.constant 0.111111112 : f32
        %mul3A_277 = vector.broadcast %mul3A_276 : f32 to vector<16xf32>
        %mul3A_278 = arith.mulf %sub3A_275, %mul3A_277 : vector<16xf32>
        %mul3A_279 = arith.mulf %get3A_269, %get3A_272 : vector<16xf32>
        %sub3A_280 = arith.constant 1.000000e+00 : f32
        %sub3A_281 = vector.broadcast %sub3A_280 : f32 to vector<16xf32>
        %sub3A_282 = arith.subf %sub3A_281, %get3A_272 : vector<16xf32>
        %mul3A_283 = arith.mulf %mul3A_278, %sub3A_282 : vector<16xf32>
        %add3A_284 = arith.addf %mul3A_279, %mul3A_283 : vector<16xf32>
        %swap3A_285 = arith.index_cast %add3A_266 : i32 to index
        %swap3A_286 = tpu.vector_load %arg22[%swap3A_285] {strides = array<i32>} : memref<4000xf32, #tpu.memory_space<vmem>>, vector<16xf32>,
        %swap3A_287 = vector.shape_cast %swap3A_286 : vector<16xf32> to vector<16xf32>
        %swap3A_288 = vector.shape_cast %add3A_284 : vector<16xf32> to vector<16xf32>
        tpu.vector_store %arg22[%swap3A_285], %swap3A_288 {strides = array<i32>} : memref<4000xf32, #tpu.memory_space<vmem>>, vector<16xf32>,
        %add3A_289 = arith.constant 64 : i32
        %add3A_290 = arith.addi %mul3A_195, %add3A_289 : i32
        %get3A_291 = arith.index_cast %add3A_290 : i32 to index
        %get3A_292 = tpu.vector_load %arg18[%get3A_291] {strides = array<i32>} : memref<4000xf32, #tpu.memory_space<vmem>>, vector<16xf32>,
        %get3A_293 = vector.shape_cast %get3A_292 : vector<16xf32> to vector<16xf32>
        %get3A_294 = arith.index_cast %add3A_290 : i32 to index
        %get3A_295 = tpu.vector_load %arg20[%get3A_294] {strides = array<i32>} : memref<4000xf32, #tpu.memory_space<vmem>>, vector<16xf32>,
        %get3A_296 = vector.shape_cast %get3A_295 : vector<16xf32> to vector<16xf32>
        %sub3A_297 = arith.constant 1.000000e+00 : f32
        %sub3A_298 = vector.broadcast %sub3A_297 : f32 to vector<16xf32>
        %sub3A_299 = arith.subf %sub3A_298, %get3A_293 : vector<16xf32>
        %mul3A_300 = arith.constant 0.111111112 : f32
        %mul3A_301 = vector.broadcast %mul3A_300 : f32 to vector<16xf32>
        %mul3A_302 = arith.mulf %sub3A_299, %mul3A_301 : vector<16xf32>
        %mul3A_303 = arith.mulf %get3A_293, %get3A_296 : vector<16xf32>
        %sub3A_304 = arith.constant 1.000000e+00 : f32
        %sub3A_305 = vector.broadcast %sub3A_304 : f32 to vector<16xf32>
        %sub3A_306 = arith.subf %sub3A_305, %get3A_296 : vector<16xf32>
        %mul3A_307 = arith.mulf %mul3A_302, %sub3A_306 : vector<16xf32>
        %add3A_308 = arith.addf %mul3A_303, %mul3A_307 : vector<16xf32>
        %swap3A_309 = arith.index_cast %add3A_290 : i32 to index
        %swap3A_310 = tpu.vector_load %arg22[%swap3A_309] {strides = array<i32>} : memref<4000xf32, #tpu.memory_space<vmem>>, vector<16xf32>,
        %swap3A_311 = vector.shape_cast %swap3A_310 : vector<16xf32> to vector<16xf32>
        %swap3A_312 = vector.shape_cast %add3A_308 : vector<16xf32> to vector<16xf32>
        tpu.vector_store %arg22[%swap3A_309], %swap3A_312 {strides = array<i32>} : memref<4000xf32, #tpu.memory_space<vmem>>, vector<16xf32>,
      }
      %scan3A_191 = arith.constant 50 : i32
      %dma_start3A = tpu.memref_slice %arg7[%mul3A_183] : memref<1000000xf32, #tpu.memory_space<hbm>> -> memref<4000xf32, #tpu.memory_space<hbm>>
      %dma_start3A_192 = tpu.memref_slice %arg7[%mul3A_183] : memref<1000000xf32, #tpu.memory_space<hbm>> -> memref<4000xf32, #tpu.memory_space<hbm>>
      tpu.enqueue_dma source(%arg22 : memref<4000xf32, #tpu.memory_space<vmem>>) target(%dma_start3A_192 : memref<4000xf32, #tpu.memory_space<hbm>>) target_semaphore(%arg27 : memref<!tpu.dma_semaphore, #tpu.memory_space<semaphore_mem>>)
    } else {
    }
    %add3A_40 = arith.constant 64 : i32
    %add3A_41 = arith.addi %add3A, %add3A_40 : i32
    %lt3A_42 = arith.constant 250 : i32
    %lt3A_43 = arith.cmpi slt, %add3A_41, %lt3A_42 : i32
    %convert_element_type3A_44 = arith.extui %lt3A_43 : i1 to i32
    %cond3A_45 = arith.constant 0 : i32
    %cond3A_46 = arith.cmpi ne, %convert_element_type3A_44, %cond3A_45 : i32
    scf.if %cond3A_46 {
      %add3A_180 = arith.constant 64 : i32
      %add3A_181 = arith.addi %add3A, %add3A_180 : i32
      %mul3A_182 = arith.constant 4000 : i32
      %mul3A_183 = arith.muli %add3A_181, %mul3A_182 : i32
      %dma_wait3A = tpu.memref_slice %arg4[%mul3A_183] : memref<1000000xi32, #tpu.memory_space<hbm>> -> memref<4000xi32, #tpu.memory_space<hbm>>
      %dma_wait3A_184 = tpu.memref_slice %arg4[%mul3A_183] : memref<1000000xi32, #tpu.memory_space<hbm>> -> memref<4000xi32, #tpu.memory_space<hbm>>
      tpu.wait_dma2 semaphore(%arg24 : memref<!tpu.dma_semaphore, #tpu.memory_space<semaphore_mem>>) src(%dma_wait3A_184 : memref<4000xi32, #tpu.memory_space<hbm>>) dst(%arg8 : memref<4000xi32, #tpu.memory_space<vmem>>)
      %dma_wait3A_185 = tpu.memref_slice %arg5[%mul3A_183] : memref<1000000xi32, #tpu.memory_space<hbm>> -> memref<4000xi32, #tpu.memory_space<hbm>>
      %dma_wait3A_186 = tpu.memref_slice %arg5[%mul3A_183] : memref<1000000xi32, #tpu.memory_space<hbm>> -> memref<4000xi32, #tpu.memory_space<hbm>>
      tpu.wait_dma2 semaphore(%arg24 : memref<!tpu.dma_semaphore, #tpu.memory_space<semaphore_mem>>) src(%dma_wait3A_186 : memref<4000xi32, #tpu.memory_space<hbm>>) dst(%arg9 : memref<4000xi32, #tpu.memory_space<vmem>>)
      %dma_wait3A_187 = tpu.memref_slice %arg6[%mul3A_183] : memref<1000000xi32, #tpu.memory_space<hbm>> -> memref<4000xi32, #tpu.memory_space<hbm>>
      %dma_wait3A_188 = tpu.memref_slice %arg6[%mul3A_183] : memref<1000000xi32, #tpu.memory_space<hbm>> -> memref<4000xi32, #tpu.memory_space<hbm>>
      tpu.wait_dma2 semaphore(%arg24 : memref<!tpu.dma_semaphore, #tpu.memory_space<semaphore_mem>>) src(%dma_wait3A_188 : memref<4000xi32, #tpu.memory_space<hbm>>) dst(%arg10 : memref<4000xi32, #tpu.memory_space<vmem>>)
      %scan3A = arith.constant 0 : i32
      %scan3A_189 = arith.constant 0 : i32
      %scan3A_190 = arith.constant 50 : i32
      %scan3A_191 = arith.addi %scan3A_189, %scan3A_190 : i32
      %scan3A_192 = arith.constant 1 : i32
      scf.for %scan3A_197 = %scan3A_189 to %scan3A_191 step %scan3A_192  : i32 {
        %mul3A_198 = arith.constant 80 : i32
        %mul3A_199 = arith.muli %scan3A_197, %mul3A_198 : i32
        %add3A_200 = arith.constant 0 : i32
        %add3A_201 = arith.addi %mul3A_199, %add3A_200 : i32
        %get3A = arith.index_cast %add3A_201 : i32 to index
        %get3A_202 = tpu.vector_load %arg9[%get3A] {strides = array<i32>} : memref<4000xi32, #tpu.memory_space<vmem>>, vector<16xi32>,
        %get3A_203 = vector.shape_cast %get3A_202 : vector<16xi32> to vector<16xi32>
        %mul3A_204 = arith.constant 10 : i32
        %mul3A_205 = vector.broadcast %mul3A_204 : i32 to vector<16xi32>
        %mul3A_206 = arith.muli %get3A_203, %mul3A_205 : vector<16xi32>
        %get3A_207 = arith.index_cast %add3A_201 : i32 to index
        %get3A_208 = tpu.vector_load %arg10[%get3A_207] {strides = array<i32>} : memref<4000xi32, #tpu.memory_space<vmem>>, vector<16xi32>,
        %get3A_209 = vector.shape_cast %get3A_208 : vector<16xi32> to vector<16xi32>
        %add3A_210 = arith.addi %mul3A_206, %get3A_209 : vector<16xi32>
        %swap3A = arith.index_cast %add3A_201 : i32 to index
        %swap3A_211 = tpu.vector_load %arg14[%swap3A] {strides = array<i32>} : memref<4000xi32, #tpu.memory_space<vmem>>, vector<16xi32>,
        %swap3A_212 = vector.shape_cast %swap3A_211 : vector<16xi32> to vector<16xi32>
        %swap3A_213 = vector.shape_cast %add3A_210 : vector<16xi32> to vector<16xi32>
        tpu.vector_store %arg14[%swap3A], %swap3A_213 {strides = array<i32>} : memref<4000xi32, #tpu.memory_space<vmem>>, vector<16xi32>,
        %get3A_214 = arith.index_cast %add3A_201 : i32 to index
        %get3A_215 = tpu.vector_load %arg8[%get3A_214] {strides = array<i32>} : memref<4000xi32, #tpu.memory_space<vmem>>, vector<16xi32>,
        %get3A_216 = vector.shape_cast %get3A_215 : vector<16xi32> to vector<16xi32>
        %mul3A_217 = arith.constant 128 : i32
        %mul3A_218 = vector.broadcast %mul3A_217 : i32 to vector<16xi32>
        %mul3A_219 = arith.muli %get3A_216, %mul3A_218 : vector<16xi32>
        %swap3A_220 = arith.index_cast %add3A_201 : i32 to index
        %swap3A_221 = tpu.vector_load %arg16[%swap3A_220] {strides = array<i32>} : memref<4000xi32, #tpu.memory_space<vmem>>, vector<16xi32>,
        %swap3A_222 = vector.shape_cast %swap3A_221 : vector<16xi32> to vector<16xi32>
        %swap3A_223 = vector.shape_cast %mul3A_219 : vector<16xi32> to vector<16xi32>
        tpu.vector_store %arg16[%swap3A_220], %swap3A_223 {strides = array<i32>} : memref<4000xi32, #tpu.memory_space<vmem>>, vector<16xi32>,
        %add3A_224 = arith.constant 16 : i32
        %add3A_225 = arith.addi %mul3A_199, %add3A_224 : i32
        %get3A_226 = arith.index_cast %add3A_225 : i32 to index
        %get3A_227 = tpu.vector_load %arg9[%get3A_226] {strides = array<i32>} : memref<4000xi32, #tpu.memory_space<vmem>>, vector<16xi32>,
        %get3A_228 = vector.shape_cast %get3A_227 : vector<16xi32> to vector<16xi32>
        %mul3A_229 = arith.constant 10 : i32
        %mul3A_230 = vector.broadcast %mul3A_229 : i32 to vector<16xi32>
        %mul3A_231 = arith.muli %get3A_228, %mul3A_230 : vector<16xi32>
        %get3A_232 = arith.index_cast %add3A_225 : i32 to index
        %get3A_233 = tpu.vector_load %arg10[%get3A_232] {strides = array<i32>} : memref<4000xi32, #tpu.memory_space<vmem>>, vector<16xi32>,
        %get3A_234 = vector.shape_cast %get3A_233 : vector<16xi32> to vector<16xi32>
        %add3A_235 = arith.addi %mul3A_231, %get3A_234 : vector<16xi32>
        %swap3A_236 = arith.index_cast %add3A_225 : i32 to index
        %swap3A_237 = tpu.vector_load %arg14[%swap3A_236] {strides = array<i32>} : memref<4000xi32, #tpu.memory_space<vmem>>, vector<16xi32>,
        %swap3A_238 = vector.shape_cast %swap3A_237 : vector<16xi32> to vector<16xi32>
        %swap3A_239 = vector.shape_cast %add3A_235 : vector<16xi32> to vector<16xi32>
        tpu.vector_store %arg14[%swap3A_236], %swap3A_239 {strides = array<i32>} : memref<4000xi32, #tpu.memory_space<vmem>>, vector<16xi32>,
        %get3A_240 = arith.index_cast %add3A_225 : i32 to index
        %get3A_241 = tpu.vector_load %arg8[%get3A_240] {strides = array<i32>} : memref<4000xi32, #tpu.memory_space<vmem>>, vector<16xi32>,
        %get3A_242 = vector.shape_cast %get3A_241 : vector<16xi32> to vector<16xi32>
        %mul3A_243 = arith.constant 128 : i32
        %mul3A_244 = vector.broadcast %mul3A_243 : i32 to vector<16xi32>
        %mul3A_245 = arith.muli %get3A_242, %mul3A_244 : vector<16xi32>
        %swap3A_246 = arith.index_cast %add3A_225 : i32 to index
        %swap3A_247 = tpu.vector_load %arg16[%swap3A_246] {strides = array<i32>} : memref<4000xi32, #tpu.memory_space<vmem>>, vector<16xi32>,
        %swap3A_248 = vector.shape_cast %swap3A_247 : vector<16xi32> to vector<16xi32>
        %swap3A_249 = vector.shape_cast %mul3A_245 : vector<16xi32> to vector<16xi32>
        tpu.vector_store %arg16[%swap3A_246], %swap3A_249 {strides = array<i32>} : memref<4000xi32, #tpu.memory_space<vmem>>, vector<16xi32>,
        %add3A_250 = arith.constant 32 : i32
        %add3A_251 = arith.addi %mul3A_199, %add3A_250 : i32
        %get3A_252 = arith.index_cast %add3A_251 : i32 to index
        %get3A_253 = tpu.vector_load %arg9[%get3A_252] {strides = array<i32>} : memref<4000xi32, #tpu.memory_space<vmem>>, vector<16xi32>,
        %get3A_254 = vector.shape_cast %get3A_253 : vector<16xi32> to vector<16xi32>
        %mul3A_255 = arith.constant 10 : i32
        %mul3A_256 = vector.broadcast %mul3A_255 : i32 to vector<16xi32>
        %mul3A_257 = arith.muli %get3A_254, %mul3A_256 : vector<16xi32>
        %get3A_258 = arith.index_cast %add3A_251 : i32 to index
        %get3A_259 = tpu.vector_load %arg10[%get3A_258] {strides = array<i32>} : memref<4000xi32, #tpu.memory_space<vmem>>, vector<16xi32>,
        %get3A_260 = vector.shape_cast %get3A_259 : vector<16xi32> to vector<16xi32>
        %add3A_261 = arith.addi %mul3A_257, %get3A_260 : vector<16xi32>
        %swap3A_262 = arith.index_cast %add3A_251 : i32 to index
        %swap3A_263 = tpu.vector_load %arg14[%swap3A_262] {strides = array<i32>} : memref<4000xi32, #tpu.memory_space<vmem>>, vector<16xi32>,
        %swap3A_264 = vector.shape_cast %swap3A_263 : vector<16xi32> to vector<16xi32>
        %swap3A_265 = vector.shape_cast %add3A_261 : vector<16xi32> to vector<16xi32>
        tpu.vector_store %arg14[%swap3A_262], %swap3A_265 {strides = array<i32>} : memref<4000xi32, #tpu.memory_space<vmem>>, vector<16xi32>,
        %get3A_266 = arith.index_cast %add3A_251 : i32 to index
        %get3A_267 = tpu.vector_load %arg8[%get3A_266] {strides = array<i32>} : memref<4000xi32, #tpu.memory_space<vmem>>, vector<16xi32>,
        %get3A_268 = vector.shape_cast %get3A_267 : vector<16xi32> to vector<16xi32>
        %mul3A_269 = arith.constant 128 : i32
        %mul3A_270 = vector.broadcast %mul3A_269 : i32 to vector<16xi32>
        %mul3A_271 = arith.muli %get3A_268, %mul3A_270 : vector<16xi32>
        %swap3A_272 = arith.index_cast %add3A_251 : i32 to index
        %swap3A_273 = tpu.vector_load %arg16[%swap3A_272] {strides = array<i32>} : memref<4000xi32, #tpu.memory_space<vmem>>, vector<16xi32>,
        %swap3A_274 = vector.shape_cast %swap3A_273 : vector<16xi32> to vector<16xi32>
        %swap3A_275 = vector.shape_cast %mul3A_271 : vector<16xi32> to vector<16xi32>
        tpu.vector_store %arg16[%swap3A_272], %swap3A_275 {strides = array<i32>} : memref<4000xi32, #tpu.memory_space<vmem>>, vector<16xi32>,
        %add3A_276 = arith.constant 48 : i32
        %add3A_277 = arith.addi %mul3A_199, %add3A_276 : i32
        %get3A_278 = arith.index_cast %add3A_277 : i32 to index
        %get3A_279 = tpu.vector_load %arg9[%get3A_278] {strides = array<i32>} : memref<4000xi32, #tpu.memory_space<vmem>>, vector<16xi32>,
        %get3A_280 = vector.shape_cast %get3A_279 : vector<16xi32> to vector<16xi32>
        %mul3A_281 = arith.constant 10 : i32
        %mul3A_282 = vector.broadcast %mul3A_281 : i32 to vector<16xi32>
        %mul3A_283 = arith.muli %get3A_280, %mul3A_282 : vector<16xi32>
        %get3A_284 = arith.index_cast %add3A_277 : i32 to index
        %get3A_285 = tpu.vector_load %arg10[%get3A_284] {strides = array<i32>} : memref<4000xi32, #tpu.memory_space<vmem>>, vector<16xi32>,
        %get3A_286 = vector.shape_cast %get3A_285 : vector<16xi32> to vector<16xi32>
        %add3A_287 = arith.addi %mul3A_283, %get3A_286 : vector<16xi32>
        %swap3A_288 = arith.index_cast %add3A_277 : i32 to index
        %swap3A_289 = tpu.vector_load %arg14[%swap3A_288] {strides = array<i32>} : memref<4000xi32, #tpu.memory_space<vmem>>, vector<16xi32>,
        %swap3A_290 = vector.shape_cast %swap3A_289 : vector<16xi32> to vector<16xi32>
        %swap3A_291 = vector.shape_cast %add3A_287 : vector<16xi32> to vector<16xi32>
        tpu.vector_store %arg14[%swap3A_288], %swap3A_291 {strides = array<i32>} : memref<4000xi32, #tpu.memory_space<vmem>>, vector<16xi32>,
        %get3A_292 = arith.index_cast %add3A_277 : i32 to index
        %get3A_293 = tpu.vector_load %arg8[%get3A_292] {strides = array<i32>} : memref<4000xi32, #tpu.memory_space<vmem>>, vector<16xi32>,
        %get3A_294 = vector.shape_cast %get3A_293 : vector<16xi32> to vector<16xi32>
        %mul3A_295 = arith.constant 128 : i32
        %mul3A_296 = vector.broadcast %mul3A_295 : i32 to vector<16xi32>
        %mul3A_297 = arith.muli %get3A_294, %mul3A_296 : vector<16xi32>
        %swap3A_298 = arith.index_cast %add3A_277 : i32 to index
        %swap3A_299 = tpu.vector_load %arg16[%swap3A_298] {strides = array<i32>} : memref<4000xi32, #tpu.memory_space<vmem>>, vector<16xi32>,
        %swap3A_300 = vector.shape_cast %swap3A_299 : vector<16xi32> to vector<16xi32>
        %swap3A_301 = vector.shape_cast %mul3A_297 : vector<16xi32> to vector<16xi32>
        tpu.vector_store %arg16[%swap3A_298], %swap3A_301 {strides = array<i32>} : memref<4000xi32, #tpu.memory_space<vmem>>, vector<16xi32>,
        %add3A_302 = arith.constant 64 : i32
        %add3A_303 = arith.addi %mul3A_199, %add3A_302 : i32
        %get3A_304 = arith.index_cast %add3A_303 : i32 to index
        %get3A_305 = tpu.vector_load %arg9[%get3A_304] {strides = array<i32>} : memref<4000xi32, #tpu.memory_space<vmem>>, vector<16xi32>,
        %get3A_306 = vector.shape_cast %get3A_305 : vector<16xi32> to vector<16xi32>
        %mul3A_307 = arith.constant 10 : i32
        %mul3A_308 = vector.broadcast %mul3A_307 : i32 to vector<16xi32>
        %mul3A_309 = arith.muli %get3A_306, %mul3A_308 : vector<16xi32>
        %get3A_310 = arith.index_cast %add3A_303 : i32 to index
        %get3A_311 = tpu.vector_load %arg10[%get3A_310] {strides = array<i32>} : memref<4000xi32, #tpu.memory_space<vmem>>, vector<16xi32>,
        %get3A_312 = vector.shape_cast %get3A_311 : vector<16xi32> to vector<16xi32>
        %add3A_313 = arith.addi %mul3A_309, %get3A_312 : vector<16xi32>
        %swap3A_314 = arith.index_cast %add3A_303 : i32 to index
        %swap3A_315 = tpu.vector_load %arg14[%swap3A_314] {strides = array<i32>} : memref<4000xi32, #tpu.memory_space<vmem>>, vector<16xi32>,
        %swap3A_316 = vector.shape_cast %swap3A_315 : vector<16xi32> to vector<16xi32>
        %swap3A_317 = vector.shape_cast %add3A_313 : vector<16xi32> to vector<16xi32>
        tpu.vector_store %arg14[%swap3A_314], %swap3A_317 {strides = array<i32>} : memref<4000xi32, #tpu.memory_space<vmem>>, vector<16xi32>,
        %get3A_318 = arith.index_cast %add3A_303 : i32 to index
        %get3A_319 = tpu.vector_load %arg8[%get3A_318] {strides = array<i32>} : memref<4000xi32, #tpu.memory_space<vmem>>, vector<16xi32>,
        %get3A_320 = vector.shape_cast %get3A_319 : vector<16xi32> to vector<16xi32>
        %mul3A_321 = arith.constant 128 : i32
        %mul3A_322 = vector.broadcast %mul3A_321 : i32 to vector<16xi32>
        %mul3A_323 = arith.muli %get3A_320, %mul3A_322 : vector<16xi32>
        %swap3A_324 = arith.index_cast %add3A_303 : i32 to index
        %swap3A_325 = tpu.vector_load %arg16[%swap3A_324] {strides = array<i32>} : memref<4000xi32, #tpu.memory_space<vmem>>, vector<16xi32>,
        %swap3A_326 = vector.shape_cast %swap3A_325 : vector<16xi32> to vector<16xi32>
        %swap3A_327 = vector.shape_cast %mul3A_323 : vector<16xi32> to vector<16xi32>
        tpu.vector_store %arg16[%swap3A_324], %swap3A_327 {strides = array<i32>} : memref<4000xi32, #tpu.memory_space<vmem>>, vector<16xi32>,
      }
      %scan3A_193 = arith.constant 50 : i32
      %dma_start3A = arith.constant 0 : i32
      %dma_start3A_194 = tpu.memref_slice %arg2[%dma_start3A] : memref<12800000xf32, #tpu.memory_space<hbm>> -> memref<12800000xf32, #tpu.memory_space<hbm>>
      tpu.enqueue_indirect_dma source(%dma_start3A_194 : memref<12800000xf32, #tpu.memory_space<hbm>>) target(%arg18 : memref<4000xf32, #tpu.memory_space<vmem>>) offsets(%arg16 : memref<4000xi32, #tpu.memory_space<vmem>>) semaphore(%arg25 : memref<!tpu.dma_semaphore, #tpu.memory_space<semaphore_mem>>)
      %dma_start3A_195 = arith.constant 0 : i32
      %dma_start3A_196 = tpu.memref_slice %arg3[%dma_start3A_195] : memref<1000000xf32, #tpu.memory_space<hbm>> -> memref<1000000xf32, #tpu.memory_space<hbm>>
      tpu.enqueue_indirect_dma source(%dma_start3A_196 : memref<1000000xf32, #tpu.memory_space<hbm>>) target(%arg20 : memref<4000xf32, #tpu.memory_space<vmem>>) offsets(%arg14 : memref<4000xi32, #tpu.memory_space<vmem>>) semaphore(%arg25 : memref<!tpu.dma_semaphore, #tpu.memory_space<semaphore_mem>>)
    } else {
    }
    %add3A_47 = arith.constant 96 : i32
    %add3A_48 = arith.addi %add3A, %add3A_47 : i32
    %lt3A_49 = arith.constant 250 : i32
    %lt3A_50 = arith.cmpi slt, %add3A_48, %lt3A_49 : i32
    %convert_element_type3A_51 = arith.extui %lt3A_50 : i1 to i32
    %cond3A_52 = arith.constant 0 : i32
    %cond3A_53 = arith.cmpi ne, %convert_element_type3A_51, %cond3A_52 : i32
    scf.if %cond3A_53 {
      %add3A_180 = arith.constant 96 : i32
      %add3A_181 = arith.addi %add3A, %add3A_180 : i32
      %mul3A_182 = arith.constant 4000 : i32
      %mul3A_183 = arith.muli %add3A_181, %mul3A_182 : i32
      %dma_start3A = tpu.memref_slice %arg4[%mul3A_183] : memref<1000000xi32, #tpu.memory_space<hbm>> -> memref<4000xi32, #tpu.memory_space<hbm>>
      %dma_start3A_184 = tpu.memref_slice %arg4[%mul3A_183] : memref<1000000xi32, #tpu.memory_space<hbm>> -> memref<4000xi32, #tpu.memory_space<hbm>>
      tpu.enqueue_dma source(%dma_start3A_184 : memref<4000xi32, #tpu.memory_space<hbm>>) target(%arg11 : memref<4000xi32, #tpu.memory_space<vmem>>) target_semaphore(%arg24 : memref<!tpu.dma_semaphore, #tpu.memory_space<semaphore_mem>>)
      %dma_start3A_185 = tpu.memref_slice %arg5[%mul3A_183] : memref<1000000xi32, #tpu.memory_space<hbm>> -> memref<4000xi32, #tpu.memory_space<hbm>>
      %dma_start3A_186 = tpu.memref_slice %arg5[%mul3A_183] : memref<1000000xi32, #tpu.memory_space<hbm>> -> memref<4000xi32, #tpu.memory_space<hbm>>
      tpu.enqueue_dma source(%dma_start3A_186 : memref<4000xi32, #tpu.memory_space<hbm>>) target(%arg12 : memref<4000xi32, #tpu.memory_space<vmem>>) target_semaphore(%arg24 : memref<!tpu.dma_semaphore, #tpu.memory_space<semaphore_mem>>)
      %dma_start3A_187 = tpu.memref_slice %arg6[%mul3A_183] : memref<1000000xi32, #tpu.memory_space<hbm>> -> memref<4000xi32, #tpu.memory_space<hbm>>
      %dma_start3A_188 = tpu.memref_slice %arg6[%mul3A_183] : memref<1000000xi32, #tpu.memory_space<hbm>> -> memref<4000xi32, #tpu.memory_space<hbm>>
      tpu.enqueue_dma source(%dma_start3A_188 : memref<4000xi32, #tpu.memory_space<hbm>>) target(%arg13 : memref<4000xi32, #tpu.memory_space<vmem>>) target_semaphore(%arg24 : memref<!tpu.dma_semaphore, #tpu.memory_space<semaphore_mem>>)
    } else {
    }
    %add3A_54 = arith.constant 32 : i32
    %add3A_55 = arith.addi %add3A, %add3A_54 : i32
    %lt3A_56 = arith.constant 250 : i32
    %lt3A_57 = arith.cmpi slt, %add3A_55, %lt3A_56 : i32
    %convert_element_type3A_58 = arith.extui %lt3A_57 : i1 to i32
    %cond3A_59 = arith.constant 0 : i32
    %cond3A_60 = arith.cmpi ne, %convert_element_type3A_58, %cond3A_59 : i32
    scf.if %cond3A_60 {
      %add3A_180 = arith.constant 32 : i32
      %add3A_181 = arith.addi %add3A, %add3A_180 : i32
      %mul3A_182 = arith.constant 4000 : i32
      %mul3A_183 = arith.muli %add3A_181, %mul3A_182 : i32
      %dma_wait3A = arith.constant 0 : i32
      %dma_wait3A_184 = tpu.memref_slice %arg2[%dma_wait3A] : memref<12800000xf32, #tpu.memory_space<hbm>> -> memref<12800000xf32, #tpu.memory_space<hbm>>
      tpu.wait_indirect_dma semaphore(%arg26 : memref<!tpu.dma_semaphore, #tpu.memory_space<semaphore_mem>>) src(%dma_wait3A_184 : memref<12800000xf32, #tpu.memory_space<hbm>>) dst(%arg19 : memref<4000xf32, #tpu.memory_space<vmem>>)
      %dma_wait3A_185 = arith.constant 0 : i32
      %dma_wait3A_186 = tpu.memref_slice %arg3[%dma_wait3A_185] : memref<1000000xf32, #tpu.memory_space<hbm>> -> memref<1000000xf32, #tpu.memory_space<hbm>>
      tpu.wait_indirect_dma semaphore(%arg26 : memref<!tpu.dma_semaphore, #tpu.memory_space<semaphore_mem>>) src(%dma_wait3A_186 : memref<1000000xf32, #tpu.memory_space<hbm>>) dst(%arg21 : memref<4000xf32, #tpu.memory_space<vmem>>)
      %scan3A = arith.constant 0 : i32
      %scan3A_187 = arith.constant 0 : i32
      %scan3A_188 = arith.constant 50 : i32
      %scan3A_189 = arith.addi %scan3A_187, %scan3A_188 : i32
      %scan3A_190 = arith.constant 1 : i32
      scf.for %scan3A_193 = %scan3A_187 to %scan3A_189 step %scan3A_190  : i32 {
        %mul3A_194 = arith.constant 80 : i32
        %mul3A_195 = arith.muli %scan3A_193, %mul3A_194 : i32
        %add3A_196 = arith.constant 0 : i32
        %add3A_197 = arith.addi %mul3A_195, %add3A_196 : i32
        %get3A = arith.index_cast %add3A_197 : i32 to index
        %get3A_198 = tpu.vector_load %arg19[%get3A] {strides = array<i32>} : memref<4000xf32, #tpu.memory_space<vmem>>, vector<16xf32>,
        %get3A_199 = vector.shape_cast %get3A_198 : vector<16xf32> to vector<16xf32>
        %get3A_200 = arith.index_cast %add3A_197 : i32 to index
        %get3A_201 = tpu.vector_load %arg21[%get3A_200] {strides = array<i32>} : memref<4000xf32, #tpu.memory_space<vmem>>, vector<16xf32>,
        %get3A_202 = vector.shape_cast %get3A_201 : vector<16xf32> to vector<16xf32>
        %sub3A = arith.constant 1.000000e+00 : f32
        %sub3A_203 = vector.broadcast %sub3A : f32 to vector<16xf32>
        %sub3A_204 = arith.subf %sub3A_203, %get3A_199 : vector<16xf32>
        %mul3A_205 = arith.constant 0.111111112 : f32
        %mul3A_206 = vector.broadcast %mul3A_205 : f32 to vector<16xf32>
        %mul3A_207 = arith.mulf %sub3A_204, %mul3A_206 : vector<16xf32>
        %mul3A_208 = arith.mulf %get3A_199, %get3A_202 : vector<16xf32>
        %sub3A_209 = arith.constant 1.000000e+00 : f32
        %sub3A_210 = vector.broadcast %sub3A_209 : f32 to vector<16xf32>
        %sub3A_211 = arith.subf %sub3A_210, %get3A_202 : vector<16xf32>
        %mul3A_212 = arith.mulf %mul3A_207, %sub3A_211 : vector<16xf32>
        %add3A_213 = arith.addf %mul3A_208, %mul3A_212 : vector<16xf32>
        %swap3A = arith.index_cast %add3A_197 : i32 to index
        %swap3A_214 = tpu.vector_load %arg23[%swap3A] {strides = array<i32>} : memref<4000xf32, #tpu.memory_space<vmem>>, vector<16xf32>,
        %swap3A_215 = vector.shape_cast %swap3A_214 : vector<16xf32> to vector<16xf32>
        %swap3A_216 = vector.shape_cast %add3A_213 : vector<16xf32> to vector<16xf32>
        tpu.vector_store %arg23[%swap3A], %swap3A_216 {strides = array<i32>} : memref<4000xf32, #tpu.memory_space<vmem>>, vector<16xf32>,
        %add3A_217 = arith.constant 16 : i32
        %add3A_218 = arith.addi %mul3A_195, %add3A_217 : i32
        %get3A_219 = arith.index_cast %add3A_218 : i32 to index
        %get3A_220 = tpu.vector_load %arg19[%get3A_219] {strides = array<i32>} : memref<4000xf32, #tpu.memory_space<vmem>>, vector<16xf32>,
        %get3A_221 = vector.shape_cast %get3A_220 : vector<16xf32> to vector<16xf32>
        %get3A_222 = arith.index_cast %add3A_218 : i32 to index
        %get3A_223 = tpu.vector_load %arg21[%get3A_222] {strides = array<i32>} : memref<4000xf32, #tpu.memory_space<vmem>>, vector<16xf32>,
        %get3A_224 = vector.shape_cast %get3A_223 : vector<16xf32> to vector<16xf32>
        %sub3A_225 = arith.constant 1.000000e+00 : f32
        %sub3A_226 = vector.broadcast %sub3A_225 : f32 to vector<16xf32>
        %sub3A_227 = arith.subf %sub3A_226, %get3A_221 : vector<16xf32>
        %mul3A_228 = arith.constant 0.111111112 : f32
        %mul3A_229 = vector.broadcast %mul3A_228 : f32 to vector<16xf32>
        %mul3A_230 = arith.mulf %sub3A_227, %mul3A_229 : vector<16xf32>
        %mul3A_231 = arith.mulf %get3A_221, %get3A_224 : vector<16xf32>
        %sub3A_232 = arith.constant 1.000000e+00 : f32
        %sub3A_233 = vector.broadcast %sub3A_232 : f32 to vector<16xf32>
        %sub3A_234 = arith.subf %sub3A_233, %get3A_224 : vector<16xf32>
        %mul3A_235 = arith.mulf %mul3A_230, %sub3A_234 : vector<16xf32>
        %add3A_236 = arith.addf %mul3A_231, %mul3A_235 : vector<16xf32>
        %swap3A_237 = arith.index_cast %add3A_218 : i32 to index
        %swap3A_238 = tpu.vector_load %arg23[%swap3A_237] {strides = array<i32>} : memref<4000xf32, #tpu.memory_space<vmem>>, vector<16xf32>,
        %swap3A_239 = vector.shape_cast %swap3A_238 : vector<16xf32> to vector<16xf32>
        %swap3A_240 = vector.shape_cast %add3A_236 : vector<16xf32> to vector<16xf32>
        tpu.vector_store %arg23[%swap3A_237], %swap3A_240 {strides = array<i32>} : memref<4000xf32, #tpu.memory_space<vmem>>, vector<16xf32>,
        %add3A_241 = arith.constant 32 : i32
        %add3A_242 = arith.addi %mul3A_195, %add3A_241 : i32
        %get3A_243 = arith.index_cast %add3A_242 : i32 to index
        %get3A_244 = tpu.vector_load %arg19[%get3A_243] {strides = array<i32>} : memref<4000xf32, #tpu.memory_space<vmem>>, vector<16xf32>,
        %get3A_245 = vector.shape_cast %get3A_244 : vector<16xf32> to vector<16xf32>
        %get3A_246 = arith.index_cast %add3A_242 : i32 to index
        %get3A_247 = tpu.vector_load %arg21[%get3A_246] {strides = array<i32>} : memref<4000xf32, #tpu.memory_space<vmem>>, vector<16xf32>,
        %get3A_248 = vector.shape_cast %get3A_247 : vector<16xf32> to vector<16xf32>
        %sub3A_249 = arith.constant 1.000000e+00 : f32
        %sub3A_250 = vector.broadcast %sub3A_249 : f32 to vector<16xf32>
        %sub3A_251 = arith.subf %sub3A_250, %get3A_245 : vector<16xf32>
        %mul3A_252 = arith.constant 0.111111112 : f32
        %mul3A_253 = vector.broadcast %mul3A_252 : f32 to vector<16xf32>
        %mul3A_254 = arith.mulf %sub3A_251, %mul3A_253 : vector<16xf32>
        %mul3A_255 = arith.mulf %get3A_245, %get3A_248 : vector<16xf32>
        %sub3A_256 = arith.constant 1.000000e+00 : f32
        %sub3A_257 = vector.broadcast %sub3A_256 : f32 to vector<16xf32>
        %sub3A_258 = arith.subf %sub3A_257, %get3A_248 : vector<16xf32>
        %mul3A_259 = arith.mulf %mul3A_254, %sub3A_258 : vector<16xf32>
        %add3A_260 = arith.addf %mul3A_255, %mul3A_259 : vector<16xf32>
        %swap3A_261 = arith.index_cast %add3A_242 : i32 to index
        %swap3A_262 = tpu.vector_load %arg23[%swap3A_261] {strides = array<i32>} : memref<4000xf32, #tpu.memory_space<vmem>>, vector<16xf32>,
        %swap3A_263 = vector.shape_cast %swap3A_262 : vector<16xf32> to vector<16xf32>
        %swap3A_264 = vector.shape_cast %add3A_260 : vector<16xf32> to vector<16xf32>
        tpu.vector_store %arg23[%swap3A_261], %swap3A_264 {strides = array<i32>} : memref<4000xf32, #tpu.memory_space<vmem>>, vector<16xf32>,
        %add3A_265 = arith.constant 48 : i32
        %add3A_266 = arith.addi %mul3A_195, %add3A_265 : i32
        %get3A_267 = arith.index_cast %add3A_266 : i32 to index
        %get3A_268 = tpu.vector_load %arg19[%get3A_267] {strides = array<i32>} : memref<4000xf32, #tpu.memory_space<vmem>>, vector<16xf32>,
        %get3A_269 = vector.shape_cast %get3A_268 : vector<16xf32> to vector<16xf32>
        %get3A_270 = arith.index_cast %add3A_266 : i32 to index
        %get3A_271 = tpu.vector_load %arg21[%get3A_270] {strides = array<i32>} : memref<4000xf32, #tpu.memory_space<vmem>>, vector<16xf32>,
        %get3A_272 = vector.shape_cast %get3A_271 : vector<16xf32> to vector<16xf32>
        %sub3A_273 = arith.constant 1.000000e+00 : f32
        %sub3A_274 = vector.broadcast %sub3A_273 : f32 to vector<16xf32>
        %sub3A_275 = arith.subf %sub3A_274, %get3A_269 : vector<16xf32>
        %mul3A_276 = arith.constant 0.111111112 : f32
        %mul3A_277 = vector.broadcast %mul3A_276 : f32 to vector<16xf32>
        %mul3A_278 = arith.mulf %sub3A_275, %mul3A_277 : vector<16xf32>
        %mul3A_279 = arith.mulf %get3A_269, %get3A_272 : vector<16xf32>
        %sub3A_280 = arith.constant 1.000000e+00 : f32
        %sub3A_281 = vector.broadcast %sub3A_280 : f32 to vector<16xf32>
        %sub3A_282 = arith.subf %sub3A_281, %get3A_272 : vector<16xf32>
        %mul3A_283 = arith.mulf %mul3A_278, %sub3A_282 : vector<16xf32>
        %add3A_284 = arith.addf %mul3A_279, %mul3A_283 : vector<16xf32>
        %swap3A_285 = arith.index_cast %add3A_266 : i32 to index
        %swap3A_286 = tpu.vector_load %arg23[%swap3A_285] {strides = array<i32>} : memref<4000xf32, #tpu.memory_space<vmem>>, vector<16xf32>,
        %swap3A_287 = vector.shape_cast %swap3A_286 : vector<16xf32> to vector<16xf32>
        %swap3A_288 = vector.shape_cast %add3A_284 : vector<16xf32> to vector<16xf32>
        tpu.vector_store %arg23[%swap3A_285], %swap3A_288 {strides = array<i32>} : memref<4000xf32, #tpu.memory_space<vmem>>, vector<16xf32>,
        %add3A_289 = arith.constant 64 : i32
        %add3A_290 = arith.addi %mul3A_195, %add3A_289 : i32
        %get3A_291 = arith.index_cast %add3A_290 : i32 to index
        %get3A_292 = tpu.vector_load %arg19[%get3A_291] {strides = array<i32>} : memref<4000xf32, #tpu.memory_space<vmem>>, vector<16xf32>,
        %get3A_293 = vector.shape_cast %get3A_292 : vector<16xf32> to vector<16xf32>
        %get3A_294 = arith.index_cast %add3A_290 : i32 to index
        %get3A_295 = tpu.vector_load %arg21[%get3A_294] {strides = array<i32>} : memref<4000xf32, #tpu.memory_space<vmem>>, vector<16xf32>,
        %get3A_296 = vector.shape_cast %get3A_295 : vector<16xf32> to vector<16xf32>
        %sub3A_297 = arith.constant 1.000000e+00 : f32
        %sub3A_298 = vector.broadcast %sub3A_297 : f32 to vector<16xf32>
        %sub3A_299 = arith.subf %sub3A_298, %get3A_293 : vector<16xf32>
        %mul3A_300 = arith.constant 0.111111112 : f32
        %mul3A_301 = vector.broadcast %mul3A_300 : f32 to vector<16xf32>
        %mul3A_302 = arith.mulf %sub3A_299, %mul3A_301 : vector<16xf32>
        %mul3A_303 = arith.mulf %get3A_293, %get3A_296 : vector<16xf32>
        %sub3A_304 = arith.constant 1.000000e+00 : f32
        %sub3A_305 = vector.broadcast %sub3A_304 : f32 to vector<16xf32>
        %sub3A_306 = arith.subf %sub3A_305, %get3A_296 : vector<16xf32>
        %mul3A_307 = arith.mulf %mul3A_302, %sub3A_306 : vector<16xf32>
        %add3A_308 = arith.addf %mul3A_303, %mul3A_307 : vector<16xf32>
        %swap3A_309 = arith.index_cast %add3A_290 : i32 to index
        %swap3A_310 = tpu.vector_load %arg23[%swap3A_309] {strides = array<i32>} : memref<4000xf32, #tpu.memory_space<vmem>>, vector<16xf32>,
        %swap3A_311 = vector.shape_cast %swap3A_310 : vector<16xf32> to vector<16xf32>
        %swap3A_312 = vector.shape_cast %add3A_308 : vector<16xf32> to vector<16xf32>
        tpu.vector_store %arg23[%swap3A_309], %swap3A_312 {strides = array<i32>} : memref<4000xf32, #tpu.memory_space<vmem>>, vector<16xf32>,
      }
      %scan3A_191 = arith.constant 50 : i32
      %dma_start3A = tpu.memref_slice %arg7[%mul3A_183] : memref<1000000xf32, #tpu.memory_space<hbm>> -> memref<4000xf32, #tpu.memory_space<hbm>>
      %dma_start3A_192 = tpu.memref_slice %arg7[%mul3A_183] : memref<1000000xf32, #tpu.memory_space<hbm>> -> memref<4000xf32, #tpu.memory_space<hbm>>
      tpu.enqueue_dma source(%arg23 : memref<4000xf32, #tpu.memory_space<vmem>>) target(%dma_start3A_192 : memref<4000xf32, #tpu.memory_space<hbm>>) target_semaphore(%arg28 : memref<!tpu.dma_semaphore, #tpu.memory_space<semaphore_mem>>)
    } else {
    }
    %add3A_61 = arith.constant 96 : i32
    %add3A_62 = arith.addi %add3A, %add3A_61 : i32
    %lt3A_63 = arith.constant 250 : i32
    %lt3A_64 = arith.cmpi slt, %add3A_62, %lt3A_63 : i32
    %convert_element_type3A_65 = arith.extui %lt3A_64 : i1 to i32
    %cond3A_66 = arith.constant 0 : i32
    %cond3A_67 = arith.cmpi ne, %convert_element_type3A_65, %cond3A_66 : i32
    scf.if %cond3A_67 {
      %add3A_180 = arith.constant 96 : i32
      %add3A_181 = arith.addi %add3A, %add3A_180 : i32
      %mul3A_182 = arith.constant 4000 : i32
      %mul3A_183 = arith.muli %add3A_181, %mul3A_182 : i32
      %dma_wait3A = tpu.memref_slice %arg4[%mul3A_183] : memref<1000000xi32, #tpu.memory_space<hbm>> -> memref<4000xi32, #tpu.memory_space<hbm>>
      %dma_wait3A_184 = tpu.memref_slice %arg4[%mul3A_183] : memref<1000000xi32, #tpu.memory_space<hbm>> -> memref<4000xi32, #tpu.memory_space<hbm>>
      tpu.wait_dma2 semaphore(%arg24 : memref<!tpu.dma_semaphore, #tpu.memory_space<semaphore_mem>>) src(%dma_wait3A_184 : memref<4000xi32, #tpu.memory_space<hbm>>) dst(%arg11 : memref<4000xi32, #tpu.memory_space<vmem>>)
      %dma_wait3A_185 = tpu.memref_slice %arg5[%mul3A_183] : memref<1000000xi32, #tpu.memory_space<hbm>> -> memref<4000xi32, #tpu.memory_space<hbm>>
      %dma_wait3A_186 = tpu.memref_slice %arg5[%mul3A_183] : memref<1000000xi32, #tpu.memory_space<hbm>> -> memref<4000xi32, #tpu.memory_space<hbm>>
      tpu.wait_dma2 semaphore(%arg24 : memref<!tpu.dma_semaphore, #tpu.memory_space<semaphore_mem>>) src(%dma_wait3A_186 : memref<4000xi32, #tpu.memory_space<hbm>>) dst(%arg12 : memref<4000xi32, #tpu.memory_space<vmem>>)
      %dma_wait3A_187 = tpu.memref_slice %arg6[%mul3A_183] : memref<1000000xi32, #tpu.memory_space<hbm>> -> memref<4000xi32, #tpu.memory_space<hbm>>
      %dma_wait3A_188 = tpu.memref_slice %arg6[%mul3A_183] : memref<1000000xi32, #tpu.memory_space<hbm>> -> memref<4000xi32, #tpu.memory_space<hbm>>
      tpu.wait_dma2 semaphore(%arg24 : memref<!tpu.dma_semaphore, #tpu.memory_space<semaphore_mem>>) src(%dma_wait3A_188 : memref<4000xi32, #tpu.memory_space<hbm>>) dst(%arg13 : memref<4000xi32, #tpu.memory_space<vmem>>)
      %scan3A = arith.constant 0 : i32
      %scan3A_189 = arith.constant 0 : i32
      %scan3A_190 = arith.constant 50 : i32
      %scan3A_191 = arith.addi %scan3A_189, %scan3A_190 : i32
      %scan3A_192 = arith.constant 1 : i32
      scf.for %scan3A_197 = %scan3A_189 to %scan3A_191 step %scan3A_192  : i32 {
        %mul3A_198 = arith.constant 80 : i32
        %mul3A_199 = arith.muli %scan3A_197, %mul3A_198 : i32
        %add3A_200 = arith.constant 0 : i32
        %add3A_201 = arith.addi %mul3A_199, %add3A_200 : i32
        %get3A = arith.index_cast %add3A_201 : i32 to index
        %get3A_202 = tpu.vector_load %arg12[%get3A] {strides = array<i32>} : memref<4000xi32, #tpu.memory_space<vmem>>, vector<16xi32>,
        %get3A_203 = vector.shape_cast %get3A_202 : vector<16xi32> to vector<16xi32>
        %mul3A_204 = arith.constant 10 : i32
        %mul3A_205 = vector.broadcast %mul3A_204 : i32 to vector<16xi32>
        %mul3A_206 = arith.muli %get3A_203, %mul3A_205 : vector<16xi32>
        %get3A_207 = arith.index_cast %add3A_201 : i32 to index
        %get3A_208 = tpu.vector_load %arg13[%get3A_207] {strides = array<i32>} : memref<4000xi32, #tpu.memory_space<vmem>>, vector<16xi32>,
        %get3A_209 = vector.shape_cast %get3A_208 : vector<16xi32> to vector<16xi32>
        %add3A_210 = arith.addi %mul3A_206, %get3A_209 : vector<16xi32>
        %swap3A = arith.index_cast %add3A_201 : i32 to index
        %swap3A_211 = tpu.vector_load %arg15[%swap3A] {strides = array<i32>} : memref<4000xi32, #tpu.memory_space<vmem>>, vector<16xi32>,
        %swap3A_212 = vector.shape_cast %swap3A_211 : vector<16xi32> to vector<16xi32>
        %swap3A_213 = vector.shape_cast %add3A_210 : vector<16xi32> to vector<16xi32>
        tpu.vector_store %arg15[%swap3A], %swap3A_213 {strides = array<i32>} : memref<4000xi32, #tpu.memory_space<vmem>>, vector<16xi32>,
        %get3A_214 = arith.index_cast %add3A_201 : i32 to index
        %get3A_215 = tpu.vector_load %arg11[%get3A_214] {strides = array<i32>} : memref<4000xi32, #tpu.memory_space<vmem>>, vector<16xi32>,
        %get3A_216 = vector.shape_cast %get3A_215 : vector<16xi32> to vector<16xi32>
        %mul3A_217 = arith.constant 128 : i32
        %mul3A_218 = vector.broadcast %mul3A_217 : i32 to vector<16xi32>
        %mul3A_219 = arith.muli %get3A_216, %mul3A_218 : vector<16xi32>
        %swap3A_220 = arith.index_cast %add3A_201 : i32 to index
        %swap3A_221 = tpu.vector_load %arg17[%swap3A_220] {strides = array<i32>} : memref<4000xi32, #tpu.memory_space<vmem>>, vector<16xi32>,
        %swap3A_222 = vector.shape_cast %swap3A_221 : vector<16xi32> to vector<16xi32>
        %swap3A_223 = vector.shape_cast %mul3A_219 : vector<16xi32> to vector<16xi32>
        tpu.vector_store %arg17[%swap3A_220], %swap3A_223 {strides = array<i32>} : memref<4000xi32, #tpu.memory_space<vmem>>, vector<16xi32>,
        %add3A_224 = arith.constant 16 : i32
        %add3A_225 = arith.addi %mul3A_199, %add3A_224 : i32
        %get3A_226 = arith.index_cast %add3A_225 : i32 to index
        %get3A_227 = tpu.vector_load %arg12[%get3A_226] {strides = array<i32>} : memref<4000xi32, #tpu.memory_space<vmem>>, vector<16xi32>,
        %get3A_228 = vector.shape_cast %get3A_227 : vector<16xi32> to vector<16xi32>
        %mul3A_229 = arith.constant 10 : i32
        %mul3A_230 = vector.broadcast %mul3A_229 : i32 to vector<16xi32>
        %mul3A_231 = arith.muli %get3A_228, %mul3A_230 : vector<16xi32>
        %get3A_232 = arith.index_cast %add3A_225 : i32 to index
        %get3A_233 = tpu.vector_load %arg13[%get3A_232] {strides = array<i32>} : memref<4000xi32, #tpu.memory_space<vmem>>, vector<16xi32>,
        %get3A_234 = vector.shape_cast %get3A_233 : vector<16xi32> to vector<16xi32>
        %add3A_235 = arith.addi %mul3A_231, %get3A_234 : vector<16xi32>
        %swap3A_236 = arith.index_cast %add3A_225 : i32 to index
        %swap3A_237 = tpu.vector_load %arg15[%swap3A_236] {strides = array<i32>} : memref<4000xi32, #tpu.memory_space<vmem>>, vector<16xi32>,
        %swap3A_238 = vector.shape_cast %swap3A_237 : vector<16xi32> to vector<16xi32>
        %swap3A_239 = vector.shape_cast %add3A_235 : vector<16xi32> to vector<16xi32>
        tpu.vector_store %arg15[%swap3A_236], %swap3A_239 {strides = array<i32>} : memref<4000xi32, #tpu.memory_space<vmem>>, vector<16xi32>,
        %get3A_240 = arith.index_cast %add3A_225 : i32 to index
        %get3A_241 = tpu.vector_load %arg11[%get3A_240] {strides = array<i32>} : memref<4000xi32, #tpu.memory_space<vmem>>, vector<16xi32>,
        %get3A_242 = vector.shape_cast %get3A_241 : vector<16xi32> to vector<16xi32>
        %mul3A_243 = arith.constant 128 : i32
        %mul3A_244 = vector.broadcast %mul3A_243 : i32 to vector<16xi32>
        %mul3A_245 = arith.muli %get3A_242, %mul3A_244 : vector<16xi32>
        %swap3A_246 = arith.index_cast %add3A_225 : i32 to index
        %swap3A_247 = tpu.vector_load %arg17[%swap3A_246] {strides = array<i32>} : memref<4000xi32, #tpu.memory_space<vmem>>, vector<16xi32>,
        %swap3A_248 = vector.shape_cast %swap3A_247 : vector<16xi32> to vector<16xi32>
        %swap3A_249 = vector.shape_cast %mul3A_245 : vector<16xi32> to vector<16xi32>
        tpu.vector_store %arg17[%swap3A_246], %swap3A_249 {strides = array<i32>} : memref<4000xi32, #tpu.memory_space<vmem>>, vector<16xi32>,
        %add3A_250 = arith.constant 32 : i32
        %add3A_251 = arith.addi %mul3A_199, %add3A_250 : i32
        %get3A_252 = arith.index_cast %add3A_251 : i32 to index
        %get3A_253 = tpu.vector_load %arg12[%get3A_252] {strides = array<i32>} : memref<4000xi32, #tpu.memory_space<vmem>>, vector<16xi32>,
        %get3A_254 = vector.shape_cast %get3A_253 : vector<16xi32> to vector<16xi32>
        %mul3A_255 = arith.constant 10 : i32
        %mul3A_256 = vector.broadcast %mul3A_255 : i32 to vector<16xi32>
        %mul3A_257 = arith.muli %get3A_254, %mul3A_256 : vector<16xi32>
        %get3A_258 = arith.index_cast %add3A_251 : i32 to index
        %get3A_259 = tpu.vector_load %arg13[%get3A_258] {strides = array<i32>} : memref<4000xi32, #tpu.memory_space<vmem>>, vector<16xi32>,
        %get3A_260 = vector.shape_cast %get3A_259 : vector<16xi32> to vector<16xi32>
        %add3A_261 = arith.addi %mul3A_257, %get3A_260 : vector<16xi32>
        %swap3A_262 = arith.index_cast %add3A_251 : i32 to index
        %swap3A_263 = tpu.vector_load %arg15[%swap3A_262] {strides = array<i32>} : memref<4000xi32, #tpu.memory_space<vmem>>, vector<16xi32>,
        %swap3A_264 = vector.shape_cast %swap3A_263 : vector<16xi32> to vector<16xi32>
        %swap3A_265 = vector.shape_cast %add3A_261 : vector<16xi32> to vector<16xi32>
        tpu.vector_store %arg15[%swap3A_262], %swap3A_265 {strides = array<i32>} : memref<4000xi32, #tpu.memory_space<vmem>>, vector<16xi32>,
        %get3A_266 = arith.index_cast %add3A_251 : i32 to index
        %get3A_267 = tpu.vector_load %arg11[%get3A_266] {strides = array<i32>} : memref<4000xi32, #tpu.memory_space<vmem>>, vector<16xi32>,
        %get3A_268 = vector.shape_cast %get3A_267 : vector<16xi32> to vector<16xi32>
        %mul3A_269 = arith.constant 128 : i32
        %mul3A_270 = vector.broadcast %mul3A_269 : i32 to vector<16xi32>
        %mul3A_271 = arith.muli %get3A_268, %mul3A_270 : vector<16xi32>
        %swap3A_272 = arith.index_cast %add3A_251 : i32 to index
        %swap3A_273 = tpu.vector_load %arg17[%swap3A_272] {strides = array<i32>} : memref<4000xi32, #tpu.memory_space<vmem>>, vector<16xi32>,
        %swap3A_274 = vector.shape_cast %swap3A_273 : vector<16xi32> to vector<16xi32>
        %swap3A_275 = vector.shape_cast %mul3A_271 : vector<16xi32> to vector<16xi32>
        tpu.vector_store %arg17[%swap3A_272], %swap3A_275 {strides = array<i32>} : memref<4000xi32, #tpu.memory_space<vmem>>, vector<16xi32>,
        %add3A_276 = arith.constant 48 : i32
        %add3A_277 = arith.addi %mul3A_199, %add3A_276 : i32
        %get3A_278 = arith.index_cast %add3A_277 : i32 to index
        %get3A_279 = tpu.vector_load %arg12[%get3A_278] {strides = array<i32>} : memref<4000xi32, #tpu.memory_space<vmem>>, vector<16xi32>,
        %get3A_280 = vector.shape_cast %get3A_279 : vector<16xi32> to vector<16xi32>
        %mul3A_281 = arith.constant 10 : i32
        %mul3A_282 = vector.broadcast %mul3A_281 : i32 to vector<16xi32>
        %mul3A_283 = arith.muli %get3A_280, %mul3A_282 : vector<16xi32>
        %get3A_284 = arith.index_cast %add3A_277 : i32 to index
        %get3A_285 = tpu.vector_load %arg13[%get3A_284] {strides = array<i32>} : memref<4000xi32, #tpu.memory_space<vmem>>, vector<16xi32>,
        %get3A_286 = vector.shape_cast %get3A_285 : vector<16xi32> to vector<16xi32>
        %add3A_287 = arith.addi %mul3A_283, %get3A_286 : vector<16xi32>
        %swap3A_288 = arith.index_cast %add3A_277 : i32 to index
        %swap3A_289 = tpu.vector_load %arg15[%swap3A_288] {strides = array<i32>} : memref<4000xi32, #tpu.memory_space<vmem>>, vector<16xi32>,
        %swap3A_290 = vector.shape_cast %swap3A_289 : vector<16xi32> to vector<16xi32>
        %swap3A_291 = vector.shape_cast %add3A_287 : vector<16xi32> to vector<16xi32>
        tpu.vector_store %arg15[%swap3A_288], %swap3A_291 {strides = array<i32>} : memref<4000xi32, #tpu.memory_space<vmem>>, vector<16xi32>,
        %get3A_292 = arith.index_cast %add3A_277 : i32 to index
        %get3A_293 = tpu.vector_load %arg11[%get3A_292] {strides = array<i32>} : memref<4000xi32, #tpu.memory_space<vmem>>, vector<16xi32>,
        %get3A_294 = vector.shape_cast %get3A_293 : vector<16xi32> to vector<16xi32>
        %mul3A_295 = arith.constant 128 : i32
        %mul3A_296 = vector.broadcast %mul3A_295 : i32 to vector<16xi32>
        %mul3A_297 = arith.muli %get3A_294, %mul3A_296 : vector<16xi32>
        %swap3A_298 = arith.index_cast %add3A_277 : i32 to index
        %swap3A_299 = tpu.vector_load %arg17[%swap3A_298] {strides = array<i32>} : memref<4000xi32, #tpu.memory_space<vmem>>, vector<16xi32>,
        %swap3A_300 = vector.shape_cast %swap3A_299 : vector<16xi32> to vector<16xi32>
        %swap3A_301 = vector.shape_cast %mul3A_297 : vector<16xi32> to vector<16xi32>
        tpu.vector_store %arg17[%swap3A_298], %swap3A_301 {strides = array<i32>} : memref<4000xi32, #tpu.memory_space<vmem>>, vector<16xi32>,
        %add3A_302 = arith.constant 64 : i32
        %add3A_303 = arith.addi %mul3A_199, %add3A_302 : i32
        %get3A_304 = arith.index_cast %add3A_303 : i32 to index
        %get3A_305 = tpu.vector_load %arg12[%get3A_304] {strides = array<i32>} : memref<4000xi32, #tpu.memory_space<vmem>>, vector<16xi32>,
        %get3A_306 = vector.shape_cast %get3A_305 : vector<16xi32> to vector<16xi32>
        %mul3A_307 = arith.constant 10 : i32
        %mul3A_308 = vector.broadcast %mul3A_307 : i32 to vector<16xi32>
        %mul3A_309 = arith.muli %get3A_306, %mul3A_308 : vector<16xi32>
        %get3A_310 = arith.index_cast %add3A_303 : i32 to index
        %get3A_311 = tpu.vector_load %arg13[%get3A_310] {strides = array<i32>} : memref<4000xi32, #tpu.memory_space<vmem>>, vector<16xi32>,
        %get3A_312 = vector.shape_cast %get3A_311 : vector<16xi32> to vector<16xi32>
        %add3A_313 = arith.addi %mul3A_309, %get3A_312 : vector<16xi32>
        %swap3A_314 = arith.index_cast %add3A_303 : i32 to index
        %swap3A_315 = tpu.vector_load %arg15[%swap3A_314] {strides = array<i32>} : memref<4000xi32, #tpu.memory_space<vmem>>, vector<16xi32>,
        %swap3A_316 = vector.shape_cast %swap3A_315 : vector<16xi32> to vector<16xi32>
        %swap3A_317 = vector.shape_cast %add3A_313 : vector<16xi32> to vector<16xi32>
        tpu.vector_store %arg15[%swap3A_314], %swap3A_317 {strides = array<i32>} : memref<4000xi32, #tpu.memory_space<vmem>>, vector<16xi32>,
        %get3A_318 = arith.index_cast %add3A_303 : i32 to index
        %get3A_319 = tpu.vector_load %arg11[%get3A_318] {strides = array<i32>} : memref<4000xi32, #tpu.memory_space<vmem>>, vector<16xi32>,
        %get3A_320 = vector.shape_cast %get3A_319 : vector<16xi32> to vector<16xi32>
        %mul3A_321 = arith.constant 128 : i32
        %mul3A_322 = vector.broadcast %mul3A_321 : i32 to vector<16xi32>
        %mul3A_323 = arith.muli %get3A_320, %mul3A_322 : vector<16xi32>
        %swap3A_324 = arith.index_cast %add3A_303 : i32 to index
        %swap3A_325 = tpu.vector_load %arg17[%swap3A_324] {strides = array<i32>} : memref<4000xi32, #tpu.memory_space<vmem>>, vector<16xi32>,
        %swap3A_326 = vector.shape_cast %swap3A_325 : vector<16xi32> to vector<16xi32>
        %swap3A_327 = vector.shape_cast %mul3A_323 : vector<16xi32> to vector<16xi32>
        tpu.vector_store %arg17[%swap3A_324], %swap3A_327 {strides = array<i32>} : memref<4000xi32, #tpu.memory_space<vmem>>, vector<16xi32>,
      }
      %scan3A_193 = arith.constant 50 : i32
      %dma_start3A = arith.constant 0 : i32
      %dma_start3A_194 = tpu.memref_slice %arg2[%dma_start3A] : memref<12800000xf32, #tpu.memory_space<hbm>> -> memref<12800000xf32, #tpu.memory_space<hbm>>
      tpu.enqueue_indirect_dma source(%dma_start3A_194 : memref<12800000xf32, #tpu.memory_space<hbm>>) target(%arg19 : memref<4000xf32, #tpu.memory_space<vmem>>) offsets(%arg17 : memref<4000xi32, #tpu.memory_space<vmem>>) semaphore(%arg26 : memref<!tpu.dma_semaphore, #tpu.memory_space<semaphore_mem>>)
      %dma_start3A_195 = arith.constant 0 : i32
      %dma_start3A_196 = tpu.memref_slice %arg3[%dma_start3A_195] : memref<1000000xf32, #tpu.memory_space<hbm>> -> memref<1000000xf32, #tpu.memory_space<hbm>>
      tpu.enqueue_indirect_dma source(%dma_start3A_196 : memref<1000000xf32, #tpu.memory_space<hbm>>) target(%arg21 : memref<4000xf32, #tpu.memory_space<vmem>>) offsets(%arg15 : memref<4000xi32, #tpu.memory_space<vmem>>) semaphore(%arg26 : memref<!tpu.dma_semaphore, #tpu.memory_space<semaphore_mem>>)
    } else {
    }
    %add3A_68 = arith.constant 128 : i32
    %add3A_69 = arith.addi %add3A, %add3A_68 : i32
    %lt3A_70 = arith.constant 250 : i32
    %lt3A_71 = arith.cmpi slt, %add3A_69, %lt3A_70 : i32
    %convert_element_type3A_72 = arith.extui %lt3A_71 : i1 to i32
    %cond3A_73 = arith.constant 0 : i32
    %cond3A_74 = arith.cmpi ne, %convert_element_type3A_72, %cond3A_73 : i32
    scf.if %cond3A_74 {
      %add3A_180 = arith.constant 128 : i32
      %add3A_181 = arith.addi %add3A, %add3A_180 : i32
      %mul3A_182 = arith.constant 4000 : i32
      %mul3A_183 = arith.muli %add3A_181, %mul3A_182 : i32
      %dma_start3A = tpu.memref_slice %arg4[%mul3A_183] : memref<1000000xi32, #tpu.memory_space<hbm>> -> memref<4000xi32, #tpu.memory_space<hbm>>
      %dma_start3A_184 = tpu.memref_slice %arg4[%mul3A_183] : memref<1000000xi32, #tpu.memory_space<hbm>> -> memref<4000xi32, #tpu.memory_space<hbm>>
      tpu.enqueue_dma source(%dma_start3A_184 : memref<4000xi32, #tpu.memory_space<hbm>>) target(%arg8 : memref<4000xi32, #tpu.memory_space<vmem>>) target_semaphore(%arg24 : memref<!tpu.dma_semaphore, #tpu.memory_space<semaphore_mem>>)
      %dma_start3A_185 = tpu.memref_slice %arg5[%mul3A_183] : memref<1000000xi32, #tpu.memory_space<hbm>> -> memref<4000xi32, #tpu.memory_space<hbm>>
      %dma_start3A_186 = tpu.memref_slice %arg5[%mul3A_183] : memref<1000000xi32, #tpu.memory_space<hbm>> -> memref<4000xi32, #tpu.memory_space<hbm>>
      tpu.enqueue_dma source(%dma_start3A_186 : memref<4000xi32, #tpu.memory_space<hbm>>) target(%arg9 : memref<4000xi32, #tpu.memory_space<vmem>>) target_semaphore(%arg24 : memref<!tpu.dma_semaphore, #tpu.memory_space<semaphore_mem>>)
      %dma_start3A_187 = tpu.memref_slice %arg6[%mul3A_183] : memref<1000000xi32, #tpu.memory_space<hbm>> -> memref<4000xi32, #tpu.memory_space<hbm>>
      %dma_start3A_188 = tpu.memref_slice %arg6[%mul3A_183] : memref<1000000xi32, #tpu.memory_space<hbm>> -> memref<4000xi32, #tpu.memory_space<hbm>>
      tpu.enqueue_dma source(%dma_start3A_188 : memref<4000xi32, #tpu.memory_space<hbm>>) target(%arg10 : memref<4000xi32, #tpu.memory_space<vmem>>) target_semaphore(%arg24 : memref<!tpu.dma_semaphore, #tpu.memory_space<semaphore_mem>>)
    } else {
    }
    %add3A_75 = arith.constant 64 : i32
    %add3A_76 = arith.addi %add3A, %add3A_75 : i32
    %lt3A_77 = arith.constant 250 : i32
    %lt3A_78 = arith.cmpi slt, %add3A_76, %lt3A_77 : i32
    %convert_element_type3A_79 = arith.extui %lt3A_78 : i1 to i32
    %cond3A_80 = arith.constant 0 : i32
    %cond3A_81 = arith.cmpi ne, %convert_element_type3A_79, %cond3A_80 : i32
    scf.if %cond3A_81 {
      %add3A_180 = arith.constant 64 : i32
      %add3A_181 = arith.addi %add3A, %add3A_180 : i32
      %mul3A_182 = arith.constant 4000 : i32
      %mul3A_183 = arith.muli %add3A_181, %mul3A_182 : i32
      %dma_wait3A = arith.constant 0 : i32
      %dma_wait3A_184 = tpu.memref_slice %arg2[%dma_wait3A] : memref<12800000xf32, #tpu.memory_space<hbm>> -> memref<12800000xf32, #tpu.memory_space<hbm>>
      tpu.wait_indirect_dma semaphore(%arg25 : memref<!tpu.dma_semaphore, #tpu.memory_space<semaphore_mem>>) src(%dma_wait3A_184 : memref<12800000xf32, #tpu.memory_space<hbm>>) dst(%arg18 : memref<4000xf32, #tpu.memory_space<vmem>>)
      %dma_wait3A_185 = arith.constant 0 : i32
      %dma_wait3A_186 = tpu.memref_slice %arg3[%dma_wait3A_185] : memref<1000000xf32, #tpu.memory_space<hbm>> -> memref<1000000xf32, #tpu.memory_space<hbm>>
      tpu.wait_indirect_dma semaphore(%arg25 : memref<!tpu.dma_semaphore, #tpu.memory_space<semaphore_mem>>) src(%dma_wait3A_186 : memref<1000000xf32, #tpu.memory_space<hbm>>) dst(%arg20 : memref<4000xf32, #tpu.memory_space<vmem>>)
      %add3A_187 = arith.constant 0 : i32
      %add3A_188 = arith.addi %add3A, %add3A_187 : i32
      %mul3A_189 = arith.constant 4000 : i32
      %mul3A_190 = arith.muli %add3A_188, %mul3A_189 : i32
      %dma_wait3A_191 = tpu.memref_slice %arg7[%mul3A_190] : memref<1000000xf32, #tpu.memory_space<hbm>> -> memref<4000xf32, #tpu.memory_space<hbm>>
      %dma_wait3A_192 = tpu.memref_slice %arg7[%mul3A_190] : memref<1000000xf32, #tpu.memory_space<hbm>> -> memref<4000xf32, #tpu.memory_space<hbm>>
      tpu.wait_dma2 semaphore(%arg27 : memref<!tpu.dma_semaphore, #tpu.memory_space<semaphore_mem>>) src(%arg22 : memref<4000xf32, #tpu.memory_space<vmem>>) dst(%dma_wait3A_192 : memref<4000xf32, #tpu.memory_space<hbm>>)
      %scan3A = arith.constant 0 : i32
      %scan3A_193 = arith.constant 0 : i32
      %scan3A_194 = arith.constant 50 : i32
      %scan3A_195 = arith.addi %scan3A_193, %scan3A_194 : i32
      %scan3A_196 = arith.constant 1 : i32
      scf.for %scan3A_199 = %scan3A_193 to %scan3A_195 step %scan3A_196  : i32 {
        %mul3A_200 = arith.constant 80 : i32
        %mul3A_201 = arith.muli %scan3A_199, %mul3A_200 : i32
        %add3A_202 = arith.constant 0 : i32
        %add3A_203 = arith.addi %mul3A_201, %add3A_202 : i32
        %get3A = arith.index_cast %add3A_203 : i32 to index
        %get3A_204 = tpu.vector_load %arg18[%get3A] {strides = array<i32>} : memref<4000xf32, #tpu.memory_space<vmem>>, vector<16xf32>,
        %get3A_205 = vector.shape_cast %get3A_204 : vector<16xf32> to vector<16xf32>
        %get3A_206 = arith.index_cast %add3A_203 : i32 to index
        %get3A_207 = tpu.vector_load %arg20[%get3A_206] {strides = array<i32>} : memref<4000xf32, #tpu.memory_space<vmem>>, vector<16xf32>,
        %get3A_208 = vector.shape_cast %get3A_207 : vector<16xf32> to vector<16xf32>
        %sub3A = arith.constant 1.000000e+00 : f32
        %sub3A_209 = vector.broadcast %sub3A : f32 to vector<16xf32>
        %sub3A_210 = arith.subf %sub3A_209, %get3A_205 : vector<16xf32>
        %mul3A_211 = arith.constant 0.111111112 : f32
        %mul3A_212 = vector.broadcast %mul3A_211 : f32 to vector<16xf32>
        %mul3A_213 = arith.mulf %sub3A_210, %mul3A_212 : vector<16xf32>
        %mul3A_214 = arith.mulf %get3A_205, %get3A_208 : vector<16xf32>
        %sub3A_215 = arith.constant 1.000000e+00 : f32
        %sub3A_216 = vector.broadcast %sub3A_215 : f32 to vector<16xf32>
        %sub3A_217 = arith.subf %sub3A_216, %get3A_208 : vector<16xf32>
        %mul3A_218 = arith.mulf %mul3A_213, %sub3A_217 : vector<16xf32>
        %add3A_219 = arith.addf %mul3A_214, %mul3A_218 : vector<16xf32>
        %swap3A = arith.index_cast %add3A_203 : i32 to index
        %swap3A_220 = tpu.vector_load %arg22[%swap3A] {strides = array<i32>} : memref<4000xf32, #tpu.memory_space<vmem>>, vector<16xf32>,
        %swap3A_221 = vector.shape_cast %swap3A_220 : vector<16xf32> to vector<16xf32>
        %swap3A_222 = vector.shape_cast %add3A_219 : vector<16xf32> to vector<16xf32>
        tpu.vector_store %arg22[%swap3A], %swap3A_222 {strides = array<i32>} : memref<4000xf32, #tpu.memory_space<vmem>>, vector<16xf32>,
        %add3A_223 = arith.constant 16 : i32
        %add3A_224 = arith.addi %mul3A_201, %add3A_223 : i32
        %get3A_225 = arith.index_cast %add3A_224 : i32 to index
        %get3A_226 = tpu.vector_load %arg18[%get3A_225] {strides = array<i32>} : memref<4000xf32, #tpu.memory_space<vmem>>, vector<16xf32>,
        %get3A_227 = vector.shape_cast %get3A_226 : vector<16xf32> to vector<16xf32>
        %get3A_228 = arith.index_cast %add3A_224 : i32 to index
        %get3A_229 = tpu.vector_load %arg20[%get3A_228] {strides = array<i32>} : memref<4000xf32, #tpu.memory_space<vmem>>, vector<16xf32>,
        %get3A_230 = vector.shape_cast %get3A_229 : vector<16xf32> to vector<16xf32>
        %sub3A_231 = arith.constant 1.000000e+00 : f32
        %sub3A_232 = vector.broadcast %sub3A_231 : f32 to vector<16xf32>
        %sub3A_233 = arith.subf %sub3A_232, %get3A_227 : vector<16xf32>
        %mul3A_234 = arith.constant 0.111111112 : f32
        %mul3A_235 = vector.broadcast %mul3A_234 : f32 to vector<16xf32>
        %mul3A_236 = arith.mulf %sub3A_233, %mul3A_235 : vector<16xf32>
        %mul3A_237 = arith.mulf %get3A_227, %get3A_230 : vector<16xf32>
        %sub3A_238 = arith.constant 1.000000e+00 : f32
        %sub3A_239 = vector.broadcast %sub3A_238 : f32 to vector<16xf32>
        %sub3A_240 = arith.subf %sub3A_239, %get3A_230 : vector<16xf32>
        %mul3A_241 = arith.mulf %mul3A_236, %sub3A_240 : vector<16xf32>
        %add3A_242 = arith.addf %mul3A_237, %mul3A_241 : vector<16xf32>
        %swap3A_243 = arith.index_cast %add3A_224 : i32 to index
        %swap3A_244 = tpu.vector_load %arg22[%swap3A_243] {strides = array<i32>} : memref<4000xf32, #tpu.memory_space<vmem>>, vector<16xf32>,
        %swap3A_245 = vector.shape_cast %swap3A_244 : vector<16xf32> to vector<16xf32>
        %swap3A_246 = vector.shape_cast %add3A_242 : vector<16xf32> to vector<16xf32>
        tpu.vector_store %arg22[%swap3A_243], %swap3A_246 {strides = array<i32>} : memref<4000xf32, #tpu.memory_space<vmem>>, vector<16xf32>,
        %add3A_247 = arith.constant 32 : i32
        %add3A_248 = arith.addi %mul3A_201, %add3A_247 : i32
        %get3A_249 = arith.index_cast %add3A_248 : i32 to index
        %get3A_250 = tpu.vector_load %arg18[%get3A_249] {strides = array<i32>} : memref<4000xf32, #tpu.memory_space<vmem>>, vector<16xf32>,
        %get3A_251 = vector.shape_cast %get3A_250 : vector<16xf32> to vector<16xf32>
        %get3A_252 = arith.index_cast %add3A_248 : i32 to index
        %get3A_253 = tpu.vector_load %arg20[%get3A_252] {strides = array<i32>} : memref<4000xf32, #tpu.memory_space<vmem>>, vector<16xf32>,
        %get3A_254 = vector.shape_cast %get3A_253 : vector<16xf32> to vector<16xf32>
        %sub3A_255 = arith.constant 1.000000e+00 : f32
        %sub3A_256 = vector.broadcast %sub3A_255 : f32 to vector<16xf32>
        %sub3A_257 = arith.subf %sub3A_256, %get3A_251 : vector<16xf32>
        %mul3A_258 = arith.constant 0.111111112 : f32
        %mul3A_259 = vector.broadcast %mul3A_258 : f32 to vector<16xf32>
        %mul3A_260 = arith.mulf %sub3A_257, %mul3A_259 : vector<16xf32>
        %mul3A_261 = arith.mulf %get3A_251, %get3A_254 : vector<16xf32>
        %sub3A_262 = arith.constant 1.000000e+00 : f32
        %sub3A_263 = vector.broadcast %sub3A_262 : f32 to vector<16xf32>
        %sub3A_264 = arith.subf %sub3A_263, %get3A_254 : vector<16xf32>
        %mul3A_265 = arith.mulf %mul3A_260, %sub3A_264 : vector<16xf32>
        %add3A_266 = arith.addf %mul3A_261, %mul3A_265 : vector<16xf32>
        %swap3A_267 = arith.index_cast %add3A_248 : i32 to index
        %swap3A_268 = tpu.vector_load %arg22[%swap3A_267] {strides = array<i32>} : memref<4000xf32, #tpu.memory_space<vmem>>, vector<16xf32>,
        %swap3A_269 = vector.shape_cast %swap3A_268 : vector<16xf32> to vector<16xf32>
        %swap3A_270 = vector.shape_cast %add3A_266 : vector<16xf32> to vector<16xf32>
        tpu.vector_store %arg22[%swap3A_267], %swap3A_270 {strides = array<i32>} : memref<4000xf32, #tpu.memory_space<vmem>>, vector<16xf32>,
        %add3A_271 = arith.constant 48 : i32
        %add3A_272 = arith.addi %mul3A_201, %add3A_271 : i32
        %get3A_273 = arith.index_cast %add3A_272 : i32 to index
        %get3A_274 = tpu.vector_load %arg18[%get3A_273] {strides = array<i32>} : memref<4000xf32, #tpu.memory_space<vmem>>, vector<16xf32>,
        %get3A_275 = vector.shape_cast %get3A_274 : vector<16xf32> to vector<16xf32>
        %get3A_276 = arith.index_cast %add3A_272 : i32 to index
        %get3A_277 = tpu.vector_load %arg20[%get3A_276] {strides = array<i32>} : memref<4000xf32, #tpu.memory_space<vmem>>, vector<16xf32>,
        %get3A_278 = vector.shape_cast %get3A_277 : vector<16xf32> to vector<16xf32>
        %sub3A_279 = arith.constant 1.000000e+00 : f32
        %sub3A_280 = vector.broadcast %sub3A_279 : f32 to vector<16xf32>
        %sub3A_281 = arith.subf %sub3A_280, %get3A_275 : vector<16xf32>
        %mul3A_282 = arith.constant 0.111111112 : f32
        %mul3A_283 = vector.broadcast %mul3A_282 : f32 to vector<16xf32>
        %mul3A_284 = arith.mulf %sub3A_281, %mul3A_283 : vector<16xf32>
        %mul3A_285 = arith.mulf %get3A_275, %get3A_278 : vector<16xf32>
        %sub3A_286 = arith.constant 1.000000e+00 : f32
        %sub3A_287 = vector.broadcast %sub3A_286 : f32 to vector<16xf32>
        %sub3A_288 = arith.subf %sub3A_287, %get3A_278 : vector<16xf32>
        %mul3A_289 = arith.mulf %mul3A_284, %sub3A_288 : vector<16xf32>
        %add3A_290 = arith.addf %mul3A_285, %mul3A_289 : vector<16xf32>
        %swap3A_291 = arith.index_cast %add3A_272 : i32 to index
        %swap3A_292 = tpu.vector_load %arg22[%swap3A_291] {strides = array<i32>} : memref<4000xf32, #tpu.memory_space<vmem>>, vector<16xf32>,
        %swap3A_293 = vector.shape_cast %swap3A_292 : vector<16xf32> to vector<16xf32>
        %swap3A_294 = vector.shape_cast %add3A_290 : vector<16xf32> to vector<16xf32>
        tpu.vector_store %arg22[%swap3A_291], %swap3A_294 {strides = array<i32>} : memref<4000xf32, #tpu.memory_space<vmem>>, vector<16xf32>,
        %add3A_295 = arith.constant 64 : i32
        %add3A_296 = arith.addi %mul3A_201, %add3A_295 : i32
        %get3A_297 = arith.index_cast %add3A_296 : i32 to index
        %get3A_298 = tpu.vector_load %arg18[%get3A_297] {strides = array<i32>} : memref<4000xf32, #tpu.memory_space<vmem>>, vector<16xf32>,
        %get3A_299 = vector.shape_cast %get3A_298 : vector<16xf32> to vector<16xf32>
        %get3A_300 = arith.index_cast %add3A_296 : i32 to index
        %get3A_301 = tpu.vector_load %arg20[%get3A_300] {strides = array<i32>} : memref<4000xf32, #tpu.memory_space<vmem>>, vector<16xf32>,
        %get3A_302 = vector.shape_cast %get3A_301 : vector<16xf32> to vector<16xf32>
        %sub3A_303 = arith.constant 1.000000e+00 : f32
        %sub3A_304 = vector.broadcast %sub3A_303 : f32 to vector<16xf32>
        %sub3A_305 = arith.subf %sub3A_304, %get3A_299 : vector<16xf32>
        %mul3A_306 = arith.constant 0.111111112 : f32
        %mul3A_307 = vector.broadcast %mul3A_306 : f32 to vector<16xf32>
        %mul3A_308 = arith.mulf %sub3A_305, %mul3A_307 : vector<16xf32>
        %mul3A_309 = arith.mulf %get3A_299, %get3A_302 : vector<16xf32>
        %sub3A_310 = arith.constant 1.000000e+00 : f32
        %sub3A_311 = vector.broadcast %sub3A_310 : f32 to vector<16xf32>
        %sub3A_312 = arith.subf %sub3A_311, %get3A_302 : vector<16xf32>
        %mul3A_313 = arith.mulf %mul3A_308, %sub3A_312 : vector<16xf32>
        %add3A_314 = arith.addf %mul3A_309, %mul3A_313 : vector<16xf32>
        %swap3A_315 = arith.index_cast %add3A_296 : i32 to index
        %swap3A_316 = tpu.vector_load %arg22[%swap3A_315] {strides = array<i32>} : memref<4000xf32, #tpu.memory_space<vmem>>, vector<16xf32>,
        %swap3A_317 = vector.shape_cast %swap3A_316 : vector<16xf32> to vector<16xf32>
        %swap3A_318 = vector.shape_cast %add3A_314 : vector<16xf32> to vector<16xf32>
        tpu.vector_store %arg22[%swap3A_315], %swap3A_318 {strides = array<i32>} : memref<4000xf32, #tpu.memory_space<vmem>>, vector<16xf32>,
      }
      %scan3A_197 = arith.constant 50 : i32
      %dma_start3A = tpu.memref_slice %arg7[%mul3A_183] : memref<1000000xf32, #tpu.memory_space<hbm>> -> memref<4000xf32, #tpu.memory_space<hbm>>
      %dma_start3A_198 = tpu.memref_slice %arg7[%mul3A_183] : memref<1000000xf32, #tpu.memory_space<hbm>> -> memref<4000xf32, #tpu.memory_space<hbm>>
      tpu.enqueue_dma source(%arg22 : memref<4000xf32, #tpu.memory_space<vmem>>) target(%dma_start3A_198 : memref<4000xf32, #tpu.memory_space<hbm>>) target_semaphore(%arg27 : memref<!tpu.dma_semaphore, #tpu.memory_space<semaphore_mem>>)
    } else {
    }
    %add3A_82 = arith.constant 128 : i32
    %add3A_83 = arith.addi %add3A, %add3A_82 : i32
    %lt3A_84 = arith.constant 250 : i32
    %lt3A_85 = arith.cmpi slt, %add3A_83, %lt3A_84 : i32
    %convert_element_type3A_86 = arith.extui %lt3A_85 : i1 to i32
    %cond3A_87 = arith.constant 0 : i32
    %cond3A_88 = arith.cmpi ne, %convert_element_type3A_86, %cond3A_87 : i32
    scf.if %cond3A_88 {
      %add3A_180 = arith.constant 128 : i32
      %add3A_181 = arith.addi %add3A, %add3A_180 : i32
      %mul3A_182 = arith.constant 4000 : i32
      %mul3A_183 = arith.muli %add3A_181, %mul3A_182 : i32
      %dma_wait3A = tpu.memref_slice %arg4[%mul3A_183] : memref<1000000xi32, #tpu.memory_space<hbm>> -> memref<4000xi32, #tpu.memory_space<hbm>>
      %dma_wait3A_184 = tpu.memref_slice %arg4[%mul3A_183] : memref<1000000xi32, #tpu.memory_space<hbm>> -> memref<4000xi32, #tpu.memory_space<hbm>>
      tpu.wait_dma2 semaphore(%arg24 : memref<!tpu.dma_semaphore, #tpu.memory_space<semaphore_mem>>) src(%dma_wait3A_184 : memref<4000xi32, #tpu.memory_space<hbm>>) dst(%arg8 : memref<4000xi32, #tpu.memory_space<vmem>>)
      %dma_wait3A_185 = tpu.memref_slice %arg5[%mul3A_183] : memref<1000000xi32, #tpu.memory_space<hbm>> -> memref<4000xi32, #tpu.memory_space<hbm>>
      %dma_wait3A_186 = tpu.memref_slice %arg5[%mul3A_183] : memref<1000000xi32, #tpu.memory_space<hbm>> -> memref<4000xi32, #tpu.memory_space<hbm>>
      tpu.wait_dma2 semaphore(%arg24 : memref<!tpu.dma_semaphore, #tpu.memory_space<semaphore_mem>>) src(%dma_wait3A_186 : memref<4000xi32, #tpu.memory_space<hbm>>) dst(%arg9 : memref<4000xi32, #tpu.memory_space<vmem>>)
      %dma_wait3A_187 = tpu.memref_slice %arg6[%mul3A_183] : memref<1000000xi32, #tpu.memory_space<hbm>> -> memref<4000xi32, #tpu.memory_space<hbm>>
      %dma_wait3A_188 = tpu.memref_slice %arg6[%mul3A_183] : memref<1000000xi32, #tpu.memory_space<hbm>> -> memref<4000xi32, #tpu.memory_space<hbm>>
      tpu.wait_dma2 semaphore(%arg24 : memref<!tpu.dma_semaphore, #tpu.memory_space<semaphore_mem>>) src(%dma_wait3A_188 : memref<4000xi32, #tpu.memory_space<hbm>>) dst(%arg10 : memref<4000xi32, #tpu.memory_space<vmem>>)
      %scan3A = arith.constant 0 : i32
      %scan3A_189 = arith.constant 0 : i32
      %scan3A_190 = arith.constant 50 : i32
      %scan3A_191 = arith.addi %scan3A_189, %scan3A_190 : i32
      %scan3A_192 = arith.constant 1 : i32
      scf.for %scan3A_197 = %scan3A_189 to %scan3A_191 step %scan3A_192  : i32 {
        %mul3A_198 = arith.constant 80 : i32
        %mul3A_199 = arith.muli %scan3A_197, %mul3A_198 : i32
        %add3A_200 = arith.constant 0 : i32
        %add3A_201 = arith.addi %mul3A_199, %add3A_200 : i32
        %get3A = arith.index_cast %add3A_201 : i32 to index
        %get3A_202 = tpu.vector_load %arg9[%get3A] {strides = array<i32>} : memref<4000xi32, #tpu.memory_space<vmem>>, vector<16xi32>,
        %get3A_203 = vector.shape_cast %get3A_202 : vector<16xi32> to vector<16xi32>
        %mul3A_204 = arith.constant 10 : i32
        %mul3A_205 = vector.broadcast %mul3A_204 : i32 to vector<16xi32>
        %mul3A_206 = arith.muli %get3A_203, %mul3A_205 : vector<16xi32>
        %get3A_207 = arith.index_cast %add3A_201 : i32 to index
        %get3A_208 = tpu.vector_load %arg10[%get3A_207] {strides = array<i32>} : memref<4000xi32, #tpu.memory_space<vmem>>, vector<16xi32>,
        %get3A_209 = vector.shape_cast %get3A_208 : vector<16xi32> to vector<16xi32>
        %add3A_210 = arith.addi %mul3A_206, %get3A_209 : vector<16xi32>
        %swap3A = arith.index_cast %add3A_201 : i32 to index
        %swap3A_211 = tpu.vector_load %arg14[%swap3A] {strides = array<i32>} : memref<4000xi32, #tpu.memory_space<vmem>>, vector<16xi32>,
        %swap3A_212 = vector.shape_cast %swap3A_211 : vector<16xi32> to vector<16xi32>
        %swap3A_213 = vector.shape_cast %add3A_210 : vector<16xi32> to vector<16xi32>
        tpu.vector_store %arg14[%swap3A], %swap3A_213 {strides = array<i32>} : memref<4000xi32, #tpu.memory_space<vmem>>, vector<16xi32>,
        %get3A_214 = arith.index_cast %add3A_201 : i32 to index
        %get3A_215 = tpu.vector_load %arg8[%get3A_214] {strides = array<i32>} : memref<4000xi32, #tpu.memory_space<vmem>>, vector<16xi32>,
        %get3A_216 = vector.shape_cast %get3A_215 : vector<16xi32> to vector<16xi32>
        %mul3A_217 = arith.constant 128 : i32
        %mul3A_218 = vector.broadcast %mul3A_217 : i32 to vector<16xi32>
        %mul3A_219 = arith.muli %get3A_216, %mul3A_218 : vector<16xi32>
        %swap3A_220 = arith.index_cast %add3A_201 : i32 to index
        %swap3A_221 = tpu.vector_load %arg16[%swap3A_220] {strides = array<i32>} : memref<4000xi32, #tpu.memory_space<vmem>>, vector<16xi32>,
        %swap3A_222 = vector.shape_cast %swap3A_221 : vector<16xi32> to vector<16xi32>
        %swap3A_223 = vector.shape_cast %mul3A_219 : vector<16xi32> to vector<16xi32>
        tpu.vector_store %arg16[%swap3A_220], %swap3A_223 {strides = array<i32>} : memref<4000xi32, #tpu.memory_space<vmem>>, vector<16xi32>,
        %add3A_224 = arith.constant 16 : i32
        %add3A_225 = arith.addi %mul3A_199, %add3A_224 : i32
        %get3A_226 = arith.index_cast %add3A_225 : i32 to index
        %get3A_227 = tpu.vector_load %arg9[%get3A_226] {strides = array<i32>} : memref<4000xi32, #tpu.memory_space<vmem>>, vector<16xi32>,
        %get3A_228 = vector.shape_cast %get3A_227 : vector<16xi32> to vector<16xi32>
        %mul3A_229 = arith.constant 10 : i32
        %mul3A_230 = vector.broadcast %mul3A_229 : i32 to vector<16xi32>
        %mul3A_231 = arith.muli %get3A_228, %mul3A_230 : vector<16xi32>
        %get3A_232 = arith.index_cast %add3A_225 : i32 to index
        %get3A_233 = tpu.vector_load %arg10[%get3A_232] {strides = array<i32>} : memref<4000xi32, #tpu.memory_space<vmem>>, vector<16xi32>,
        %get3A_234 = vector.shape_cast %get3A_233 : vector<16xi32> to vector<16xi32>
        %add3A_235 = arith.addi %mul3A_231, %get3A_234 : vector<16xi32>
        %swap3A_236 = arith.index_cast %add3A_225 : i32 to index
        %swap3A_237 = tpu.vector_load %arg14[%swap3A_236] {strides = array<i32>} : memref<4000xi32, #tpu.memory_space<vmem>>, vector<16xi32>,
        %swap3A_238 = vector.shape_cast %swap3A_237 : vector<16xi32> to vector<16xi32>
        %swap3A_239 = vector.shape_cast %add3A_235 : vector<16xi32> to vector<16xi32>
        tpu.vector_store %arg14[%swap3A_236], %swap3A_239 {strides = array<i32>} : memref<4000xi32, #tpu.memory_space<vmem>>, vector<16xi32>,
        %get3A_240 = arith.index_cast %add3A_225 : i32 to index
        %get3A_241 = tpu.vector_load %arg8[%get3A_240] {strides = array<i32>} : memref<4000xi32, #tpu.memory_space<vmem>>, vector<16xi32>,
        %get3A_242 = vector.shape_cast %get3A_241 : vector<16xi32> to vector<16xi32>
        %mul3A_243 = arith.constant 128 : i32
        %mul3A_244 = vector.broadcast %mul3A_243 : i32 to vector<16xi32>
        %mul3A_245 = arith.muli %get3A_242, %mul3A_244 : vector<16xi32>
        %swap3A_246 = arith.index_cast %add3A_225 : i32 to index
        %swap3A_247 = tpu.vector_load %arg16[%swap3A_246] {strides = array<i32>} : memref<4000xi32, #tpu.memory_space<vmem>>, vector<16xi32>,
        %swap3A_248 = vector.shape_cast %swap3A_247 : vector<16xi32> to vector<16xi32>
        %swap3A_249 = vector.shape_cast %mul3A_245 : vector<16xi32> to vector<16xi32>
        tpu.vector_store %arg16[%swap3A_246], %swap3A_249 {strides = array<i32>} : memref<4000xi32, #tpu.memory_space<vmem>>, vector<16xi32>,
        %add3A_250 = arith.constant 32 : i32
        %add3A_251 = arith.addi %mul3A_199, %add3A_250 : i32
        %get3A_252 = arith.index_cast %add3A_251 : i32 to index
        %get3A_253 = tpu.vector_load %arg9[%get3A_252] {strides = array<i32>} : memref<4000xi32, #tpu.memory_space<vmem>>, vector<16xi32>,
        %get3A_254 = vector.shape_cast %get3A_253 : vector<16xi32> to vector<16xi32>
        %mul3A_255 = arith.constant 10 : i32
        %mul3A_256 = vector.broadcast %mul3A_255 : i32 to vector<16xi32>
        %mul3A_257 = arith.muli %get3A_254, %mul3A_256 : vector<16xi32>
        %get3A_258 = arith.index_cast %add3A_251 : i32 to index
        %get3A_259 = tpu.vector_load %arg10[%get3A_258] {strides = array<i32>} : memref<4000xi32, #tpu.memory_space<vmem>>, vector<16xi32>,
        %get3A_260 = vector.shape_cast %get3A_259 : vector<16xi32> to vector<16xi32>
        %add3A_261 = arith.addi %mul3A_257, %get3A_260 : vector<16xi32>
        %swap3A_262 = arith.index_cast %add3A_251 : i32 to index
        %swap3A_263 = tpu.vector_load %arg14[%swap3A_262] {strides = array<i32>} : memref<4000xi32, #tpu.memory_space<vmem>>, vector<16xi32>,
        %swap3A_264 = vector.shape_cast %swap3A_263 : vector<16xi32> to vector<16xi32>
        %swap3A_265 = vector.shape_cast %add3A_261 : vector<16xi32> to vector<16xi32>
        tpu.vector_store %arg14[%swap3A_262], %swap3A_265 {strides = array<i32>} : memref<4000xi32, #tpu.memory_space<vmem>>, vector<16xi32>,
        %get3A_266 = arith.index_cast %add3A_251 : i32 to index
        %get3A_267 = tpu.vector_load %arg8[%get3A_266] {strides = array<i32>} : memref<4000xi32, #tpu.memory_space<vmem>>, vector<16xi32>,
        %get3A_268 = vector.shape_cast %get3A_267 : vector<16xi32> to vector<16xi32>
        %mul3A_269 = arith.constant 128 : i32
        %mul3A_270 = vector.broadcast %mul3A_269 : i32 to vector<16xi32>
        %mul3A_271 = arith.muli %get3A_268, %mul3A_270 : vector<16xi32>
        %swap3A_272 = arith.index_cast %add3A_251 : i32 to index
        %swap3A_273 = tpu.vector_load %arg16[%swap3A_272] {strides = array<i32>} : memref<4000xi32, #tpu.memory_space<vmem>>, vector<16xi32>,
        %swap3A_274 = vector.shape_cast %swap3A_273 : vector<16xi32> to vector<16xi32>
        %swap3A_275 = vector.shape_cast %mul3A_271 : vector<16xi32> to vector<16xi32>
        tpu.vector_store %arg16[%swap3A_272], %swap3A_275 {strides = array<i32>} : memref<4000xi32, #tpu.memory_space<vmem>>, vector<16xi32>,
        %add3A_276 = arith.constant 48 : i32
        %add3A_277 = arith.addi %mul3A_199, %add3A_276 : i32
        %get3A_278 = arith.index_cast %add3A_277 : i32 to index
        %get3A_279 = tpu.vector_load %arg9[%get3A_278] {strides = array<i32>} : memref<4000xi32, #tpu.memory_space<vmem>>, vector<16xi32>,
        %get3A_280 = vector.shape_cast %get3A_279 : vector<16xi32> to vector<16xi32>
        %mul3A_281 = arith.constant 10 : i32
        %mul3A_282 = vector.broadcast %mul3A_281 : i32 to vector<16xi32>
        %mul3A_283 = arith.muli %get3A_280, %mul3A_282 : vector<16xi32>
        %get3A_284 = arith.index_cast %add3A_277 : i32 to index
        %get3A_285 = tpu.vector_load %arg10[%get3A_284] {strides = array<i32>} : memref<4000xi32, #tpu.memory_space<vmem>>, vector<16xi32>,
        %get3A_286 = vector.shape_cast %get3A_285 : vector<16xi32> to vector<16xi32>
        %add3A_287 = arith.addi %mul3A_283, %get3A_286 : vector<16xi32>
        %swap3A_288 = arith.index_cast %add3A_277 : i32 to index
        %swap3A_289 = tpu.vector_load %arg14[%swap3A_288] {strides = array<i32>} : memref<4000xi32, #tpu.memory_space<vmem>>, vector<16xi32>,
        %swap3A_290 = vector.shape_cast %swap3A_289 : vector<16xi32> to vector<16xi32>
        %swap3A_291 = vector.shape_cast %add3A_287 : vector<16xi32> to vector<16xi32>
        tpu.vector_store %arg14[%swap3A_288], %swap3A_291 {strides = array<i32>} : memref<4000xi32, #tpu.memory_space<vmem>>, vector<16xi32>,
        %get3A_292 = arith.index_cast %add3A_277 : i32 to index
        %get3A_293 = tpu.vector_load %arg8[%get3A_292] {strides = array<i32>} : memref<4000xi32, #tpu.memory_space<vmem>>, vector<16xi32>,
        %get3A_294 = vector.shape_cast %get3A_293 : vector<16xi32> to vector<16xi32>
        %mul3A_295 = arith.constant 128 : i32
        %mul3A_296 = vector.broadcast %mul3A_295 : i32 to vector<16xi32>
        %mul3A_297 = arith.muli %get3A_294, %mul3A_296 : vector<16xi32>
        %swap3A_298 = arith.index_cast %add3A_277 : i32 to index
        %swap3A_299 = tpu.vector_load %arg16[%swap3A_298] {strides = array<i32>} : memref<4000xi32, #tpu.memory_space<vmem>>, vector<16xi32>,
        %swap3A_300 = vector.shape_cast %swap3A_299 : vector<16xi32> to vector<16xi32>
        %swap3A_301 = vector.shape_cast %mul3A_297 : vector<16xi32> to vector<16xi32>
        tpu.vector_store %arg16[%swap3A_298], %swap3A_301 {strides = array<i32>} : memref<4000xi32, #tpu.memory_space<vmem>>, vector<16xi32>,
        %add3A_302 = arith.constant 64 : i32
        %add3A_303 = arith.addi %mul3A_199, %add3A_302 : i32
        %get3A_304 = arith.index_cast %add3A_303 : i32 to index
        %get3A_305 = tpu.vector_load %arg9[%get3A_304] {strides = array<i32>} : memref<4000xi32, #tpu.memory_space<vmem>>, vector<16xi32>,
        %get3A_306 = vector.shape_cast %get3A_305 : vector<16xi32> to vector<16xi32>
        %mul3A_307 = arith.constant 10 : i32
        %mul3A_308 = vector.broadcast %mul3A_307 : i32 to vector<16xi32>
        %mul3A_309 = arith.muli %get3A_306, %mul3A_308 : vector<16xi32>
        %get3A_310 = arith.index_cast %add3A_303 : i32 to index
        %get3A_311 = tpu.vector_load %arg10[%get3A_310] {strides = array<i32>} : memref<4000xi32, #tpu.memory_space<vmem>>, vector<16xi32>,
        %get3A_312 = vector.shape_cast %get3A_311 : vector<16xi32> to vector<16xi32>
        %add3A_313 = arith.addi %mul3A_309, %get3A_312 : vector<16xi32>
        %swap3A_314 = arith.index_cast %add3A_303 : i32 to index
        %swap3A_315 = tpu.vector_load %arg14[%swap3A_314] {strides = array<i32>} : memref<4000xi32, #tpu.memory_space<vmem>>, vector<16xi32>,
        %swap3A_316 = vector.shape_cast %swap3A_315 : vector<16xi32> to vector<16xi32>
        %swap3A_317 = vector.shape_cast %add3A_313 : vector<16xi32> to vector<16xi32>
        tpu.vector_store %arg14[%swap3A_314], %swap3A_317 {strides = array<i32>} : memref<4000xi32, #tpu.memory_space<vmem>>, vector<16xi32>,
        %get3A_318 = arith.index_cast %add3A_303 : i32 to index
        %get3A_319 = tpu.vector_load %arg8[%get3A_318] {strides = array<i32>} : memref<4000xi32, #tpu.memory_space<vmem>>, vector<16xi32>,
        %get3A_320 = vector.shape_cast %get3A_319 : vector<16xi32> to vector<16xi32>
        %mul3A_321 = arith.constant 128 : i32
        %mul3A_322 = vector.broadcast %mul3A_321 : i32 to vector<16xi32>
        %mul3A_323 = arith.muli %get3A_320, %mul3A_322 : vector<16xi32>
        %swap3A_324 = arith.index_cast %add3A_303 : i32 to index
        %swap3A_325 = tpu.vector_load %arg16[%swap3A_324] {strides = array<i32>} : memref<4000xi32, #tpu.memory_space<vmem>>, vector<16xi32>,
        %swap3A_326 = vector.shape_cast %swap3A_325 : vector<16xi32> to vector<16xi32>
        %swap3A_327 = vector.shape_cast %mul3A_323 : vector<16xi32> to vector<16xi32>
        tpu.vector_store %arg16[%swap3A_324], %swap3A_327 {strides = array<i32>} : memref<4000xi32, #tpu.memory_space<vmem>>, vector<16xi32>,
      }
      %scan3A_193 = arith.constant 50 : i32
      %dma_start3A = arith.constant 0 : i32
      %dma_start3A_194 = tpu.memref_slice %arg2[%dma_start3A] : memref<12800000xf32, #tpu.memory_space<hbm>> -> memref<12800000xf32, #tpu.memory_space<hbm>>
      tpu.enqueue_indirect_dma source(%dma_start3A_194 : memref<12800000xf32, #tpu.memory_space<hbm>>) target(%arg18 : memref<4000xf32, #tpu.memory_space<vmem>>) offsets(%arg16 : memref<4000xi32, #tpu.memory_space<vmem>>) semaphore(%arg25 : memref<!tpu.dma_semaphore, #tpu.memory_space<semaphore_mem>>)
      %dma_start3A_195 = arith.constant 0 : i32
      %dma_start3A_196 = tpu.memref_slice %arg3[%dma_start3A_195] : memref<1000000xf32, #tpu.memory_space<hbm>> -> memref<1000000xf32, #tpu.memory_space<hbm>>
      tpu.enqueue_indirect_dma source(%dma_start3A_196 : memref<1000000xf32, #tpu.memory_space<hbm>>) target(%arg20 : memref<4000xf32, #tpu.memory_space<vmem>>) offsets(%arg14 : memref<4000xi32, #tpu.memory_space<vmem>>) semaphore(%arg25 : memref<!tpu.dma_semaphore, #tpu.memory_space<semaphore_mem>>)
    } else {
    }
    %add3A_89 = arith.constant 160 : i32
    %add3A_90 = arith.addi %add3A, %add3A_89 : i32
    %lt3A_91 = arith.constant 250 : i32
    %lt3A_92 = arith.cmpi slt, %add3A_90, %lt3A_91 : i32
    %convert_element_type3A_93 = arith.extui %lt3A_92 : i1 to i32
    %cond3A_94 = arith.constant 0 : i32
    %cond3A_95 = arith.cmpi ne, %convert_element_type3A_93, %cond3A_94 : i32
    scf.if %cond3A_95 {
      %add3A_180 = arith.constant 160 : i32
      %add3A_181 = arith.addi %add3A, %add3A_180 : i32
      %mul3A_182 = arith.constant 4000 : i32
      %mul3A_183 = arith.muli %add3A_181, %mul3A_182 : i32
      %dma_start3A = tpu.memref_slice %arg4[%mul3A_183] : memref<1000000xi32, #tpu.memory_space<hbm>> -> memref<4000xi32, #tpu.memory_space<hbm>>
      %dma_start3A_184 = tpu.memref_slice %arg4[%mul3A_183] : memref<1000000xi32, #tpu.memory_space<hbm>> -> memref<4000xi32, #tpu.memory_space<hbm>>
      tpu.enqueue_dma source(%dma_start3A_184 : memref<4000xi32, #tpu.memory_space<hbm>>) target(%arg11 : memref<4000xi32, #tpu.memory_space<vmem>>) target_semaphore(%arg24 : memref<!tpu.dma_semaphore, #tpu.memory_space<semaphore_mem>>)
      %dma_start3A_185 = tpu.memref_slice %arg5[%mul3A_183] : memref<1000000xi32, #tpu.memory_space<hbm>> -> memref<4000xi32, #tpu.memory_space<hbm>>
      %dma_start3A_186 = tpu.memref_slice %arg5[%mul3A_183] : memref<1000000xi32, #tpu.memory_space<hbm>> -> memref<4000xi32, #tpu.memory_space<hbm>>
      tpu.enqueue_dma source(%dma_start3A_186 : memref<4000xi32, #tpu.memory_space<hbm>>) target(%arg12 : memref<4000xi32, #tpu.memory_space<vmem>>) target_semaphore(%arg24 : memref<!tpu.dma_semaphore, #tpu.memory_space<semaphore_mem>>)
      %dma_start3A_187 = tpu.memref_slice %arg6[%mul3A_183] : memref<1000000xi32, #tpu.memory_space<hbm>> -> memref<4000xi32, #tpu.memory_space<hbm>>
      %dma_start3A_188 = tpu.memref_slice %arg6[%mul3A_183] : memref<1000000xi32, #tpu.memory_space<hbm>> -> memref<4000xi32, #tpu.memory_space<hbm>>
      tpu.enqueue_dma source(%dma_start3A_188 : memref<4000xi32, #tpu.memory_space<hbm>>) target(%arg13 : memref<4000xi32, #tpu.memory_space<vmem>>) target_semaphore(%arg24 : memref<!tpu.dma_semaphore, #tpu.memory_space<semaphore_mem>>)
    } else {
    }
    %add3A_96 = arith.constant 96 : i32
    %add3A_97 = arith.addi %add3A, %add3A_96 : i32
    %lt3A_98 = arith.constant 250 : i32
    %lt3A_99 = arith.cmpi slt, %add3A_97, %lt3A_98 : i32
    %convert_element_type3A_100 = arith.extui %lt3A_99 : i1 to i32
    %cond3A_101 = arith.constant 0 : i32
    %cond3A_102 = arith.cmpi ne, %convert_element_type3A_100, %cond3A_101 : i32
    scf.if %cond3A_102 {
      %add3A_180 = arith.constant 96 : i32
      %add3A_181 = arith.addi %add3A, %add3A_180 : i32
      %mul3A_182 = arith.constant 4000 : i32
      %mul3A_183 = arith.muli %add3A_181, %mul3A_182 : i32
      %dma_wait3A = arith.constant 0 : i32
      %dma_wait3A_184 = tpu.memref_slice %arg2[%dma_wait3A] : memref<12800000xf32, #tpu.memory_space<hbm>> -> memref<12800000xf32, #tpu.memory_space<hbm>>
      tpu.wait_indirect_dma semaphore(%arg26 : memref<!tpu.dma_semaphore, #tpu.memory_space<semaphore_mem>>) src(%dma_wait3A_184 : memref<12800000xf32, #tpu.memory_space<hbm>>) dst(%arg19 : memref<4000xf32, #tpu.memory_space<vmem>>)
      %dma_wait3A_185 = arith.constant 0 : i32
      %dma_wait3A_186 = tpu.memref_slice %arg3[%dma_wait3A_185] : memref<1000000xf32, #tpu.memory_space<hbm>> -> memref<1000000xf32, #tpu.memory_space<hbm>>
      tpu.wait_indirect_dma semaphore(%arg26 : memref<!tpu.dma_semaphore, #tpu.memory_space<semaphore_mem>>) src(%dma_wait3A_186 : memref<1000000xf32, #tpu.memory_space<hbm>>) dst(%arg21 : memref<4000xf32, #tpu.memory_space<vmem>>)
      %add3A_187 = arith.constant 32 : i32
      %add3A_188 = arith.addi %add3A, %add3A_187 : i32
      %mul3A_189 = arith.constant 4000 : i32
      %mul3A_190 = arith.muli %add3A_188, %mul3A_189 : i32
      %dma_wait3A_191 = tpu.memref_slice %arg7[%mul3A_190] : memref<1000000xf32, #tpu.memory_space<hbm>> -> memref<4000xf32, #tpu.memory_space<hbm>>
      %dma_wait3A_192 = tpu.memref_slice %arg7[%mul3A_190] : memref<1000000xf32, #tpu.memory_space<hbm>> -> memref<4000xf32, #tpu.memory_space<hbm>>
      tpu.wait_dma2 semaphore(%arg28 : memref<!tpu.dma_semaphore, #tpu.memory_space<semaphore_mem>>) src(%arg23 : memref<4000xf32, #tpu.memory_space<vmem>>) dst(%dma_wait3A_192 : memref<4000xf32, #tpu.memory_space<hbm>>)
      %scan3A = arith.constant 0 : i32
      %scan3A_193 = arith.constant 0 : i32
      %scan3A_194 = arith.constant 50 : i32
      %scan3A_195 = arith.addi %scan3A_193, %scan3A_194 : i32
      %scan3A_196 = arith.constant 1 : i32
      scf.for %scan3A_199 = %scan3A_193 to %scan3A_195 step %scan3A_196  : i32 {
        %mul3A_200 = arith.constant 80 : i32
        %mul3A_201 = arith.muli %scan3A_199, %mul3A_200 : i32
        %add3A_202 = arith.constant 0 : i32
        %add3A_203 = arith.addi %mul3A_201, %add3A_202 : i32
        %get3A = arith.index_cast %add3A_203 : i32 to index
        %get3A_204 = tpu.vector_load %arg19[%get3A] {strides = array<i32>} : memref<4000xf32, #tpu.memory_space<vmem>>, vector<16xf32>,
        %get3A_205 = vector.shape_cast %get3A_204 : vector<16xf32> to vector<16xf32>
        %get3A_206 = arith.index_cast %add3A_203 : i32 to index
        %get3A_207 = tpu.vector_load %arg21[%get3A_206] {strides = array<i32>} : memref<4000xf32, #tpu.memory_space<vmem>>, vector<16xf32>,
        %get3A_208 = vector.shape_cast %get3A_207 : vector<16xf32> to vector<16xf32>
        %sub3A = arith.constant 1.000000e+00 : f32
        %sub3A_209 = vector.broadcast %sub3A : f32 to vector<16xf32>
        %sub3A_210 = arith.subf %sub3A_209, %get3A_205 : vector<16xf32>
        %mul3A_211 = arith.constant 0.111111112 : f32
        %mul3A_212 = vector.broadcast %mul3A_211 : f32 to vector<16xf32>
        %mul3A_213 = arith.mulf %sub3A_210, %mul3A_212 : vector<16xf32>
        %mul3A_214 = arith.mulf %get3A_205, %get3A_208 : vector<16xf32>
        %sub3A_215 = arith.constant 1.000000e+00 : f32
        %sub3A_216 = vector.broadcast %sub3A_215 : f32 to vector<16xf32>
        %sub3A_217 = arith.subf %sub3A_216, %get3A_208 : vector<16xf32>
        %mul3A_218 = arith.mulf %mul3A_213, %sub3A_217 : vector<16xf32>
        %add3A_219 = arith.addf %mul3A_214, %mul3A_218 : vector<16xf32>
        %swap3A = arith.index_cast %add3A_203 : i32 to index
        %swap3A_220 = tpu.vector_load %arg23[%swap3A] {strides = array<i32>} : memref<4000xf32, #tpu.memory_space<vmem>>, vector<16xf32>,
        %swap3A_221 = vector.shape_cast %swap3A_220 : vector<16xf32> to vector<16xf32>
        %swap3A_222 = vector.shape_cast %add3A_219 : vector<16xf32> to vector<16xf32>
        tpu.vector_store %arg23[%swap3A], %swap3A_222 {strides = array<i32>} : memref<4000xf32, #tpu.memory_space<vmem>>, vector<16xf32>,
        %add3A_223 = arith.constant 16 : i32
        %add3A_224 = arith.addi %mul3A_201, %add3A_223 : i32
        %get3A_225 = arith.index_cast %add3A_224 : i32 to index
        %get3A_226 = tpu.vector_load %arg19[%get3A_225] {strides = array<i32>} : memref<4000xf32, #tpu.memory_space<vmem>>, vector<16xf32>,
        %get3A_227 = vector.shape_cast %get3A_226 : vector<16xf32> to vector<16xf32>
        %get3A_228 = arith.index_cast %add3A_224 : i32 to index
        %get3A_229 = tpu.vector_load %arg21[%get3A_228] {strides = array<i32>} : memref<4000xf32, #tpu.memory_space<vmem>>, vector<16xf32>,
        %get3A_230 = vector.shape_cast %get3A_229 : vector<16xf32> to vector<16xf32>
        %sub3A_231 = arith.constant 1.000000e+00 : f32
        %sub3A_232 = vector.broadcast %sub3A_231 : f32 to vector<16xf32>
        %sub3A_233 = arith.subf %sub3A_232, %get3A_227 : vector<16xf32>
        %mul3A_234 = arith.constant 0.111111112 : f32
        %mul3A_235 = vector.broadcast %mul3A_234 : f32 to vector<16xf32>
        %mul3A_236 = arith.mulf %sub3A_233, %mul3A_235 : vector<16xf32>
        %mul3A_237 = arith.mulf %get3A_227, %get3A_230 : vector<16xf32>
        %sub3A_238 = arith.constant 1.000000e+00 : f32
        %sub3A_239 = vector.broadcast %sub3A_238 : f32 to vector<16xf32>
        %sub3A_240 = arith.subf %sub3A_239, %get3A_230 : vector<16xf32>
        %mul3A_241 = arith.mulf %mul3A_236, %sub3A_240 : vector<16xf32>
        %add3A_242 = arith.addf %mul3A_237, %mul3A_241 : vector<16xf32>
        %swap3A_243 = arith.index_cast %add3A_224 : i32 to index
        %swap3A_244 = tpu.vector_load %arg23[%swap3A_243] {strides = array<i32>} : memref<4000xf32, #tpu.memory_space<vmem>>, vector<16xf32>,
        %swap3A_245 = vector.shape_cast %swap3A_244 : vector<16xf32> to vector<16xf32>
        %swap3A_246 = vector.shape_cast %add3A_242 : vector<16xf32> to vector<16xf32>
        tpu.vector_store %arg23[%swap3A_243], %swap3A_246 {strides = array<i32>} : memref<4000xf32, #tpu.memory_space<vmem>>, vector<16xf32>,
        %add3A_247 = arith.constant 32 : i32
        %add3A_248 = arith.addi %mul3A_201, %add3A_247 : i32
        %get3A_249 = arith.index_cast %add3A_248 : i32 to index
        %get3A_250 = tpu.vector_load %arg19[%get3A_249] {strides = array<i32>} : memref<4000xf32, #tpu.memory_space<vmem>>, vector<16xf32>,
        %get3A_251 = vector.shape_cast %get3A_250 : vector<16xf32> to vector<16xf32>
        %get3A_252 = arith.index_cast %add3A_248 : i32 to index
        %get3A_253 = tpu.vector_load %arg21[%get3A_252] {strides = array<i32>} : memref<4000xf32, #tpu.memory_space<vmem>>, vector<16xf32>,
        %get3A_254 = vector.shape_cast %get3A_253 : vector<16xf32> to vector<16xf32>
        %sub3A_255 = arith.constant 1.000000e+00 : f32
        %sub3A_256 = vector.broadcast %sub3A_255 : f32 to vector<16xf32>
        %sub3A_257 = arith.subf %sub3A_256, %get3A_251 : vector<16xf32>
        %mul3A_258 = arith.constant 0.111111112 : f32
        %mul3A_259 = vector.broadcast %mul3A_258 : f32 to vector<16xf32>
        %mul3A_260 = arith.mulf %sub3A_257, %mul3A_259 : vector<16xf32>
        %mul3A_261 = arith.mulf %get3A_251, %get3A_254 : vector<16xf32>
        %sub3A_262 = arith.constant 1.000000e+00 : f32
        %sub3A_263 = vector.broadcast %sub3A_262 : f32 to vector<16xf32>
        %sub3A_264 = arith.subf %sub3A_263, %get3A_254 : vector<16xf32>
        %mul3A_265 = arith.mulf %mul3A_260, %sub3A_264 : vector<16xf32>
        %add3A_266 = arith.addf %mul3A_261, %mul3A_265 : vector<16xf32>
        %swap3A_267 = arith.index_cast %add3A_248 : i32 to index
        %swap3A_268 = tpu.vector_load %arg23[%swap3A_267] {strides = array<i32>} : memref<4000xf32, #tpu.memory_space<vmem>>, vector<16xf32>,
        %swap3A_269 = vector.shape_cast %swap3A_268 : vector<16xf32> to vector<16xf32>
        %swap3A_270 = vector.shape_cast %add3A_266 : vector<16xf32> to vector<16xf32>
        tpu.vector_store %arg23[%swap3A_267], %swap3A_270 {strides = array<i32>} : memref<4000xf32, #tpu.memory_space<vmem>>, vector<16xf32>,
        %add3A_271 = arith.constant 48 : i32
        %add3A_272 = arith.addi %mul3A_201, %add3A_271 : i32
        %get3A_273 = arith.index_cast %add3A_272 : i32 to index
        %get3A_274 = tpu.vector_load %arg19[%get3A_273] {strides = array<i32>} : memref<4000xf32, #tpu.memory_space<vmem>>, vector<16xf32>,
        %get3A_275 = vector.shape_cast %get3A_274 : vector<16xf32> to vector<16xf32>
        %get3A_276 = arith.index_cast %add3A_272 : i32 to index
        %get3A_277 = tpu.vector_load %arg21[%get3A_276] {strides = array<i32>} : memref<4000xf32, #tpu.memory_space<vmem>>, vector<16xf32>,
        %get3A_278 = vector.shape_cast %get3A_277 : vector<16xf32> to vector<16xf32>
        %sub3A_279 = arith.constant 1.000000e+00 : f32
        %sub3A_280 = vector.broadcast %sub3A_279 : f32 to vector<16xf32>
        %sub3A_281 = arith.subf %sub3A_280, %get3A_275 : vector<16xf32>
        %mul3A_282 = arith.constant 0.111111112 : f32
        %mul3A_283 = vector.broadcast %mul3A_282 : f32 to vector<16xf32>
        %mul3A_284 = arith.mulf %sub3A_281, %mul3A_283 : vector<16xf32>
        %mul3A_285 = arith.mulf %get3A_275, %get3A_278 : vector<16xf32>
        %sub3A_286 = arith.constant 1.000000e+00 : f32
        %sub3A_287 = vector.broadcast %sub3A_286 : f32 to vector<16xf32>
        %sub3A_288 = arith.subf %sub3A_287, %get3A_278 : vector<16xf32>
        %mul3A_289 = arith.mulf %mul3A_284, %sub3A_288 : vector<16xf32>
        %add3A_290 = arith.addf %mul3A_285, %mul3A_289 : vector<16xf32>
        %swap3A_291 = arith.index_cast %add3A_272 : i32 to index
        %swap3A_292 = tpu.vector_load %arg23[%swap3A_291] {strides = array<i32>} : memref<4000xf32, #tpu.memory_space<vmem>>, vector<16xf32>,
        %swap3A_293 = vector.shape_cast %swap3A_292 : vector<16xf32> to vector<16xf32>
        %swap3A_294 = vector.shape_cast %add3A_290 : vector<16xf32> to vector<16xf32>
        tpu.vector_store %arg23[%swap3A_291], %swap3A_294 {strides = array<i32>} : memref<4000xf32, #tpu.memory_space<vmem>>, vector<16xf32>,
        %add3A_295 = arith.constant 64 : i32
        %add3A_296 = arith.addi %mul3A_201, %add3A_295 : i32
        %get3A_297 = arith.index_cast %add3A_296 : i32 to index
        %get3A_298 = tpu.vector_load %arg19[%get3A_297] {strides = array<i32>} : memref<4000xf32, #tpu.memory_space<vmem>>, vector<16xf32>,
        %get3A_299 = vector.shape_cast %get3A_298 : vector<16xf32> to vector<16xf32>
        %get3A_300 = arith.index_cast %add3A_296 : i32 to index
        %get3A_301 = tpu.vector_load %arg21[%get3A_300] {strides = array<i32>} : memref<4000xf32, #tpu.memory_space<vmem>>, vector<16xf32>,
        %get3A_302 = vector.shape_cast %get3A_301 : vector<16xf32> to vector<16xf32>
        %sub3A_303 = arith.constant 1.000000e+00 : f32
        %sub3A_304 = vector.broadcast %sub3A_303 : f32 to vector<16xf32>
        %sub3A_305 = arith.subf %sub3A_304, %get3A_299 : vector<16xf32>
        %mul3A_306 = arith.constant 0.111111112 : f32
        %mul3A_307 = vector.broadcast %mul3A_306 : f32 to vector<16xf32>
        %mul3A_308 = arith.mulf %sub3A_305, %mul3A_307 : vector<16xf32>
        %mul3A_309 = arith.mulf %get3A_299, %get3A_302 : vector<16xf32>
        %sub3A_310 = arith.constant 1.000000e+00 : f32
        %sub3A_311 = vector.broadcast %sub3A_310 : f32 to vector<16xf32>
        %sub3A_312 = arith.subf %sub3A_311, %get3A_302 : vector<16xf32>
        %mul3A_313 = arith.mulf %mul3A_308, %sub3A_312 : vector<16xf32>
        %add3A_314 = arith.addf %mul3A_309, %mul3A_313 : vector<16xf32>
        %swap3A_315 = arith.index_cast %add3A_296 : i32 to index
        %swap3A_316 = tpu.vector_load %arg23[%swap3A_315] {strides = array<i32>} : memref<4000xf32, #tpu.memory_space<vmem>>, vector<16xf32>,
        %swap3A_317 = vector.shape_cast %swap3A_316 : vector<16xf32> to vector<16xf32>
        %swap3A_318 = vector.shape_cast %add3A_314 : vector<16xf32> to vector<16xf32>
        tpu.vector_store %arg23[%swap3A_315], %swap3A_318 {strides = array<i32>} : memref<4000xf32, #tpu.memory_space<vmem>>, vector<16xf32>,
      }
      %scan3A_197 = arith.constant 50 : i32
      %dma_start3A = tpu.memref_slice %arg7[%mul3A_183] : memref<1000000xf32, #tpu.memory_space<hbm>> -> memref<4000xf32, #tpu.memory_space<hbm>>
      %dma_start3A_198 = tpu.memref_slice %arg7[%mul3A_183] : memref<1000000xf32, #tpu.memory_space<hbm>> -> memref<4000xf32, #tpu.memory_space<hbm>>
      tpu.enqueue_dma source(%arg23 : memref<4000xf32, #tpu.memory_space<vmem>>) target(%dma_start3A_198 : memref<4000xf32, #tpu.memory_space<hbm>>) target_semaphore(%arg28 : memref<!tpu.dma_semaphore, #tpu.memory_space<semaphore_mem>>)
    } else {
    }
    %add3A_103 = arith.constant 160 : i32
    %add3A_104 = arith.addi %add3A, %add3A_103 : i32
    %lt3A_105 = arith.constant 250 : i32
    %lt3A_106 = arith.cmpi slt, %add3A_104, %lt3A_105 : i32
    %convert_element_type3A_107 = arith.extui %lt3A_106 : i1 to i32
    %cond3A_108 = arith.constant 0 : i32
    %cond3A_109 = arith.cmpi ne, %convert_element_type3A_107, %cond3A_108 : i32
    scf.if %cond3A_109 {
      %add3A_180 = arith.constant 160 : i32
      %add3A_181 = arith.addi %add3A, %add3A_180 : i32
      %mul3A_182 = arith.constant 4000 : i32
      %mul3A_183 = arith.muli %add3A_181, %mul3A_182 : i32
      %dma_wait3A = tpu.memref_slice %arg4[%mul3A_183] : memref<1000000xi32, #tpu.memory_space<hbm>> -> memref<4000xi32, #tpu.memory_space<hbm>>
      %dma_wait3A_184 = tpu.memref_slice %arg4[%mul3A_183] : memref<1000000xi32, #tpu.memory_space<hbm>> -> memref<4000xi32, #tpu.memory_space<hbm>>
      tpu.wait_dma2 semaphore(%arg24 : memref<!tpu.dma_semaphore, #tpu.memory_space<semaphore_mem>>) src(%dma_wait3A_184 : memref<4000xi32, #tpu.memory_space<hbm>>) dst(%arg11 : memref<4000xi32, #tpu.memory_space<vmem>>)
      %dma_wait3A_185 = tpu.memref_slice %arg5[%mul3A_183] : memref<1000000xi32, #tpu.memory_space<hbm>> -> memref<4000xi32, #tpu.memory_space<hbm>>
      %dma_wait3A_186 = tpu.memref_slice %arg5[%mul3A_183] : memref<1000000xi32, #tpu.memory_space<hbm>> -> memref<4000xi32, #tpu.memory_space<hbm>>
      tpu.wait_dma2 semaphore(%arg24 : memref<!tpu.dma_semaphore, #tpu.memory_space<semaphore_mem>>) src(%dma_wait3A_186 : memref<4000xi32, #tpu.memory_space<hbm>>) dst(%arg12 : memref<4000xi32, #tpu.memory_space<vmem>>)
      %dma_wait3A_187 = tpu.memref_slice %arg6[%mul3A_183] : memref<1000000xi32, #tpu.memory_space<hbm>> -> memref<4000xi32, #tpu.memory_space<hbm>>
      %dma_wait3A_188 = tpu.memref_slice %arg6[%mul3A_183] : memref<1000000xi32, #tpu.memory_space<hbm>> -> memref<4000xi32, #tpu.memory_space<hbm>>
      tpu.wait_dma2 semaphore(%arg24 : memref<!tpu.dma_semaphore, #tpu.memory_space<semaphore_mem>>) src(%dma_wait3A_188 : memref<4000xi32, #tpu.memory_space<hbm>>) dst(%arg13 : memref<4000xi32, #tpu.memory_space<vmem>>)
      %scan3A = arith.constant 0 : i32
      %scan3A_189 = arith.constant 0 : i32
      %scan3A_190 = arith.constant 50 : i32
      %scan3A_191 = arith.addi %scan3A_189, %scan3A_190 : i32
      %scan3A_192 = arith.constant 1 : i32
      scf.for %scan3A_197 = %scan3A_189 to %scan3A_191 step %scan3A_192  : i32 {
        %mul3A_198 = arith.constant 80 : i32
        %mul3A_199 = arith.muli %scan3A_197, %mul3A_198 : i32
        %add3A_200 = arith.constant 0 : i32
        %add3A_201 = arith.addi %mul3A_199, %add3A_200 : i32
        %get3A = arith.index_cast %add3A_201 : i32 to index
        %get3A_202 = tpu.vector_load %arg12[%get3A] {strides = array<i32>} : memref<4000xi32, #tpu.memory_space<vmem>>, vector<16xi32>,
        %get3A_203 = vector.shape_cast %get3A_202 : vector<16xi32> to vector<16xi32>
        %mul3A_204 = arith.constant 10 : i32
        %mul3A_205 = vector.broadcast %mul3A_204 : i32 to vector<16xi32>
        %mul3A_206 = arith.muli %get3A_203, %mul3A_205 : vector<16xi32>
        %get3A_207 = arith.index_cast %add3A_201 : i32 to index
        %get3A_208 = tpu.vector_load %arg13[%get3A_207] {strides = array<i32>} : memref<4000xi32, #tpu.memory_space<vmem>>, vector<16xi32>,
        %get3A_209 = vector.shape_cast %get3A_208 : vector<16xi32> to vector<16xi32>
        %add3A_210 = arith.addi %mul3A_206, %get3A_209 : vector<16xi32>
        %swap3A = arith.index_cast %add3A_201 : i32 to index
        %swap3A_211 = tpu.vector_load %arg15[%swap3A] {strides = array<i32>} : memref<4000xi32, #tpu.memory_space<vmem>>, vector<16xi32>,
        %swap3A_212 = vector.shape_cast %swap3A_211 : vector<16xi32> to vector<16xi32>
        %swap3A_213 = vector.shape_cast %add3A_210 : vector<16xi32> to vector<16xi32>
        tpu.vector_store %arg15[%swap3A], %swap3A_213 {strides = array<i32>} : memref<4000xi32, #tpu.memory_space<vmem>>, vector<16xi32>,
        %get3A_214 = arith.index_cast %add3A_201 : i32 to index
        %get3A_215 = tpu.vector_load %arg11[%get3A_214] {strides = array<i32>} : memref<4000xi32, #tpu.memory_space<vmem>>, vector<16xi32>,
        %get3A_216 = vector.shape_cast %get3A_215 : vector<16xi32> to vector<16xi32>
        %mul3A_217 = arith.constant 128 : i32
        %mul3A_218 = vector.broadcast %mul3A_217 : i32 to vector<16xi32>
        %mul3A_219 = arith.muli %get3A_216, %mul3A_218 : vector<16xi32>
        %swap3A_220 = arith.index_cast %add3A_201 : i32 to index
        %swap3A_221 = tpu.vector_load %arg17[%swap3A_220] {strides = array<i32>} : memref<4000xi32, #tpu.memory_space<vmem>>, vector<16xi32>,
        %swap3A_222 = vector.shape_cast %swap3A_221 : vector<16xi32> to vector<16xi32>
        %swap3A_223 = vector.shape_cast %mul3A_219 : vector<16xi32> to vector<16xi32>
        tpu.vector_store %arg17[%swap3A_220], %swap3A_223 {strides = array<i32>} : memref<4000xi32, #tpu.memory_space<vmem>>, vector<16xi32>,
        %add3A_224 = arith.constant 16 : i32
        %add3A_225 = arith.addi %mul3A_199, %add3A_224 : i32
        %get3A_226 = arith.index_cast %add3A_225 : i32 to index
        %get3A_227 = tpu.vector_load %arg12[%get3A_226] {strides = array<i32>} : memref<4000xi32, #tpu.memory_space<vmem>>, vector<16xi32>,
        %get3A_228 = vector.shape_cast %get3A_227 : vector<16xi32> to vector<16xi32>
        %mul3A_229 = arith.constant 10 : i32
        %mul3A_230 = vector.broadcast %mul3A_229 : i32 to vector<16xi32>
        %mul3A_231 = arith.muli %get3A_228, %mul3A_230 : vector<16xi32>
        %get3A_232 = arith.index_cast %add3A_225 : i32 to index
        %get3A_233 = tpu.vector_load %arg13[%get3A_232] {strides = array<i32>} : memref<4000xi32, #tpu.memory_space<vmem>>, vector<16xi32>,
        %get3A_234 = vector.shape_cast %get3A_233 : vector<16xi32> to vector<16xi32>
        %add3A_235 = arith.addi %mul3A_231, %get3A_234 : vector<16xi32>
        %swap3A_236 = arith.index_cast %add3A_225 : i32 to index
        %swap3A_237 = tpu.vector_load %arg15[%swap3A_236] {strides = array<i32>} : memref<4000xi32, #tpu.memory_space<vmem>>, vector<16xi32>,
        %swap3A_238 = vector.shape_cast %swap3A_237 : vector<16xi32> to vector<16xi32>
        %swap3A_239 = vector.shape_cast %add3A_235 : vector<16xi32> to vector<16xi32>
        tpu.vector_store %arg15[%swap3A_236], %swap3A_239 {strides = array<i32>} : memref<4000xi32, #tpu.memory_space<vmem>>, vector<16xi32>,
        %get3A_240 = arith.index_cast %add3A_225 : i32 to index
        %get3A_241 = tpu.vector_load %arg11[%get3A_240] {strides = array<i32>} : memref<4000xi32, #tpu.memory_space<vmem>>, vector<16xi32>,
        %get3A_242 = vector.shape_cast %get3A_241 : vector<16xi32> to vector<16xi32>
        %mul3A_243 = arith.constant 128 : i32
        %mul3A_244 = vector.broadcast %mul3A_243 : i32 to vector<16xi32>
        %mul3A_245 = arith.muli %get3A_242, %mul3A_244 : vector<16xi32>
        %swap3A_246 = arith.index_cast %add3A_225 : i32 to index
        %swap3A_247 = tpu.vector_load %arg17[%swap3A_246] {strides = array<i32>} : memref<4000xi32, #tpu.memory_space<vmem>>, vector<16xi32>,
        %swap3A_248 = vector.shape_cast %swap3A_247 : vector<16xi32> to vector<16xi32>
        %swap3A_249 = vector.shape_cast %mul3A_245 : vector<16xi32> to vector<16xi32>
        tpu.vector_store %arg17[%swap3A_246], %swap3A_249 {strides = array<i32>} : memref<4000xi32, #tpu.memory_space<vmem>>, vector<16xi32>,
        %add3A_250 = arith.constant 32 : i32
        %add3A_251 = arith.addi %mul3A_199, %add3A_250 : i32
        %get3A_252 = arith.index_cast %add3A_251 : i32 to index
        %get3A_253 = tpu.vector_load %arg12[%get3A_252] {strides = array<i32>} : memref<4000xi32, #tpu.memory_space<vmem>>, vector<16xi32>,
        %get3A_254 = vector.shape_cast %get3A_253 : vector<16xi32> to vector<16xi32>
        %mul3A_255 = arith.constant 10 : i32
        %mul3A_256 = vector.broadcast %mul3A_255 : i32 to vector<16xi32>
        %mul3A_257 = arith.muli %get3A_254, %mul3A_256 : vector<16xi32>
        %get3A_258 = arith.index_cast %add3A_251 : i32 to index
        %get3A_259 = tpu.vector_load %arg13[%get3A_258] {strides = array<i32>} : memref<4000xi32, #tpu.memory_space<vmem>>, vector<16xi32>,
        %get3A_260 = vector.shape_cast %get3A_259 : vector<16xi32> to vector<16xi32>
        %add3A_261 = arith.addi %mul3A_257, %get3A_260 : vector<16xi32>
        %swap3A_262 = arith.index_cast %add3A_251 : i32 to index
        %swap3A_263 = tpu.vector_load %arg15[%swap3A_262] {strides = array<i32>} : memref<4000xi32, #tpu.memory_space<vmem>>, vector<16xi32>,
        %swap3A_264 = vector.shape_cast %swap3A_263 : vector<16xi32> to vector<16xi32>
        %swap3A_265 = vector.shape_cast %add3A_261 : vector<16xi32> to vector<16xi32>
        tpu.vector_store %arg15[%swap3A_262], %swap3A_265 {strides = array<i32>} : memref<4000xi32, #tpu.memory_space<vmem>>, vector<16xi32>,
        %get3A_266 = arith.index_cast %add3A_251 : i32 to index
        %get3A_267 = tpu.vector_load %arg11[%get3A_266] {strides = array<i32>} : memref<4000xi32, #tpu.memory_space<vmem>>, vector<16xi32>,
        %get3A_268 = vector.shape_cast %get3A_267 : vector<16xi32> to vector<16xi32>
        %mul3A_269 = arith.constant 128 : i32
        %mul3A_270 = vector.broadcast %mul3A_269 : i32 to vector<16xi32>
        %mul3A_271 = arith.muli %get3A_268, %mul3A_270 : vector<16xi32>
        %swap3A_272 = arith.index_cast %add3A_251 : i32 to index
        %swap3A_273 = tpu.vector_load %arg17[%swap3A_272] {strides = array<i32>} : memref<4000xi32, #tpu.memory_space<vmem>>, vector<16xi32>,
        %swap3A_274 = vector.shape_cast %swap3A_273 : vector<16xi32> to vector<16xi32>
        %swap3A_275 = vector.shape_cast %mul3A_271 : vector<16xi32> to vector<16xi32>
        tpu.vector_store %arg17[%swap3A_272], %swap3A_275 {strides = array<i32>} : memref<4000xi32, #tpu.memory_space<vmem>>, vector<16xi32>,
        %add3A_276 = arith.constant 48 : i32
        %add3A_277 = arith.addi %mul3A_199, %add3A_276 : i32
        %get3A_278 = arith.index_cast %add3A_277 : i32 to index
        %get3A_279 = tpu.vector_load %arg12[%get3A_278] {strides = array<i32>} : memref<4000xi32, #tpu.memory_space<vmem>>, vector<16xi32>,
        %get3A_280 = vector.shape_cast %get3A_279 : vector<16xi32> to vector<16xi32>
        %mul3A_281 = arith.constant 10 : i32
        %mul3A_282 = vector.broadcast %mul3A_281 : i32 to vector<16xi32>
        %mul3A_283 = arith.muli %get3A_280, %mul3A_282 : vector<16xi32>
        %get3A_284 = arith.index_cast %add3A_277 : i32 to index
        %get3A_285 = tpu.vector_load %arg13[%get3A_284] {strides = array<i32>} : memref<4000xi32, #tpu.memory_space<vmem>>, vector<16xi32>,
        %get3A_286 = vector.shape_cast %get3A_285 : vector<16xi32> to vector<16xi32>
        %add3A_287 = arith.addi %mul3A_283, %get3A_286 : vector<16xi32>
        %swap3A_288 = arith.index_cast %add3A_277 : i32 to index
        %swap3A_289 = tpu.vector_load %arg15[%swap3A_288] {strides = array<i32>} : memref<4000xi32, #tpu.memory_space<vmem>>, vector<16xi32>,
        %swap3A_290 = vector.shape_cast %swap3A_289 : vector<16xi32> to vector<16xi32>
        %swap3A_291 = vector.shape_cast %add3A_287 : vector<16xi32> to vector<16xi32>
        tpu.vector_store %arg15[%swap3A_288], %swap3A_291 {strides = array<i32>} : memref<4000xi32, #tpu.memory_space<vmem>>, vector<16xi32>,
        %get3A_292 = arith.index_cast %add3A_277 : i32 to index
        %get3A_293 = tpu.vector_load %arg11[%get3A_292] {strides = array<i32>} : memref<4000xi32, #tpu.memory_space<vmem>>, vector<16xi32>,
        %get3A_294 = vector.shape_cast %get3A_293 : vector<16xi32> to vector<16xi32>
        %mul3A_295 = arith.constant 128 : i32
        %mul3A_296 = vector.broadcast %mul3A_295 : i32 to vector<16xi32>
        %mul3A_297 = arith.muli %get3A_294, %mul3A_296 : vector<16xi32>
        %swap3A_298 = arith.index_cast %add3A_277 : i32 to index
        %swap3A_299 = tpu.vector_load %arg17[%swap3A_298] {strides = array<i32>} : memref<4000xi32, #tpu.memory_space<vmem>>, vector<16xi32>,
        %swap3A_300 = vector.shape_cast %swap3A_299 : vector<16xi32> to vector<16xi32>
        %swap3A_301 = vector.shape_cast %mul3A_297 : vector<16xi32> to vector<16xi32>
        tpu.vector_store %arg17[%swap3A_298], %swap3A_301 {strides = array<i32>} : memref<4000xi32, #tpu.memory_space<vmem>>, vector<16xi32>,
        %add3A_302 = arith.constant 64 : i32
        %add3A_303 = arith.addi %mul3A_199, %add3A_302 : i32
        %get3A_304 = arith.index_cast %add3A_303 : i32 to index
        %get3A_305 = tpu.vector_load %arg12[%get3A_304] {strides = array<i32>} : memref<4000xi32, #tpu.memory_space<vmem>>, vector<16xi32>,
        %get3A_306 = vector.shape_cast %get3A_305 : vector<16xi32> to vector<16xi32>
        %mul3A_307 = arith.constant 10 : i32
        %mul3A_308 = vector.broadcast %mul3A_307 : i32 to vector<16xi32>
        %mul3A_309 = arith.muli %get3A_306, %mul3A_308 : vector<16xi32>
        %get3A_310 = arith.index_cast %add3A_303 : i32 to index
        %get3A_311 = tpu.vector_load %arg13[%get3A_310] {strides = array<i32>} : memref<4000xi32, #tpu.memory_space<vmem>>, vector<16xi32>,
        %get3A_312 = vector.shape_cast %get3A_311 : vector<16xi32> to vector<16xi32>
        %add3A_313 = arith.addi %mul3A_309, %get3A_312 : vector<16xi32>
        %swap3A_314 = arith.index_cast %add3A_303 : i32 to index
        %swap3A_315 = tpu.vector_load %arg15[%swap3A_314] {strides = array<i32>} : memref<4000xi32, #tpu.memory_space<vmem>>, vector<16xi32>,
        %swap3A_316 = vector.shape_cast %swap3A_315 : vector<16xi32> to vector<16xi32>
        %swap3A_317 = vector.shape_cast %add3A_313 : vector<16xi32> to vector<16xi32>
        tpu.vector_store %arg15[%swap3A_314], %swap3A_317 {strides = array<i32>} : memref<4000xi32, #tpu.memory_space<vmem>>, vector<16xi32>,
        %get3A_318 = arith.index_cast %add3A_303 : i32 to index
        %get3A_319 = tpu.vector_load %arg11[%get3A_318] {strides = array<i32>} : memref<4000xi32, #tpu.memory_space<vmem>>, vector<16xi32>,
        %get3A_320 = vector.shape_cast %get3A_319 : vector<16xi32> to vector<16xi32>
        %mul3A_321 = arith.constant 128 : i32
        %mul3A_322 = vector.broadcast %mul3A_321 : i32 to vector<16xi32>
        %mul3A_323 = arith.muli %get3A_320, %mul3A_322 : vector<16xi32>
        %swap3A_324 = arith.index_cast %add3A_303 : i32 to index
        %swap3A_325 = tpu.vector_load %arg17[%swap3A_324] {strides = array<i32>} : memref<4000xi32, #tpu.memory_space<vmem>>, vector<16xi32>,
        %swap3A_326 = vector.shape_cast %swap3A_325 : vector<16xi32> to vector<16xi32>
        %swap3A_327 = vector.shape_cast %mul3A_323 : vector<16xi32> to vector<16xi32>
        tpu.vector_store %arg17[%swap3A_324], %swap3A_327 {strides = array<i32>} : memref<4000xi32, #tpu.memory_space<vmem>>, vector<16xi32>,
      }
      %scan3A_193 = arith.constant 50 : i32
      %dma_start3A = arith.constant 0 : i32
      %dma_start3A_194 = tpu.memref_slice %arg2[%dma_start3A] : memref<12800000xf32, #tpu.memory_space<hbm>> -> memref<12800000xf32, #tpu.memory_space<hbm>>
      tpu.enqueue_indirect_dma source(%dma_start3A_194 : memref<12800000xf32, #tpu.memory_space<hbm>>) target(%arg19 : memref<4000xf32, #tpu.memory_space<vmem>>) offsets(%arg17 : memref<4000xi32, #tpu.memory_space<vmem>>) semaphore(%arg26 : memref<!tpu.dma_semaphore, #tpu.memory_space<semaphore_mem>>)
      %dma_start3A_195 = arith.constant 0 : i32
      %dma_start3A_196 = tpu.memref_slice %arg3[%dma_start3A_195] : memref<1000000xf32, #tpu.memory_space<hbm>> -> memref<1000000xf32, #tpu.memory_space<hbm>>
      tpu.enqueue_indirect_dma source(%dma_start3A_196 : memref<1000000xf32, #tpu.memory_space<hbm>>) target(%arg21 : memref<4000xf32, #tpu.memory_space<vmem>>) offsets(%arg15 : memref<4000xi32, #tpu.memory_space<vmem>>) semaphore(%arg26 : memref<!tpu.dma_semaphore, #tpu.memory_space<semaphore_mem>>)
    } else {
    }
    %add3A_110 = arith.constant 192 : i32
    %add3A_111 = arith.addi %add3A, %add3A_110 : i32
    %lt3A_112 = arith.constant 250 : i32
    %lt3A_113 = arith.cmpi slt, %add3A_111, %lt3A_112 : i32
    %convert_element_type3A_114 = arith.extui %lt3A_113 : i1 to i32
    %cond3A_115 = arith.constant 0 : i32
    %cond3A_116 = arith.cmpi ne, %convert_element_type3A_114, %cond3A_115 : i32
    scf.if %cond3A_116 {
      %add3A_180 = arith.constant 192 : i32
      %add3A_181 = arith.addi %add3A, %add3A_180 : i32
      %mul3A_182 = arith.constant 4000 : i32
      %mul3A_183 = arith.muli %add3A_181, %mul3A_182 : i32
      %dma_start3A = tpu.memref_slice %arg4[%mul3A_183] : memref<1000000xi32, #tpu.memory_space<hbm>> -> memref<4000xi32, #tpu.memory_space<hbm>>
      %dma_start3A_184 = tpu.memref_slice %arg4[%mul3A_183] : memref<1000000xi32, #tpu.memory_space<hbm>> -> memref<4000xi32, #tpu.memory_space<hbm>>
      tpu.enqueue_dma source(%dma_start3A_184 : memref<4000xi32, #tpu.memory_space<hbm>>) target(%arg8 : memref<4000xi32, #tpu.memory_space<vmem>>) target_semaphore(%arg24 : memref<!tpu.dma_semaphore, #tpu.memory_space<semaphore_mem>>)
      %dma_start3A_185 = tpu.memref_slice %arg5[%mul3A_183] : memref<1000000xi32, #tpu.memory_space<hbm>> -> memref<4000xi32, #tpu.memory_space<hbm>>
      %dma_start3A_186 = tpu.memref_slice %arg5[%mul3A_183] : memref<1000000xi32, #tpu.memory_space<hbm>> -> memref<4000xi32, #tpu.memory_space<hbm>>
      tpu.enqueue_dma source(%dma_start3A_186 : memref<4000xi32, #tpu.memory_space<hbm>>) target(%arg9 : memref<4000xi32, #tpu.memory_space<vmem>>) target_semaphore(%arg24 : memref<!tpu.dma_semaphore, #tpu.memory_space<semaphore_mem>>)
      %dma_start3A_187 = tpu.memref_slice %arg6[%mul3A_183] : memref<1000000xi32, #tpu.memory_space<hbm>> -> memref<4000xi32, #tpu.memory_space<hbm>>
      %dma_start3A_188 = tpu.memref_slice %arg6[%mul3A_183] : memref<1000000xi32, #tpu.memory_space<hbm>> -> memref<4000xi32, #tpu.memory_space<hbm>>
      tpu.enqueue_dma source(%dma_start3A_188 : memref<4000xi32, #tpu.memory_space<hbm>>) target(%arg10 : memref<4000xi32, #tpu.memory_space<vmem>>) target_semaphore(%arg24 : memref<!tpu.dma_semaphore, #tpu.memory_space<semaphore_mem>>)
    } else {
    }
    %add3A_117 = arith.constant 128 : i32
    %add3A_118 = arith.addi %add3A, %add3A_117 : i32
    %lt3A_119 = arith.constant 250 : i32
    %lt3A_120 = arith.cmpi slt, %add3A_118, %lt3A_119 : i32
    %convert_element_type3A_121 = arith.extui %lt3A_120 : i1 to i32
    %cond3A_122 = arith.constant 0 : i32
    %cond3A_123 = arith.cmpi ne, %convert_element_type3A_121, %cond3A_122 : i32
    scf.if %cond3A_123 {
      %add3A_180 = arith.constant 128 : i32
      %add3A_181 = arith.addi %add3A, %add3A_180 : i32
      %mul3A_182 = arith.constant 4000 : i32
      %mul3A_183 = arith.muli %add3A_181, %mul3A_182 : i32
      %dma_wait3A = arith.constant 0 : i32
      %dma_wait3A_184 = tpu.memref_slice %arg2[%dma_wait3A] : memref<12800000xf32, #tpu.memory_space<hbm>> -> memref<12800000xf32, #tpu.memory_space<hbm>>
      tpu.wait_indirect_dma semaphore(%arg25 : memref<!tpu.dma_semaphore, #tpu.memory_space<semaphore_mem>>) src(%dma_wait3A_184 : memref<12800000xf32, #tpu.memory_space<hbm>>) dst(%arg18 : memref<4000xf32, #tpu.memory_space<vmem>>)
      %dma_wait3A_185 = arith.constant 0 : i32
      %dma_wait3A_186 = tpu.memref_slice %arg3[%dma_wait3A_185] : memref<1000000xf32, #tpu.memory_space<hbm>> -> memref<1000000xf32, #tpu.memory_space<hbm>>
      tpu.wait_indirect_dma semaphore(%arg25 : memref<!tpu.dma_semaphore, #tpu.memory_space<semaphore_mem>>) src(%dma_wait3A_186 : memref<1000000xf32, #tpu.memory_space<hbm>>) dst(%arg20 : memref<4000xf32, #tpu.memory_space<vmem>>)
      %add3A_187 = arith.constant 64 : i32
      %add3A_188 = arith.addi %add3A, %add3A_187 : i32
      %mul3A_189 = arith.constant 4000 : i32
      %mul3A_190 = arith.muli %add3A_188, %mul3A_189 : i32
      %dma_wait3A_191 = tpu.memref_slice %arg7[%mul3A_190] : memref<1000000xf32, #tpu.memory_space<hbm>> -> memref<4000xf32, #tpu.memory_space<hbm>>
      %dma_wait3A_192 = tpu.memref_slice %arg7[%mul3A_190] : memref<1000000xf32, #tpu.memory_space<hbm>> -> memref<4000xf32, #tpu.memory_space<hbm>>
      tpu.wait_dma2 semaphore(%arg27 : memref<!tpu.dma_semaphore, #tpu.memory_space<semaphore_mem>>) src(%arg22 : memref<4000xf32, #tpu.memory_space<vmem>>) dst(%dma_wait3A_192 : memref<4000xf32, #tpu.memory_space<hbm>>)
      %scan3A = arith.constant 0 : i32
      %scan3A_193 = arith.constant 0 : i32
      %scan3A_194 = arith.constant 50 : i32
      %scan3A_195 = arith.addi %scan3A_193, %scan3A_194 : i32
      %scan3A_196 = arith.constant 1 : i32
      scf.for %scan3A_199 = %scan3A_193 to %scan3A_195 step %scan3A_196  : i32 {
        %mul3A_200 = arith.constant 80 : i32
        %mul3A_201 = arith.muli %scan3A_199, %mul3A_200 : i32
        %add3A_202 = arith.constant 0 : i32
        %add3A_203 = arith.addi %mul3A_201, %add3A_202 : i32
        %get3A = arith.index_cast %add3A_203 : i32 to index
        %get3A_204 = tpu.vector_load %arg18[%get3A] {strides = array<i32>} : memref<4000xf32, #tpu.memory_space<vmem>>, vector<16xf32>,
        %get3A_205 = vector.shape_cast %get3A_204 : vector<16xf32> to vector<16xf32>
        %get3A_206 = arith.index_cast %add3A_203 : i32 to index
        %get3A_207 = tpu.vector_load %arg20[%get3A_206] {strides = array<i32>} : memref<4000xf32, #tpu.memory_space<vmem>>, vector<16xf32>,
        %get3A_208 = vector.shape_cast %get3A_207 : vector<16xf32> to vector<16xf32>
        %sub3A = arith.constant 1.000000e+00 : f32
        %sub3A_209 = vector.broadcast %sub3A : f32 to vector<16xf32>
        %sub3A_210 = arith.subf %sub3A_209, %get3A_205 : vector<16xf32>
        %mul3A_211 = arith.constant 0.111111112 : f32
        %mul3A_212 = vector.broadcast %mul3A_211 : f32 to vector<16xf32>
        %mul3A_213 = arith.mulf %sub3A_210, %mul3A_212 : vector<16xf32>
        %mul3A_214 = arith.mulf %get3A_205, %get3A_208 : vector<16xf32>
        %sub3A_215 = arith.constant 1.000000e+00 : f32
        %sub3A_216 = vector.broadcast %sub3A_215 : f32 to vector<16xf32>
        %sub3A_217 = arith.subf %sub3A_216, %get3A_208 : vector<16xf32>
        %mul3A_218 = arith.mulf %mul3A_213, %sub3A_217 : vector<16xf32>
        %add3A_219 = arith.addf %mul3A_214, %mul3A_218 : vector<16xf32>
        %swap3A = arith.index_cast %add3A_203 : i32 to index
        %swap3A_220 = tpu.vector_load %arg22[%swap3A] {strides = array<i32>} : memref<4000xf32, #tpu.memory_space<vmem>>, vector<16xf32>,
        %swap3A_221 = vector.shape_cast %swap3A_220 : vector<16xf32> to vector<16xf32>
        %swap3A_222 = vector.shape_cast %add3A_219 : vector<16xf32> to vector<16xf32>
        tpu.vector_store %arg22[%swap3A], %swap3A_222 {strides = array<i32>} : memref<4000xf32, #tpu.memory_space<vmem>>, vector<16xf32>,
        %add3A_223 = arith.constant 16 : i32
        %add3A_224 = arith.addi %mul3A_201, %add3A_223 : i32
        %get3A_225 = arith.index_cast %add3A_224 : i32 to index
        %get3A_226 = tpu.vector_load %arg18[%get3A_225] {strides = array<i32>} : memref<4000xf32, #tpu.memory_space<vmem>>, vector<16xf32>,
        %get3A_227 = vector.shape_cast %get3A_226 : vector<16xf32> to vector<16xf32>
        %get3A_228 = arith.index_cast %add3A_224 : i32 to index
        %get3A_229 = tpu.vector_load %arg20[%get3A_228] {strides = array<i32>} : memref<4000xf32, #tpu.memory_space<vmem>>, vector<16xf32>,
        %get3A_230 = vector.shape_cast %get3A_229 : vector<16xf32> to vector<16xf32>
        %sub3A_231 = arith.constant 1.000000e+00 : f32
        %sub3A_232 = vector.broadcast %sub3A_231 : f32 to vector<16xf32>
        %sub3A_233 = arith.subf %sub3A_232, %get3A_227 : vector<16xf32>
        %mul3A_234 = arith.constant 0.111111112 : f32
        %mul3A_235 = vector.broadcast %mul3A_234 : f32 to vector<16xf32>
        %mul3A_236 = arith.mulf %sub3A_233, %mul3A_235 : vector<16xf32>
        %mul3A_237 = arith.mulf %get3A_227, %get3A_230 : vector<16xf32>
        %sub3A_238 = arith.constant 1.000000e+00 : f32
        %sub3A_239 = vector.broadcast %sub3A_238 : f32 to vector<16xf32>
        %sub3A_240 = arith.subf %sub3A_239, %get3A_230 : vector<16xf32>
        %mul3A_241 = arith.mulf %mul3A_236, %sub3A_240 : vector<16xf32>
        %add3A_242 = arith.addf %mul3A_237, %mul3A_241 : vector<16xf32>
        %swap3A_243 = arith.index_cast %add3A_224 : i32 to index
        %swap3A_244 = tpu.vector_load %arg22[%swap3A_243] {strides = array<i32>} : memref<4000xf32, #tpu.memory_space<vmem>>, vector<16xf32>,
        %swap3A_245 = vector.shape_cast %swap3A_244 : vector<16xf32> to vector<16xf32>
        %swap3A_246 = vector.shape_cast %add3A_242 : vector<16xf32> to vector<16xf32>
        tpu.vector_store %arg22[%swap3A_243], %swap3A_246 {strides = array<i32>} : memref<4000xf32, #tpu.memory_space<vmem>>, vector<16xf32>,
        %add3A_247 = arith.constant 32 : i32
        %add3A_248 = arith.addi %mul3A_201, %add3A_247 : i32
        %get3A_249 = arith.index_cast %add3A_248 : i32 to index
        %get3A_250 = tpu.vector_load %arg18[%get3A_249] {strides = array<i32>} : memref<4000xf32, #tpu.memory_space<vmem>>, vector<16xf32>,
        %get3A_251 = vector.shape_cast %get3A_250 : vector<16xf32> to vector<16xf32>
        %get3A_252 = arith.index_cast %add3A_248 : i32 to index
        %get3A_253 = tpu.vector_load %arg20[%get3A_252] {strides = array<i32>} : memref<4000xf32, #tpu.memory_space<vmem>>, vector<16xf32>,
        %get3A_254 = vector.shape_cast %get3A_253 : vector<16xf32> to vector<16xf32>
        %sub3A_255 = arith.constant 1.000000e+00 : f32
        %sub3A_256 = vector.broadcast %sub3A_255 : f32 to vector<16xf32>
        %sub3A_257 = arith.subf %sub3A_256, %get3A_251 : vector<16xf32>
        %mul3A_258 = arith.constant 0.111111112 : f32
        %mul3A_259 = vector.broadcast %mul3A_258 : f32 to vector<16xf32>
        %mul3A_260 = arith.mulf %sub3A_257, %mul3A_259 : vector<16xf32>
        %mul3A_261 = arith.mulf %get3A_251, %get3A_254 : vector<16xf32>
        %sub3A_262 = arith.constant 1.000000e+00 : f32
        %sub3A_263 = vector.broadcast %sub3A_262 : f32 to vector<16xf32>
        %sub3A_264 = arith.subf %sub3A_263, %get3A_254 : vector<16xf32>
        %mul3A_265 = arith.mulf %mul3A_260, %sub3A_264 : vector<16xf32>
        %add3A_266 = arith.addf %mul3A_261, %mul3A_265 : vector<16xf32>
        %swap3A_267 = arith.index_cast %add3A_248 : i32 to index
        %swap3A_268 = tpu.vector_load %arg22[%swap3A_267] {strides = array<i32>} : memref<4000xf32, #tpu.memory_space<vmem>>, vector<16xf32>,
        %swap3A_269 = vector.shape_cast %swap3A_268 : vector<16xf32> to vector<16xf32>
        %swap3A_270 = vector.shape_cast %add3A_266 : vector<16xf32> to vector<16xf32>
        tpu.vector_store %arg22[%swap3A_267], %swap3A_270 {strides = array<i32>} : memref<4000xf32, #tpu.memory_space<vmem>>, vector<16xf32>,
        %add3A_271 = arith.constant 48 : i32
        %add3A_272 = arith.addi %mul3A_201, %add3A_271 : i32
        %get3A_273 = arith.index_cast %add3A_272 : i32 to index
        %get3A_274 = tpu.vector_load %arg18[%get3A_273] {strides = array<i32>} : memref<4000xf32, #tpu.memory_space<vmem>>, vector<16xf32>,
        %get3A_275 = vector.shape_cast %get3A_274 : vector<16xf32> to vector<16xf32>
        %get3A_276 = arith.index_cast %add3A_272 : i32 to index
        %get3A_277 = tpu.vector_load %arg20[%get3A_276] {strides = array<i32>} : memref<4000xf32, #tpu.memory_space<vmem>>, vector<16xf32>,
        %get3A_278 = vector.shape_cast %get3A_277 : vector<16xf32> to vector<16xf32>
        %sub3A_279 = arith.constant 1.000000e+00 : f32
        %sub3A_280 = vector.broadcast %sub3A_279 : f32 to vector<16xf32>
        %sub3A_281 = arith.subf %sub3A_280, %get3A_275 : vector<16xf32>
        %mul3A_282 = arith.constant 0.111111112 : f32
        %mul3A_283 = vector.broadcast %mul3A_282 : f32 to vector<16xf32>
        %mul3A_284 = arith.mulf %sub3A_281, %mul3A_283 : vector<16xf32>
        %mul3A_285 = arith.mulf %get3A_275, %get3A_278 : vector<16xf32>
        %sub3A_286 = arith.constant 1.000000e+00 : f32
        %sub3A_287 = vector.broadcast %sub3A_286 : f32 to vector<16xf32>
        %sub3A_288 = arith.subf %sub3A_287, %get3A_278 : vector<16xf32>
        %mul3A_289 = arith.mulf %mul3A_284, %sub3A_288 : vector<16xf32>
        %add3A_290 = arith.addf %mul3A_285, %mul3A_289 : vector<16xf32>
        %swap3A_291 = arith.index_cast %add3A_272 : i32 to index
        %swap3A_292 = tpu.vector_load %arg22[%swap3A_291] {strides = array<i32>} : memref<4000xf32, #tpu.memory_space<vmem>>, vector<16xf32>,
        %swap3A_293 = vector.shape_cast %swap3A_292 : vector<16xf32> to vector<16xf32>
        %swap3A_294 = vector.shape_cast %add3A_290 : vector<16xf32> to vector<16xf32>
        tpu.vector_store %arg22[%swap3A_291], %swap3A_294 {strides = array<i32>} : memref<4000xf32, #tpu.memory_space<vmem>>, vector<16xf32>,
        %add3A_295 = arith.constant 64 : i32
        %add3A_296 = arith.addi %mul3A_201, %add3A_295 : i32
        %get3A_297 = arith.index_cast %add3A_296 : i32 to index
        %get3A_298 = tpu.vector_load %arg18[%get3A_297] {strides = array<i32>} : memref<4000xf32, #tpu.memory_space<vmem>>, vector<16xf32>,
        %get3A_299 = vector.shape_cast %get3A_298 : vector<16xf32> to vector<16xf32>
        %get3A_300 = arith.index_cast %add3A_296 : i32 to index
        %get3A_301 = tpu.vector_load %arg20[%get3A_300] {strides = array<i32>} : memref<4000xf32, #tpu.memory_space<vmem>>, vector<16xf32>,
        %get3A_302 = vector.shape_cast %get3A_301 : vector<16xf32> to vector<16xf32>
        %sub3A_303 = arith.constant 1.000000e+00 : f32
        %sub3A_304 = vector.broadcast %sub3A_303 : f32 to vector<16xf32>
        %sub3A_305 = arith.subf %sub3A_304, %get3A_299 : vector<16xf32>
        %mul3A_306 = arith.constant 0.111111112 : f32
        %mul3A_307 = vector.broadcast %mul3A_306 : f32 to vector<16xf32>
        %mul3A_308 = arith.mulf %sub3A_305, %mul3A_307 : vector<16xf32>
        %mul3A_309 = arith.mulf %get3A_299, %get3A_302 : vector<16xf32>
        %sub3A_310 = arith.constant 1.000000e+00 : f32
        %sub3A_311 = vector.broadcast %sub3A_310 : f32 to vector<16xf32>
        %sub3A_312 = arith.subf %sub3A_311, %get3A_302 : vector<16xf32>
        %mul3A_313 = arith.mulf %mul3A_308, %sub3A_312 : vector<16xf32>
        %add3A_314 = arith.addf %mul3A_309, %mul3A_313 : vector<16xf32>
        %swap3A_315 = arith.index_cast %add3A_296 : i32 to index
        %swap3A_316 = tpu.vector_load %arg22[%swap3A_315] {strides = array<i32>} : memref<4000xf32, #tpu.memory_space<vmem>>, vector<16xf32>,
        %swap3A_317 = vector.shape_cast %swap3A_316 : vector<16xf32> to vector<16xf32>
        %swap3A_318 = vector.shape_cast %add3A_314 : vector<16xf32> to vector<16xf32>
        tpu.vector_store %arg22[%swap3A_315], %swap3A_318 {strides = array<i32>} : memref<4000xf32, #tpu.memory_space<vmem>>, vector<16xf32>,
      }
      %scan3A_197 = arith.constant 50 : i32
      %dma_start3A = tpu.memref_slice %arg7[%mul3A_183] : memref<1000000xf32, #tpu.memory_space<hbm>> -> memref<4000xf32, #tpu.memory_space<hbm>>
      %dma_start3A_198 = tpu.memref_slice %arg7[%mul3A_183] : memref<1000000xf32, #tpu.memory_space<hbm>> -> memref<4000xf32, #tpu.memory_space<hbm>>
      tpu.enqueue_dma source(%arg22 : memref<4000xf32, #tpu.memory_space<vmem>>) target(%dma_start3A_198 : memref<4000xf32, #tpu.memory_space<hbm>>) target_semaphore(%arg27 : memref<!tpu.dma_semaphore, #tpu.memory_space<semaphore_mem>>)
    } else {
    }
    %add3A_124 = arith.constant 192 : i32
    %add3A_125 = arith.addi %add3A, %add3A_124 : i32
    %lt3A_126 = arith.constant 250 : i32
    %lt3A_127 = arith.cmpi slt, %add3A_125, %lt3A_126 : i32
    %convert_element_type3A_128 = arith.extui %lt3A_127 : i1 to i32
    %cond3A_129 = arith.constant 0 : i32
    %cond3A_130 = arith.cmpi ne, %convert_element_type3A_128, %cond3A_129 : i32
    scf.if %cond3A_130 {
      %add3A_180 = arith.constant 192 : i32
      %add3A_181 = arith.addi %add3A, %add3A_180 : i32
      %mul3A_182 = arith.constant 4000 : i32
      %mul3A_183 = arith.muli %add3A_181, %mul3A_182 : i32
      %dma_wait3A = tpu.memref_slice %arg4[%mul3A_183] : memref<1000000xi32, #tpu.memory_space<hbm>> -> memref<4000xi32, #tpu.memory_space<hbm>>
      %dma_wait3A_184 = tpu.memref_slice %arg4[%mul3A_183] : memref<1000000xi32, #tpu.memory_space<hbm>> -> memref<4000xi32, #tpu.memory_space<hbm>>
      tpu.wait_dma2 semaphore(%arg24 : memref<!tpu.dma_semaphore, #tpu.memory_space<semaphore_mem>>) src(%dma_wait3A_184 : memref<4000xi32, #tpu.memory_space<hbm>>) dst(%arg8 : memref<4000xi32, #tpu.memory_space<vmem>>)
      %dma_wait3A_185 = tpu.memref_slice %arg5[%mul3A_183] : memref<1000000xi32, #tpu.memory_space<hbm>> -> memref<4000xi32, #tpu.memory_space<hbm>>
      %dma_wait3A_186 = tpu.memref_slice %arg5[%mul3A_183] : memref<1000000xi32, #tpu.memory_space<hbm>> -> memref<4000xi32, #tpu.memory_space<hbm>>
      tpu.wait_dma2 semaphore(%arg24 : memref<!tpu.dma_semaphore, #tpu.memory_space<semaphore_mem>>) src(%dma_wait3A_186 : memref<4000xi32, #tpu.memory_space<hbm>>) dst(%arg9 : memref<4000xi32, #tpu.memory_space<vmem>>)
      %dma_wait3A_187 = tpu.memref_slice %arg6[%mul3A_183] : memref<1000000xi32, #tpu.memory_space<hbm>> -> memref<4000xi32, #tpu.memory_space<hbm>>
      %dma_wait3A_188 = tpu.memref_slice %arg6[%mul3A_183] : memref<1000000xi32, #tpu.memory_space<hbm>> -> memref<4000xi32, #tpu.memory_space<hbm>>
      tpu.wait_dma2 semaphore(%arg24 : memref<!tpu.dma_semaphore, #tpu.memory_space<semaphore_mem>>) src(%dma_wait3A_188 : memref<4000xi32, #tpu.memory_space<hbm>>) dst(%arg10 : memref<4000xi32, #tpu.memory_space<vmem>>)
      %scan3A = arith.constant 0 : i32
      %scan3A_189 = arith.constant 0 : i32
      %scan3A_190 = arith.constant 50 : i32
      %scan3A_191 = arith.addi %scan3A_189, %scan3A_190 : i32
      %scan3A_192 = arith.constant 1 : i32
      scf.for %scan3A_197 = %scan3A_189 to %scan3A_191 step %scan3A_192  : i32 {
        %mul3A_198 = arith.constant 80 : i32
        %mul3A_199 = arith.muli %scan3A_197, %mul3A_198 : i32
        %add3A_200 = arith.constant 0 : i32
        %add3A_201 = arith.addi %mul3A_199, %add3A_200 : i32
        %get3A = arith.index_cast %add3A_201 : i32 to index
        %get3A_202 = tpu.vector_load %arg9[%get3A] {strides = array<i32>} : memref<4000xi32, #tpu.memory_space<vmem>>, vector<16xi32>,
        %get3A_203 = vector.shape_cast %get3A_202 : vector<16xi32> to vector<16xi32>
        %mul3A_204 = arith.constant 10 : i32
        %mul3A_205 = vector.broadcast %mul3A_204 : i32 to vector<16xi32>
        %mul3A_206 = arith.muli %get3A_203, %mul3A_205 : vector<16xi32>
        %get3A_207 = arith.index_cast %add3A_201 : i32 to index
        %get3A_208 = tpu.vector_load %arg10[%get3A_207] {strides = array<i32>} : memref<4000xi32, #tpu.memory_space<vmem>>, vector<16xi32>,
        %get3A_209 = vector.shape_cast %get3A_208 : vector<16xi32> to vector<16xi32>
        %add3A_210 = arith.addi %mul3A_206, %get3A_209 : vector<16xi32>
        %swap3A = arith.index_cast %add3A_201 : i32 to index
        %swap3A_211 = tpu.vector_load %arg14[%swap3A] {strides = array<i32>} : memref<4000xi32, #tpu.memory_space<vmem>>, vector<16xi32>,
        %swap3A_212 = vector.shape_cast %swap3A_211 : vector<16xi32> to vector<16xi32>
        %swap3A_213 = vector.shape_cast %add3A_210 : vector<16xi32> to vector<16xi32>
        tpu.vector_store %arg14[%swap3A], %swap3A_213 {strides = array<i32>} : memref<4000xi32, #tpu.memory_space<vmem>>, vector<16xi32>,
        %get3A_214 = arith.index_cast %add3A_201 : i32 to index
        %get3A_215 = tpu.vector_load %arg8[%get3A_214] {strides = array<i32>} : memref<4000xi32, #tpu.memory_space<vmem>>, vector<16xi32>,
        %get3A_216 = vector.shape_cast %get3A_215 : vector<16xi32> to vector<16xi32>
        %mul3A_217 = arith.constant 128 : i32
        %mul3A_218 = vector.broadcast %mul3A_217 : i32 to vector<16xi32>
        %mul3A_219 = arith.muli %get3A_216, %mul3A_218 : vector<16xi32>
        %swap3A_220 = arith.index_cast %add3A_201 : i32 to index
        %swap3A_221 = tpu.vector_load %arg16[%swap3A_220] {strides = array<i32>} : memref<4000xi32, #tpu.memory_space<vmem>>, vector<16xi32>,
        %swap3A_222 = vector.shape_cast %swap3A_221 : vector<16xi32> to vector<16xi32>
        %swap3A_223 = vector.shape_cast %mul3A_219 : vector<16xi32> to vector<16xi32>
        tpu.vector_store %arg16[%swap3A_220], %swap3A_223 {strides = array<i32>} : memref<4000xi32, #tpu.memory_space<vmem>>, vector<16xi32>,
        %add3A_224 = arith.constant 16 : i32
        %add3A_225 = arith.addi %mul3A_199, %add3A_224 : i32
        %get3A_226 = arith.index_cast %add3A_225 : i32 to index
        %get3A_227 = tpu.vector_load %arg9[%get3A_226] {strides = array<i32>} : memref<4000xi32, #tpu.memory_space<vmem>>, vector<16xi32>,
        %get3A_228 = vector.shape_cast %get3A_227 : vector<16xi32> to vector<16xi32>
        %mul3A_229 = arith.constant 10 : i32
        %mul3A_230 = vector.broadcast %mul3A_229 : i32 to vector<16xi32>
        %mul3A_231 = arith.muli %get3A_228, %mul3A_230 : vector<16xi32>
        %get3A_232 = arith.index_cast %add3A_225 : i32 to index
        %get3A_233 = tpu.vector_load %arg10[%get3A_232] {strides = array<i32>} : memref<4000xi32, #tpu.memory_space<vmem>>, vector<16xi32>,
        %get3A_234 = vector.shape_cast %get3A_233 : vector<16xi32> to vector<16xi32>
        %add3A_235 = arith.addi %mul3A_231, %get3A_234 : vector<16xi32>
        %swap3A_236 = arith.index_cast %add3A_225 : i32 to index
        %swap3A_237 = tpu.vector_load %arg14[%swap3A_236] {strides = array<i32>} : memref<4000xi32, #tpu.memory_space<vmem>>, vector<16xi32>,
        %swap3A_238 = vector.shape_cast %swap3A_237 : vector<16xi32> to vector<16xi32>
        %swap3A_239 = vector.shape_cast %add3A_235 : vector<16xi32> to vector<16xi32>
        tpu.vector_store %arg14[%swap3A_236], %swap3A_239 {strides = array<i32>} : memref<4000xi32, #tpu.memory_space<vmem>>, vector<16xi32>,
        %get3A_240 = arith.index_cast %add3A_225 : i32 to index
        %get3A_241 = tpu.vector_load %arg8[%get3A_240] {strides = array<i32>} : memref<4000xi32, #tpu.memory_space<vmem>>, vector<16xi32>,
        %get3A_242 = vector.shape_cast %get3A_241 : vector<16xi32> to vector<16xi32>
        %mul3A_243 = arith.constant 128 : i32
        %mul3A_244 = vector.broadcast %mul3A_243 : i32 to vector<16xi32>
        %mul3A_245 = arith.muli %get3A_242, %mul3A_244 : vector<16xi32>
        %swap3A_246 = arith.index_cast %add3A_225 : i32 to index
        %swap3A_247 = tpu.vector_load %arg16[%swap3A_246] {strides = array<i32>} : memref<4000xi32, #tpu.memory_space<vmem>>, vector<16xi32>,
        %swap3A_248 = vector.shape_cast %swap3A_247 : vector<16xi32> to vector<16xi32>
        %swap3A_249 = vector.shape_cast %mul3A_245 : vector<16xi32> to vector<16xi32>
        tpu.vector_store %arg16[%swap3A_246], %swap3A_249 {strides = array<i32>} : memref<4000xi32, #tpu.memory_space<vmem>>, vector<16xi32>,
        %add3A_250 = arith.constant 32 : i32
        %add3A_251 = arith.addi %mul3A_199, %add3A_250 : i32
        %get3A_252 = arith.index_cast %add3A_251 : i32 to index
        %get3A_253 = tpu.vector_load %arg9[%get3A_252] {strides = array<i32>} : memref<4000xi32, #tpu.memory_space<vmem>>, vector<16xi32>,
        %get3A_254 = vector.shape_cast %get3A_253 : vector<16xi32> to vector<16xi32>
        %mul3A_255 = arith.constant 10 : i32
        %mul3A_256 = vector.broadcast %mul3A_255 : i32 to vector<16xi32>
        %mul3A_257 = arith.muli %get3A_254, %mul3A_256 : vector<16xi32>
        %get3A_258 = arith.index_cast %add3A_251 : i32 to index
        %get3A_259 = tpu.vector_load %arg10[%get3A_258] {strides = array<i32>} : memref<4000xi32, #tpu.memory_space<vmem>>, vector<16xi32>,
        %get3A_260 = vector.shape_cast %get3A_259 : vector<16xi32> to vector<16xi32>
        %add3A_261 = arith.addi %mul3A_257, %get3A_260 : vector<16xi32>
        %swap3A_262 = arith.index_cast %add3A_251 : i32 to index
        %swap3A_263 = tpu.vector_load %arg14[%swap3A_262] {strides = array<i32>} : memref<4000xi32, #tpu.memory_space<vmem>>, vector<16xi32>,
        %swap3A_264 = vector.shape_cast %swap3A_263 : vector<16xi32> to vector<16xi32>
        %swap3A_265 = vector.shape_cast %add3A_261 : vector<16xi32> to vector<16xi32>
        tpu.vector_store %arg14[%swap3A_262], %swap3A_265 {strides = array<i32>} : memref<4000xi32, #tpu.memory_space<vmem>>, vector<16xi32>,
        %get3A_266 = arith.index_cast %add3A_251 : i32 to index
        %get3A_267 = tpu.vector_load %arg8[%get3A_266] {strides = array<i32>} : memref<4000xi32, #tpu.memory_space<vmem>>, vector<16xi32>,
        %get3A_268 = vector.shape_cast %get3A_267 : vector<16xi32> to vector<16xi32>
        %mul3A_269 = arith.constant 128 : i32
        %mul3A_270 = vector.broadcast %mul3A_269 : i32 to vector<16xi32>
        %mul3A_271 = arith.muli %get3A_268, %mul3A_270 : vector<16xi32>
        %swap3A_272 = arith.index_cast %add3A_251 : i32 to index
        %swap3A_273 = tpu.vector_load %arg16[%swap3A_272] {strides = array<i32>} : memref<4000xi32, #tpu.memory_space<vmem>>, vector<16xi32>,
        %swap3A_274 = vector.shape_cast %swap3A_273 : vector<16xi32> to vector<16xi32>
        %swap3A_275 = vector.shape_cast %mul3A_271 : vector<16xi32> to vector<16xi32>
        tpu.vector_store %arg16[%swap3A_272], %swap3A_275 {strides = array<i32>} : memref<4000xi32, #tpu.memory_space<vmem>>, vector<16xi32>,
        %add3A_276 = arith.constant 48 : i32
        %add3A_277 = arith.addi %mul3A_199, %add3A_276 : i32
        %get3A_278 = arith.index_cast %add3A_277 : i32 to index
        %get3A_279 = tpu.vector_load %arg9[%get3A_278] {strides = array<i32>} : memref<4000xi32, #tpu.memory_space<vmem>>, vector<16xi32>,
        %get3A_280 = vector.shape_cast %get3A_279 : vector<16xi32> to vector<16xi32>
        %mul3A_281 = arith.constant 10 : i32
        %mul3A_282 = vector.broadcast %mul3A_281 : i32 to vector<16xi32>
        %mul3A_283 = arith.muli %get3A_280, %mul3A_282 : vector<16xi32>
        %get3A_284 = arith.index_cast %add3A_277 : i32 to index
        %get3A_285 = tpu.vector_load %arg10[%get3A_284] {strides = array<i32>} : memref<4000xi32, #tpu.memory_space<vmem>>, vector<16xi32>,
        %get3A_286 = vector.shape_cast %get3A_285 : vector<16xi32> to vector<16xi32>
        %add3A_287 = arith.addi %mul3A_283, %get3A_286 : vector<16xi32>
        %swap3A_288 = arith.index_cast %add3A_277 : i32 to index
        %swap3A_289 = tpu.vector_load %arg14[%swap3A_288] {strides = array<i32>} : memref<4000xi32, #tpu.memory_space<vmem>>, vector<16xi32>,
        %swap3A_290 = vector.shape_cast %swap3A_289 : vector<16xi32> to vector<16xi32>
        %swap3A_291 = vector.shape_cast %add3A_287 : vector<16xi32> to vector<16xi32>
        tpu.vector_store %arg14[%swap3A_288], %swap3A_291 {strides = array<i32>} : memref<4000xi32, #tpu.memory_space<vmem>>, vector<16xi32>,
        %get3A_292 = arith.index_cast %add3A_277 : i32 to index
        %get3A_293 = tpu.vector_load %arg8[%get3A_292] {strides = array<i32>} : memref<4000xi32, #tpu.memory_space<vmem>>, vector<16xi32>,
        %get3A_294 = vector.shape_cast %get3A_293 : vector<16xi32> to vector<16xi32>
        %mul3A_295 = arith.constant 128 : i32
        %mul3A_296 = vector.broadcast %mul3A_295 : i32 to vector<16xi32>
        %mul3A_297 = arith.muli %get3A_294, %mul3A_296 : vector<16xi32>
        %swap3A_298 = arith.index_cast %add3A_277 : i32 to index
        %swap3A_299 = tpu.vector_load %arg16[%swap3A_298] {strides = array<i32>} : memref<4000xi32, #tpu.memory_space<vmem>>, vector<16xi32>,
        %swap3A_300 = vector.shape_cast %swap3A_299 : vector<16xi32> to vector<16xi32>
        %swap3A_301 = vector.shape_cast %mul3A_297 : vector<16xi32> to vector<16xi32>
        tpu.vector_store %arg16[%swap3A_298], %swap3A_301 {strides = array<i32>} : memref<4000xi32, #tpu.memory_space<vmem>>, vector<16xi32>,
        %add3A_302 = arith.constant 64 : i32
        %add3A_303 = arith.addi %mul3A_199, %add3A_302 : i32
        %get3A_304 = arith.index_cast %add3A_303 : i32 to index
        %get3A_305 = tpu.vector_load %arg9[%get3A_304] {strides = array<i32>} : memref<4000xi32, #tpu.memory_space<vmem>>, vector<16xi32>,
        %get3A_306 = vector.shape_cast %get3A_305 : vector<16xi32> to vector<16xi32>
        %mul3A_307 = arith.constant 10 : i32
        %mul3A_308 = vector.broadcast %mul3A_307 : i32 to vector<16xi32>
        %mul3A_309 = arith.muli %get3A_306, %mul3A_308 : vector<16xi32>
        %get3A_310 = arith.index_cast %add3A_303 : i32 to index
        %get3A_311 = tpu.vector_load %arg10[%get3A_310] {strides = array<i32>} : memref<4000xi32, #tpu.memory_space<vmem>>, vector<16xi32>,
        %get3A_312 = vector.shape_cast %get3A_311 : vector<16xi32> to vector<16xi32>
        %add3A_313 = arith.addi %mul3A_309, %get3A_312 : vector<16xi32>
        %swap3A_314 = arith.index_cast %add3A_303 : i32 to index
        %swap3A_315 = tpu.vector_load %arg14[%swap3A_314] {strides = array<i32>} : memref<4000xi32, #tpu.memory_space<vmem>>, vector<16xi32>,
        %swap3A_316 = vector.shape_cast %swap3A_315 : vector<16xi32> to vector<16xi32>
        %swap3A_317 = vector.shape_cast %add3A_313 : vector<16xi32> to vector<16xi32>
        tpu.vector_store %arg14[%swap3A_314], %swap3A_317 {strides = array<i32>} : memref<4000xi32, #tpu.memory_space<vmem>>, vector<16xi32>,
        %get3A_318 = arith.index_cast %add3A_303 : i32 to index
        %get3A_319 = tpu.vector_load %arg8[%get3A_318] {strides = array<i32>} : memref<4000xi32, #tpu.memory_space<vmem>>, vector<16xi32>,
        %get3A_320 = vector.shape_cast %get3A_319 : vector<16xi32> to vector<16xi32>
        %mul3A_321 = arith.constant 128 : i32
        %mul3A_322 = vector.broadcast %mul3A_321 : i32 to vector<16xi32>
        %mul3A_323 = arith.muli %get3A_320, %mul3A_322 : vector<16xi32>
        %swap3A_324 = arith.index_cast %add3A_303 : i32 to index
        %swap3A_325 = tpu.vector_load %arg16[%swap3A_324] {strides = array<i32>} : memref<4000xi32, #tpu.memory_space<vmem>>, vector<16xi32>,
        %swap3A_326 = vector.shape_cast %swap3A_325 : vector<16xi32> to vector<16xi32>
        %swap3A_327 = vector.shape_cast %mul3A_323 : vector<16xi32> to vector<16xi32>
        tpu.vector_store %arg16[%swap3A_324], %swap3A_327 {strides = array<i32>} : memref<4000xi32, #tpu.memory_space<vmem>>, vector<16xi32>,
      }
      %scan3A_193 = arith.constant 50 : i32
      %dma_start3A = arith.constant 0 : i32
      %dma_start3A_194 = tpu.memref_slice %arg2[%dma_start3A] : memref<12800000xf32, #tpu.memory_space<hbm>> -> memref<12800000xf32, #tpu.memory_space<hbm>>
      tpu.enqueue_indirect_dma source(%dma_start3A_194 : memref<12800000xf32, #tpu.memory_space<hbm>>) target(%arg18 : memref<4000xf32, #tpu.memory_space<vmem>>) offsets(%arg16 : memref<4000xi32, #tpu.memory_space<vmem>>) semaphore(%arg25 : memref<!tpu.dma_semaphore, #tpu.memory_space<semaphore_mem>>)
      %dma_start3A_195 = arith.constant 0 : i32
      %dma_start3A_196 = tpu.memref_slice %arg3[%dma_start3A_195] : memref<1000000xf32, #tpu.memory_space<hbm>> -> memref<1000000xf32, #tpu.memory_space<hbm>>
      tpu.enqueue_indirect_dma source(%dma_start3A_196 : memref<1000000xf32, #tpu.memory_space<hbm>>) target(%arg20 : memref<4000xf32, #tpu.memory_space<vmem>>) offsets(%arg14 : memref<4000xi32, #tpu.memory_space<vmem>>) semaphore(%arg25 : memref<!tpu.dma_semaphore, #tpu.memory_space<semaphore_mem>>)
    } else {
    }
    %add3A_131 = arith.constant 224 : i32
    %add3A_132 = arith.addi %add3A, %add3A_131 : i32
    %lt3A_133 = arith.constant 250 : i32
    %lt3A_134 = arith.cmpi slt, %add3A_132, %lt3A_133 : i32
    %convert_element_type3A_135 = arith.extui %lt3A_134 : i1 to i32
    %cond3A_136 = arith.constant 0 : i32
    %cond3A_137 = arith.cmpi ne, %convert_element_type3A_135, %cond3A_136 : i32
    scf.if %cond3A_137 {
      %add3A_180 = arith.constant 224 : i32
      %add3A_181 = arith.addi %add3A, %add3A_180 : i32
      %mul3A_182 = arith.constant 4000 : i32
      %mul3A_183 = arith.muli %add3A_181, %mul3A_182 : i32
      %dma_start3A = tpu.memref_slice %arg4[%mul3A_183] : memref<1000000xi32, #tpu.memory_space<hbm>> -> memref<4000xi32, #tpu.memory_space<hbm>>
      %dma_start3A_184 = tpu.memref_slice %arg4[%mul3A_183] : memref<1000000xi32, #tpu.memory_space<hbm>> -> memref<4000xi32, #tpu.memory_space<hbm>>
      tpu.enqueue_dma source(%dma_start3A_184 : memref<4000xi32, #tpu.memory_space<hbm>>) target(%arg11 : memref<4000xi32, #tpu.memory_space<vmem>>) target_semaphore(%arg24 : memref<!tpu.dma_semaphore, #tpu.memory_space<semaphore_mem>>)
      %dma_start3A_185 = tpu.memref_slice %arg5[%mul3A_183] : memref<1000000xi32, #tpu.memory_space<hbm>> -> memref<4000xi32, #tpu.memory_space<hbm>>
      %dma_start3A_186 = tpu.memref_slice %arg5[%mul3A_183] : memref<1000000xi32, #tpu.memory_space<hbm>> -> memref<4000xi32, #tpu.memory_space<hbm>>
      tpu.enqueue_dma source(%dma_start3A_186 : memref<4000xi32, #tpu.memory_space<hbm>>) target(%arg12 : memref<4000xi32, #tpu.memory_space<vmem>>) target_semaphore(%arg24 : memref<!tpu.dma_semaphore, #tpu.memory_space<semaphore_mem>>)
      %dma_start3A_187 = tpu.memref_slice %arg6[%mul3A_183] : memref<1000000xi32, #tpu.memory_space<hbm>> -> memref<4000xi32, #tpu.memory_space<hbm>>
      %dma_start3A_188 = tpu.memref_slice %arg6[%mul3A_183] : memref<1000000xi32, #tpu.memory_space<hbm>> -> memref<4000xi32, #tpu.memory_space<hbm>>
      tpu.enqueue_dma source(%dma_start3A_188 : memref<4000xi32, #tpu.memory_space<hbm>>) target(%arg13 : memref<4000xi32, #tpu.memory_space<vmem>>) target_semaphore(%arg24 : memref<!tpu.dma_semaphore, #tpu.memory_space<semaphore_mem>>)
    } else {
    }
    %add3A_138 = arith.constant 160 : i32
    %add3A_139 = arith.addi %add3A, %add3A_138 : i32
    %lt3A_140 = arith.constant 250 : i32
    %lt3A_141 = arith.cmpi slt, %add3A_139, %lt3A_140 : i32
    %convert_element_type3A_142 = arith.extui %lt3A_141 : i1 to i32
    %cond3A_143 = arith.constant 0 : i32
    %cond3A_144 = arith.cmpi ne, %convert_element_type3A_142, %cond3A_143 : i32
    scf.if %cond3A_144 {
      %add3A_180 = arith.constant 160 : i32
      %add3A_181 = arith.addi %add3A, %add3A_180 : i32
      %mul3A_182 = arith.constant 4000 : i32
      %mul3A_183 = arith.muli %add3A_181, %mul3A_182 : i32
      %dma_wait3A = arith.constant 0 : i32
      %dma_wait3A_184 = tpu.memref_slice %arg2[%dma_wait3A] : memref<12800000xf32, #tpu.memory_space<hbm>> -> memref<12800000xf32, #tpu.memory_space<hbm>>
      tpu.wait_indirect_dma semaphore(%arg26 : memref<!tpu.dma_semaphore, #tpu.memory_space<semaphore_mem>>) src(%dma_wait3A_184 : memref<12800000xf32, #tpu.memory_space<hbm>>) dst(%arg19 : memref<4000xf32, #tpu.memory_space<vmem>>)
      %dma_wait3A_185 = arith.constant 0 : i32
      %dma_wait3A_186 = tpu.memref_slice %arg3[%dma_wait3A_185] : memref<1000000xf32, #tpu.memory_space<hbm>> -> memref<1000000xf32, #tpu.memory_space<hbm>>
      tpu.wait_indirect_dma semaphore(%arg26 : memref<!tpu.dma_semaphore, #tpu.memory_space<semaphore_mem>>) src(%dma_wait3A_186 : memref<1000000xf32, #tpu.memory_space<hbm>>) dst(%arg21 : memref<4000xf32, #tpu.memory_space<vmem>>)
      %add3A_187 = arith.constant 96 : i32
      %add3A_188 = arith.addi %add3A, %add3A_187 : i32
      %mul3A_189 = arith.constant 4000 : i32
      %mul3A_190 = arith.muli %add3A_188, %mul3A_189 : i32
      %dma_wait3A_191 = tpu.memref_slice %arg7[%mul3A_190] : memref<1000000xf32, #tpu.memory_space<hbm>> -> memref<4000xf32, #tpu.memory_space<hbm>>
      %dma_wait3A_192 = tpu.memref_slice %arg7[%mul3A_190] : memref<1000000xf32, #tpu.memory_space<hbm>> -> memref<4000xf32, #tpu.memory_space<hbm>>
      tpu.wait_dma2 semaphore(%arg28 : memref<!tpu.dma_semaphore, #tpu.memory_space<semaphore_mem>>) src(%arg23 : memref<4000xf32, #tpu.memory_space<vmem>>) dst(%dma_wait3A_192 : memref<4000xf32, #tpu.memory_space<hbm>>)
      %scan3A = arith.constant 0 : i32
      %scan3A_193 = arith.constant 0 : i32
      %scan3A_194 = arith.constant 50 : i32
      %scan3A_195 = arith.addi %scan3A_193, %scan3A_194 : i32
      %scan3A_196 = arith.constant 1 : i32
      scf.for %scan3A_199 = %scan3A_193 to %scan3A_195 step %scan3A_196  : i32 {
        %mul3A_200 = arith.constant 80 : i32
        %mul3A_201 = arith.muli %scan3A_199, %mul3A_200 : i32
        %add3A_202 = arith.constant 0 : i32
        %add3A_203 = arith.addi %mul3A_201, %add3A_202 : i32
        %get3A = arith.index_cast %add3A_203 : i32 to index
        %get3A_204 = tpu.vector_load %arg19[%get3A] {strides = array<i32>} : memref<4000xf32, #tpu.memory_space<vmem>>, vector<16xf32>,
        %get3A_205 = vector.shape_cast %get3A_204 : vector<16xf32> to vector<16xf32>
        %get3A_206 = arith.index_cast %add3A_203 : i32 to index
        %get3A_207 = tpu.vector_load %arg21[%get3A_206] {strides = array<i32>} : memref<4000xf32, #tpu.memory_space<vmem>>, vector<16xf32>,
        %get3A_208 = vector.shape_cast %get3A_207 : vector<16xf32> to vector<16xf32>
        %sub3A = arith.constant 1.000000e+00 : f32
        %sub3A_209 = vector.broadcast %sub3A : f32 to vector<16xf32>
        %sub3A_210 = arith.subf %sub3A_209, %get3A_205 : vector<16xf32>
        %mul3A_211 = arith.constant 0.111111112 : f32
        %mul3A_212 = vector.broadcast %mul3A_211 : f32 to vector<16xf32>
        %mul3A_213 = arith.mulf %sub3A_210, %mul3A_212 : vector<16xf32>
        %mul3A_214 = arith.mulf %get3A_205, %get3A_208 : vector<16xf32>
        %sub3A_215 = arith.constant 1.000000e+00 : f32
        %sub3A_216 = vector.broadcast %sub3A_215 : f32 to vector<16xf32>
        %sub3A_217 = arith.subf %sub3A_216, %get3A_208 : vector<16xf32>
        %mul3A_218 = arith.mulf %mul3A_213, %sub3A_217 : vector<16xf32>
        %add3A_219 = arith.addf %mul3A_214, %mul3A_218 : vector<16xf32>
        %swap3A = arith.index_cast %add3A_203 : i32 to index
        %swap3A_220 = tpu.vector_load %arg23[%swap3A] {strides = array<i32>} : memref<4000xf32, #tpu.memory_space<vmem>>, vector<16xf32>,
        %swap3A_221 = vector.shape_cast %swap3A_220 : vector<16xf32> to vector<16xf32>
        %swap3A_222 = vector.shape_cast %add3A_219 : vector<16xf32> to vector<16xf32>
        tpu.vector_store %arg23[%swap3A], %swap3A_222 {strides = array<i32>} : memref<4000xf32, #tpu.memory_space<vmem>>, vector<16xf32>,
        %add3A_223 = arith.constant 16 : i32
        %add3A_224 = arith.addi %mul3A_201, %add3A_223 : i32
        %get3A_225 = arith.index_cast %add3A_224 : i32 to index
        %get3A_226 = tpu.vector_load %arg19[%get3A_225] {strides = array<i32>} : memref<4000xf32, #tpu.memory_space<vmem>>, vector<16xf32>,
        %get3A_227 = vector.shape_cast %get3A_226 : vector<16xf32> to vector<16xf32>
        %get3A_228 = arith.index_cast %add3A_224 : i32 to index
        %get3A_229 = tpu.vector_load %arg21[%get3A_228] {strides = array<i32>} : memref<4000xf32, #tpu.memory_space<vmem>>, vector<16xf32>,
        %get3A_230 = vector.shape_cast %get3A_229 : vector<16xf32> to vector<16xf32>
        %sub3A_231 = arith.constant 1.000000e+00 : f32
        %sub3A_232 = vector.broadcast %sub3A_231 : f32 to vector<16xf32>
        %sub3A_233 = arith.subf %sub3A_232, %get3A_227 : vector<16xf32>
        %mul3A_234 = arith.constant 0.111111112 : f32
        %mul3A_235 = vector.broadcast %mul3A_234 : f32 to vector<16xf32>
        %mul3A_236 = arith.mulf %sub3A_233, %mul3A_235 : vector<16xf32>
        %mul3A_237 = arith.mulf %get3A_227, %get3A_230 : vector<16xf32>
        %sub3A_238 = arith.constant 1.000000e+00 : f32
        %sub3A_239 = vector.broadcast %sub3A_238 : f32 to vector<16xf32>
        %sub3A_240 = arith.subf %sub3A_239, %get3A_230 : vector<16xf32>
        %mul3A_241 = arith.mulf %mul3A_236, %sub3A_240 : vector<16xf32>
        %add3A_242 = arith.addf %mul3A_237, %mul3A_241 : vector<16xf32>
        %swap3A_243 = arith.index_cast %add3A_224 : i32 to index
        %swap3A_244 = tpu.vector_load %arg23[%swap3A_243] {strides = array<i32>} : memref<4000xf32, #tpu.memory_space<vmem>>, vector<16xf32>,
        %swap3A_245 = vector.shape_cast %swap3A_244 : vector<16xf32> to vector<16xf32>
        %swap3A_246 = vector.shape_cast %add3A_242 : vector<16xf32> to vector<16xf32>
        tpu.vector_store %arg23[%swap3A_243], %swap3A_246 {strides = array<i32>} : memref<4000xf32, #tpu.memory_space<vmem>>, vector<16xf32>,
        %add3A_247 = arith.constant 32 : i32
        %add3A_248 = arith.addi %mul3A_201, %add3A_247 : i32
        %get3A_249 = arith.index_cast %add3A_248 : i32 to index
        %get3A_250 = tpu.vector_load %arg19[%get3A_249] {strides = array<i32>} : memref<4000xf32, #tpu.memory_space<vmem>>, vector<16xf32>,
        %get3A_251 = vector.shape_cast %get3A_250 : vector<16xf32> to vector<16xf32>
        %get3A_252 = arith.index_cast %add3A_248 : i32 to index
        %get3A_253 = tpu.vector_load %arg21[%get3A_252] {strides = array<i32>} : memref<4000xf32, #tpu.memory_space<vmem>>, vector<16xf32>,
        %get3A_254 = vector.shape_cast %get3A_253 : vector<16xf32> to vector<16xf32>
        %sub3A_255 = arith.constant 1.000000e+00 : f32
        %sub3A_256 = vector.broadcast %sub3A_255 : f32 to vector<16xf32>
        %sub3A_257 = arith.subf %sub3A_256, %get3A_251 : vector<16xf32>
        %mul3A_258 = arith.constant 0.111111112 : f32
        %mul3A_259 = vector.broadcast %mul3A_258 : f32 to vector<16xf32>
        %mul3A_260 = arith.mulf %sub3A_257, %mul3A_259 : vector<16xf32>
        %mul3A_261 = arith.mulf %get3A_251, %get3A_254 : vector<16xf32>
        %sub3A_262 = arith.constant 1.000000e+00 : f32
        %sub3A_263 = vector.broadcast %sub3A_262 : f32 to vector<16xf32>
        %sub3A_264 = arith.subf %sub3A_263, %get3A_254 : vector<16xf32>
        %mul3A_265 = arith.mulf %mul3A_260, %sub3A_264 : vector<16xf32>
        %add3A_266 = arith.addf %mul3A_261, %mul3A_265 : vector<16xf32>
        %swap3A_267 = arith.index_cast %add3A_248 : i32 to index
        %swap3A_268 = tpu.vector_load %arg23[%swap3A_267] {strides = array<i32>} : memref<4000xf32, #tpu.memory_space<vmem>>, vector<16xf32>,
        %swap3A_269 = vector.shape_cast %swap3A_268 : vector<16xf32> to vector<16xf32>
        %swap3A_270 = vector.shape_cast %add3A_266 : vector<16xf32> to vector<16xf32>
        tpu.vector_store %arg23[%swap3A_267], %swap3A_270 {strides = array<i32>} : memref<4000xf32, #tpu.memory_space<vmem>>, vector<16xf32>,
        %add3A_271 = arith.constant 48 : i32
        %add3A_272 = arith.addi %mul3A_201, %add3A_271 : i32
        %get3A_273 = arith.index_cast %add3A_272 : i32 to index
        %get3A_274 = tpu.vector_load %arg19[%get3A_273] {strides = array<i32>} : memref<4000xf32, #tpu.memory_space<vmem>>, vector<16xf32>,
        %get3A_275 = vector.shape_cast %get3A_274 : vector<16xf32> to vector<16xf32>
        %get3A_276 = arith.index_cast %add3A_272 : i32 to index
        %get3A_277 = tpu.vector_load %arg21[%get3A_276] {strides = array<i32>} : memref<4000xf32, #tpu.memory_space<vmem>>, vector<16xf32>,
        %get3A_278 = vector.shape_cast %get3A_277 : vector<16xf32> to vector<16xf32>
        %sub3A_279 = arith.constant 1.000000e+00 : f32
        %sub3A_280 = vector.broadcast %sub3A_279 : f32 to vector<16xf32>
        %sub3A_281 = arith.subf %sub3A_280, %get3A_275 : vector<16xf32>
        %mul3A_282 = arith.constant 0.111111112 : f32
        %mul3A_283 = vector.broadcast %mul3A_282 : f32 to vector<16xf32>
        %mul3A_284 = arith.mulf %sub3A_281, %mul3A_283 : vector<16xf32>
        %mul3A_285 = arith.mulf %get3A_275, %get3A_278 : vector<16xf32>
        %sub3A_286 = arith.constant 1.000000e+00 : f32
        %sub3A_287 = vector.broadcast %sub3A_286 : f32 to vector<16xf32>
        %sub3A_288 = arith.subf %sub3A_287, %get3A_278 : vector<16xf32>
        %mul3A_289 = arith.mulf %mul3A_284, %sub3A_288 : vector<16xf32>
        %add3A_290 = arith.addf %mul3A_285, %mul3A_289 : vector<16xf32>
        %swap3A_291 = arith.index_cast %add3A_272 : i32 to index
        %swap3A_292 = tpu.vector_load %arg23[%swap3A_291] {strides = array<i32>} : memref<4000xf32, #tpu.memory_space<vmem>>, vector<16xf32>,
        %swap3A_293 = vector.shape_cast %swap3A_292 : vector<16xf32> to vector<16xf32>
        %swap3A_294 = vector.shape_cast %add3A_290 : vector<16xf32> to vector<16xf32>
        tpu.vector_store %arg23[%swap3A_291], %swap3A_294 {strides = array<i32>} : memref<4000xf32, #tpu.memory_space<vmem>>, vector<16xf32>,
        %add3A_295 = arith.constant 64 : i32
        %add3A_296 = arith.addi %mul3A_201, %add3A_295 : i32
        %get3A_297 = arith.index_cast %add3A_296 : i32 to index
        %get3A_298 = tpu.vector_load %arg19[%get3A_297] {strides = array<i32>} : memref<4000xf32, #tpu.memory_space<vmem>>, vector<16xf32>,
        %get3A_299 = vector.shape_cast %get3A_298 : vector<16xf32> to vector<16xf32>
        %get3A_300 = arith.index_cast %add3A_296 : i32 to index
        %get3A_301 = tpu.vector_load %arg21[%get3A_300] {strides = array<i32>} : memref<4000xf32, #tpu.memory_space<vmem>>, vector<16xf32>,
        %get3A_302 = vector.shape_cast %get3A_301 : vector<16xf32> to vector<16xf32>
        %sub3A_303 = arith.constant 1.000000e+00 : f32
        %sub3A_304 = vector.broadcast %sub3A_303 : f32 to vector<16xf32>
        %sub3A_305 = arith.subf %sub3A_304, %get3A_299 : vector<16xf32>
        %mul3A_306 = arith.constant 0.111111112 : f32
        %mul3A_307 = vector.broadcast %mul3A_306 : f32 to vector<16xf32>
        %mul3A_308 = arith.mulf %sub3A_305, %mul3A_307 : vector<16xf32>
        %mul3A_309 = arith.mulf %get3A_299, %get3A_302 : vector<16xf32>
        %sub3A_310 = arith.constant 1.000000e+00 : f32
        %sub3A_311 = vector.broadcast %sub3A_310 : f32 to vector<16xf32>
        %sub3A_312 = arith.subf %sub3A_311, %get3A_302 : vector<16xf32>
        %mul3A_313 = arith.mulf %mul3A_308, %sub3A_312 : vector<16xf32>
        %add3A_314 = arith.addf %mul3A_309, %mul3A_313 : vector<16xf32>
        %swap3A_315 = arith.index_cast %add3A_296 : i32 to index
        %swap3A_316 = tpu.vector_load %arg23[%swap3A_315] {strides = array<i32>} : memref<4000xf32, #tpu.memory_space<vmem>>, vector<16xf32>,
        %swap3A_317 = vector.shape_cast %swap3A_316 : vector<16xf32> to vector<16xf32>
        %swap3A_318 = vector.shape_cast %add3A_314 : vector<16xf32> to vector<16xf32>
        tpu.vector_store %arg23[%swap3A_315], %swap3A_318 {strides = array<i32>} : memref<4000xf32, #tpu.memory_space<vmem>>, vector<16xf32>,
      }
      %scan3A_197 = arith.constant 50 : i32
      %dma_start3A = tpu.memref_slice %arg7[%mul3A_183] : memref<1000000xf32, #tpu.memory_space<hbm>> -> memref<4000xf32, #tpu.memory_space<hbm>>
      %dma_start3A_198 = tpu.memref_slice %arg7[%mul3A_183] : memref<1000000xf32, #tpu.memory_space<hbm>> -> memref<4000xf32, #tpu.memory_space<hbm>>
      tpu.enqueue_dma source(%arg23 : memref<4000xf32, #tpu.memory_space<vmem>>) target(%dma_start3A_198 : memref<4000xf32, #tpu.memory_space<hbm>>) target_semaphore(%arg28 : memref<!tpu.dma_semaphore, #tpu.memory_space<semaphore_mem>>)
    } else {
    }
    %add3A_145 = arith.constant 224 : i32
    %add3A_146 = arith.addi %add3A, %add3A_145 : i32
    %lt3A_147 = arith.constant 250 : i32
    %lt3A_148 = arith.cmpi slt, %add3A_146, %lt3A_147 : i32
    %convert_element_type3A_149 = arith.extui %lt3A_148 : i1 to i32
    %cond3A_150 = arith.constant 0 : i32
    %cond3A_151 = arith.cmpi ne, %convert_element_type3A_149, %cond3A_150 : i32
    scf.if %cond3A_151 {
      %add3A_180 = arith.constant 224 : i32
      %add3A_181 = arith.addi %add3A, %add3A_180 : i32
      %mul3A_182 = arith.constant 4000 : i32
      %mul3A_183 = arith.muli %add3A_181, %mul3A_182 : i32
      %dma_wait3A = tpu.memref_slice %arg4[%mul3A_183] : memref<1000000xi32, #tpu.memory_space<hbm>> -> memref<4000xi32, #tpu.memory_space<hbm>>
      %dma_wait3A_184 = tpu.memref_slice %arg4[%mul3A_183] : memref<1000000xi32, #tpu.memory_space<hbm>> -> memref<4000xi32, #tpu.memory_space<hbm>>
      tpu.wait_dma2 semaphore(%arg24 : memref<!tpu.dma_semaphore, #tpu.memory_space<semaphore_mem>>) src(%dma_wait3A_184 : memref<4000xi32, #tpu.memory_space<hbm>>) dst(%arg11 : memref<4000xi32, #tpu.memory_space<vmem>>)
      %dma_wait3A_185 = tpu.memref_slice %arg5[%mul3A_183] : memref<1000000xi32, #tpu.memory_space<hbm>> -> memref<4000xi32, #tpu.memory_space<hbm>>
      %dma_wait3A_186 = tpu.memref_slice %arg5[%mul3A_183] : memref<1000000xi32, #tpu.memory_space<hbm>> -> memref<4000xi32, #tpu.memory_space<hbm>>
      tpu.wait_dma2 semaphore(%arg24 : memref<!tpu.dma_semaphore, #tpu.memory_space<semaphore_mem>>) src(%dma_wait3A_186 : memref<4000xi32, #tpu.memory_space<hbm>>) dst(%arg12 : memref<4000xi32, #tpu.memory_space<vmem>>)
      %dma_wait3A_187 = tpu.memref_slice %arg6[%mul3A_183] : memref<1000000xi32, #tpu.memory_space<hbm>> -> memref<4000xi32, #tpu.memory_space<hbm>>
      %dma_wait3A_188 = tpu.memref_slice %arg6[%mul3A_183] : memref<1000000xi32, #tpu.memory_space<hbm>> -> memref<4000xi32, #tpu.memory_space<hbm>>
      tpu.wait_dma2 semaphore(%arg24 : memref<!tpu.dma_semaphore, #tpu.memory_space<semaphore_mem>>) src(%dma_wait3A_188 : memref<4000xi32, #tpu.memory_space<hbm>>) dst(%arg13 : memref<4000xi32, #tpu.memory_space<vmem>>)
      %scan3A = arith.constant 0 : i32
      %scan3A_189 = arith.constant 0 : i32
      %scan3A_190 = arith.constant 50 : i32
      %scan3A_191 = arith.addi %scan3A_189, %scan3A_190 : i32
      %scan3A_192 = arith.constant 1 : i32
      scf.for %scan3A_197 = %scan3A_189 to %scan3A_191 step %scan3A_192  : i32 {
        %mul3A_198 = arith.constant 80 : i32
        %mul3A_199 = arith.muli %scan3A_197, %mul3A_198 : i32
        %add3A_200 = arith.constant 0 : i32
        %add3A_201 = arith.addi %mul3A_199, %add3A_200 : i32
        %get3A = arith.index_cast %add3A_201 : i32 to index
        %get3A_202 = tpu.vector_load %arg12[%get3A] {strides = array<i32>} : memref<4000xi32, #tpu.memory_space<vmem>>, vector<16xi32>,
        %get3A_203 = vector.shape_cast %get3A_202 : vector<16xi32> to vector<16xi32>
        %mul3A_204 = arith.constant 10 : i32
        %mul3A_205 = vector.broadcast %mul3A_204 : i32 to vector<16xi32>
        %mul3A_206 = arith.muli %get3A_203, %mul3A_205 : vector<16xi32>
        %get3A_207 = arith.index_cast %add3A_201 : i32 to index
        %get3A_208 = tpu.vector_load %arg13[%get3A_207] {strides = array<i32>} : memref<4000xi32, #tpu.memory_space<vmem>>, vector<16xi32>,
        %get3A_209 = vector.shape_cast %get3A_208 : vector<16xi32> to vector<16xi32>
        %add3A_210 = arith.addi %mul3A_206, %get3A_209 : vector<16xi32>
        %swap3A = arith.index_cast %add3A_201 : i32 to index
        %swap3A_211 = tpu.vector_load %arg15[%swap3A] {strides = array<i32>} : memref<4000xi32, #tpu.memory_space<vmem>>, vector<16xi32>,
        %swap3A_212 = vector.shape_cast %swap3A_211 : vector<16xi32> to vector<16xi32>
        %swap3A_213 = vector.shape_cast %add3A_210 : vector<16xi32> to vector<16xi32>
        tpu.vector_store %arg15[%swap3A], %swap3A_213 {strides = array<i32>} : memref<4000xi32, #tpu.memory_space<vmem>>, vector<16xi32>,
        %get3A_214 = arith.index_cast %add3A_201 : i32 to index
        %get3A_215 = tpu.vector_load %arg11[%get3A_214] {strides = array<i32>} : memref<4000xi32, #tpu.memory_space<vmem>>, vector<16xi32>,
        %get3A_216 = vector.shape_cast %get3A_215 : vector<16xi32> to vector<16xi32>
        %mul3A_217 = arith.constant 128 : i32
        %mul3A_218 = vector.broadcast %mul3A_217 : i32 to vector<16xi32>
        %mul3A_219 = arith.muli %get3A_216, %mul3A_218 : vector<16xi32>
        %swap3A_220 = arith.index_cast %add3A_201 : i32 to index
        %swap3A_221 = tpu.vector_load %arg17[%swap3A_220] {strides = array<i32>} : memref<4000xi32, #tpu.memory_space<vmem>>, vector<16xi32>,
        %swap3A_222 = vector.shape_cast %swap3A_221 : vector<16xi32> to vector<16xi32>
        %swap3A_223 = vector.shape_cast %mul3A_219 : vector<16xi32> to vector<16xi32>
        tpu.vector_store %arg17[%swap3A_220], %swap3A_223 {strides = array<i32>} : memref<4000xi32, #tpu.memory_space<vmem>>, vector<16xi32>,
        %add3A_224 = arith.constant 16 : i32
        %add3A_225 = arith.addi %mul3A_199, %add3A_224 : i32
        %get3A_226 = arith.index_cast %add3A_225 : i32 to index
        %get3A_227 = tpu.vector_load %arg12[%get3A_226] {strides = array<i32>} : memref<4000xi32, #tpu.memory_space<vmem>>, vector<16xi32>,
        %get3A_228 = vector.shape_cast %get3A_227 : vector<16xi32> to vector<16xi32>
        %mul3A_229 = arith.constant 10 : i32
        %mul3A_230 = vector.broadcast %mul3A_229 : i32 to vector<16xi32>
        %mul3A_231 = arith.muli %get3A_228, %mul3A_230 : vector<16xi32>
        %get3A_232 = arith.index_cast %add3A_225 : i32 to index
        %get3A_233 = tpu.vector_load %arg13[%get3A_232] {strides = array<i32>} : memref<4000xi32, #tpu.memory_space<vmem>>, vector<16xi32>,
        %get3A_234 = vector.shape_cast %get3A_233 : vector<16xi32> to vector<16xi32>
        %add3A_235 = arith.addi %mul3A_231, %get3A_234 : vector<16xi32>
        %swap3A_236 = arith.index_cast %add3A_225 : i32 to index
        %swap3A_237 = tpu.vector_load %arg15[%swap3A_236] {strides = array<i32>} : memref<4000xi32, #tpu.memory_space<vmem>>, vector<16xi32>,
        %swap3A_238 = vector.shape_cast %swap3A_237 : vector<16xi32> to vector<16xi32>
        %swap3A_239 = vector.shape_cast %add3A_235 : vector<16xi32> to vector<16xi32>
        tpu.vector_store %arg15[%swap3A_236], %swap3A_239 {strides = array<i32>} : memref<4000xi32, #tpu.memory_space<vmem>>, vector<16xi32>,
        %get3A_240 = arith.index_cast %add3A_225 : i32 to index
        %get3A_241 = tpu.vector_load %arg11[%get3A_240] {strides = array<i32>} : memref<4000xi32, #tpu.memory_space<vmem>>, vector<16xi32>,
        %get3A_242 = vector.shape_cast %get3A_241 : vector<16xi32> to vector<16xi32>
        %mul3A_243 = arith.constant 128 : i32
        %mul3A_244 = vector.broadcast %mul3A_243 : i32 to vector<16xi32>
        %mul3A_245 = arith.muli %get3A_242, %mul3A_244 : vector<16xi32>
        %swap3A_246 = arith.index_cast %add3A_225 : i32 to index
        %swap3A_247 = tpu.vector_load %arg17[%swap3A_246] {strides = array<i32>} : memref<4000xi32, #tpu.memory_space<vmem>>, vector<16xi32>,
        %swap3A_248 = vector.shape_cast %swap3A_247 : vector<16xi32> to vector<16xi32>
        %swap3A_249 = vector.shape_cast %mul3A_245 : vector<16xi32> to vector<16xi32>
        tpu.vector_store %arg17[%swap3A_246], %swap3A_249 {strides = array<i32>} : memref<4000xi32, #tpu.memory_space<vmem>>, vector<16xi32>,
        %add3A_250 = arith.constant 32 : i32
        %add3A_251 = arith.addi %mul3A_199, %add3A_250 : i32
        %get3A_252 = arith.index_cast %add3A_251 : i32 to index
        %get3A_253 = tpu.vector_load %arg12[%get3A_252] {strides = array<i32>} : memref<4000xi32, #tpu.memory_space<vmem>>, vector<16xi32>,
        %get3A_254 = vector.shape_cast %get3A_253 : vector<16xi32> to vector<16xi32>
        %mul3A_255 = arith.constant 10 : i32
        %mul3A_256 = vector.broadcast %mul3A_255 : i32 to vector<16xi32>
        %mul3A_257 = arith.muli %get3A_254, %mul3A_256 : vector<16xi32>
        %get3A_258 = arith.index_cast %add3A_251 : i32 to index
        %get3A_259 = tpu.vector_load %arg13[%get3A_258] {strides = array<i32>} : memref<4000xi32, #tpu.memory_space<vmem>>, vector<16xi32>,
        %get3A_260 = vector.shape_cast %get3A_259 : vector<16xi32> to vector<16xi32>
        %add3A_261 = arith.addi %mul3A_257, %get3A_260 : vector<16xi32>
        %swap3A_262 = arith.index_cast %add3A_251 : i32 to index
        %swap3A_263 = tpu.vector_load %arg15[%swap3A_262] {strides = array<i32>} : memref<4000xi32, #tpu.memory_space<vmem>>, vector<16xi32>,
        %swap3A_264 = vector.shape_cast %swap3A_263 : vector<16xi32> to vector<16xi32>
        %swap3A_265 = vector.shape_cast %add3A_261 : vector<16xi32> to vector<16xi32>
        tpu.vector_store %arg15[%swap3A_262], %swap3A_265 {strides = array<i32>} : memref<4000xi32, #tpu.memory_space<vmem>>, vector<16xi32>,
        %get3A_266 = arith.index_cast %add3A_251 : i32 to index
        %get3A_267 = tpu.vector_load %arg11[%get3A_266] {strides = array<i32>} : memref<4000xi32, #tpu.memory_space<vmem>>, vector<16xi32>,
        %get3A_268 = vector.shape_cast %get3A_267 : vector<16xi32> to vector<16xi32>
        %mul3A_269 = arith.constant 128 : i32
        %mul3A_270 = vector.broadcast %mul3A_269 : i32 to vector<16xi32>
        %mul3A_271 = arith.muli %get3A_268, %mul3A_270 : vector<16xi32>
        %swap3A_272 = arith.index_cast %add3A_251 : i32 to index
        %swap3A_273 = tpu.vector_load %arg17[%swap3A_272] {strides = array<i32>} : memref<4000xi32, #tpu.memory_space<vmem>>, vector<16xi32>,
        %swap3A_274 = vector.shape_cast %swap3A_273 : vector<16xi32> to vector<16xi32>
        %swap3A_275 = vector.shape_cast %mul3A_271 : vector<16xi32> to vector<16xi32>
        tpu.vector_store %arg17[%swap3A_272], %swap3A_275 {strides = array<i32>} : memref<4000xi32, #tpu.memory_space<vmem>>, vector<16xi32>,
        %add3A_276 = arith.constant 48 : i32
        %add3A_277 = arith.addi %mul3A_199, %add3A_276 : i32
        %get3A_278 = arith.index_cast %add3A_277 : i32 to index
        %get3A_279 = tpu.vector_load %arg12[%get3A_278] {strides = array<i32>} : memref<4000xi32, #tpu.memory_space<vmem>>, vector<16xi32>,
        %get3A_280 = vector.shape_cast %get3A_279 : vector<16xi32> to vector<16xi32>
        %mul3A_281 = arith.constant 10 : i32
        %mul3A_282 = vector.broadcast %mul3A_281 : i32 to vector<16xi32>
        %mul3A_283 = arith.muli %get3A_280, %mul3A_282 : vector<16xi32>
        %get3A_284 = arith.index_cast %add3A_277 : i32 to index
        %get3A_285 = tpu.vector_load %arg13[%get3A_284] {strides = array<i32>} : memref<4000xi32, #tpu.memory_space<vmem>>, vector<16xi32>,
        %get3A_286 = vector.shape_cast %get3A_285 : vector<16xi32> to vector<16xi32>
        %add3A_287 = arith.addi %mul3A_283, %get3A_286 : vector<16xi32>
        %swap3A_288 = arith.index_cast %add3A_277 : i32 to index
        %swap3A_289 = tpu.vector_load %arg15[%swap3A_288] {strides = array<i32>} : memref<4000xi32, #tpu.memory_space<vmem>>, vector<16xi32>,
        %swap3A_290 = vector.shape_cast %swap3A_289 : vector<16xi32> to vector<16xi32>
        %swap3A_291 = vector.shape_cast %add3A_287 : vector<16xi32> to vector<16xi32>
        tpu.vector_store %arg15[%swap3A_288], %swap3A_291 {strides = array<i32>} : memref<4000xi32, #tpu.memory_space<vmem>>, vector<16xi32>,
        %get3A_292 = arith.index_cast %add3A_277 : i32 to index
        %get3A_293 = tpu.vector_load %arg11[%get3A_292] {strides = array<i32>} : memref<4000xi32, #tpu.memory_space<vmem>>, vector<16xi32>,
        %get3A_294 = vector.shape_cast %get3A_293 : vector<16xi32> to vector<16xi32>
        %mul3A_295 = arith.constant 128 : i32
        %mul3A_296 = vector.broadcast %mul3A_295 : i32 to vector<16xi32>
        %mul3A_297 = arith.muli %get3A_294, %mul3A_296 : vector<16xi32>
        %swap3A_298 = arith.index_cast %add3A_277 : i32 to index
        %swap3A_299 = tpu.vector_load %arg17[%swap3A_298] {strides = array<i32>} : memref<4000xi32, #tpu.memory_space<vmem>>, vector<16xi32>,
        %swap3A_300 = vector.shape_cast %swap3A_299 : vector<16xi32> to vector<16xi32>
        %swap3A_301 = vector.shape_cast %mul3A_297 : vector<16xi32> to vector<16xi32>
        tpu.vector_store %arg17[%swap3A_298], %swap3A_301 {strides = array<i32>} : memref<4000xi32, #tpu.memory_space<vmem>>, vector<16xi32>,
        %add3A_302 = arith.constant 64 : i32
        %add3A_303 = arith.addi %mul3A_199, %add3A_302 : i32
        %get3A_304 = arith.index_cast %add3A_303 : i32 to index
        %get3A_305 = tpu.vector_load %arg12[%get3A_304] {strides = array<i32>} : memref<4000xi32, #tpu.memory_space<vmem>>, vector<16xi32>,
        %get3A_306 = vector.shape_cast %get3A_305 : vector<16xi32> to vector<16xi32>
        %mul3A_307 = arith.constant 10 : i32
        %mul3A_308 = vector.broadcast %mul3A_307 : i32 to vector<16xi32>
        %mul3A_309 = arith.muli %get3A_306, %mul3A_308 : vector<16xi32>
        %get3A_310 = arith.index_cast %add3A_303 : i32 to index
        %get3A_311 = tpu.vector_load %arg13[%get3A_310] {strides = array<i32>} : memref<4000xi32, #tpu.memory_space<vmem>>, vector<16xi32>,
        %get3A_312 = vector.shape_cast %get3A_311 : vector<16xi32> to vector<16xi32>
        %add3A_313 = arith.addi %mul3A_309, %get3A_312 : vector<16xi32>
        %swap3A_314 = arith.index_cast %add3A_303 : i32 to index
        %swap3A_315 = tpu.vector_load %arg15[%swap3A_314] {strides = array<i32>} : memref<4000xi32, #tpu.memory_space<vmem>>, vector<16xi32>,
        %swap3A_316 = vector.shape_cast %swap3A_315 : vector<16xi32> to vector<16xi32>
        %swap3A_317 = vector.shape_cast %add3A_313 : vector<16xi32> to vector<16xi32>
        tpu.vector_store %arg15[%swap3A_314], %swap3A_317 {strides = array<i32>} : memref<4000xi32, #tpu.memory_space<vmem>>, vector<16xi32>,
        %get3A_318 = arith.index_cast %add3A_303 : i32 to index
        %get3A_319 = tpu.vector_load %arg11[%get3A_318] {strides = array<i32>} : memref<4000xi32, #tpu.memory_space<vmem>>, vector<16xi32>,
        %get3A_320 = vector.shape_cast %get3A_319 : vector<16xi32> to vector<16xi32>
        %mul3A_321 = arith.constant 128 : i32
        %mul3A_322 = vector.broadcast %mul3A_321 : i32 to vector<16xi32>
        %mul3A_323 = arith.muli %get3A_320, %mul3A_322 : vector<16xi32>
        %swap3A_324 = arith.index_cast %add3A_303 : i32 to index
        %swap3A_325 = tpu.vector_load %arg17[%swap3A_324] {strides = array<i32>} : memref<4000xi32, #tpu.memory_space<vmem>>, vector<16xi32>,
        %swap3A_326 = vector.shape_cast %swap3A_325 : vector<16xi32> to vector<16xi32>
        %swap3A_327 = vector.shape_cast %mul3A_323 : vector<16xi32> to vector<16xi32>
        tpu.vector_store %arg17[%swap3A_324], %swap3A_327 {strides = array<i32>} : memref<4000xi32, #tpu.memory_space<vmem>>, vector<16xi32>,
      }
      %scan3A_193 = arith.constant 50 : i32
      %dma_start3A = arith.constant 0 : i32
      %dma_start3A_194 = tpu.memref_slice %arg2[%dma_start3A] : memref<12800000xf32, #tpu.memory_space<hbm>> -> memref<12800000xf32, #tpu.memory_space<hbm>>
      tpu.enqueue_indirect_dma source(%dma_start3A_194 : memref<12800000xf32, #tpu.memory_space<hbm>>) target(%arg19 : memref<4000xf32, #tpu.memory_space<vmem>>) offsets(%arg17 : memref<4000xi32, #tpu.memory_space<vmem>>) semaphore(%arg26 : memref<!tpu.dma_semaphore, #tpu.memory_space<semaphore_mem>>)
      %dma_start3A_195 = arith.constant 0 : i32
      %dma_start3A_196 = tpu.memref_slice %arg3[%dma_start3A_195] : memref<1000000xf32, #tpu.memory_space<hbm>> -> memref<1000000xf32, #tpu.memory_space<hbm>>
      tpu.enqueue_indirect_dma source(%dma_start3A_196 : memref<1000000xf32, #tpu.memory_space<hbm>>) target(%arg21 : memref<4000xf32, #tpu.memory_space<vmem>>) offsets(%arg15 : memref<4000xi32, #tpu.memory_space<vmem>>) semaphore(%arg26 : memref<!tpu.dma_semaphore, #tpu.memory_space<semaphore_mem>>)
    } else {
    }
    %add3A_152 = arith.constant 192 : i32
    %add3A_153 = arith.addi %add3A, %add3A_152 : i32
    %lt3A_154 = arith.constant 250 : i32
    %lt3A_155 = arith.cmpi slt, %add3A_153, %lt3A_154 : i32
    %convert_element_type3A_156 = arith.extui %lt3A_155 : i1 to i32
    %cond3A_157 = arith.constant 0 : i32
    %cond3A_158 = arith.cmpi ne, %convert_element_type3A_156, %cond3A_157 : i32
    scf.if %cond3A_158 {
      %add3A_180 = arith.constant 192 : i32
      %add3A_181 = arith.addi %add3A, %add3A_180 : i32
      %mul3A_182 = arith.constant 4000 : i32
      %mul3A_183 = arith.muli %add3A_181, %mul3A_182 : i32
      %dma_wait3A = arith.constant 0 : i32
      %dma_wait3A_184 = tpu.memref_slice %arg2[%dma_wait3A] : memref<12800000xf32, #tpu.memory_space<hbm>> -> memref<12800000xf32, #tpu.memory_space<hbm>>
      tpu.wait_indirect_dma semaphore(%arg25 : memref<!tpu.dma_semaphore, #tpu.memory_space<semaphore_mem>>) src(%dma_wait3A_184 : memref<12800000xf32, #tpu.memory_space<hbm>>) dst(%arg18 : memref<4000xf32, #tpu.memory_space<vmem>>)
      %dma_wait3A_185 = arith.constant 0 : i32
      %dma_wait3A_186 = tpu.memref_slice %arg3[%dma_wait3A_185] : memref<1000000xf32, #tpu.memory_space<hbm>> -> memref<1000000xf32, #tpu.memory_space<hbm>>
      tpu.wait_indirect_dma semaphore(%arg25 : memref<!tpu.dma_semaphore, #tpu.memory_space<semaphore_mem>>) src(%dma_wait3A_186 : memref<1000000xf32, #tpu.memory_space<hbm>>) dst(%arg20 : memref<4000xf32, #tpu.memory_space<vmem>>)
      %add3A_187 = arith.constant 128 : i32
      %add3A_188 = arith.addi %add3A, %add3A_187 : i32
      %mul3A_189 = arith.constant 4000 : i32
      %mul3A_190 = arith.muli %add3A_188, %mul3A_189 : i32
      %dma_wait3A_191 = tpu.memref_slice %arg7[%mul3A_190] : memref<1000000xf32, #tpu.memory_space<hbm>> -> memref<4000xf32, #tpu.memory_space<hbm>>
      %dma_wait3A_192 = tpu.memref_slice %arg7[%mul3A_190] : memref<1000000xf32, #tpu.memory_space<hbm>> -> memref<4000xf32, #tpu.memory_space<hbm>>
      tpu.wait_dma2 semaphore(%arg27 : memref<!tpu.dma_semaphore, #tpu.memory_space<semaphore_mem>>) src(%arg22 : memref<4000xf32, #tpu.memory_space<vmem>>) dst(%dma_wait3A_192 : memref<4000xf32, #tpu.memory_space<hbm>>)
      %scan3A = arith.constant 0 : i32
      %scan3A_193 = arith.constant 0 : i32
      %scan3A_194 = arith.constant 50 : i32
      %scan3A_195 = arith.addi %scan3A_193, %scan3A_194 : i32
      %scan3A_196 = arith.constant 1 : i32
      scf.for %scan3A_199 = %scan3A_193 to %scan3A_195 step %scan3A_196  : i32 {
        %mul3A_200 = arith.constant 80 : i32
        %mul3A_201 = arith.muli %scan3A_199, %mul3A_200 : i32
        %add3A_202 = arith.constant 0 : i32
        %add3A_203 = arith.addi %mul3A_201, %add3A_202 : i32
        %get3A = arith.index_cast %add3A_203 : i32 to index
        %get3A_204 = tpu.vector_load %arg18[%get3A] {strides = array<i32>} : memref<4000xf32, #tpu.memory_space<vmem>>, vector<16xf32>,
        %get3A_205 = vector.shape_cast %get3A_204 : vector<16xf32> to vector<16xf32>
        %get3A_206 = arith.index_cast %add3A_203 : i32 to index
        %get3A_207 = tpu.vector_load %arg20[%get3A_206] {strides = array<i32>} : memref<4000xf32, #tpu.memory_space<vmem>>, vector<16xf32>,
        %get3A_208 = vector.shape_cast %get3A_207 : vector<16xf32> to vector<16xf32>
        %sub3A = arith.constant 1.000000e+00 : f32
        %sub3A_209 = vector.broadcast %sub3A : f32 to vector<16xf32>
        %sub3A_210 = arith.subf %sub3A_209, %get3A_205 : vector<16xf32>
        %mul3A_211 = arith.constant 0.111111112 : f32
        %mul3A_212 = vector.broadcast %mul3A_211 : f32 to vector<16xf32>
        %mul3A_213 = arith.mulf %sub3A_210, %mul3A_212 : vector<16xf32>
        %mul3A_214 = arith.mulf %get3A_205, %get3A_208 : vector<16xf32>
        %sub3A_215 = arith.constant 1.000000e+00 : f32
        %sub3A_216 = vector.broadcast %sub3A_215 : f32 to vector<16xf32>
        %sub3A_217 = arith.subf %sub3A_216, %get3A_208 : vector<16xf32>
        %mul3A_218 = arith.mulf %mul3A_213, %sub3A_217 : vector<16xf32>
        %add3A_219 = arith.addf %mul3A_214, %mul3A_218 : vector<16xf32>
        %swap3A = arith.index_cast %add3A_203 : i32 to index
        %swap3A_220 = tpu.vector_load %arg22[%swap3A] {strides = array<i32>} : memref<4000xf32, #tpu.memory_space<vmem>>, vector<16xf32>,
        %swap3A_221 = vector.shape_cast %swap3A_220 : vector<16xf32> to vector<16xf32>
        %swap3A_222 = vector.shape_cast %add3A_219 : vector<16xf32> to vector<16xf32>
        tpu.vector_store %arg22[%swap3A], %swap3A_222 {strides = array<i32>} : memref<4000xf32, #tpu.memory_space<vmem>>, vector<16xf32>,
        %add3A_223 = arith.constant 16 : i32
        %add3A_224 = arith.addi %mul3A_201, %add3A_223 : i32
        %get3A_225 = arith.index_cast %add3A_224 : i32 to index
        %get3A_226 = tpu.vector_load %arg18[%get3A_225] {strides = array<i32>} : memref<4000xf32, #tpu.memory_space<vmem>>, vector<16xf32>,
        %get3A_227 = vector.shape_cast %get3A_226 : vector<16xf32> to vector<16xf32>
        %get3A_228 = arith.index_cast %add3A_224 : i32 to index
        %get3A_229 = tpu.vector_load %arg20[%get3A_228] {strides = array<i32>} : memref<4000xf32, #tpu.memory_space<vmem>>, vector<16xf32>,
        %get3A_230 = vector.shape_cast %get3A_229 : vector<16xf32> to vector<16xf32>
        %sub3A_231 = arith.constant 1.000000e+00 : f32
        %sub3A_232 = vector.broadcast %sub3A_231 : f32 to vector<16xf32>
        %sub3A_233 = arith.subf %sub3A_232, %get3A_227 : vector<16xf32>
        %mul3A_234 = arith.constant 0.111111112 : f32
        %mul3A_235 = vector.broadcast %mul3A_234 : f32 to vector<16xf32>
        %mul3A_236 = arith.mulf %sub3A_233, %mul3A_235 : vector<16xf32>
        %mul3A_237 = arith.mulf %get3A_227, %get3A_230 : vector<16xf32>
        %sub3A_238 = arith.constant 1.000000e+00 : f32
        %sub3A_239 = vector.broadcast %sub3A_238 : f32 to vector<16xf32>
        %sub3A_240 = arith.subf %sub3A_239, %get3A_230 : vector<16xf32>
        %mul3A_241 = arith.mulf %mul3A_236, %sub3A_240 : vector<16xf32>
        %add3A_242 = arith.addf %mul3A_237, %mul3A_241 : vector<16xf32>
        %swap3A_243 = arith.index_cast %add3A_224 : i32 to index
        %swap3A_244 = tpu.vector_load %arg22[%swap3A_243] {strides = array<i32>} : memref<4000xf32, #tpu.memory_space<vmem>>, vector<16xf32>,
        %swap3A_245 = vector.shape_cast %swap3A_244 : vector<16xf32> to vector<16xf32>
        %swap3A_246 = vector.shape_cast %add3A_242 : vector<16xf32> to vector<16xf32>
        tpu.vector_store %arg22[%swap3A_243], %swap3A_246 {strides = array<i32>} : memref<4000xf32, #tpu.memory_space<vmem>>, vector<16xf32>,
        %add3A_247 = arith.constant 32 : i32
        %add3A_248 = arith.addi %mul3A_201, %add3A_247 : i32
        %get3A_249 = arith.index_cast %add3A_248 : i32 to index
        %get3A_250 = tpu.vector_load %arg18[%get3A_249] {strides = array<i32>} : memref<4000xf32, #tpu.memory_space<vmem>>, vector<16xf32>,
        %get3A_251 = vector.shape_cast %get3A_250 : vector<16xf32> to vector<16xf32>
        %get3A_252 = arith.index_cast %add3A_248 : i32 to index
        %get3A_253 = tpu.vector_load %arg20[%get3A_252] {strides = array<i32>} : memref<4000xf32, #tpu.memory_space<vmem>>, vector<16xf32>,
        %get3A_254 = vector.shape_cast %get3A_253 : vector<16xf32> to vector<16xf32>
        %sub3A_255 = arith.constant 1.000000e+00 : f32
        %sub3A_256 = vector.broadcast %sub3A_255 : f32 to vector<16xf32>
        %sub3A_257 = arith.subf %sub3A_256, %get3A_251 : vector<16xf32>
        %mul3A_258 = arith.constant 0.111111112 : f32
        %mul3A_259 = vector.broadcast %mul3A_258 : f32 to vector<16xf32>
        %mul3A_260 = arith.mulf %sub3A_257, %mul3A_259 : vector<16xf32>
        %mul3A_261 = arith.mulf %get3A_251, %get3A_254 : vector<16xf32>
        %sub3A_262 = arith.constant 1.000000e+00 : f32
        %sub3A_263 = vector.broadcast %sub3A_262 : f32 to vector<16xf32>
        %sub3A_264 = arith.subf %sub3A_263, %get3A_254 : vector<16xf32>
        %mul3A_265 = arith.mulf %mul3A_260, %sub3A_264 : vector<16xf32>
        %add3A_266 = arith.addf %mul3A_261, %mul3A_265 : vector<16xf32>
        %swap3A_267 = arith.index_cast %add3A_248 : i32 to index
        %swap3A_268 = tpu.vector_load %arg22[%swap3A_267] {strides = array<i32>} : memref<4000xf32, #tpu.memory_space<vmem>>, vector<16xf32>,
        %swap3A_269 = vector.shape_cast %swap3A_268 : vector<16xf32> to vector<16xf32>
        %swap3A_270 = vector.shape_cast %add3A_266 : vector<16xf32> to vector<16xf32>
        tpu.vector_store %arg22[%swap3A_267], %swap3A_270 {strides = array<i32>} : memref<4000xf32, #tpu.memory_space<vmem>>, vector<16xf32>,
        %add3A_271 = arith.constant 48 : i32
        %add3A_272 = arith.addi %mul3A_201, %add3A_271 : i32
        %get3A_273 = arith.index_cast %add3A_272 : i32 to index
        %get3A_274 = tpu.vector_load %arg18[%get3A_273] {strides = array<i32>} : memref<4000xf32, #tpu.memory_space<vmem>>, vector<16xf32>,
        %get3A_275 = vector.shape_cast %get3A_274 : vector<16xf32> to vector<16xf32>
        %get3A_276 = arith.index_cast %add3A_272 : i32 to index
        %get3A_277 = tpu.vector_load %arg20[%get3A_276] {strides = array<i32>} : memref<4000xf32, #tpu.memory_space<vmem>>, vector<16xf32>,
        %get3A_278 = vector.shape_cast %get3A_277 : vector<16xf32> to vector<16xf32>
        %sub3A_279 = arith.constant 1.000000e+00 : f32
        %sub3A_280 = vector.broadcast %sub3A_279 : f32 to vector<16xf32>
        %sub3A_281 = arith.subf %sub3A_280, %get3A_275 : vector<16xf32>
        %mul3A_282 = arith.constant 0.111111112 : f32
        %mul3A_283 = vector.broadcast %mul3A_282 : f32 to vector<16xf32>
        %mul3A_284 = arith.mulf %sub3A_281, %mul3A_283 : vector<16xf32>
        %mul3A_285 = arith.mulf %get3A_275, %get3A_278 : vector<16xf32>
        %sub3A_286 = arith.constant 1.000000e+00 : f32
        %sub3A_287 = vector.broadcast %sub3A_286 : f32 to vector<16xf32>
        %sub3A_288 = arith.subf %sub3A_287, %get3A_278 : vector<16xf32>
        %mul3A_289 = arith.mulf %mul3A_284, %sub3A_288 : vector<16xf32>
        %add3A_290 = arith.addf %mul3A_285, %mul3A_289 : vector<16xf32>
        %swap3A_291 = arith.index_cast %add3A_272 : i32 to index
        %swap3A_292 = tpu.vector_load %arg22[%swap3A_291] {strides = array<i32>} : memref<4000xf32, #tpu.memory_space<vmem>>, vector<16xf32>,
        %swap3A_293 = vector.shape_cast %swap3A_292 : vector<16xf32> to vector<16xf32>
        %swap3A_294 = vector.shape_cast %add3A_290 : vector<16xf32> to vector<16xf32>
        tpu.vector_store %arg22[%swap3A_291], %swap3A_294 {strides = array<i32>} : memref<4000xf32, #tpu.memory_space<vmem>>, vector<16xf32>,
        %add3A_295 = arith.constant 64 : i32
        %add3A_296 = arith.addi %mul3A_201, %add3A_295 : i32
        %get3A_297 = arith.index_cast %add3A_296 : i32 to index
        %get3A_298 = tpu.vector_load %arg18[%get3A_297] {strides = array<i32>} : memref<4000xf32, #tpu.memory_space<vmem>>, vector<16xf32>,
        %get3A_299 = vector.shape_cast %get3A_298 : vector<16xf32> to vector<16xf32>
        %get3A_300 = arith.index_cast %add3A_296 : i32 to index
        %get3A_301 = tpu.vector_load %arg20[%get3A_300] {strides = array<i32>} : memref<4000xf32, #tpu.memory_space<vmem>>, vector<16xf32>,
        %get3A_302 = vector.shape_cast %get3A_301 : vector<16xf32> to vector<16xf32>
        %sub3A_303 = arith.constant 1.000000e+00 : f32
        %sub3A_304 = vector.broadcast %sub3A_303 : f32 to vector<16xf32>
        %sub3A_305 = arith.subf %sub3A_304, %get3A_299 : vector<16xf32>
        %mul3A_306 = arith.constant 0.111111112 : f32
        %mul3A_307 = vector.broadcast %mul3A_306 : f32 to vector<16xf32>
        %mul3A_308 = arith.mulf %sub3A_305, %mul3A_307 : vector<16xf32>
        %mul3A_309 = arith.mulf %get3A_299, %get3A_302 : vector<16xf32>
        %sub3A_310 = arith.constant 1.000000e+00 : f32
        %sub3A_311 = vector.broadcast %sub3A_310 : f32 to vector<16xf32>
        %sub3A_312 = arith.subf %sub3A_311, %get3A_302 : vector<16xf32>
        %mul3A_313 = arith.mulf %mul3A_308, %sub3A_312 : vector<16xf32>
        %add3A_314 = arith.addf %mul3A_309, %mul3A_313 : vector<16xf32>
        %swap3A_315 = arith.index_cast %add3A_296 : i32 to index
        %swap3A_316 = tpu.vector_load %arg22[%swap3A_315] {strides = array<i32>} : memref<4000xf32, #tpu.memory_space<vmem>>, vector<16xf32>,
        %swap3A_317 = vector.shape_cast %swap3A_316 : vector<16xf32> to vector<16xf32>
        %swap3A_318 = vector.shape_cast %add3A_314 : vector<16xf32> to vector<16xf32>
        tpu.vector_store %arg22[%swap3A_315], %swap3A_318 {strides = array<i32>} : memref<4000xf32, #tpu.memory_space<vmem>>, vector<16xf32>,
      }
      %scan3A_197 = arith.constant 50 : i32
      %dma_start3A = tpu.memref_slice %arg7[%mul3A_183] : memref<1000000xf32, #tpu.memory_space<hbm>> -> memref<4000xf32, #tpu.memory_space<hbm>>
      %dma_start3A_198 = tpu.memref_slice %arg7[%mul3A_183] : memref<1000000xf32, #tpu.memory_space<hbm>> -> memref<4000xf32, #tpu.memory_space<hbm>>
      tpu.enqueue_dma source(%arg22 : memref<4000xf32, #tpu.memory_space<vmem>>) target(%dma_start3A_198 : memref<4000xf32, #tpu.memory_space<hbm>>) target_semaphore(%arg27 : memref<!tpu.dma_semaphore, #tpu.memory_space<semaphore_mem>>)
    } else {
    }
    %add3A_159 = arith.constant 224 : i32
    %add3A_160 = arith.addi %add3A, %add3A_159 : i32
    %lt3A_161 = arith.constant 250 : i32
    %lt3A_162 = arith.cmpi slt, %add3A_160, %lt3A_161 : i32
    %convert_element_type3A_163 = arith.extui %lt3A_162 : i1 to i32
    %cond3A_164 = arith.constant 0 : i32
    %cond3A_165 = arith.cmpi ne, %convert_element_type3A_163, %cond3A_164 : i32
    scf.if %cond3A_165 {
      %add3A_180 = arith.constant 224 : i32
      %add3A_181 = arith.addi %add3A, %add3A_180 : i32
      %mul3A_182 = arith.constant 4000 : i32
      %mul3A_183 = arith.muli %add3A_181, %mul3A_182 : i32
      %dma_wait3A = arith.constant 0 : i32
      %dma_wait3A_184 = tpu.memref_slice %arg2[%dma_wait3A] : memref<12800000xf32, #tpu.memory_space<hbm>> -> memref<12800000xf32, #tpu.memory_space<hbm>>
      tpu.wait_indirect_dma semaphore(%arg26 : memref<!tpu.dma_semaphore, #tpu.memory_space<semaphore_mem>>) src(%dma_wait3A_184 : memref<12800000xf32, #tpu.memory_space<hbm>>) dst(%arg19 : memref<4000xf32, #tpu.memory_space<vmem>>)
      %dma_wait3A_185 = arith.constant 0 : i32
      %dma_wait3A_186 = tpu.memref_slice %arg3[%dma_wait3A_185] : memref<1000000xf32, #tpu.memory_space<hbm>> -> memref<1000000xf32, #tpu.memory_space<hbm>>
      tpu.wait_indirect_dma semaphore(%arg26 : memref<!tpu.dma_semaphore, #tpu.memory_space<semaphore_mem>>) src(%dma_wait3A_186 : memref<1000000xf32, #tpu.memory_space<hbm>>) dst(%arg21 : memref<4000xf32, #tpu.memory_space<vmem>>)
      %add3A_187 = arith.constant 160 : i32
      %add3A_188 = arith.addi %add3A, %add3A_187 : i32
      %mul3A_189 = arith.constant 4000 : i32
      %mul3A_190 = arith.muli %add3A_188, %mul3A_189 : i32
      %dma_wait3A_191 = tpu.memref_slice %arg7[%mul3A_190] : memref<1000000xf32, #tpu.memory_space<hbm>> -> memref<4000xf32, #tpu.memory_space<hbm>>
      %dma_wait3A_192 = tpu.memref_slice %arg7[%mul3A_190] : memref<1000000xf32, #tpu.memory_space<hbm>> -> memref<4000xf32, #tpu.memory_space<hbm>>
      tpu.wait_dma2 semaphore(%arg28 : memref<!tpu.dma_semaphore, #tpu.memory_space<semaphore_mem>>) src(%arg23 : memref<4000xf32, #tpu.memory_space<vmem>>) dst(%dma_wait3A_192 : memref<4000xf32, #tpu.memory_space<hbm>>)
      %scan3A = arith.constant 0 : i32
      %scan3A_193 = arith.constant 0 : i32
      %scan3A_194 = arith.constant 50 : i32
      %scan3A_195 = arith.addi %scan3A_193, %scan3A_194 : i32
      %scan3A_196 = arith.constant 1 : i32
      scf.for %scan3A_199 = %scan3A_193 to %scan3A_195 step %scan3A_196  : i32 {
        %mul3A_200 = arith.constant 80 : i32
        %mul3A_201 = arith.muli %scan3A_199, %mul3A_200 : i32
        %add3A_202 = arith.constant 0 : i32
        %add3A_203 = arith.addi %mul3A_201, %add3A_202 : i32
        %get3A = arith.index_cast %add3A_203 : i32 to index
        %get3A_204 = tpu.vector_load %arg19[%get3A] {strides = array<i32>} : memref<4000xf32, #tpu.memory_space<vmem>>, vector<16xf32>,
        %get3A_205 = vector.shape_cast %get3A_204 : vector<16xf32> to vector<16xf32>
        %get3A_206 = arith.index_cast %add3A_203 : i32 to index
        %get3A_207 = tpu.vector_load %arg21[%get3A_206] {strides = array<i32>} : memref<4000xf32, #tpu.memory_space<vmem>>, vector<16xf32>,
        %get3A_208 = vector.shape_cast %get3A_207 : vector<16xf32> to vector<16xf32>
        %sub3A = arith.constant 1.000000e+00 : f32
        %sub3A_209 = vector.broadcast %sub3A : f32 to vector<16xf32>
        %sub3A_210 = arith.subf %sub3A_209, %get3A_205 : vector<16xf32>
        %mul3A_211 = arith.constant 0.111111112 : f32
        %mul3A_212 = vector.broadcast %mul3A_211 : f32 to vector<16xf32>
        %mul3A_213 = arith.mulf %sub3A_210, %mul3A_212 : vector<16xf32>
        %mul3A_214 = arith.mulf %get3A_205, %get3A_208 : vector<16xf32>
        %sub3A_215 = arith.constant 1.000000e+00 : f32
        %sub3A_216 = vector.broadcast %sub3A_215 : f32 to vector<16xf32>
        %sub3A_217 = arith.subf %sub3A_216, %get3A_208 : vector<16xf32>
        %mul3A_218 = arith.mulf %mul3A_213, %sub3A_217 : vector<16xf32>
        %add3A_219 = arith.addf %mul3A_214, %mul3A_218 : vector<16xf32>
        %swap3A = arith.index_cast %add3A_203 : i32 to index
        %swap3A_220 = tpu.vector_load %arg23[%swap3A] {strides = array<i32>} : memref<4000xf32, #tpu.memory_space<vmem>>, vector<16xf32>,
        %swap3A_221 = vector.shape_cast %swap3A_220 : vector<16xf32> to vector<16xf32>
        %swap3A_222 = vector.shape_cast %add3A_219 : vector<16xf32> to vector<16xf32>
        tpu.vector_store %arg23[%swap3A], %swap3A_222 {strides = array<i32>} : memref<4000xf32, #tpu.memory_space<vmem>>, vector<16xf32>,
        %add3A_223 = arith.constant 16 : i32
        %add3A_224 = arith.addi %mul3A_201, %add3A_223 : i32
        %get3A_225 = arith.index_cast %add3A_224 : i32 to index
        %get3A_226 = tpu.vector_load %arg19[%get3A_225] {strides = array<i32>} : memref<4000xf32, #tpu.memory_space<vmem>>, vector<16xf32>,
        %get3A_227 = vector.shape_cast %get3A_226 : vector<16xf32> to vector<16xf32>
        %get3A_228 = arith.index_cast %add3A_224 : i32 to index
        %get3A_229 = tpu.vector_load %arg21[%get3A_228] {strides = array<i32>} : memref<4000xf32, #tpu.memory_space<vmem>>, vector<16xf32>,
        %get3A_230 = vector.shape_cast %get3A_229 : vector<16xf32> to vector<16xf32>
        %sub3A_231 = arith.constant 1.000000e+00 : f32
        %sub3A_232 = vector.broadcast %sub3A_231 : f32 to vector<16xf32>
        %sub3A_233 = arith.subf %sub3A_232, %get3A_227 : vector<16xf32>
        %mul3A_234 = arith.constant 0.111111112 : f32
        %mul3A_235 = vector.broadcast %mul3A_234 : f32 to vector<16xf32>
        %mul3A_236 = arith.mulf %sub3A_233, %mul3A_235 : vector<16xf32>
        %mul3A_237 = arith.mulf %get3A_227, %get3A_230 : vector<16xf32>
        %sub3A_238 = arith.constant 1.000000e+00 : f32
        %sub3A_239 = vector.broadcast %sub3A_238 : f32 to vector<16xf32>
        %sub3A_240 = arith.subf %sub3A_239, %get3A_230 : vector<16xf32>
        %mul3A_241 = arith.mulf %mul3A_236, %sub3A_240 : vector<16xf32>
        %add3A_242 = arith.addf %mul3A_237, %mul3A_241 : vector<16xf32>
        %swap3A_243 = arith.index_cast %add3A_224 : i32 to index
        %swap3A_244 = tpu.vector_load %arg23[%swap3A_243] {strides = array<i32>} : memref<4000xf32, #tpu.memory_space<vmem>>, vector<16xf32>,
        %swap3A_245 = vector.shape_cast %swap3A_244 : vector<16xf32> to vector<16xf32>
        %swap3A_246 = vector.shape_cast %add3A_242 : vector<16xf32> to vector<16xf32>
        tpu.vector_store %arg23[%swap3A_243], %swap3A_246 {strides = array<i32>} : memref<4000xf32, #tpu.memory_space<vmem>>, vector<16xf32>,
        %add3A_247 = arith.constant 32 : i32
        %add3A_248 = arith.addi %mul3A_201, %add3A_247 : i32
        %get3A_249 = arith.index_cast %add3A_248 : i32 to index
        %get3A_250 = tpu.vector_load %arg19[%get3A_249] {strides = array<i32>} : memref<4000xf32, #tpu.memory_space<vmem>>, vector<16xf32>,
        %get3A_251 = vector.shape_cast %get3A_250 : vector<16xf32> to vector<16xf32>
        %get3A_252 = arith.index_cast %add3A_248 : i32 to index
        %get3A_253 = tpu.vector_load %arg21[%get3A_252] {strides = array<i32>} : memref<4000xf32, #tpu.memory_space<vmem>>, vector<16xf32>,
        %get3A_254 = vector.shape_cast %get3A_253 : vector<16xf32> to vector<16xf32>
        %sub3A_255 = arith.constant 1.000000e+00 : f32
        %sub3A_256 = vector.broadcast %sub3A_255 : f32 to vector<16xf32>
        %sub3A_257 = arith.subf %sub3A_256, %get3A_251 : vector<16xf32>
        %mul3A_258 = arith.constant 0.111111112 : f32
        %mul3A_259 = vector.broadcast %mul3A_258 : f32 to vector<16xf32>
        %mul3A_260 = arith.mulf %sub3A_257, %mul3A_259 : vector<16xf32>
        %mul3A_261 = arith.mulf %get3A_251, %get3A_254 : vector<16xf32>
        %sub3A_262 = arith.constant 1.000000e+00 : f32
        %sub3A_263 = vector.broadcast %sub3A_262 : f32 to vector<16xf32>
        %sub3A_264 = arith.subf %sub3A_263, %get3A_254 : vector<16xf32>
        %mul3A_265 = arith.mulf %mul3A_260, %sub3A_264 : vector<16xf32>
        %add3A_266 = arith.addf %mul3A_261, %mul3A_265 : vector<16xf32>
        %swap3A_267 = arith.index_cast %add3A_248 : i32 to index
        %swap3A_268 = tpu.vector_load %arg23[%swap3A_267] {strides = array<i32>} : memref<4000xf32, #tpu.memory_space<vmem>>, vector<16xf32>,
        %swap3A_269 = vector.shape_cast %swap3A_268 : vector<16xf32> to vector<16xf32>
        %swap3A_270 = vector.shape_cast %add3A_266 : vector<16xf32> to vector<16xf32>
        tpu.vector_store %arg23[%swap3A_267], %swap3A_270 {strides = array<i32>} : memref<4000xf32, #tpu.memory_space<vmem>>, vector<16xf32>,
        %add3A_271 = arith.constant 48 : i32
        %add3A_272 = arith.addi %mul3A_201, %add3A_271 : i32
        %get3A_273 = arith.index_cast %add3A_272 : i32 to index
        %get3A_274 = tpu.vector_load %arg19[%get3A_273] {strides = array<i32>} : memref<4000xf32, #tpu.memory_space<vmem>>, vector<16xf32>,
        %get3A_275 = vector.shape_cast %get3A_274 : vector<16xf32> to vector<16xf32>
        %get3A_276 = arith.index_cast %add3A_272 : i32 to index
        %get3A_277 = tpu.vector_load %arg21[%get3A_276] {strides = array<i32>} : memref<4000xf32, #tpu.memory_space<vmem>>, vector<16xf32>,
        %get3A_278 = vector.shape_cast %get3A_277 : vector<16xf32> to vector<16xf32>
        %sub3A_279 = arith.constant 1.000000e+00 : f32
        %sub3A_280 = vector.broadcast %sub3A_279 : f32 to vector<16xf32>
        %sub3A_281 = arith.subf %sub3A_280, %get3A_275 : vector<16xf32>
        %mul3A_282 = arith.constant 0.111111112 : f32
        %mul3A_283 = vector.broadcast %mul3A_282 : f32 to vector<16xf32>
        %mul3A_284 = arith.mulf %sub3A_281, %mul3A_283 : vector<16xf32>
        %mul3A_285 = arith.mulf %get3A_275, %get3A_278 : vector<16xf32>
        %sub3A_286 = arith.constant 1.000000e+00 : f32
        %sub3A_287 = vector.broadcast %sub3A_286 : f32 to vector<16xf32>
        %sub3A_288 = arith.subf %sub3A_287, %get3A_278 : vector<16xf32>
        %mul3A_289 = arith.mulf %mul3A_284, %sub3A_288 : vector<16xf32>
        %add3A_290 = arith.addf %mul3A_285, %mul3A_289 : vector<16xf32>
        %swap3A_291 = arith.index_cast %add3A_272 : i32 to index
        %swap3A_292 = tpu.vector_load %arg23[%swap3A_291] {strides = array<i32>} : memref<4000xf32, #tpu.memory_space<vmem>>, vector<16xf32>,
        %swap3A_293 = vector.shape_cast %swap3A_292 : vector<16xf32> to vector<16xf32>
        %swap3A_294 = vector.shape_cast %add3A_290 : vector<16xf32> to vector<16xf32>
        tpu.vector_store %arg23[%swap3A_291], %swap3A_294 {strides = array<i32>} : memref<4000xf32, #tpu.memory_space<vmem>>, vector<16xf32>,
        %add3A_295 = arith.constant 64 : i32
        %add3A_296 = arith.addi %mul3A_201, %add3A_295 : i32
        %get3A_297 = arith.index_cast %add3A_296 : i32 to index
        %get3A_298 = tpu.vector_load %arg19[%get3A_297] {strides = array<i32>} : memref<4000xf32, #tpu.memory_space<vmem>>, vector<16xf32>,
        %get3A_299 = vector.shape_cast %get3A_298 : vector<16xf32> to vector<16xf32>
        %get3A_300 = arith.index_cast %add3A_296 : i32 to index
        %get3A_301 = tpu.vector_load %arg21[%get3A_300] {strides = array<i32>} : memref<4000xf32, #tpu.memory_space<vmem>>, vector<16xf32>,
        %get3A_302 = vector.shape_cast %get3A_301 : vector<16xf32> to vector<16xf32>
        %sub3A_303 = arith.constant 1.000000e+00 : f32
        %sub3A_304 = vector.broadcast %sub3A_303 : f32 to vector<16xf32>
        %sub3A_305 = arith.subf %sub3A_304, %get3A_299 : vector<16xf32>
        %mul3A_306 = arith.constant 0.111111112 : f32
        %mul3A_307 = vector.broadcast %mul3A_306 : f32 to vector<16xf32>
        %mul3A_308 = arith.mulf %sub3A_305, %mul3A_307 : vector<16xf32>
        %mul3A_309 = arith.mulf %get3A_299, %get3A_302 : vector<16xf32>
        %sub3A_310 = arith.constant 1.000000e+00 : f32
        %sub3A_311 = vector.broadcast %sub3A_310 : f32 to vector<16xf32>
        %sub3A_312 = arith.subf %sub3A_311, %get3A_302 : vector<16xf32>
        %mul3A_313 = arith.mulf %mul3A_308, %sub3A_312 : vector<16xf32>
        %add3A_314 = arith.addf %mul3A_309, %mul3A_313 : vector<16xf32>
        %swap3A_315 = arith.index_cast %add3A_296 : i32 to index
        %swap3A_316 = tpu.vector_load %arg23[%swap3A_315] {strides = array<i32>} : memref<4000xf32, #tpu.memory_space<vmem>>, vector<16xf32>,
        %swap3A_317 = vector.shape_cast %swap3A_316 : vector<16xf32> to vector<16xf32>
        %swap3A_318 = vector.shape_cast %add3A_314 : vector<16xf32> to vector<16xf32>
        tpu.vector_store %arg23[%swap3A_315], %swap3A_318 {strides = array<i32>} : memref<4000xf32, #tpu.memory_space<vmem>>, vector<16xf32>,
      }
      %scan3A_197 = arith.constant 50 : i32
      %dma_start3A = tpu.memref_slice %arg7[%mul3A_183] : memref<1000000xf32, #tpu.memory_space<hbm>> -> memref<4000xf32, #tpu.memory_space<hbm>>
      %dma_start3A_198 = tpu.memref_slice %arg7[%mul3A_183] : memref<1000000xf32, #tpu.memory_space<hbm>> -> memref<4000xf32, #tpu.memory_space<hbm>>
      tpu.enqueue_dma source(%arg23 : memref<4000xf32, #tpu.memory_space<vmem>>) target(%dma_start3A_198 : memref<4000xf32, #tpu.memory_space<hbm>>) target_semaphore(%arg28 : memref<!tpu.dma_semaphore, #tpu.memory_space<semaphore_mem>>)
    } else {
    }
    %add3A_166 = arith.constant 192 : i32
    %add3A_167 = arith.addi %add3A, %add3A_166 : i32
    %lt3A_168 = arith.constant 250 : i32
    %lt3A_169 = arith.cmpi slt, %add3A_167, %lt3A_168 : i32
    %convert_element_type3A_170 = arith.extui %lt3A_169 : i1 to i32
    %cond3A_171 = arith.constant 0 : i32
    %cond3A_172 = arith.cmpi ne, %convert_element_type3A_170, %cond3A_171 : i32
    scf.if %cond3A_172 {
      %add3A_180 = arith.constant 192 : i32
      %add3A_181 = arith.addi %add3A, %add3A_180 : i32
      %mul3A_182 = arith.constant 4000 : i32
      %mul3A_183 = arith.muli %add3A_181, %mul3A_182 : i32
      %dma_wait3A = tpu.memref_slice %arg7[%mul3A_183] : memref<1000000xf32, #tpu.memory_space<hbm>> -> memref<4000xf32, #tpu.memory_space<hbm>>
      %dma_wait3A_184 = tpu.memref_slice %arg7[%mul3A_183] : memref<1000000xf32, #tpu.memory_space<hbm>> -> memref<4000xf32, #tpu.memory_space<hbm>>
      tpu.wait_dma2 semaphore(%arg27 : memref<!tpu.dma_semaphore, #tpu.memory_space<semaphore_mem>>) src(%arg22 : memref<4000xf32, #tpu.memory_space<vmem>>) dst(%dma_wait3A_184 : memref<4000xf32, #tpu.memory_space<hbm>>)
    } else {
    }
    %add3A_173 = arith.constant 224 : i32
    %add3A_174 = arith.addi %add3A, %add3A_173 : i32
    %lt3A_175 = arith.constant 250 : i32
    %lt3A_176 = arith.cmpi slt, %add3A_174, %lt3A_175 : i32
    %convert_element_type3A_177 = arith.extui %lt3A_176 : i1 to i32
    %cond3A_178 = arith.constant 0 : i32
    %cond3A_179 = arith.cmpi ne, %convert_element_type3A_177, %cond3A_178 : i32
    scf.if %cond3A_179 {
      %add3A_180 = arith.constant 224 : i32
      %add3A_181 = arith.addi %add3A, %add3A_180 : i32
      %mul3A_182 = arith.constant 4000 : i32
      %mul3A_183 = arith.muli %add3A_181, %mul3A_182 : i32
      %dma_wait3A = tpu.memref_slice %arg7[%mul3A_183] : memref<1000000xf32, #tpu.memory_space<hbm>> -> memref<4000xf32, #tpu.memory_space<hbm>>
      %dma_wait3A_184 = tpu.memref_slice %arg7[%mul3A_183] : memref<1000000xf32, #tpu.memory_space<hbm>> -> memref<4000xf32, #tpu.memory_space<hbm>>
      tpu.wait_dma2 semaphore(%arg28 : memref<!tpu.dma_semaphore, #tpu.memory_space<semaphore_mem>>) src(%arg23 : memref<4000xf32, #tpu.memory_space<vmem>>) dst(%dma_wait3A_184 : memref<4000xf32, #tpu.memory_space<hbm>>)
    } else {
    }
    return
  }
}

</mosaic_0001>

<sc_bundles>
// kernel: _sc_scores.3.cloned.1.call-start
scs
__scs_entry_jumppad:
0x0: {  	(pc) =	sbr.rel $0x88, $3  }
0x1: {  	(tag) =	ssettag $0x0;
	lr =	simm.s32 $0x1  }
0x2: {  	[smem:$0x3F9C] =	sst lr;
	_ =	strace $0xD0000000  }
0x3: {  	_ = 	snop  }
0x4: {  	_ = 	snop  }
0x5: {  	_ = 	snop  }
0x6: {  	_ = 	snop  }
0x7: {  	_ = 	snop  }
__scs_overlays_trampoline_lowered:
0x8: {  	[smem:$0x3FAB] =	sst s0  }
0x9: {  	[smem:$0x3FAC] =	sst s1  }
0xa: {  	[smem:$0x3FAD] =	sst s2  }
0xb: {  	[smem:$0x3FAE] =	sst s3  }
0xc: {  	[smem:$0x3FAF] =	sst s4  }
0xd: {  	[smem:$0x3FB0] =	sst s5  }
0xe: {  	[smem:$0x3FB1] =	sst s6  }
0xf: {  	[smem:$0x3FB2] =	sst s7  }
0x10: {  	[smem:$0x3FB3] =	sst s8  }
0x11: {  	[smem:$0x3FB4] =	sst s9;
	s0 =	simm.s32 @!p0 $0x0  }
0x12: {  	s1 =	sld [smem:$0x3F9A];
	s0 =	simm.s32 @p0 $0x1  }
0x13: {  	[smem:$0x3FB5] =	sst s0;
	s0 =	simm.s32 @!p1 $0x0  }
0x14: {  	s2 =	sld [smem:$0x3F99];
	s0 =	simm.s32 @p1 $0x1  }
0x15: {  	[smem:$0x3FB6] =	sst s0;
	s0 =	simm.s32 @!p2 $0x0  }
0x16: {  	s3 =	sld [smem:$0x3FDB];
	s0 =	simm.s32 @p2 $0x1  }
0x17: {  	s4 =	simm.s32 $0x1BF5;
	[smem:$0x3FB8] =	sst s0  }
0x18: {  	s0 =	sld [smem:$0x3F9B];
	_ =	swait.ge [sflag:s4], $0x0  }
0x19: {  	s7 =	sld [smem:$0x3F9C]  }
0x1a: {  	s8 =	sadd.s32 $0xFFFFE003, lr  }
0x1b: {  	s9 =	sadd.s32 $0xFFFFFEF7, lr;
	s5 =	simm.s32 $0xFFFFFFFF;
	p2 =	slt.u32 s8, $0xFFFFF086  }
0x1c: {  	p1 =	slt.u32 s9, $0xF7A;
	s5 =	simm.s32 @!p2 $0x0  }
0x1d: {  	s5 =	simm.s32 @p1 $0x1;
	p0 =	seq.s32 s7, s2  }
0x1e: {  	s7 =	smul.u32 @!p0 $0xF7A, s2;
	p2 =	seq.s32 @!p0 s5, $0x0  }
0x1f: {  	s9 =	smul.u32 $0xF7A, s1;
	s8 =	simm.s32 @!p0 $0x1BF5;
	p2 =	por !p2, p0  }
0x20: {  	[sflag:s8] =	ssyncset.s32 @!p0 $0xFFFFF086;
	s6 =	sadd.s32 @!p0 s3, s7;
	s7 =	simm.s32 @!p0 $0x108  }
0x21: {  	s3 =	sadd.s32 s3, s9;
	s6 =	sadd.s32 @!p0 $0x88, s6;
	s7 =	simm.s32 @p2 $0x1082  }
0x22: {  	[simem:s7], [sflag:s8] =	dma.local @!p0 [hbm:s6], $0xF7A  }
0x23: {  	s9 =	sor.u32 $0xD0000000, s2;
	s6 =	simm.s32 $0x108;
	_ =	swait.ge @!p0 [sflag:s8], $0x0  }
0x24: {  	s3 =	sadd.s32 $0x88, s3;
	s6 =	simm.s32 @!p1 $0x1082;
	[sflag:s4] =	ssyncset.s32 $0xFFFFF086  }
0x25: {  	[simem:s6], [sflag:s4] =	dma.local [hbm:s3], $0xF7A  }
0x26: {  	[smem:$0x3F9C] =	sst s1;
	(tag) =	ssettag s2;
	_ =	strace s9  }
0x27: {  	s1 =	sld [smem:$0x3FAC]  }
0x28: {  	s2 =	sld [smem:$0x3FAD]  }
0x29: {  	s4 =	sld [smem:$0x3FAF]  }
0x2a: {  	p0 =	seq.s32 s5, $0x0;
	s5 =	sld [smem:$0x3FB0]  }
0x2b: {  	s6 =	sld [smem:$0x3FB1]  }
0x2c: {  	s7 =	sld [smem:$0x3FB2]  }
0x2d: {  	s3 =	simm.s32 $0x108;
	s8 =	sld [smem:$0x3FB3]  }
0x2e: {  	s3 =	simm.s32 @!p0 $0x1082;
	s9 =	sld [smem:$0x3FB4]  }
0x2f: {  	lr =	sadd.s32 s0, s3;
	s0 =	sld [smem:$0x3FAB]  }
0x30: {  	s3 =	sld [smem:$0x3FAE]  }
0x31: {  	[smem:$0x3FB7] =	sst s10  }
0x32: {  	s10 =	sld [smem:$0x3FB5];
	_ =	sdelay $0x3  }
0x33: {  	p0 =	seq.s32 s10, $0x1;
	s10 =	sld [smem:$0x3FB7];
	_ =	sdelay $0x3  }
0x34: {  	[smem:$0x3FB7] =	sst s10  }
0x35: {  	s10 =	sld [smem:$0x3FB6];
	_ =	sdelay $0x3  }
0x36: {  	p1 =	seq.s32 s10, $0x1;
	s10 =	sld [smem:$0x3FB7];
	_ =	sdelay $0x3  }
0x37: {  	[smem:$0x3FB7] =	sst s10  }
0x38: {  	s10 =	sld [smem:$0x3FB8]  }
0x39: {  	_ = 	snop;
	(pc) =	sbr.ind lr, $3  }
0x3a: {  	_ = 	snop  }
0x3b: {  	_ = 	snop  }
0x3c: {  	p2 =	seq.s32 s10, $0x1;
	s10 =	sld [smem:$0x3FB7]  }
0x3d: {  	_ =	shalt  }
0x3e: {  	_ =	shalt  }
0x3f: {  	_ =	shalt  }
0x40: {  	_ =	shalt  }
0x41: {  	_ =	shalt  }
0x42: {  	_ =	shalt  }
0x43: {  	_ =	shalt  }
0x44: {  	_ =	shalt  }
0x45: {  	_ =	shalt  }
0x46: {  	_ =	shalt  }
0x47: {  	_ =	shalt  }
0x48: {  	_ =	shalt  }
0x49: {  	_ =	shalt  }
0x4a: {  	_ =	shalt  }
0x4b: {  	_ =	shalt  }
0x4c: {  	_ =	shalt  }
0x4d: {  	_ =	shalt  }
0x4e: {  	_ =	shalt  }
0x4f: {  	_ =	shalt  }
0x50: {  	_ =	shalt  }
0x51: {  	_ =	shalt  }
0x52: {  	_ =	shalt  }
0x53: {  	_ =	shalt  }
0x54: {  	_ =	shalt  }
0x55: {  	_ =	shalt  }
0x56: {  	_ =	shalt  }
0x57: {  	_ =	shalt  }
0x58: {  	_ =	shalt  }
0x59: {  	_ =	shalt  }
0x5a: {  	_ =	shalt  }
0x5b: {  	_ =	shalt  }
0x5c: {  	_ =	shalt  }
0x5d: {  	_ =	shalt  }
0x5e: {  	_ =	shalt  }
0x5f: {  	_ =	shalt  }
0x60: {  	_ =	shalt  }
0x61: {  	_ =	shalt  }
0x62: {  	_ =	shalt  }
0x63: {  	_ =	shalt  }
0x64: {  	_ =	shalt  }
0x65: {  	_ =	shalt  }
0x66: {  	_ =	shalt  }
0x67: {  	_ =	shalt  }
0x68: {  	_ =	shalt  }
0x69: {  	_ =	shalt  }
0x6a: {  	_ =	shalt  }
0x6b: {  	_ =	shalt  }
0x6c: {  	_ =	shalt  }
0x6d: {  	_ =	shalt  }
0x6e: {  	_ =	shalt  }
0x6f: {  	_ =	shalt  }
0x70: {  	_ =	shalt  }
0x71: {  	_ =	shalt  }
0x72: {  	_ =	shalt  }
0x73: {  	_ =	shalt  }
0x74: {  	_ =	shalt  }
0x75: {  	_ =	shalt  }
0x76: {  	_ =	shalt  }
0x77: {  	_ =	shalt  }
0x78: {  	_ =	shalt  }
0x79: {  	_ =	shalt  }
0x7a: {  	_ =	shalt  }
0x7b: {  	_ =	shalt  }
0x7c: {  	_ =	shalt  }
0x7d: {  	_ =	shalt  }
0x7e: {  	_ =	shalt  }
0x7f: {  	_ =	shalt  }
0x80: {  	_ =	shalt  }
0x81: {  	_ =	shalt  }
0x82: {  	_ =	shalt  }
0x83: {  	_ =	shalt  }
0x84: {  	_ =	shalt  }
0x85: {  	_ =	shalt  }
0x86: {  	_ =	shalt  }
0x87: {  	_ =	shalt  }
.Lfunc_end0:
.L_simem_size_0:
called_computation_lowered:
.L_overlay_start_0:
0x88: {  	s2 =	sld [smem:$0x3FD9]  }
0x89: {  	s3 =	sld [smem:$0x3FFE];
	_ =	sdelay $0x1  }
0x8a: {  	s1 =	srdreg.scid  }
0x8b: {  	s0 =	sand.u32 $0x1, s1  }
0x8c: {  	s18 =	sshll.u32 s0, $0xA;
	s2 =	sadd.s32 s3, s2  }
0x8d: {  	s2 =	sadd.s32 s2, s18  }
0x8e: {  	[smem:$0x3FC3] =	sst s2  }
0x8f: {  	_ = 	snop  }
0x90: {  	s2 =	sld [smem:$0x3FC9]  }
0x91: {  	s19 =	sld [smem:$0x3FC8]  }
0x92: {  	s4 =	sld [smem:$0x3FC7]  }
0x93: {  	s5 =	sld [smem:$0x3FC6]  }
0x94: {  	s6 =	sld [smem:$0x3FC5]  }
0x95: {  	s7 =	sld [smem:$0x3FD0];
	(tm) =	ssettm $0x1  }
0x96: {  	s8 =	sld [smem:$0x3FFB];
	_ =	sdelay $0x3  }
0x97: {  	_ =	strace s8  }
0x98: {  	s8 =	sld [smem:$0x3FFC];
	_ =	sdelay $0x3  }
0x99: {  	_ =	strace s8  }
0x9a: {  	s8 =	sld [smem:$0x3FFD];
	_ =	sdelay $0x3  }
0x9b: {  	_ =	strace s8  }
0x9c: {  	_ =	strace $0x8FFFFFFF  }
0x9d: {  	s20 =	sld [smem:$0x3FDB];
	_ =	sdelay $0x1  }
0x9e: {  	s9 =	simm.s32 $_scs_section_size  }
0x9f: {  	s10 =	simm.s32 $_size__tile_overlayer_lowered;
	s11 =	simm.s32 $_tile_overlayer_lowered  }
0xa0: {  	s23 =	simm.s32 $0x1BFF;
	s22 =	sshll.u32 s11, $0x1;
	s8 =	sadd.s32 s9, s20  }
0xa1: {  	s12 =	simm.s32 $0x0;
	s21 =	sshll.u32 s10, $0x1;
	s10 =	sadd.s32 s22, s8  }
0xa2: {  	[timem:s12], [sflag:s23] =	dma.local [hbm:s10], s21  }
0xa3: {  	_ =	swait.ge [sflag:s23], s21  }
0xa4: {  	s9 =	ssub.s32 $0x0, s21;
	[sflag:s23] =	ssyncset.done $0x0  }
0xa5: {  	[sflag:s23] =	ssyncadd.s32 s9;
	_ =	sdelay $0x1  }
0xa6: {  	s24 =	simm.s32 $0x1B8B  }
0xa7: {  	_ =	swait.ge [sflag:s24], $0x1  }
0xa8: {  	[sflag:s24] =	ssyncset.done $0x0  }
0xa9: {  	s25 =	simm.s32 $0x1B8E;
	[sflag:s24] =	ssyncadd.s32 $0xFFFFFFFF  }
0xaa: {  	s26 =	simm.s32 $execute0_lowered;
	[smem:$0x3FD2] =	sst s25  }
0xab: {  	s9 =	sshll.u32 s26, $0x1;
	_ =	strace $0x80000046;
	[dreg:$0x1] =	wrdreg $0xFFFFFFFF  }
0xac: {  	s28 =	simm.s32 $_size_execute0_lowered;
	s8 =	sadd.s32 s8, s9;
	[dreg:$0x0] =	wrdreg $0x0  }
0xad: {  	s9 =	sshll.u32 s28, $0x1;
	[dreg:$0x2] =	wrdreg s8  }
0xae: {  	[dreg:$0x3] =	wrdreg s9  }
0xaf: {  	[dreg:$0x4] =	wrdreg $0xC0  }
0xb0: {  	_ =	task [dreg:s12], $0x5FFFF  }
0xb1: {  	[dreg:$0x1] =	wrdreg $0xFFFFFFFF  }
0xb2: {  	[dreg:$0x0] =	wrdreg $0x60  }
0xb3: {  	[dreg:$0x2] =	wrdreg s2  }
0xb4: {  	[dreg:$0x3] =	wrdreg s19  }
0xb5: {  	[dreg:$0x4] =	wrdreg s4  }
0xb6: {  	[dreg:$0x5] =	wrdreg s5  }
0xb7: {  	[dreg:$0x6] =	wrdreg s6  }
0xb8: {  	[dreg:$0x7] =	wrdreg s7  }
0xb9: {  	[dreg:$0x8] =	wrdreg $0x9  }
0xba: {  	_ =	task.clear_ibuf [dreg:s12], $0x9FFFF;
	_ =	strace $0x90000046  }
0xbb: {  	s29 =	simm.s32 $0x9;
	_ =	strace $0x80000048  }
0xbc: {  	_ =	swait.ge [sflag:s29], $0x1  }
0xbd: {  	[sflag:s29] =	ssyncadd.s32 $0xFFFFFFFF  }
0xbe: {  	_ =	strace $0x90000048  }
0xbf: {  	_ =	sfence  }
0xc0: {  	s30 =	sld [smem:$0x0];
	_ =	sdelay $0x2  }
0xc1: {  	s31 =	sshll.u32 s1, $0xD;
	s1 =	sshrl.u32 s1, $0x2  }
0xc2: {  	s3 =	sand.u32 $0x4000, s31;
	s1 =	sadd.s32 s1, s30  }
0xc3: {  	s0 =	sor.u32 s3, s0;
	s1 =	sshll.u32 s1, $0x11  }
0xc4: {  	s0 =	sor.u32 s1, s0  }
0xc5: {  	s0 =	sadd.s32 $0x8F2B, s0  }
0xc6: {  	[sflag:s0] =	ssyncadd.remote.s32 $0x1  }
0xc7: {  	_ =	sfence.sel $0xFFFF  }
0xc8: {  	[dreg:$0x0] =	wrdreg $0xFFFFFFFF;
	(pc) =	sbr.abs _section_cstart, $3  }
0xc9: {  	[dreg:$0x1] =	wrdreg $0xFFFFFFFF  }
0xca: {  	_ =	task.clear_ibuf [dreg:s12], $0x2FFFF;
	_ =	strace $0x9FFFFFFF  }
0xcb: {  	(tm) =	ssettm $0x7FFFFFFF  }
tec
execute0_lowered:
.L_overlay_start_1:
0x0: {  	(tag) =	ssettag $0x1  }
0x1: {  	s0 =	srdreg.scid;
	s2 =	rddreg [dreg:$0x2]  }
0x2: {  	s10 =	stileid.u32;
	s3 =	rddreg [dreg:$0x3]  }
0x3: {  	s4 =	rddreg [dreg:$0x4];
	s0 =	sand.u32 $0x1, s0;
	s1 =	sshll.u32 s10, $0x1  }
0x4: {  	s6 =	rddreg [dreg:$0x5];
	s1 =	sor.u32 s0, s1  }
0x5: {  	s30 =	rddreg [dreg:$0x0];
	s5 =	smul.u32 $0x1F4, s1  }
0x6: {  	s31 =	rddreg [dreg:$0x1];
	s1 =	simm.s32 $0x0  }
0x7: {  	[smem:$0x7FF] =	sst s1;
	s8 =	sadd.s32 s2, s5  }
0x8: {  	s14 =	sadd.s32 $0x3E80, s5;
	s15 =	sadd.s32 s3, s5;
	[dreg:$0x7] =	wrdreg s8  }
0x9: {  	[dreg:$0x8] =	wrdreg s15;
	s16 =	sadd.s32 s2, s14  }
0xa: {  	s17 =	sadd.s32 s3, s14;
	[dreg:$0x9] =	wrdreg s16  }
0xb: {  	s19 =	sadd.s32 $0x7D00, s5;
	s18 =	sadd.s32 s4, s14;
	[dreg:$0xa] =	wrdreg s17  }
0xc: {  	s9 =	sadd.s32 s2, s19;
	[dreg:$0xb] =	wrdreg s18  }
0xd: {  	s20 =	sadd.s32 s3, s19;
	[dreg:$0xc] =	wrdreg s9  }
0xe: {  	s21 =	sadd.s32 $0xBB80, s5;
	s11 =	sadd.s32 s4, s19;
	[dreg:$0xd] =	wrdreg s20  }
0xf: {  	s0 =	ssub.s32 $0x2, s0;
	s22 =	sadd.s32 s2, s21;
	[dreg:$0xe] =	wrdreg s11  }
0x10: {  	s7 =	sshrl.u32 s0, $0x1;
	s23 =	sadd.s32 s3, s21;
	[dreg:$0xf] =	wrdreg s22  }
0x11: {  	s0 =	ssub.s32 s0, s7;
	s24 =	sadd.s32 s4, s21;
	[dreg:$0x10] =	wrdreg s23  }
0x12: {  	s25 =	sadd.s32 $0xFA00, s5;
	s7 =	sadd.s32 s6, s14;
	[dreg:$0x11] =	wrdreg s24  }
0x13: {  	s26 =	sadd.s32 s2, s25;
	[dreg:$0x12] =	wrdreg s7  }
0x14: {  	s29 =	sadd.s32 s3, s25;
	[dreg:$0x13] =	wrdreg s26  }
0x15: {  	s12 =	sadd.s32 s4, s25;
	[dreg:$0x14] =	wrdreg s29  }
0x16: {  	s28 =	simm.s32 $0x0;
	s8 =	sadd.s32 s6, s19;
	[dreg:$0x15] =	wrdreg s12  }
0x17: {  	p0 =	sgt.u32 s10, $0xC;
	s13 =	sadd.s32 s6, s21;
	[dreg:$0x16] =	wrdreg s8  }
0x18: {  	s10 =	simm.s32 $0x8000;
	s14 =	sadd.s32 s4, s5;
	[dreg:$0x17] =	wrdreg s13  }
0x19: {  	s15 =	sadd.s32 s6, s5;
	s7 =	sadd.s32 s6, s25;
	[dreg:$0x19] =	wrdreg s14  }
0x1a: {  	[dreg:$0x1a] =	wrdreg s15;
	s16 =	sadd.s32 $0x13880, s5;
	s17 =	sadd.s32 $0x17700, s5  }
0x1b: {  	s5 =	sadd.s32 $0x1B580, s5;
	s8 =	simm.s32 $0x1;
	s9 =	simm.s32 $0xFA0  }
0x1c: {  	s11 =	simm.s32 $0xA000;
	[dreg:$0x18] =	wrdreg s7;
	s18 =	sadd.s32 s2, s16  }
0x1d: {  	s12 =	simm.s32 $0x6000;
	s19 =	sadd.s32 s2, s17;
	[dreg:$0x1b] =	wrdreg s18  }
0x1e: {  	s13 =	simm.s32 $0xC000;
	s2 =	sadd.s32 s2, s5;
	[dreg:$0x1c] =	wrdreg s19  }
0x1f: {  	s14 =	simm.s32 $0x3000;
	s20 =	sadd.s32 s3, s16;
	[dreg:$0x1d] =	wrdreg s2  }
0x20: {  	s15 =	simm.s32 $0x4000;
	s21 =	sadd.s32 s3, s17;
	[dreg:$0x1e] =	wrdreg s20  }
0x21: {  	s22 =	sadd.s32 s3, s5;
	s23 =	sadd.s32 s4, s16;
	[dreg:$0x1f] =	wrdreg s21  }
0x22: {  	s24 =	sadd.s32 s4, s17;
	s25 =	sadd.s32 s4, s5;
	[smem:$0x7F8] =	sst s22  }
0x23: {  	s26 =	sadd.s32 s6, s16;
	s4 =	sadd.s32 s6, s17;
	[smem:$0x7F9] =	sst s23  }
0x24: {  	s29 =	sadd.s32 s6, s5;
	s5 =	smax.u32 s0, $0x1;
	[smem:$0x7FA] =	sst s24  }
0x25: {  	s6 =	simm.s32 $0x1000;
	s7 =	simm.s32 $0x2000;
	[smem:$0x7FB] =	sst s25  }
.Ltmp0:
0x26: {  	s16 =	simm.s32 $0x5000;
	[smem:$0x7FC] =	sst s26;
	(pc) =	sbr.rel .LBB2_1-.Ltmp0, $4  }
0x27: {  	s17 =	simm.s32 $0x9000;
	[smem:$0x7FD] =	sst s29;
	s18 =	simm.s32 $0xB000  }
0x28: {  	s19 =	simm.s32 $0x7000;
	s20 =	simm.s32 $0xD000;
	s21 =	simm.s32 $0x2  }
0x29: {  	s22 =	simm.s32 $0xE000;
	s23 =	simm.s32 $0x3;
	s24 =	simm.s32 $0xF000  }
0x2a: {  	s25 =	simm.s32 $0x4;
	s26 =	simm.s32 $0x5;
	_ =	strace $0x80000047  }
.LBB2_36:
0x2b: {  	v16 =	vld [tilespmem:s2+$0xB040];
	[tilespmem:s0+$0xF020] =	vst v13;
	v9 =	vadd.f32 v10, v9  }
0x2c: {  	v14 =	vadd.f32 v15, v14;
	v37 =	vld [tilespmem:s2+$0xB000]  }
0x2d: {  	v17 =	vsub.f32 $1.000000000e+00, v1;
	v38 =	vmul.f32 $1.111111120e-01, v11;
	v39 =	vsub.f32 $1.000000000e+00, v6;
	v13 =	vld [tilespmem:s2+$0xD040];
	[tilespmem:s0+$0xF030] =	vst v9  }
0x2e: {  	v12 =	vmul.f32 $1.111111120e-01, v12;
	v3 =	vmul.f32 v6, v3;
	v41 =	vsub.f32 $1.000000000e+00, v4;
	v40 =	vld [tilespmem:s2+$0xB010];
	[tilespmem:s29+$0xF040] =	vst v14  }
0x2f: {  	v0 =	vmul.f32 v4, v0;
	v42 =	vsub.f32 $1.000000000e+00, v5;
	v8 =	vmul.f32 v39, v8;
	v43 =	vld [tilespmem:s2+$0xB020]  }
0x30: {  	v2 =	vmul.f32 v5, v2;
	v45 =	vsub.f32 $1.000000000e+00, v7;
	v6 =	vmul.f32 v41, v38;
	v44 =	vld [tilespmem:s2+$0xB030]  }
0x31: {  	v17 =	vmul.f32 $1.111111120e-01, v17;
	v4 =	vmul.f32 v42, v12;
	v47 =	vld [tilespmem:s2+$0xD000];
	v3 =	vadd.f32 v8, v3  }
0x32: {  	v48 =	vmul.f32 v7, v1;
	v50 =	vld [tilespmem:s2+$0xD010];
	v0 =	vadd.f32 v6, v0;
	v46 =	vsub.f32 $1.000000000e+00, v16  }
0x33: {  	v9 =	vmul.f32 v45, v17;
	v18 =	vld [tilespmem:s2+$0xD020];
	v2 =	vadd.f32 v4, v2;
	v49 =	vsub.f32 $1.000000000e+00, v37  }
0x34: {  	v51 =	vsub.f32 $1.000000000e+00, v13;
	[tilespmem:s29+$0xF000] =	vst v3;
	v13 =	vmul.f32 v13, v16;
	v14 =	vmul.f32 $1.111111120e-01, v46  }
0x35: {  	v1 =	vadd.f32 v9, v48;
	v55 =	vld [tilespmem:s2+$0xD030];
	v52 =	vmul.f32 $1.111111120e-01, v49;
	v53 =	vsub.f32 $1.000000000e+00, v40  }
0x36: {  	v54 =	vsub.f32 $1.000000000e+00, v43;
	v14 =	vmul.f32 v51, v14;
	v56 =	vsub.f32 $1.000000000e+00, v44  }
0x37: {  	v57 =	vsub.f32 $1.000000000e+00, v47;
	v10 =	vmul.f32 v47, v37;
	v58 =	vsub.f32 $1.000000000e+00, v50  }
0x38: {  	v60 =	vsub.f32 $1.000000000e+00, v18;
	v61 =	vmul.f32 v50, v40;
	v7 =	vmul.f32 $1.111111120e-01, v53  }
0x39: {  	[tilespmem:s29+$0xF010] =	vst v0;
	v3 =	vmul.f32 $1.111111120e-01, v54;
	v13 =	vadd.f32 v14, v13;
	v6 =	vmul.f32 v57, v52  }
0x3a: {  	[tilespmem:s29+$0xF020] =	vst v2;
	v59 =	vmul.f32 $1.111111120e-01, v56;
	v7 =	vmul.f32 v58, v7;
	v62 =	vsub.f32 $1.000000000e+00, v55  }
0x3b: {  	[tilespmem:s29+$0xF030] =	vst v1;
	v63 =	vmul.f32 v18, v43;
	v3 =	vmul.f32 v60, v3;
	v6 =	vadd.f32 v6, v10  }
0x3c: {  	v4 =	vmul.f32 v55, v44;
	[tilespmem:s2+$0xF040] =	vst v13;
	v0 =	vmul.f32 v62, v59;
	v2 =	vadd.f32 v7, v61  }
0x3d: {  	[tilespmem:s2+$0xF000] =	vst v6;
	v1 =	vadd.f32 v3, v63  }
0x3e: {  	s29 =	sld [smem:$0x7FD];
	[tilespmem:s2+$0xF010] =	vst v2;
	v0 =	vadd.f32 v0, v4  }
0x3f: {  	[tilespmem:s2+$0xF020] =	vst v1  }
0x40: {  	[tilespmem:s2+$0xF030] =	vst v0  }
0x41: {  	[hbm4b:s29+s1] =	stream.linear.scatter [tilespmem:s24], [sflag:$0x5], $0xFA0, $0x38;
	[tilespmem:$0x10000] =	vst v63  }
0x42: {  	_ =	swait.ge [sflag:s25], $0xFA0  }
0x43: {  	[sflag:s25] =	ssyncset.done $0x0  }
0x44: {  	s0 =	simm.s32 $0x5;
	[sflag:s25] =	ssyncadd.s32 $0xFFFFF060  }
.LBB2_37:
0x45: {  	s28 =	sadd.s32 $0x1, s28  }
0x46: {  	p1 =	sne.s32 s28, s5  }
.Ltmp1:
0x47: {  	_ = 	snop;
	(pc) =	sbr.rel @!p1 .LBB2_38-.Ltmp1, $4  }
0x48: {  	_ = 	snop  }
0x49: {  	_ =	swait.ge [sflag:s0], $0xFA0  }
0x4a: {  	[sflag:s0] =	ssyncset.done $0x0  }
0x4b: {  	[sflag:s0] =	ssyncadd.s32 $0xFFFFF060  }
.LBB2_1:
0x4c: {  	s0 =	rddreg [dreg:$0x7]  }
0x4d: {  	[tilespmem:s1], [sflag:$0x1] =	stream.linear.gather [hbm4b:s0+s1], $0xFA0, $0x38;
	[tilespmem:$0x10000] =	vst v63  }
0x4e: {  	s3 =	rddreg [dreg:$0x8]  }
0x4f: {  	[tilespmem:s6], [sflag:$0x1] =	stream.linear.gather [hbm4b:s3+s1], $0xFA0, $0x38;
	[tilespmem:$0x10000] =	vst v63  }
0x50: {  	s29 =	rddreg [dreg:$0x19]  }
0x51: {  	[tilespmem:s7], [sflag:$0x1] =	stream.linear.gather [hbm4b:s29+s1], $0xFA0, $0x38;
	[tilespmem:$0x10000] =	vst v63  }
0x52: {  	_ =	swait.ge [sflag:s8], $0xFA0  }
0x53: {  	[sflag:s8] =	ssyncset.done $0x0  }
0x54: {  	[sflag:s8] =	ssyncadd.s32 $0xFFFFF060  }
0x55: {  	_ =	swait.ge [sflag:s8], $0xFA0  }
0x56: {  	[sflag:s8] =	ssyncset.done $0x0  }
0x57: {  	[sflag:s8] =	ssyncadd.s32 $0xFFFFF060  }
0x58: {  	_ =	swait.ge [sflag:s8], $0xFA0  }
0x59: {  	[sflag:s8] =	ssyncset.done $0x0  }
0x5a: {  	s0 =	simm.s32 $0x0;
	[sflag:s8] =	ssyncadd.s32 $0xFFFFF060  }
0x5b: {  	v0 =	vld [tilespmem:s0+$0x1040]  }
0x5c: {  	v1 =	vld [tilespmem:s0+$0x1000]  }
0x5d: {  	v2 =	vld [tilespmem:s0+$0x2040]  }
0x5e: {  	v3 =	vld [tilespmem:s0+$0x1010]  }
0x5f: {  	v5 =	vld [tilespmem:s0+$0x1020]  }
0x60: {  	v4 =	vld [tilespmem:s0+$0x2000];
	v0 =	vmul.u32 $0xA, v0  }
0x61: {  	v7 =	vld [tilespmem:s0+$0x1030]  }
0x62: {  	v6 =	vld [tilespmem:s0+$0x0];
	v0 =	vadd.s32 v2, v0  }
0x63: {  	v8 =	vld [tilespmem:s0+$0x2010];
	[tilespmem:s0+$0x6040] =	vst v0;
	v0 =	vmul.u32 $0xA, v1  }
0x64: {  	v9 =	vld [tilespmem:s0+$0x10]  }
0x65: {  	v2 =	vld [tilespmem:s0+$0x2020];
	v1 =	vadd.s32 v4, v0  }
0x66: {  	v0 =	vld [tilespmem:s0+$0x20];
	[tilespmem:s0+$0x6000] =	vst v1;
	v1 =	vmul.u32 $0xA, v3  }
0x67: {  	v4 =	vshll.u32 v6, $0x7;
	v3 =	vld [tilespmem:s0+$0x2030]  }
0x68: {  	v6 =	vmul.u32 $0xA, v5;
	[tilespmem:s0+$0x8000] =	vst v4;
	v4 =	vld [tilespmem:s0+$0x30];
	v1 =	vadd.s32 v8, v1  }
0x69: {  	s2 =	simm.s32 $0x50;
	s3 =	simm.s32 $0x280;
	v5 =	vld [tilespmem:s0+$0x40];
	[tilespmem:s0+$0x6010] =	vst v1;
	v1 =	vmul.u32 $0xA, v7;
	v7 =	vshll.u32 v9, $0x7  }
.LBB2_2:
0x6a: {  	p1 =	sne.s32 s3, $0x3D40;
	v8 =	vld [tilespmem:s2+$0x1040];
	[tilespmem:s0+$0x8010] =	vst v7;
	v2 =	vadd.s32 v2, v6  }
0x6b: {  	v6 =	vld [tilespmem:s2+$0x1000];
	[tilespmem:s0+$0x6020] =	vst v2;
	v0 =	vshll.u32 v0, $0x7  }
0x6c: {  	v2 =	vld [tilespmem:s2+$0x2040];
	[tilespmem:s0+$0x8020] =	vst v0;
	v0 =	vadd.s32 v3, v1  }
0x6d: {  	v1 =	vld [tilespmem:s2+$0x1010];
	[tilespmem:s0+$0x6030] =	vst v0;
	v0 =	vshll.u32 v4, $0x7  }
0x6e: {  	v3 =	vld [tilespmem:s2+$0x1020];
	[tilespmem:s0+$0x8030] =	vst v0;
	v0 =	vshll.u32 v5, $0x7  }
0x6f: {  	v4 =	vld [tilespmem:s2+$0x1030];
	v5 =	vmul.u32 $0xA, v8;
	[tilespmem:s0+$0x8040] =	vst v0;
	s0 =	smov.u32 s2  }
0x70: {  	v0 =	vmul.u32 $0xA, v6;
	v7 =	vld [tilespmem:s0+$0x2000]  }
0x71: {  	v8 =	vld [tilespmem:s0+$0x0];
	v2 =	vadd.s32 v2, v5  }
0x72: {  	v5 =	vmul.u32 $0xA, v1;
	v9 =	vld [tilespmem:s0+$0x2010];
	[tilespmem:s0+$0x6040] =	vst v2  }
0x73: {  	v10 =	vld [tilespmem:s0+$0x10];
	v6 =	vmul.u32 $0xA, v3  }
.Ltmp2:
0x74: {  	v2 =	vld [tilespmem:s0+$0x2020];
	v1 =	vmul.u32 $0xA, v4;
	(pc) =	sbr.rel @p1 .LBB2_2-.Ltmp2, $4  }
0x75: {  	v3 =	vadd.s32 v7, v0;
	v0 =	vld [tilespmem:s0+$0x20]  }
0x76: {  	[tilespmem:s0+$0x6000] =	vst v3;
	v4 =	vshll.u32 v8, $0x7;
	v3 =	vld [tilespmem:s0+$0x2030]  }
0x77: {  	[tilespmem:s0+$0x8000] =	vst v4;
	v5 =	vadd.s32 v9, v5;
	v4 =	vld [tilespmem:s0+$0x30]  }
0x78: {  	s2 =	sshra.s32 s3, $0x2;
	s3 =	sadd.s32 $0x140, s3;
	[tilespmem:s0+$0x6010] =	vst v5;
	v7 =	vshll.u32 v10, $0x7;
	v5 =	vld [tilespmem:s0+$0x40]  }
0x79: {  	v8 =	vld [tilespmem:s2+$0x1040];
	[tilespmem:s0+$0x8010] =	vst v7;
	v2 =	vadd.s32 v2, v6  }
0x7a: {  	v6 =	vld [tilespmem:s2+$0x1000];
	[tilespmem:s0+$0x6020] =	vst v2;
	v0 =	vshll.u32 v0, $0x7  }
0x7b: {  	v2 =	vld [tilespmem:s2+$0x2040];
	[tilespmem:s0+$0x8020] =	vst v0;
	v0 =	vadd.s32 v3, v1  }
0x7c: {  	v1 =	vld [tilespmem:s2+$0x1010];
	[tilespmem:s0+$0x6030] =	vst v0;
	v0 =	vshll.u32 v4, $0x7  }
0x7d: {  	v3 =	vld [tilespmem:s2+$0x1020];
	[tilespmem:s0+$0x8030] =	vst v0;
	v0 =	vshll.u32 v5, $0x7  }
0x7e: {  	v4 =	vld [tilespmem:s2+$0x1030];
	[tilespmem:s0+$0x8040] =	vst v0  }
0x7f: {  	v0 =	vmul.u32 $0xA, v8;
	v5 =	vld [tilespmem:s2+$0x2000];
	_ =	sdelay $0x1  }
0x80: {  	v7 =	vld [tilespmem:s2+$0x0];
	v0 =	vadd.s32 v2, v0  }
0x81: {  	v2 =	vld [tilespmem:s2+$0x2010];
	[tilespmem:s2+$0x6040] =	vst v0;
	v0 =	vmul.u32 $0xA, v6  }
0x82: {  	v6 =	vld [tilespmem:s2+$0x10]  }
0x83: {  	v8 =	vld [tilespmem:s2+$0x2020];
	v0 =	vadd.s32 v5, v0  }
0x84: {  	v5 =	vld [tilespmem:s2+$0x20];
	[tilespmem:s2+$0x6000] =	vst v0;
	v0 =	vmul.u32 $0xA, v1  }
0x85: {  	v1 =	vshll.u32 v7, $0x7;
	v7 =	vld [tilespmem:s2+$0x2030]  }
0x86: {  	[tilespmem:s2+$0x8000] =	vst v1;
	v1 =	vld [tilespmem:s2+$0x30];
	v0 =	vadd.s32 v2, v0;
	v2 =	vmul.u32 $0xA, v3  }
0x87: {  	v3 =	vld [tilespmem:s2+$0x40];
	[tilespmem:s2+$0x6010] =	vst v0;
	v0 =	vshll.u32 v6, $0x7  }
0x88: {  	v4 =	vmul.u32 $0xA, v4;
	[tilespmem:s2+$0x8010] =	vst v0;
	v0 =	vadd.s32 v8, v2  }
0x89: {  	[tilespmem:s2+$0x6020] =	vst v0;
	v0 =	vshll.u32 v5, $0x7  }
0x8a: {  	[tilespmem:s2+$0x8020] =	vst v0;
	v0 =	vadd.s32 v7, v4  }
0x8b: {  	[tilespmem:s2+$0x6030] =	vst v0;
	v0 =	vshll.u32 v1, $0x7  }
0x8c: {  	[tilespmem:s2+$0x8030] =	vst v0;
	v0 =	vshll.u32 v3, $0x7  }
0x8d: {  	[tilespmem:s2+$0x8040] =	vst v0  }
0x8e: {  	[tilespmem:s11], [sflag:$0x2] =	stream.indirect.gather [hbm4b:s30+s9], $0x1, s10, s9, $0xb8;
	[tilespmem:$0x10000] =	vst v63  }
0x8f: {  	_ = 	snop  }
0x90: {  	[tilespmem:s13], [sflag:$0x2] =	stream.indirect.gather [hbm4b:s31+s9], $0x1, s12, s9, $0xb8;
	[tilespmem:$0x10000] =	vst v63  }
0x91: {  	s29 =	rddreg [dreg:$0x9];
	s0 =	simm.s32 $0x0  }
0x92: {  	[tilespmem:s14], [sflag:$0x1] =	stream.linear.gather [hbm4b:s29+s0], $0xFA0, $0x38;
	[tilespmem:$0x10000] =	vst v63  }
0x93: {  	s3 =	rddreg [dreg:$0xa]  }
0x94: {  	[tilespmem:s15], [sflag:$0x1] =	stream.linear.gather [hbm4b:s3+s0], $0xFA0, $0x38;
	[tilespmem:$0x10000] =	vst v63  }
0x95: {  	s29 =	rddreg [dreg:$0xb]  }
0x96: {  	[tilespmem:s16], [sflag:$0x1] =	stream.linear.gather [hbm4b:s29+s0], $0xFA0, $0x38;
	[tilespmem:$0x10000] =	vst v63  }
0x97: {  	_ =	swait.ge [sflag:s8], $0xFA0  }
0x98: {  	[sflag:s8] =	ssyncset.done $0x0  }
0x99: {  	[sflag:s8] =	ssyncadd.s32 $0xFFFFF060  }
0x9a: {  	_ =	swait.ge [sflag:s8], $0xFA0  }
0x9b: {  	[sflag:s8] =	ssyncset.done $0x0  }
0x9c: {  	[sflag:s8] =	ssyncadd.s32 $0xFFFFF060  }
0x9d: {  	_ =	swait.ge [sflag:s8], $0xFA0  }
0x9e: {  	[sflag:s8] =	ssyncset.done $0x0  }
0x9f: {  	s0 =	simm.s32 $0x0;
	[sflag:s8] =	ssyncadd.s32 $0xFFFFF060  }
0xa0: {  	v0 =	vld [tilespmem:s0+$0x4040]  }
0xa1: {  	v1 =	vld [tilespmem:s0+$0x4000]  }
0xa2: {  	v2 =	vld [tilespmem:s0+$0x5040]  }
0xa3: {  	v3 =	vld [tilespmem:s0+$0x4010]  }
0xa4: {  	v5 =	vld [tilespmem:s0+$0x4020]  }
0xa5: {  	v4 =	vld [tilespmem:s0+$0x5000];
	v0 =	vmul.u32 $0xA, v0  }
0xa6: {  	v7 =	vld [tilespmem:s0+$0x4030]  }
0xa7: {  	v6 =	vld [tilespmem:s0+$0x3000];
	v0 =	vadd.s32 v2, v0  }
0xa8: {  	v8 =	vld [tilespmem:s0+$0x5010];
	[tilespmem:s0+$0x7040] =	vst v0;
	v0 =	vmul.u32 $0xA, v1  }
0xa9: {  	v9 =	vld [tilespmem:s0+$0x3010]  }
0xaa: {  	v2 =	vld [tilespmem:s0+$0x5020];
	v1 =	vadd.s32 v4, v0  }
0xab: {  	v0 =	vld [tilespmem:s0+$0x3020];
	[tilespmem:s0+$0x7000] =	vst v1;
	v1 =	vmul.u32 $0xA, v3  }
0xac: {  	v4 =	vshll.u32 v6, $0x7;
	v3 =	vld [tilespmem:s0+$0x5030]  }
0xad: {  	v6 =	vmul.u32 $0xA, v5;
	[tilespmem:s0+$0x9000] =	vst v4;
	v4 =	vld [tilespmem:s0+$0x3030];
	v1 =	vadd.s32 v8, v1  }
0xae: {  	s2 =	simm.s32 $0x50;
	s3 =	simm.s32 $0x280;
	v5 =	vld [tilespmem:s0+$0x3040];
	[tilespmem:s0+$0x7010] =	vst v1;
	v1 =	vmul.u32 $0xA, v7;
	v7 =	vshll.u32 v9, $0x7  }
.LBB2_4:
0xaf: {  	p1 =	sne.s32 s3, $0x3D40;
	v8 =	vld [tilespmem:s2+$0x4040];
	[tilespmem:s0+$0x9010] =	vst v7;
	v2 =	vadd.s32 v2, v6  }
0xb0: {  	v6 =	vld [tilespmem:s2+$0x4000];
	[tilespmem:s0+$0x7020] =	vst v2;
	v0 =	vshll.u32 v0, $0x7  }
0xb1: {  	v2 =	vld [tilespmem:s2+$0x5040];
	[tilespmem:s0+$0x9020] =	vst v0;
	v0 =	vadd.s32 v3, v1  }
0xb2: {  	v1 =	vld [tilespmem:s2+$0x4010];
	[tilespmem:s0+$0x7030] =	vst v0;
	v0 =	vshll.u32 v4, $0x7  }
0xb3: {  	v3 =	vld [tilespmem:s2+$0x4020];
	[tilespmem:s0+$0x9030] =	vst v0;
	v0 =	vshll.u32 v5, $0x7  }
0xb4: {  	v4 =	vld [tilespmem:s2+$0x4030];
	v5 =	vmul.u32 $0xA, v8;
	[tilespmem:s0+$0x9040] =	vst v0;
	s0 =	smov.u32 s2  }
0xb5: {  	v0 =	vmul.u32 $0xA, v6;
	v7 =	vld [tilespmem:s0+$0x5000]  }
0xb6: {  	v8 =	vld [tilespmem:s0+$0x3000];
	v2 =	vadd.s32 v2, v5  }
0xb7: {  	v5 =	vmul.u32 $0xA, v1;
	v9 =	vld [tilespmem:s0+$0x5010];
	[tilespmem:s0+$0x7040] =	vst v2  }
0xb8: {  	v10 =	vld [tilespmem:s0+$0x3010];
	v6 =	vmul.u32 $0xA, v3  }
.Ltmp3:
0xb9: {  	v2 =	vld [tilespmem:s0+$0x5020];
	v1 =	vmul.u32 $0xA, v4;
	(pc) =	sbr.rel @p1 .LBB2_4-.Ltmp3, $4  }
0xba: {  	v3 =	vadd.s32 v7, v0;
	v0 =	vld [tilespmem:s0+$0x3020]  }
0xbb: {  	[tilespmem:s0+$0x7000] =	vst v3;
	v4 =	vshll.u32 v8, $0x7;
	v3 =	vld [tilespmem:s0+$0x5030]  }
0xbc: {  	[tilespmem:s0+$0x9000] =	vst v4;
	v5 =	vadd.s32 v9, v5;
	v4 =	vld [tilespmem:s0+$0x3030]  }
0xbd: {  	s2 =	sshra.s32 s3, $0x2;
	s3 =	sadd.s32 $0x140, s3;
	[tilespmem:s0+$0x7010] =	vst v5;
	v7 =	vshll.u32 v10, $0x7;
	v5 =	vld [tilespmem:s0+$0x3040]  }
0xbe: {  	v8 =	vld [tilespmem:s2+$0x4040];
	[tilespmem:s0+$0x9010] =	vst v7;
	v2 =	vadd.s32 v2, v6  }
0xbf: {  	v6 =	vld [tilespmem:s2+$0x4000];
	[tilespmem:s0+$0x7020] =	vst v2;
	v0 =	vshll.u32 v0, $0x7  }
0xc0: {  	v2 =	vld [tilespmem:s2+$0x5040];
	[tilespmem:s0+$0x9020] =	vst v0;
	v0 =	vadd.s32 v3, v1  }
0xc1: {  	v1 =	vld [tilespmem:s2+$0x4010];
	[tilespmem:s0+$0x7030] =	vst v0;
	v0 =	vshll.u32 v4, $0x7  }
0xc2: {  	v3 =	vld [tilespmem:s2+$0x4020];
	[tilespmem:s0+$0x9030] =	vst v0;
	v0 =	vshll.u32 v5, $0x7  }
0xc3: {  	v4 =	vld [tilespmem:s2+$0x4030];
	[tilespmem:s0+$0x9040] =	vst v0  }
0xc4: {  	v0 =	vmul.u32 $0xA, v8;
	v5 =	vld [tilespmem:s2+$0x5000];
	_ =	sdelay $0x1  }
0xc5: {  	v7 =	vld [tilespmem:s2+$0x3000];
	v0 =	vadd.s32 v2, v0  }
0xc6: {  	v2 =	vld [tilespmem:s2+$0x5010];
	[tilespmem:s2+$0x7040] =	vst v0;
	v0 =	vmul.u32 $0xA, v6  }
0xc7: {  	v6 =	vld [tilespmem:s2+$0x3010]  }
0xc8: {  	v8 =	vld [tilespmem:s2+$0x5020];
	v0 =	vadd.s32 v5, v0  }
0xc9: {  	v5 =	vld [tilespmem:s2+$0x3020];
	[tilespmem:s2+$0x7000] =	vst v0;
	v0 =	vmul.u32 $0xA, v1  }
0xca: {  	v1 =	vshll.u32 v7, $0x7;
	v7 =	vld [tilespmem:s2+$0x5030]  }
0xcb: {  	[tilespmem:s2+$0x9000] =	vst v1;
	v1 =	vld [tilespmem:s2+$0x3030];
	v0 =	vadd.s32 v2, v0;
	v2 =	vmul.u32 $0xA, v3  }
0xcc: {  	v3 =	vld [tilespmem:s2+$0x3040];
	[tilespmem:s2+$0x7010] =	vst v0;
	v0 =	vshll.u32 v6, $0x7  }
0xcd: {  	v4 =	vmul.u32 $0xA, v4;
	[tilespmem:s2+$0x9010] =	vst v0;
	v0 =	vadd.s32 v8, v2  }
0xce: {  	[tilespmem:s2+$0x7020] =	vst v0;
	v0 =	vshll.u32 v5, $0x7  }
0xcf: {  	[tilespmem:s2+$0x9020] =	vst v0;
	v0 =	vadd.s32 v7, v4  }
0xd0: {  	[tilespmem:s2+$0x7030] =	vst v0;
	v0 =	vshll.u32 v1, $0x7  }
0xd1: {  	[tilespmem:s2+$0x9030] =	vst v0;
	v0 =	vshll.u32 v3, $0x7  }
0xd2: {  	[tilespmem:s2+$0x9040] =	vst v0  }
0xd3: {  	[tilespmem:s18], [sflag:$0x3] =	stream.indirect.gather [hbm4b:s30+s9], $0x1, s17, s9, $0xb8;
	[tilespmem:$0x10000] =	vst v63  }
0xd4: {  	_ = 	snop  }
0xd5: {  	[tilespmem:s20], [sflag:$0x3] =	stream.indirect.gather [hbm4b:s31+s9], $0x1, s19, s9, $0xb8;
	[tilespmem:$0x10000] =	vst v63  }
0xd6: {  	s3 =	rddreg [dreg:$0xc];
	s0 =	simm.s32 $0x0  }
0xd7: {  	[tilespmem:s0], [sflag:$0x1] =	stream.linear.gather [hbm4b:s3+s0], $0xFA0, $0x38;
	[tilespmem:$0x10000] =	vst v63  }
0xd8: {  	s3 =	rddreg [dreg:$0xd]  }
0xd9: {  	[tilespmem:s6], [sflag:$0x1] =	stream.linear.gather [hbm4b:s3+s0], $0xFA0, $0x38;
	[tilespmem:$0x10000] =	vst v63  }
0xda: {  	s3 =	rddreg [dreg:$0xe]  }
0xdb: {  	[tilespmem:s7], [sflag:$0x1] =	stream.linear.gather [hbm4b:s3+s0], $0xFA0, $0x38;
	[tilespmem:$0x10000] =	vst v63  }
0xdc: {  	_ =	swait.ge [sflag:s21], $0xFA0  }
0xdd: {  	[sflag:s21] =	ssyncset.done $0x0  }
0xde: {  	[sflag:s21] =	ssyncadd.s32 $0xFFFFF060  }
0xdf: {  	_ =	swait.ge [sflag:s21], $0xFA0  }
0xe0: {  	[sflag:s21] =	ssyncset.done $0x0  }
0xe1: {  	s0 =	simm.s32 $0x0;
	[sflag:s21] =	ssyncadd.s32 $0xFFFFF060  }
0xe2: {  	v0 =	vld [tilespmem:s0+$0xA040]  }
0xe3: {  	v1 =	vld [tilespmem:s0+$0xA000]  }
0xe4: {  	v2 =	vld [tilespmem:s0+$0xC040]  }
0xe5: {  	v4 =	vld [tilespmem:s0+$0xA010]  }
0xe6: {  	v5 =	vld [tilespmem:s0+$0xA020]  }
0xe7: {  	v7 =	vld [tilespmem:s0+$0xA030]  }
0xe8: {  	v6 =	vld [tilespmem:s0+$0xC000];
	v3 =	vsub.f32 $1.000000000e+00, v0  }
0xe9: {  	v8 =	vld [tilespmem:s0+$0xC010]  }
0xea: {  	s29 =	simm.s32 $0x50;
	v10 =	vld [tilespmem:s0+$0xC020];
	v9 =	vsub.f32 $1.000000000e+00, v2;
	v3 =	vmul.f32 $1.111111120e-01, v3  }
0xeb: {  	v14 =	vld [tilespmem:s29+$0xA040];
	v0 =	vmul.f32 v2, v0;
	v12 =	vsub.f32 $1.000000000e+00, v4  }
0xec: {  	v15 =	vld [tilespmem:s29+$0xC040];
	v13 =	vsub.f32 $1.000000000e+00, v5;
	v16 =	vsub.f32 $1.000000000e+00, v7;
	v2 =	vmul.f32 v9, v3  }
0xed: {  	v11 =	vld [tilespmem:s0+$0xC030];
	v17 =	vsub.f32 $1.000000000e+00, v6;
	v18 =	vmul.f32 v6, v1;
	v9 =	vsub.f32 $1.000000000e+00, v1  }
0xee: {  	v6 =	vsub.f32 $1.000000000e+00, v8;
	v8 =	vmul.f32 v8, v4;
	v2 =	vadd.f32 v2, v0  }
0xef: {  	v4 =	vsub.f32 $1.000000000e+00, v10;
	v12 =	vmul.f32 $1.111111120e-01, v12;
	v3 =	vld [tilespmem:s29+$0xA000];
	v9 =	vmul.f32 $1.111111120e-01, v9  }
0xf0: {  	v19 =	vsub.f32 $1.000000000e+00, v14;
	v13 =	vmul.f32 $1.111111120e-01, v13;
	v16 =	vmul.f32 $1.111111120e-01, v16;
	v0 =	vld [tilespmem:s29+$0xA010];
	[tilespmem:s0+$0xE040] =	vst v2  }
0xf1: {  	v63 =	vsub.f32 $1.000000000e+00, v15;
	v12 =	vmul.f32 v6, v12;
	v9 =	vmul.f32 v17, v9;
	v2 =	vld [tilespmem:s29+$0xA020]  }
0xf2: {  	v13 =	vmul.f32 v4, v13;
	v17 =	vmul.f32 v10, v5;
	v5 =	vsub.f32 $1.000000000e+00, v11;
	v1 =	vld [tilespmem:s29+$0xA030]  }
0xf3: {  	v20 =	vadd.f32 v12, v8;
	v6 =	vld [tilespmem:s29+$0xC000];
	v18 =	vadd.f32 v9, v18;
	v9 =	vmul.f32 v11, v7  }
0xf4: {  	v4 =	vld [tilespmem:s29+$0xC010];
	v7 =	vsub.f32 $1.000000000e+00, v3;
	v10 =	vmul.f32 v5, v16;
	v16 =	vmul.f32 $1.111111120e-01, v19  }
0xf5: {  	v14 =	vmul.f32 v15, v14;
	v5 =	vld [tilespmem:s29+$0xC020];
	v13 =	vadd.f32 v13, v17;
	v11 =	vsub.f32 $1.000000000e+00, v0;
	[tilespmem:s0+$0xE000] =	vst v18  }
0xf6: {  	s2 =	simm.s32 $0xA0;
	s3 =	simm.s32 $0x3C0;
	v8 =	vmul.f32 $1.111111120e-01, v7;
	v15 =	vmul.f32 v63, v16;
	v7 =	vld [tilespmem:s29+$0xC030];
	[tilespmem:s0+$0xE010] =	vst v20;
	v12 =	vsub.f32 $1.000000000e+00, v2  }
.LBB2_6:
0xf7: {  	p1 =	sne.s32 s3, $0x3D40;
	v16 =	vld [tilespmem:s2+$0xA040];
	v11 =	vmul.f32 $1.111111120e-01, v11;
	v17 =	vsub.f32 $1.000000000e+00, v1;
	[tilespmem:s0+$0xE020] =	vst v13;
	v9 =	vadd.f32 v10, v9  }
0xf8: {  	v13 =	vld [tilespmem:s2+$0xA000];
	v10 =	vsub.f32 $1.000000000e+00, v6;
	v12 =	vmul.f32 $1.111111120e-01, v12;
	v14 =	vadd.f32 v15, v14  }
0xf9: {  	v3 =	vmul.f32 v6, v3;
	v15 =	vld [tilespmem:s2+$0xC040];
	v6 =	vsub.f32 $1.000000000e+00, v4;
	v17 =	vmul.f32 $1.111111120e-01, v17;
	[tilespmem:s0+$0xE030] =	vst v9;
	s0 =	smov.u32 s29;
	s29 =	smov.u32 s2  }
0xfa: {  	v18 =	vmul.f32 v4, v0;
	v8 =	vmul.f32 v10, v8;
	v0 =	vld [tilespmem:s29+$0xA010];
	v4 =	vsub.f32 $1.000000000e+00, v5;
	[tilespmem:s0+$0xE040] =	vst v14  }
0xfb: {  	v14 =	vmul.f32 v5, v2;
	v11 =	vmul.f32 v6, v11;
	v2 =	vld [tilespmem:s29+$0xA020];
	v5 =	vsub.f32 $1.000000000e+00, v7  }
.Ltmp4:
0xfc: {  	v9 =	vmul.f32 v7, v1;
	v19 =	vsub.f32 $1.000000000e+00, v16;
	v12 =	vmul.f32 v4, v12;
	v1 =	vld [tilespmem:s29+$0xA030];
	(pc) =	sbr.rel @p1 .LBB2_6-.Ltmp4, $4  }
0xfd: {  	v20 =	vadd.f32 v8, v3;
	v6 =	vld [tilespmem:s29+$0xC000];
	v7 =	vsub.f32 $1.000000000e+00, v13;
	v10 =	vmul.f32 v5, v17;
	v3 =	vmovc v13  }
0xfe: {  	v18 =	vadd.f32 v11, v18;
	v4 =	vld [tilespmem:s29+$0xC010];
	v17 =	vmul.f32 $1.111111120e-01, v19;
	v19 =	vsub.f32 $1.000000000e+00, v15  }
0xff: {  	v13 =	vadd.f32 v12, v14;
	v8 =	vmul.f32 $1.111111120e-01, v7;
	v11 =	vsub.f32 $1.000000000e+00, v0;
	v5 =	vld [tilespmem:s29+$0xC020];
	[tilespmem:s0+$0xE000] =	vst v20  }
0x100: {  	s2 =	sshra.s32 s3, $0x2;
	s3 =	sadd.s32 $0x140, s3;
	v14 =	vmul.f32 v15, v16;
	v12 =	vsub.f32 $1.000000000e+00, v2;
	v7 =	vld [tilespmem:s29+$0xC030];
	v15 =	vmul.f32 v19, v17;
	[tilespmem:s0+$0xE010] =	vst v18  }
0x101: {  	v16 =	vld [tilespmem:s2+$0xA040];
	[tilespmem:s0+$0xE020] =	vst v13;
	v9 =	vadd.f32 v10, v9  }
0x102: {  	v17 =	vsub.f32 $1.000000000e+00, v1;
	v50 =	vld [tilespmem:s2+$0xA000];
	v14 =	vadd.f32 v15, v14  }
0x103: {  	v51 =	vmul.f32 $1.111111120e-01, v11;
	v13 =	vld [tilespmem:s2+$0xC040];
	v52 =	vsub.f32 $1.000000000e+00, v6;
	v12 =	vmul.f32 $1.111111120e-01, v12;
	[tilespmem:s0+$0xE030] =	vst v9  }
0x104: {  	v3 =	vmul.f32 v6, v3;
	v6 =	vsub.f32 $1.000000000e+00, v4;
	v17 =	vmul.f32 $1.111111120e-01, v17;
	v53 =	vld [tilespmem:s2+$0xA010];
	[tilespmem:s29+$0xE040] =	vst v14  }
0x105: {  	v0 =	vmul.f32 v4, v0;
	v8 =	vmul.f32 v52, v8;
	v54 =	vld [tilespmem:s2+$0xA020]  }
0x106: {  	v4 =	vsub.f32 $1.000000000e+00, v5;
	v2 =	vmul.f32 v5, v2;
	v6 =	vmul.f32 v6, v51;
	v5 =	vld [tilespmem:s2+$0xA030]  }
0x107: {  	v55 =	vsub.f32 $1.000000000e+00, v7;
	v57 =	vld [tilespmem:s2+$0xC000];
	v1 =	vmul.f32 v7, v1;
	v56 =	vsub.f32 $1.000000000e+00, v16  }
0x108: {  	v18 =	vld [tilespmem:s2+$0xC020];
	v4 =	vmul.f32 v4, v12;
	v3 =	vadd.f32 v8, v3;
	v7 =	vsub.f32 $1.000000000e+00, v50  }
0x109: {  	v8 =	vld [tilespmem:s2+$0xC010];
	v9 =	vmul.f32 v55, v17;
	v58 =	vsub.f32 $1.000000000e+00, v13;
	v0 =	vadd.f32 v6, v0  }
0x10a: {  	v13 =	vmul.f32 v13, v16;
	v14 =	vmul.f32 $1.111111120e-01, v56;
	[tilespmem:s29+$0xE000] =	vst v3;
	v2 =	vadd.f32 v4, v2  }
0x10b: {  	v6 =	vmul.f32 $1.111111120e-01, v7;
	v7 =	vsub.f32 $1.000000000e+00, v53;
	v4 =	vld [tilespmem:s2+$0xC030];
	v1 =	vadd.f32 v9, v1  }
0x10c: {  	v3 =	vsub.f32 $1.000000000e+00, v54;
	v14 =	vmul.f32 v58, v14;
	v59 =	vsub.f32 $1.000000000e+00, v5  }
0x10d: {  	v60 =	vsub.f32 $1.000000000e+00, v57;
	v10 =	vmul.f32 v57, v50;
	v62 =	vsub.f32 $1.000000000e+00, v18  }
0x10e: {  	[tilespmem:s29+$0xE020] =	vst v2;
	v7 =	vmul.f32 $1.111111120e-01, v7;
	v61 =	vsub.f32 $1.000000000e+00, v8;
	v2 =	vmul.f32 v8, v53  }
0x10f: {  	v3 =	vmul.f32 $1.111111120e-01, v3;
	v13 =	vadd.f32 v14, v13;
	v6 =	vmul.f32 v60, v6  }
0x110: {  	[tilespmem:s29+$0xE010] =	vst v0;
	v0 =	vmul.f32 $1.111111120e-01, v59;
	v7 =	vmul.f32 v61, v7;
	v8 =	vsub.f32 $1.000000000e+00, v4  }
0x111: {  	[tilespmem:s29+$0xE030] =	vst v1;
	v1 =	vmul.f32 v18, v54;
	v3 =	vmul.f32 v62, v3;
	v6 =	vadd.f32 v6, v10  }
0x112: {  	[tilespmem:s2+$0xE040] =	vst v13;
	v4 =	vmul.f32 v4, v5;
	v2 =	vadd.f32 v7, v2;
	v0 =	vmul.f32 v8, v0  }
0x113: {  	[tilespmem:s2+$0xE000] =	vst v6;
	v1 =	vadd.f32 v3, v1  }
0x114: {  	[tilespmem:s2+$0xE010] =	vst v2;
	v0 =	vadd.f32 v0, v4  }
0x115: {  	[tilespmem:s2+$0xE020] =	vst v1  }
0x116: {  	s3 =	simm.s32 $0x0;
	s29 =	rddreg [dreg:$0x1a];
	[tilespmem:s2+$0xE030] =	vst v0  }
0x117: {  	[hbm4b:s29+s3] =	stream.linear.scatter [tilespmem:s22], [sflag:$0x4], $0xFA0, $0x38;
	[tilespmem:$0x10000] =	vst v63  }
0x118: {  	_ =	swait.ge [sflag:s8], $0xFA0  }
0x119: {  	[sflag:s8] =	ssyncset.done $0x0  }
0x11a: {  	[sflag:s8] =	ssyncadd.s32 $0xFFFFF060  }
0x11b: {  	_ =	swait.ge [sflag:s8], $0xFA0  }
0x11c: {  	[sflag:s8] =	ssyncset.done $0x0  }
0x11d: {  	[sflag:s8] =	ssyncadd.s32 $0xFFFFF060  }
0x11e: {  	_ =	swait.ge [sflag:s8], $0xFA0  }
0x11f: {  	[sflag:s8] =	ssyncset.done $0x0  }
0x120: {  	s0 =	simm.s32 $0x0;
	[sflag:s8] =	ssyncadd.s32 $0xFFFFF060  }
0x121: {  	v0 =	vld [tilespmem:s0+$0x1040]  }
0x122: {  	v1 =	vld [tilespmem:s0+$0x1000]  }
0x123: {  	v2 =	vld [tilespmem:s0+$0x2040]  }
0x124: {  	v3 =	vld [tilespmem:s0+$0x1010]  }
0x125: {  	v5 =	vld [tilespmem:s0+$0x1020]  }
0x126: {  	v4 =	vld [tilespmem:s0+$0x2000];
	v0 =	vmul.u32 $0xA, v0  }
0x127: {  	v7 =	vld [tilespmem:s0+$0x1030]  }
0x128: {  	v6 =	vld [tilespmem:s0+$0x0];
	v0 =	vadd.s32 v2, v0  }
0x129: {  	v8 =	vld [tilespmem:s0+$0x2010];
	[tilespmem:s0+$0x6040] =	vst v0;
	v0 =	vmul.u32 $0xA, v1  }
0x12a: {  	v63 =	vld [tilespmem:s0+$0x10]  }
0x12b: {  	v2 =	vld [tilespmem:s0+$0x2020];
	v1 =	vadd.s32 v4, v0  }
0x12c: {  	v0 =	vld [tilespmem:s0+$0x20];
	[tilespmem:s0+$0x6000] =	vst v1;
	v1 =	vmul.u32 $0xA, v3  }
0x12d: {  	v4 =	vshll.u32 v6, $0x7;
	v3 =	vld [tilespmem:s0+$0x2030]  }
0x12e: {  	v6 =	vmul.u32 $0xA, v5;
	[tilespmem:s0+$0x8000] =	vst v4;
	v4 =	vld [tilespmem:s0+$0x30];
	v1 =	vadd.s32 v8, v1  }
0x12f: {  	s2 =	simm.s32 $0x50;
	s3 =	simm.s32 $0x280;
	v5 =	vld [tilespmem:s0+$0x40];
	[tilespmem:s0+$0x6010] =	vst v1;
	v1 =	vmul.u32 $0xA, v7;
	v7 =	vshll.u32 v63, $0x7  }
.LBB2_8:
0x130: {  	p1 =	sne.s32 s3, $0x3D40;
	v8 =	vld [tilespmem:s2+$0x1040];
	[tilespmem:s0+$0x8010] =	vst v7;
	v2 =	vadd.s32 v2, v6  }
0x131: {  	v6 =	vld [tilespmem:s2+$0x1000];
	[tilespmem:s0+$0x6020] =	vst v2;
	v0 =	vshll.u32 v0, $0x7  }
0x132: {  	v2 =	vld [tilespmem:s2+$0x2040];
	[tilespmem:s0+$0x8020] =	vst v0;
	v0 =	vadd.s32 v3, v1  }
0x133: {  	v1 =	vld [tilespmem:s2+$0x1010];
	[tilespmem:s0+$0x6030] =	vst v0;
	v0 =	vshll.u32 v4, $0x7  }
0x134: {  	v3 =	vld [tilespmem:s2+$0x1020];
	[tilespmem:s0+$0x8030] =	vst v0;
	v0 =	vshll.u32 v5, $0x7  }
0x135: {  	v4 =	vld [tilespmem:s2+$0x1030];
	v5 =	vmul.u32 $0xA, v8;
	[tilespmem:s0+$0x8040] =	vst v0;
	s0 =	smov.u32 s2  }
0x136: {  	v0 =	vmul.u32 $0xA, v6;
	v7 =	vld [tilespmem:s0+$0x2000]  }
0x137: {  	v8 =	vld [tilespmem:s0+$0x0];
	v2 =	vadd.s32 v2, v5  }
0x138: {  	v5 =	vmul.u32 $0xA, v1;
	v9 =	vld [tilespmem:s0+$0x2010];
	[tilespmem:s0+$0x6040] =	vst v2  }
0x139: {  	v10 =	vld [tilespmem:s0+$0x10];
	v6 =	vmul.u32 $0xA, v3  }
.Ltmp5:
0x13a: {  	v2 =	vld [tilespmem:s0+$0x2020];
	v1 =	vmul.u32 $0xA, v4;
	(pc) =	sbr.rel @p1 .LBB2_8-.Ltmp5, $4  }
0x13b: {  	v3 =	vadd.s32 v7, v0;
	v0 =	vld [tilespmem:s0+$0x20]  }
0x13c: {  	[tilespmem:s0+$0x6000] =	vst v3;
	v4 =	vshll.u32 v8, $0x7;
	v3 =	vld [tilespmem:s0+$0x2030]  }
0x13d: {  	[tilespmem:s0+$0x8000] =	vst v4;
	v5 =	vadd.s32 v9, v5;
	v4 =	vld [tilespmem:s0+$0x30]  }
0x13e: {  	s2 =	sshra.s32 s3, $0x2;
	s3 =	sadd.s32 $0x140, s3;
	[tilespmem:s0+$0x6010] =	vst v5;
	v7 =	vshll.u32 v10, $0x7;
	v5 =	vld [tilespmem:s0+$0x40]  }
0x13f: {  	v8 =	vld [tilespmem:s2+$0x1040];
	[tilespmem:s0+$0x8010] =	vst v7;
	v2 =	vadd.s32 v2, v6  }
0x140: {  	v6 =	vld [tilespmem:s2+$0x1000];
	[tilespmem:s0+$0x6020] =	vst v2;
	v0 =	vshll.u32 v0, $0x7  }
0x141: {  	v2 =	vld [tilespmem:s2+$0x2040];
	[tilespmem:s0+$0x8020] =	vst v0;
	v0 =	vadd.s32 v3, v1  }
0x142: {  	v1 =	vld [tilespmem:s2+$0x1010];
	[tilespmem:s0+$0x6030] =	vst v0;
	v0 =	vshll.u32 v4, $0x7  }
0x143: {  	v3 =	vld [tilespmem:s2+$0x1020];
	[tilespmem:s0+$0x8030] =	vst v0;
	v0 =	vshll.u32 v5, $0x7  }
0x144: {  	v4 =	vld [tilespmem:s2+$0x1030];
	[tilespmem:s0+$0x8040] =	vst v0  }
0x145: {  	v0 =	vmul.u32 $0xA, v8;
	v5 =	vld [tilespmem:s2+$0x2000];
	_ =	sdelay $0x1  }
0x146: {  	v7 =	vld [tilespmem:s2+$0x0];
	v0 =	vadd.s32 v2, v0  }
0x147: {  	v2 =	vld [tilespmem:s2+$0x2010];
	[tilespmem:s2+$0x6040] =	vst v0;
	v0 =	vmul.u32 $0xA, v6  }
0x148: {  	v6 =	vld [tilespmem:s2+$0x10]  }
0x149: {  	v8 =	vld [tilespmem:s2+$0x2020];
	v0 =	vadd.s32 v5, v0  }
0x14a: {  	v5 =	vld [tilespmem:s2+$0x20];
	[tilespmem:s2+$0x6000] =	vst v0;
	v0 =	vmul.u32 $0xA, v1  }
0x14b: {  	v1 =	vshll.u32 v7, $0x7;
	v7 =	vld [tilespmem:s2+$0x2030]  }
0x14c: {  	[tilespmem:s2+$0x8000] =	vst v1;
	v1 =	vld [tilespmem:s2+$0x30];
	v0 =	vadd.s32 v2, v0;
	v2 =	vmul.u32 $0xA, v3  }
0x14d: {  	v3 =	vld [tilespmem:s2+$0x40];
	[tilespmem:s2+$0x6010] =	vst v0;
	v0 =	vshll.u32 v6, $0x7  }
0x14e: {  	v4 =	vmul.u32 $0xA, v4;
	[tilespmem:s2+$0x8010] =	vst v0;
	v0 =	vadd.s32 v8, v2  }
0x14f: {  	[tilespmem:s2+$0x6020] =	vst v0;
	v0 =	vshll.u32 v5, $0x7  }
0x150: {  	[tilespmem:s2+$0x8020] =	vst v0;
	v0 =	vadd.s32 v7, v4  }
0x151: {  	[tilespmem:s2+$0x6030] =	vst v0;
	v0 =	vshll.u32 v1, $0x7  }
0x152: {  	[tilespmem:s2+$0x8030] =	vst v0;
	v0 =	vshll.u32 v3, $0x7  }
0x153: {  	[tilespmem:s2+$0x8040] =	vst v0  }
0x154: {  	[tilespmem:s11], [sflag:$0x2] =	stream.indirect.gather [hbm4b:s30+s9], $0x1, s10, s9, $0xb8;
	[tilespmem:$0x10000] =	vst v63  }
0x155: {  	_ = 	snop  }
0x156: {  	[tilespmem:s13], [sflag:$0x2] =	stream.indirect.gather [hbm4b:s31+s9], $0x1, s12, s9, $0xb8;
	[tilespmem:$0x10000] =	vst v63  }
0x157: {  	s3 =	rddreg [dreg:$0xf];
	s0 =	simm.s32 $0x0  }
0x158: {  	[tilespmem:s14], [sflag:$0x1] =	stream.linear.gather [hbm4b:s3+s0], $0xFA0, $0x38;
	[tilespmem:$0x10000] =	vst v63  }
0x159: {  	s3 =	rddreg [dreg:$0x10]  }
0x15a: {  	[tilespmem:s15], [sflag:$0x1] =	stream.linear.gather [hbm4b:s3+s0], $0xFA0, $0x38;
	[tilespmem:$0x10000] =	vst v63  }
0x15b: {  	s3 =	rddreg [dreg:$0x11]  }
0x15c: {  	[tilespmem:s16], [sflag:$0x1] =	stream.linear.gather [hbm4b:s3+s0], $0xFA0, $0x38;
	[tilespmem:$0x10000] =	vst v63  }
0x15d: {  	_ =	swait.ge [sflag:s23], $0xFA0  }
0x15e: {  	[sflag:s23] =	ssyncset.done $0x0  }
0x15f: {  	[sflag:s23] =	ssyncadd.s32 $0xFFFFF060  }
0x160: {  	_ =	swait.ge [sflag:s23], $0xFA0  }
0x161: {  	[sflag:s23] =	ssyncset.done $0x0  }
0x162: {  	s0 =	simm.s32 $0x0;
	[sflag:s23] =	ssyncadd.s32 $0xFFFFF060  }
0x163: {  	v0 =	vld [tilespmem:s0+$0xB040]  }
0x164: {  	v1 =	vld [tilespmem:s0+$0xB000]  }
0x165: {  	v2 =	vld [tilespmem:s0+$0xD040]  }
0x166: {  	v4 =	vld [tilespmem:s0+$0xB010]  }
0x167: {  	v5 =	vld [tilespmem:s0+$0xB020]  }
0x168: {  	v7 =	vld [tilespmem:s0+$0xB030]  }
0x169: {  	v6 =	vld [tilespmem:s0+$0xD000];
	v3 =	vsub.f32 $1.000000000e+00, v0  }
0x16a: {  	v8 =	vld [tilespmem:s0+$0xD010]  }
0x16b: {  	s29 =	simm.s32 $0x50;
	v10 =	vld [tilespmem:s0+$0xD020];
	v9 =	vsub.f32 $1.000000000e+00, v2;
	v3 =	vmul.f32 $1.111111120e-01, v3  }
0x16c: {  	v14 =	vld [tilespmem:s29+$0xB040];
	v0 =	vmul.f32 v2, v0;
	v12 =	vsub.f32 $1.000000000e+00, v4  }
0x16d: {  	v15 =	vld [tilespmem:s29+$0xD040];
	v13 =	vsub.f32 $1.000000000e+00, v5;
	v16 =	vsub.f32 $1.000000000e+00, v7;
	v2 =	vmul.f32 v9, v3  }
0x16e: {  	v11 =	vld [tilespmem:s0+$0xD030];
	v17 =	vsub.f32 $1.000000000e+00, v6;
	v18 =	vmul.f32 v6, v1;
	v9 =	vsub.f32 $1.000000000e+00, v1  }
0x16f: {  	v6 =	vsub.f32 $1.000000000e+00, v8;
	v8 =	vmul.f32 v8, v4;
	v2 =	vadd.f32 v2, v0  }
0x170: {  	v4 =	vsub.f32 $1.000000000e+00, v10;
	v12 =	vmul.f32 $1.111111120e-01, v12;
	v3 =	vld [tilespmem:s29+$0xB000];
	v9 =	vmul.f32 $1.111111120e-01, v9  }
0x171: {  	v19 =	vsub.f32 $1.000000000e+00, v14;
	v13 =	vmul.f32 $1.111111120e-01, v13;
	v16 =	vmul.f32 $1.111111120e-01, v16;
	v0 =	vld [tilespmem:s29+$0xB010];
	[tilespmem:s0+$0xF040] =	vst v2  }
0x172: {  	v63 =	vsub.f32 $1.000000000e+00, v15;
	v12 =	vmul.f32 v6, v12;
	v9 =	vmul.f32 v17, v9;
	v2 =	vld [tilespmem:s29+$0xB020]  }
0x173: {  	v13 =	vmul.f32 v4, v13;
	v17 =	vmul.f32 v10, v5;
	v5 =	vsub.f32 $1.000000000e+00, v11;
	v1 =	vld [tilespmem:s29+$0xB030]  }
0x174: {  	v20 =	vadd.f32 v12, v8;
	v6 =	vld [tilespmem:s29+$0xD000];
	v18 =	vadd.f32 v9, v18;
	v9 =	vmul.f32 v11, v7  }
0x175: {  	v4 =	vld [tilespmem:s29+$0xD010];
	v7 =	vsub.f32 $1.000000000e+00, v3;
	v10 =	vmul.f32 v5, v16;
	v16 =	vmul.f32 $1.111111120e-01, v19  }
0x176: {  	v14 =	vmul.f32 v15, v14;
	v5 =	vld [tilespmem:s29+$0xD020];
	v13 =	vadd.f32 v13, v17;
	v11 =	vsub.f32 $1.000000000e+00, v0;
	[tilespmem:s0+$0xF000] =	vst v18  }
0x177: {  	s2 =	simm.s32 $0xA0;
	s3 =	simm.s32 $0x3C0;
	v8 =	vmul.f32 $1.111111120e-01, v7;
	v15 =	vmul.f32 v63, v16;
	v7 =	vld [tilespmem:s29+$0xD030];
	[tilespmem:s0+$0xF010] =	vst v20;
	v12 =	vsub.f32 $1.000000000e+00, v2  }
.LBB2_10:
0x178: {  	p1 =	sne.s32 s3, $0x3D40;
	v16 =	vld [tilespmem:s2+$0xB040];
	v11 =	vmul.f32 $1.111111120e-01, v11;
	v17 =	vsub.f32 $1.000000000e+00, v1;
	[tilespmem:s0+$0xF020] =	vst v13;
	v9 =	vadd.f32 v10, v9  }
0x179: {  	v13 =	vld [tilespmem:s2+$0xB000];
	v10 =	vsub.f32 $1.000000000e+00, v6;
	v12 =	vmul.f32 $1.111111120e-01, v12;
	v14 =	vadd.f32 v15, v14  }
0x17a: {  	v3 =	vmul.f32 v6, v3;
	v15 =	vld [tilespmem:s2+$0xD040];
	v6 =	vsub.f32 $1.000000000e+00, v4;
	v17 =	vmul.f32 $1.111111120e-01, v17;
	[tilespmem:s0+$0xF030] =	vst v9;
	s0 =	smov.u32 s29;
	s29 =	smov.u32 s2  }
0x17b: {  	v18 =	vmul.f32 v4, v0;
	v8 =	vmul.f32 v10, v8;
	v0 =	vld [tilespmem:s29+$0xB010];
	v4 =	vsub.f32 $1.000000000e+00, v5;
	[tilespmem:s0+$0xF040] =	vst v14  }
0x17c: {  	v14 =	vmul.f32 v5, v2;
	v11 =	vmul.f32 v6, v11;
	v2 =	vld [tilespmem:s29+$0xB020];
	v5 =	vsub.f32 $1.000000000e+00, v7  }
.Ltmp6:
0x17d: {  	v9 =	vmul.f32 v7, v1;
	v19 =	vsub.f32 $1.000000000e+00, v16;
	v12 =	vmul.f32 v4, v12;
	v1 =	vld [tilespmem:s29+$0xB030];
	(pc) =	sbr.rel @p1 .LBB2_10-.Ltmp6, $4  }
0x17e: {  	v20 =	vadd.f32 v8, v3;
	v6 =	vld [tilespmem:s29+$0xD000];
	v7 =	vsub.f32 $1.000000000e+00, v13;
	v10 =	vmul.f32 v5, v17;
	v3 =	vmovc v13  }
0x17f: {  	v18 =	vadd.f32 v11, v18;
	v4 =	vld [tilespmem:s29+$0xD010];
	v17 =	vmul.f32 $1.111111120e-01, v19;
	v19 =	vsub.f32 $1.000000000e+00, v15  }
0x180: {  	v13 =	vadd.f32 v12, v14;
	v8 =	vmul.f32 $1.111111120e-01, v7;
	v11 =	vsub.f32 $1.000000000e+00, v0;
	v5 =	vld [tilespmem:s29+$0xD020];
	[tilespmem:s0+$0xF000] =	vst v20  }
0x181: {  	s2 =	sshra.s32 s3, $0x2;
	s3 =	sadd.s32 $0x140, s3;
	v14 =	vmul.f32 v15, v16;
	v12 =	vsub.f32 $1.000000000e+00, v2;
	v7 =	vld [tilespmem:s29+$0xD030];
	v15 =	vmul.f32 v19, v17;
	[tilespmem:s0+$0xF010] =	vst v18  }
0x182: {  	v16 =	vld [tilespmem:s2+$0xB040];
	[tilespmem:s0+$0xF020] =	vst v13;
	v9 =	vadd.f32 v10, v9  }
0x183: {  	v17 =	vsub.f32 $1.000000000e+00, v1;
	v50 =	vld [tilespmem:s2+$0xB000];
	v14 =	vadd.f32 v15, v14  }
0x184: {  	v51 =	vmul.f32 $1.111111120e-01, v11;
	v13 =	vld [tilespmem:s2+$0xD040];
	v52 =	vsub.f32 $1.000000000e+00, v6;
	v12 =	vmul.f32 $1.111111120e-01, v12;
	[tilespmem:s0+$0xF030] =	vst v9  }
0x185: {  	v3 =	vmul.f32 v6, v3;
	v6 =	vsub.f32 $1.000000000e+00, v4;
	v17 =	vmul.f32 $1.111111120e-01, v17;
	v53 =	vld [tilespmem:s2+$0xB010];
	[tilespmem:s29+$0xF040] =	vst v14  }
0x186: {  	v0 =	vmul.f32 v4, v0;
	v8 =	vmul.f32 v52, v8;
	v54 =	vld [tilespmem:s2+$0xB020]  }
0x187: {  	v4 =	vsub.f32 $1.000000000e+00, v5;
	v2 =	vmul.f32 v5, v2;
	v6 =	vmul.f32 v6, v51;
	v5 =	vld [tilespmem:s2+$0xB030]  }
0x188: {  	v55 =	vsub.f32 $1.000000000e+00, v7;
	v57 =	vld [tilespmem:s2+$0xD000];
	v1 =	vmul.f32 v7, v1;
	v56 =	vsub.f32 $1.000000000e+00, v16  }
0x189: {  	v18 =	vld [tilespmem:s2+$0xD020];
	v4 =	vmul.f32 v4, v12;
	v3 =	vadd.f32 v8, v3;
	v7 =	vsub.f32 $1.000000000e+00, v50  }
0x18a: {  	v8 =	vld [tilespmem:s2+$0xD010];
	v9 =	vmul.f32 v55, v17;
	v58 =	vsub.f32 $1.000000000e+00, v13;
	v0 =	vadd.f32 v6, v0  }
0x18b: {  	v13 =	vmul.f32 v13, v16;
	v14 =	vmul.f32 $1.111111120e-01, v56;
	[tilespmem:s29+$0xF000] =	vst v3;
	v2 =	vadd.f32 v4, v2  }
0x18c: {  	v6 =	vmul.f32 $1.111111120e-01, v7;
	v7 =	vsub.f32 $1.000000000e+00, v53;
	v4 =	vld [tilespmem:s2+$0xD030];
	v1 =	vadd.f32 v9, v1  }
0x18d: {  	v3 =	vsub.f32 $1.000000000e+00, v54;
	v14 =	vmul.f32 v58, v14;
	v59 =	vsub.f32 $1.000000000e+00, v5  }
0x18e: {  	v60 =	vsub.f32 $1.000000000e+00, v57;
	v10 =	vmul.f32 v57, v50;
	v62 =	vsub.f32 $1.000000000e+00, v18  }
0x18f: {  	[tilespmem:s29+$0xF020] =	vst v2;
	v7 =	vmul.f32 $1.111111120e-01, v7;
	v61 =	vsub.f32 $1.000000000e+00, v8;
	v2 =	vmul.f32 v8, v53  }
0x190: {  	v3 =	vmul.f32 $1.111111120e-01, v3;
	v13 =	vadd.f32 v14, v13;
	v6 =	vmul.f32 v60, v6  }
0x191: {  	[tilespmem:s29+$0xF010] =	vst v0;
	v0 =	vmul.f32 $1.111111120e-01, v59;
	v7 =	vmul.f32 v61, v7;
	v8 =	vsub.f32 $1.000000000e+00, v4  }
0x192: {  	[tilespmem:s29+$0xF030] =	vst v1;
	v1 =	vmul.f32 v18, v54;
	v3 =	vmul.f32 v62, v3;
	v6 =	vadd.f32 v6, v10  }
0x193: {  	[tilespmem:s2+$0xF040] =	vst v13;
	v4 =	vmul.f32 v4, v5;
	v2 =	vadd.f32 v7, v2;
	v0 =	vmul.f32 v8, v0  }
0x194: {  	[tilespmem:s2+$0xF000] =	vst v6;
	v1 =	vadd.f32 v3, v1  }
0x195: {  	[tilespmem:s2+$0xF010] =	vst v2;
	v0 =	vadd.f32 v0, v4  }
0x196: {  	[tilespmem:s2+$0xF020] =	vst v1  }
0x197: {  	s3 =	simm.s32 $0x0;
	s29 =	rddreg [dreg:$0x12];
	[tilespmem:s2+$0xF030] =	vst v0  }
0x198: {  	[hbm4b:s29+s3] =	stream.linear.scatter [tilespmem:s24], [sflag:$0x5], $0xFA0, $0x38;
	[tilespmem:$0x10000] =	vst v63  }
0x199: {  	_ =	swait.ge [sflag:s8], $0xFA0  }
0x19a: {  	[sflag:s8] =	ssyncset.done $0x0  }
0x19b: {  	[sflag:s8] =	ssyncadd.s32 $0xFFFFF060  }
0x19c: {  	_ =	swait.ge [sflag:s8], $0xFA0  }
0x19d: {  	[sflag:s8] =	ssyncset.done $0x0  }
0x19e: {  	[sflag:s8] =	ssyncadd.s32 $0xFFFFF060  }
0x19f: {  	_ =	swait.ge [sflag:s8], $0xFA0  }
0x1a0: {  	[sflag:s8] =	ssyncset.done $0x0  }
0x1a1: {  	s0 =	simm.s32 $0x0;
	[sflag:s8] =	ssyncadd.s32 $0xFFFFF060  }
0x1a2: {  	v0 =	vld [tilespmem:s0+$0x4040]  }
0x1a3: {  	v1 =	vld [tilespmem:s0+$0x4000]  }
0x1a4: {  	v2 =	vld [tilespmem:s0+$0x5040]  }
0x1a5: {  	v3 =	vld [tilespmem:s0+$0x4010]  }
0x1a6: {  	v5 =	vld [tilespmem:s0+$0x4020]  }
0x1a7: {  	v4 =	vld [tilespmem:s0+$0x5000];
	v0 =	vmul.u32 $0xA, v0  }
0x1a8: {  	v7 =	vld [tilespmem:s0+$0x4030]  }
0x1a9: {  	v6 =	vld [tilespmem:s0+$0x3000];
	v0 =	vadd.s32 v2, v0  }
0x1aa: {  	v8 =	vld [tilespmem:s0+$0x5010];
	[tilespmem:s0+$0x7040] =	vst v0;
	v0 =	vmul.u32 $0xA, v1  }
0x1ab: {  	v63 =	vld [tilespmem:s0+$0x3010]  }
0x1ac: {  	v2 =	vld [tilespmem:s0+$0x5020];
	v1 =	vadd.s32 v4, v0  }
0x1ad: {  	v0 =	vld [tilespmem:s0+$0x3020];
	[tilespmem:s0+$0x7000] =	vst v1;
	v1 =	vmul.u32 $0xA, v3  }
0x1ae: {  	v4 =	vshll.u32 v6, $0x7;
	v3 =	vld [tilespmem:s0+$0x5030]  }
0x1af: {  	v6 =	vmul.u32 $0xA, v5;
	[tilespmem:s0+$0x9000] =	vst v4;
	v4 =	vld [tilespmem:s0+$0x3030];
	v1 =	vadd.s32 v8, v1  }
0x1b0: {  	s2 =	simm.s32 $0x50;
	s3 =	simm.s32 $0x280;
	v5 =	vld [tilespmem:s0+$0x3040];
	[tilespmem:s0+$0x7010] =	vst v1;
	v1 =	vmul.u32 $0xA, v7;
	v7 =	vshll.u32 v63, $0x7  }
.LBB2_12:
0x1b1: {  	p1 =	sne.s32 s3, $0x3D40;
	v8 =	vld [tilespmem:s2+$0x4040];
	[tilespmem:s0+$0x9010] =	vst v7;
	v2 =	vadd.s32 v2, v6  }
0x1b2: {  	v6 =	vld [tilespmem:s2+$0x4000];
	[tilespmem:s0+$0x7020] =	vst v2;
	v0 =	vshll.u32 v0, $0x7  }
0x1b3: {  	v2 =	vld [tilespmem:s2+$0x5040];
	[tilespmem:s0+$0x9020] =	vst v0;
	v0 =	vadd.s32 v3, v1  }
0x1b4: {  	v1 =	vld [tilespmem:s2+$0x4010];
	[tilespmem:s0+$0x7030] =	vst v0;
	v0 =	vshll.u32 v4, $0x7  }
0x1b5: {  	v3 =	vld [tilespmem:s2+$0x4020];
	[tilespmem:s0+$0x9030] =	vst v0;
	v0 =	vshll.u32 v5, $0x7  }
0x1b6: {  	v4 =	vld [tilespmem:s2+$0x4030];
	v5 =	vmul.u32 $0xA, v8;
	[tilespmem:s0+$0x9040] =	vst v0;
	s0 =	smov.u32 s2  }
0x1b7: {  	v0 =	vmul.u32 $0xA, v6;
	v7 =	vld [tilespmem:s0+$0x5000]  }
0x1b8: {  	v8 =	vld [tilespmem:s0+$0x3000];
	v2 =	vadd.s32 v2, v5  }
0x1b9: {  	v5 =	vmul.u32 $0xA, v1;
	v9 =	vld [tilespmem:s0+$0x5010];
	[tilespmem:s0+$0x7040] =	vst v2  }
0x1ba: {  	v10 =	vld [tilespmem:s0+$0x3010];
	v6 =	vmul.u32 $0xA, v3  }
.Ltmp7:
0x1bb: {  	v2 =	vld [tilespmem:s0+$0x5020];
	v1 =	vmul.u32 $0xA, v4;
	(pc) =	sbr.rel @p1 .LBB2_12-.Ltmp7, $4  }
0x1bc: {  	v3 =	vadd.s32 v7, v0;
	v0 =	vld [tilespmem:s0+$0x3020]  }
0x1bd: {  	[tilespmem:s0+$0x7000] =	vst v3;
	v4 =	vshll.u32 v8, $0x7;
	v3 =	vld [tilespmem:s0+$0x5030]  }
0x1be: {  	[tilespmem:s0+$0x9000] =	vst v4;
	v5 =	vadd.s32 v9, v5;
	v4 =	vld [tilespmem:s0+$0x3030]  }
0x1bf: {  	s2 =	sshra.s32 s3, $0x2;
	s3 =	sadd.s32 $0x140, s3;
	[tilespmem:s0+$0x7010] =	vst v5;
	v7 =	vshll.u32 v10, $0x7;
	v5 =	vld [tilespmem:s0+$0x3040]  }
0x1c0: {  	v8 =	vld [tilespmem:s2+$0x4040];
	[tilespmem:s0+$0x9010] =	vst v7;
	v2 =	vadd.s32 v2, v6  }
0x1c1: {  	v6 =	vld [tilespmem:s2+$0x4000];
	[tilespmem:s0+$0x7020] =	vst v2;
	v0 =	vshll.u32 v0, $0x7  }
0x1c2: {  	v2 =	vld [tilespmem:s2+$0x5040];
	[tilespmem:s0+$0x9020] =	vst v0;
	v0 =	vadd.s32 v3, v1  }
0x1c3: {  	v1 =	vld [tilespmem:s2+$0x4010];
	[tilespmem:s0+$0x7030] =	vst v0;
	v0 =	vshll.u32 v4, $0x7  }
0x1c4: {  	v3 =	vld [tilespmem:s2+$0x4020];
	[tilespmem:s0+$0x9030] =	vst v0;
	v0 =	vshll.u32 v5, $0x7  }
0x1c5: {  	v4 =	vld [tilespmem:s2+$0x4030];
	[tilespmem:s0+$0x9040] =	vst v0  }
0x1c6: {  	v0 =	vmul.u32 $0xA, v8;
	v5 =	vld [tilespmem:s2+$0x5000];
	_ =	sdelay $0x1  }
0x1c7: {  	v7 =	vld [tilespmem:s2+$0x3000];
	v0 =	vadd.s32 v2, v0  }
0x1c8: {  	v2 =	vld [tilespmem:s2+$0x5010];
	[tilespmem:s2+$0x7040] =	vst v0;
	v0 =	vmul.u32 $0xA, v6  }
0x1c9: {  	v6 =	vld [tilespmem:s2+$0x3010]  }
0x1ca: {  	v8 =	vld [tilespmem:s2+$0x5020];
	v0 =	vadd.s32 v5, v0  }
0x1cb: {  	v5 =	vld [tilespmem:s2+$0x3020];
	[tilespmem:s2+$0x7000] =	vst v0;
	v0 =	vmul.u32 $0xA, v1  }
0x1cc: {  	v1 =	vshll.u32 v7, $0x7;
	v7 =	vld [tilespmem:s2+$0x5030]  }
0x1cd: {  	[tilespmem:s2+$0x9000] =	vst v1;
	v1 =	vld [tilespmem:s2+$0x3030];
	v0 =	vadd.s32 v2, v0;
	v2 =	vmul.u32 $0xA, v3  }
0x1ce: {  	v3 =	vld [tilespmem:s2+$0x3040];
	[tilespmem:s2+$0x7010] =	vst v0;
	v0 =	vshll.u32 v6, $0x7  }
0x1cf: {  	v4 =	vmul.u32 $0xA, v4;
	[tilespmem:s2+$0x9010] =	vst v0;
	v0 =	vadd.s32 v8, v2  }
0x1d0: {  	[tilespmem:s2+$0x7020] =	vst v0;
	v0 =	vshll.u32 v5, $0x7  }
0x1d1: {  	[tilespmem:s2+$0x9020] =	vst v0;
	v0 =	vadd.s32 v7, v4  }
0x1d2: {  	[tilespmem:s2+$0x7030] =	vst v0;
	v0 =	vshll.u32 v1, $0x7  }
0x1d3: {  	[tilespmem:s2+$0x9030] =	vst v0;
	v0 =	vshll.u32 v3, $0x7  }
0x1d4: {  	[tilespmem:s2+$0x9040] =	vst v0  }
0x1d5: {  	[tilespmem:s18], [sflag:$0x3] =	stream.indirect.gather [hbm4b:s30+s9], $0x1, s17, s9, $0xb8;
	[tilespmem:$0x10000] =	vst v63  }
0x1d6: {  	_ = 	snop  }
0x1d7: {  	[tilespmem:s20], [sflag:$0x3] =	stream.indirect.gather [hbm4b:s31+s9], $0x1, s19, s9, $0xb8;
	[tilespmem:$0x10000] =	vst v63  }
0x1d8: {  	s3 =	rddreg [dreg:$0x13];
	s0 =	simm.s32 $0x0  }
0x1d9: {  	[tilespmem:s0], [sflag:$0x1] =	stream.linear.gather [hbm4b:s3+s0], $0xFA0, $0x38;
	[tilespmem:$0x10000] =	vst v63  }
0x1da: {  	s3 =	rddreg [dreg:$0x14]  }
0x1db: {  	[tilespmem:s6], [sflag:$0x1] =	stream.linear.gather [hbm4b:s3+s0], $0xFA0, $0x38;
	[tilespmem:$0x10000] =	vst v63  }
0x1dc: {  	s3 =	rddreg [dreg:$0x15]  }
0x1dd: {  	[tilespmem:s7], [sflag:$0x1] =	stream.linear.gather [hbm4b:s3+s0], $0xFA0, $0x38;
	[tilespmem:$0x10000] =	vst v63  }
0x1de: {  	_ =	swait.ge [sflag:s21], $0xFA0  }
0x1df: {  	[sflag:s21] =	ssyncset.done $0x0  }
0x1e0: {  	[sflag:s21] =	ssyncadd.s32 $0xFFFFF060  }
0x1e1: {  	_ =	swait.ge [sflag:s21], $0xFA0  }
0x1e2: {  	[sflag:s21] =	ssyncset.done $0x0  }
0x1e3: {  	[sflag:s21] =	ssyncadd.s32 $0xFFFFF060  }
0x1e4: {  	_ =	swait.ge [sflag:s25], $0xFA0  }
0x1e5: {  	[sflag:s25] =	ssyncset.done $0x0  }
0x1e6: {  	s0 =	simm.s32 $0x0;
	[sflag:s25] =	ssyncadd.s32 $0xFFFFF060  }
0x1e7: {  	v0 =	vld [tilespmem:s0+$0xA040]  }
0x1e8: {  	v1 =	vld [tilespmem:s0+$0xA000]  }
0x1e9: {  	v2 =	vld [tilespmem:s0+$0xC040]  }
0x1ea: {  	v4 =	vld [tilespmem:s0+$0xA010]  }
0x1eb: {  	v5 =	vld [tilespmem:s0+$0xA020]  }
0x1ec: {  	v7 =	vld [tilespmem:s0+$0xA030]  }
0x1ed: {  	v6 =	vld [tilespmem:s0+$0xC000];
	v3 =	vsub.f32 $1.000000000e+00, v0  }
0x1ee: {  	v8 =	vld [tilespmem:s0+$0xC010]  }
0x1ef: {  	s29 =	simm.s32 $0x50;
	v10 =	vld [tilespmem:s0+$0xC020];
	v9 =	vsub.f32 $1.000000000e+00, v2;
	v3 =	vmul.f32 $1.111111120e-01, v3  }
0x1f0: {  	v14 =	vld [tilespmem:s29+$0xA040];
	v0 =	vmul.f32 v2, v0;
	v12 =	vsub.f32 $1.000000000e+00, v4  }
0x1f1: {  	v15 =	vld [tilespmem:s29+$0xC040];
	v13 =	vsub.f32 $1.000000000e+00, v5;
	v16 =	vsub.f32 $1.000000000e+00, v7;
	v2 =	vmul.f32 v9, v3  }
0x1f2: {  	v11 =	vld [tilespmem:s0+$0xC030];
	v17 =	vsub.f32 $1.000000000e+00, v6;
	v18 =	vmul.f32 v6, v1;
	v9 =	vsub.f32 $1.000000000e+00, v1  }
0x1f3: {  	v6 =	vsub.f32 $1.000000000e+00, v8;
	v8 =	vmul.f32 v8, v4;
	v2 =	vadd.f32 v2, v0  }
0x1f4: {  	v4 =	vsub.f32 $1.000000000e+00, v10;
	v12 =	vmul.f32 $1.111111120e-01, v12;
	v3 =	vld [tilespmem:s29+$0xA000];
	v9 =	vmul.f32 $1.111111120e-01, v9  }
0x1f5: {  	v19 =	vsub.f32 $1.000000000e+00, v14;
	v13 =	vmul.f32 $1.111111120e-01, v13;
	v16 =	vmul.f32 $1.111111120e-01, v16;
	v0 =	vld [tilespmem:s29+$0xA010];
	[tilespmem:s0+$0xE040] =	vst v2  }
0x1f6: {  	v63 =	vsub.f32 $1.000000000e+00, v15;
	v12 =	vmul.f32 v6, v12;
	v9 =	vmul.f32 v17, v9;
	v2 =	vld [tilespmem:s29+$0xA020]  }
0x1f7: {  	v13 =	vmul.f32 v4, v13;
	v17 =	vmul.f32 v10, v5;
	v5 =	vsub.f32 $1.000000000e+00, v11;
	v1 =	vld [tilespmem:s29+$0xA030]  }
0x1f8: {  	v20 =	vadd.f32 v12, v8;
	v6 =	vld [tilespmem:s29+$0xC000];
	v18 =	vadd.f32 v9, v18;
	v9 =	vmul.f32 v11, v7  }
0x1f9: {  	v4 =	vld [tilespmem:s29+$0xC010];
	v7 =	vsub.f32 $1.000000000e+00, v3;
	v10 =	vmul.f32 v5, v16;
	v16 =	vmul.f32 $1.111111120e-01, v19  }
0x1fa: {  	v14 =	vmul.f32 v15, v14;
	v5 =	vld [tilespmem:s29+$0xC020];
	v13 =	vadd.f32 v13, v17;
	v11 =	vsub.f32 $1.000000000e+00, v0;
	[tilespmem:s0+$0xE000] =	vst v18  }
0x1fb: {  	s2 =	simm.s32 $0xA0;
	s3 =	simm.s32 $0x3C0;
	v8 =	vmul.f32 $1.111111120e-01, v7;
	v15 =	vmul.f32 v63, v16;
	v7 =	vld [tilespmem:s29+$0xC030];
	[tilespmem:s0+$0xE010] =	vst v20;
	v12 =	vsub.f32 $1.000000000e+00, v2  }
.LBB2_14:
0x1fc: {  	p1 =	sne.s32 s3, $0x3D40;
	v16 =	vld [tilespmem:s2+$0xA040];
	v11 =	vmul.f32 $1.111111120e-01, v11;
	v17 =	vsub.f32 $1.000000000e+00, v1;
	[tilespmem:s0+$0xE020] =	vst v13;
	v9 =	vadd.f32 v10, v9  }
0x1fd: {  	v13 =	vld [tilespmem:s2+$0xA000];
	v10 =	vsub.f32 $1.000000000e+00, v6;
	v12 =	vmul.f32 $1.111111120e-01, v12;
	v14 =	vadd.f32 v15, v14  }
0x1fe: {  	v3 =	vmul.f32 v6, v3;
	v15 =	vld [tilespmem:s2+$0xC040];
	v6 =	vsub.f32 $1.000000000e+00, v4;
	v17 =	vmul.f32 $1.111111120e-01, v17;
	[tilespmem:s0+$0xE030] =	vst v9;
	s0 =	smov.u32 s29;
	s29 =	smov.u32 s2  }
0x1ff: {  	v18 =	vmul.f32 v4, v0;
	v8 =	vmul.f32 v10, v8;
	v0 =	vld [tilespmem:s29+$0xA010];
	v4 =	vsub.f32 $1.000000000e+00, v5;
	[tilespmem:s0+$0xE040] =	vst v14  }
0x200: {  	v14 =	vmul.f32 v5, v2;
	v11 =	vmul.f32 v6, v11;
	v2 =	vld [tilespmem:s29+$0xA020];
	v5 =	vsub.f32 $1.000000000e+00, v7  }
.Ltmp8:
0x201: {  	v9 =	vmul.f32 v7, v1;
	v19 =	vsub.f32 $1.000000000e+00, v16;
	v12 =	vmul.f32 v4, v12;
	v1 =	vld [tilespmem:s29+$0xA030];
	(pc) =	sbr.rel @p1 .LBB2_14-.Ltmp8, $4  }
0x202: {  	v20 =	vadd.f32 v8, v3;
	v6 =	vld [tilespmem:s29+$0xC000];
	v7 =	vsub.f32 $1.000000000e+00, v13;
	v10 =	vmul.f32 v5, v17;
	v3 =	vmovc v13  }
0x203: {  	v18 =	vadd.f32 v11, v18;
	v4 =	vld [tilespmem:s29+$0xC010];
	v17 =	vmul.f32 $1.111111120e-01, v19;
	v19 =	vsub.f32 $1.000000000e+00, v15  }
0x204: {  	v13 =	vadd.f32 v12, v14;
	v8 =	vmul.f32 $1.111111120e-01, v7;
	v11 =	vsub.f32 $1.000000000e+00, v0;
	v5 =	vld [tilespmem:s29+$0xC020];
	[tilespmem:s0+$0xE000] =	vst v20  }
0x205: {  	s2 =	sshra.s32 s3, $0x2;
	s3 =	sadd.s32 $0x140, s3;
	v14 =	vmul.f32 v15, v16;
	v12 =	vsub.f32 $1.000000000e+00, v2;
	v7 =	vld [tilespmem:s29+$0xC030];
	v15 =	vmul.f32 v19, v17;
	[tilespmem:s0+$0xE010] =	vst v18  }
0x206: {  	v16 =	vld [tilespmem:s2+$0xA040];
	[tilespmem:s0+$0xE020] =	vst v13;
	v9 =	vadd.f32 v10, v9  }
0x207: {  	v17 =	vsub.f32 $1.000000000e+00, v1;
	v50 =	vld [tilespmem:s2+$0xA000];
	v14 =	vadd.f32 v15, v14  }
0x208: {  	v51 =	vmul.f32 $1.111111120e-01, v11;
	v13 =	vld [tilespmem:s2+$0xC040];
	v52 =	vsub.f32 $1.000000000e+00, v6;
	v12 =	vmul.f32 $1.111111120e-01, v12;
	[tilespmem:s0+$0xE030] =	vst v9  }
0x209: {  	v3 =	vmul.f32 v6, v3;
	v6 =	vsub.f32 $1.000000000e+00, v4;
	v17 =	vmul.f32 $1.111111120e-01, v17;
	v53 =	vld [tilespmem:s2+$0xA010];
	[tilespmem:s29+$0xE040] =	vst v14  }
0x20a: {  	v0 =	vmul.f32 v4, v0;
	v8 =	vmul.f32 v52, v8;
	v54 =	vld [tilespmem:s2+$0xA020]  }
0x20b: {  	v4 =	vsub.f32 $1.000000000e+00, v5;
	v2 =	vmul.f32 v5, v2;
	v6 =	vmul.f32 v6, v51;
	v5 =	vld [tilespmem:s2+$0xA030]  }
0x20c: {  	v55 =	vsub.f32 $1.000000000e+00, v7;
	v57 =	vld [tilespmem:s2+$0xC000];
	v1 =	vmul.f32 v7, v1;
	v56 =	vsub.f32 $1.000000000e+00, v16  }
0x20d: {  	v18 =	vld [tilespmem:s2+$0xC020];
	v4 =	vmul.f32 v4, v12;
	v3 =	vadd.f32 v8, v3;
	v7 =	vsub.f32 $1.000000000e+00, v50  }
0x20e: {  	v8 =	vld [tilespmem:s2+$0xC010];
	v9 =	vmul.f32 v55, v17;
	v58 =	vsub.f32 $1.000000000e+00, v13;
	v0 =	vadd.f32 v6, v0  }
0x20f: {  	v13 =	vmul.f32 v13, v16;
	v14 =	vmul.f32 $1.111111120e-01, v56;
	[tilespmem:s29+$0xE000] =	vst v3;
	v2 =	vadd.f32 v4, v2  }
0x210: {  	v6 =	vmul.f32 $1.111111120e-01, v7;
	v7 =	vsub.f32 $1.000000000e+00, v53;
	v4 =	vld [tilespmem:s2+$0xC030];
	v1 =	vadd.f32 v9, v1  }
0x211: {  	v3 =	vsub.f32 $1.000000000e+00, v54;
	v14 =	vmul.f32 v58, v14;
	v59 =	vsub.f32 $1.000000000e+00, v5  }
0x212: {  	v60 =	vsub.f32 $1.000000000e+00, v57;
	v10 =	vmul.f32 v57, v50;
	v62 =	vsub.f32 $1.000000000e+00, v18  }
0x213: {  	[tilespmem:s29+$0xE020] =	vst v2;
	v7 =	vmul.f32 $1.111111120e-01, v7;
	v61 =	vsub.f32 $1.000000000e+00, v8;
	v2 =	vmul.f32 v8, v53  }
0x214: {  	v3 =	vmul.f32 $1.111111120e-01, v3;
	v13 =	vadd.f32 v14, v13;
	v6 =	vmul.f32 v60, v6  }
0x215: {  	[tilespmem:s29+$0xE010] =	vst v0;
	v0 =	vmul.f32 $1.111111120e-01, v59;
	v7 =	vmul.f32 v61, v7;
	v8 =	vsub.f32 $1.000000000e+00, v4  }
0x216: {  	[tilespmem:s29+$0xE030] =	vst v1;
	v1 =	vmul.f32 v18, v54;
	v3 =	vmul.f32 v62, v3;
	v6 =	vadd.f32 v6, v10  }
0x217: {  	[tilespmem:s2+$0xE040] =	vst v13;
	v4 =	vmul.f32 v4, v5;
	v2 =	vadd.f32 v7, v2;
	v0 =	vmul.f32 v8, v0  }
0x218: {  	[tilespmem:s2+$0xE000] =	vst v6;
	v1 =	vadd.f32 v3, v1  }
0x219: {  	[tilespmem:s2+$0xE010] =	vst v2;
	v0 =	vadd.f32 v0, v4  }
0x21a: {  	[tilespmem:s2+$0xE020] =	vst v1  }
0x21b: {  	s3 =	simm.s32 $0x0;
	s29 =	rddreg [dreg:$0x16];
	[tilespmem:s2+$0xE030] =	vst v0  }
0x21c: {  	[hbm4b:s29+s3] =	stream.linear.scatter [tilespmem:s22], [sflag:$0x4], $0xFA0, $0x38;
	[tilespmem:$0x10000] =	vst v63  }
0x21d: {  	_ =	swait.ge [sflag:s8], $0xFA0  }
0x21e: {  	[sflag:s8] =	ssyncset.done $0x0  }
0x21f: {  	[sflag:s8] =	ssyncadd.s32 $0xFFFFF060  }
0x220: {  	_ =	swait.ge [sflag:s8], $0xFA0  }
0x221: {  	[sflag:s8] =	ssyncset.done $0x0  }
0x222: {  	[sflag:s8] =	ssyncadd.s32 $0xFFFFF060  }
0x223: {  	_ =	swait.ge [sflag:s8], $0xFA0  }
0x224: {  	[sflag:s8] =	ssyncset.done $0x0  }
0x225: {  	s0 =	simm.s32 $0x0;
	[sflag:s8] =	ssyncadd.s32 $0xFFFFF060  }
0x226: {  	v0 =	vld [tilespmem:s0+$0x1040]  }
0x227: {  	v1 =	vld [tilespmem:s0+$0x1000]  }
0x228: {  	v2 =	vld [tilespmem:s0+$0x2040]  }
0x229: {  	v3 =	vld [tilespmem:s0+$0x1010]  }
0x22a: {  	v5 =	vld [tilespmem:s0+$0x1020]  }
0x22b: {  	v4 =	vld [tilespmem:s0+$0x2000];
	v0 =	vmul.u32 $0xA, v0  }
0x22c: {  	v7 =	vld [tilespmem:s0+$0x1030]  }
0x22d: {  	v6 =	vld [tilespmem:s0+$0x0];
	v0 =	vadd.s32 v2, v0  }
0x22e: {  	v8 =	vld [tilespmem:s0+$0x2010];
	[tilespmem:s0+$0x6040] =	vst v0;
	v0 =	vmul.u32 $0xA, v1  }
0x22f: {  	v63 =	vld [tilespmem:s0+$0x10]  }
0x230: {  	v2 =	vld [tilespmem:s0+$0x2020];
	v1 =	vadd.s32 v4, v0  }
0x231: {  	v0 =	vld [tilespmem:s0+$0x20];
	[tilespmem:s0+$0x6000] =	vst v1;
	v1 =	vmul.u32 $0xA, v3  }
0x232: {  	v4 =	vshll.u32 v6, $0x7;
	v3 =	vld [tilespmem:s0+$0x2030]  }
0x233: {  	v6 =	vmul.u32 $0xA, v5;
	[tilespmem:s0+$0x8000] =	vst v4;
	v4 =	vld [tilespmem:s0+$0x30];
	v1 =	vadd.s32 v8, v1  }
0x234: {  	s2 =	simm.s32 $0x50;
	s3 =	simm.s32 $0x280;
	v5 =	vld [tilespmem:s0+$0x40];
	[tilespmem:s0+$0x6010] =	vst v1;
	v1 =	vmul.u32 $0xA, v7;
	v7 =	vshll.u32 v63, $0x7  }
.LBB2_16:
0x235: {  	p1 =	sne.s32 s3, $0x3D40;
	v8 =	vld [tilespmem:s2+$0x1040];
	[tilespmem:s0+$0x8010] =	vst v7;
	v2 =	vadd.s32 v2, v6  }
0x236: {  	v6 =	vld [tilespmem:s2+$0x1000];
	[tilespmem:s0+$0x6020] =	vst v2;
	v0 =	vshll.u32 v0, $0x7  }
0x237: {  	v2 =	vld [tilespmem:s2+$0x2040];
	[tilespmem:s0+$0x8020] =	vst v0;
	v0 =	vadd.s32 v3, v1  }
0x238: {  	v1 =	vld [tilespmem:s2+$0x1010];
	[tilespmem:s0+$0x6030] =	vst v0;
	v0 =	vshll.u32 v4, $0x7  }
0x239: {  	v3 =	vld [tilespmem:s2+$0x1020];
	[tilespmem:s0+$0x8030] =	vst v0;
	v0 =	vshll.u32 v5, $0x7  }
0x23a: {  	v4 =	vld [tilespmem:s2+$0x1030];
	v5 =	vmul.u32 $0xA, v8;
	[tilespmem:s0+$0x8040] =	vst v0;
	s0 =	smov.u32 s2  }
0x23b: {  	v0 =	vmul.u32 $0xA, v6;
	v7 =	vld [tilespmem:s0+$0x2000]  }
0x23c: {  	v8 =	vld [tilespmem:s0+$0x0];
	v2 =	vadd.s32 v2, v5  }
0x23d: {  	v5 =	vmul.u32 $0xA, v1;
	v9 =	vld [tilespmem:s0+$0x2010];
	[tilespmem:s0+$0x6040] =	vst v2  }
0x23e: {  	v10 =	vld [tilespmem:s0+$0x10];
	v6 =	vmul.u32 $0xA, v3  }
.Ltmp9:
0x23f: {  	v2 =	vld [tilespmem:s0+$0x2020];
	v1 =	vmul.u32 $0xA, v4;
	(pc) =	sbr.rel @p1 .LBB2_16-.Ltmp9, $4  }
0x240: {  	v3 =	vadd.s32 v7, v0;
	v0 =	vld [tilespmem:s0+$0x20]  }
0x241: {  	[tilespmem:s0+$0x6000] =	vst v3;
	v4 =	vshll.u32 v8, $0x7;
	v3 =	vld [tilespmem:s0+$0x2030]  }
0x242: {  	[tilespmem:s0+$0x8000] =	vst v4;
	v5 =	vadd.s32 v9, v5;
	v4 =	vld [tilespmem:s0+$0x30]  }
0x243: {  	s2 =	sshra.s32 s3, $0x2;
	s3 =	sadd.s32 $0x140, s3;
	[tilespmem:s0+$0x6010] =	vst v5;
	v7 =	vshll.u32 v10, $0x7;
	v5 =	vld [tilespmem:s0+$0x40]  }
0x244: {  	v8 =	vld [tilespmem:s2+$0x1040];
	[tilespmem:s0+$0x8010] =	vst v7;
	v2 =	vadd.s32 v2, v6  }
0x245: {  	v6 =	vld [tilespmem:s2+$0x1000];
	[tilespmem:s0+$0x6020] =	vst v2;
	v0 =	vshll.u32 v0, $0x7  }
0x246: {  	v2 =	vld [tilespmem:s2+$0x2040];
	[tilespmem:s0+$0x8020] =	vst v0;
	v0 =	vadd.s32 v3, v1  }
0x247: {  	v1 =	vld [tilespmem:s2+$0x1010];
	[tilespmem:s0+$0x6030] =	vst v0;
	v0 =	vshll.u32 v4, $0x7  }
0x248: {  	v3 =	vld [tilespmem:s2+$0x1020];
	[tilespmem:s0+$0x8030] =	vst v0;
	v0 =	vshll.u32 v5, $0x7  }
0x249: {  	v4 =	vld [tilespmem:s2+$0x1030];
	[tilespmem:s0+$0x8040] =	vst v0  }
0x24a: {  	v0 =	vmul.u32 $0xA, v8;
	v5 =	vld [tilespmem:s2+$0x2000];
	_ =	sdelay $0x1  }
0x24b: {  	v7 =	vld [tilespmem:s2+$0x0];
	v0 =	vadd.s32 v2, v0  }
0x24c: {  	v2 =	vld [tilespmem:s2+$0x2010];
	[tilespmem:s2+$0x6040] =	vst v0;
	v0 =	vmul.u32 $0xA, v6  }
0x24d: {  	v6 =	vld [tilespmem:s2+$0x10]  }
0x24e: {  	v8 =	vld [tilespmem:s2+$0x2020];
	v0 =	vadd.s32 v5, v0  }
0x24f: {  	v5 =	vld [tilespmem:s2+$0x20];
	[tilespmem:s2+$0x6000] =	vst v0;
	v0 =	vmul.u32 $0xA, v1  }
0x250: {  	v1 =	vshll.u32 v7, $0x7;
	v7 =	vld [tilespmem:s2+$0x2030]  }
0x251: {  	[tilespmem:s2+$0x8000] =	vst v1;
	v1 =	vld [tilespmem:s2+$0x30];
	v0 =	vadd.s32 v2, v0;
	v2 =	vmul.u32 $0xA, v3  }
0x252: {  	v3 =	vld [tilespmem:s2+$0x40];
	[tilespmem:s2+$0x6010] =	vst v0;
	v0 =	vshll.u32 v6, $0x7  }
0x253: {  	v4 =	vmul.u32 $0xA, v4;
	[tilespmem:s2+$0x8010] =	vst v0;
	v0 =	vadd.s32 v8, v2  }
0x254: {  	[tilespmem:s2+$0x6020] =	vst v0;
	v0 =	vshll.u32 v5, $0x7  }
0x255: {  	[tilespmem:s2+$0x8020] =	vst v0;
	v0 =	vadd.s32 v7, v4  }
0x256: {  	[tilespmem:s2+$0x6030] =	vst v0;
	v0 =	vshll.u32 v1, $0x7  }
0x257: {  	[tilespmem:s2+$0x8030] =	vst v0;
	v0 =	vshll.u32 v3, $0x7  }
0x258: {  	[tilespmem:s2+$0x8040] =	vst v0  }
0x259: {  	[tilespmem:s11], [sflag:$0x2] =	stream.indirect.gather [hbm4b:s30+s9], $0x1, s10, s9, $0xb8;
	[tilespmem:$0x10000] =	vst v63  }
0x25a: {  	_ = 	snop  }
0x25b: {  	[tilespmem:s13], [sflag:$0x2] =	stream.indirect.gather [hbm4b:s31+s9], $0x1, s12, s9, $0xb8;
	[tilespmem:$0x10000] =	vst v63  }
0x25c: {  	s3 =	rddreg [dreg:$0x1b];
	s0 =	simm.s32 $0x0  }
0x25d: {  	[tilespmem:s14], [sflag:$0x1] =	stream.linear.gather [hbm4b:s3+s0], $0xFA0, $0x38;
	[tilespmem:$0x10000] =	vst v63  }
0x25e: {  	s3 =	rddreg [dreg:$0x1e]  }
0x25f: {  	[tilespmem:s15], [sflag:$0x1] =	stream.linear.gather [hbm4b:s3+s0], $0xFA0, $0x38;
	[tilespmem:$0x10000] =	vst v63  }
0x260: {  	s3 =	sld [smem:$0x7F9];
	_ =	sdelay $0x2  }
0x261: {  	[tilespmem:s16], [sflag:$0x1] =	stream.linear.gather [hbm4b:s3+s0], $0xFA0, $0x38;
	[tilespmem:$0x10000] =	vst v63  }
0x262: {  	_ =	swait.ge [sflag:s23], $0xFA0  }
0x263: {  	[sflag:s23] =	ssyncset.done $0x0  }
0x264: {  	[sflag:s23] =	ssyncadd.s32 $0xFFFFF060  }
0x265: {  	_ =	swait.ge [sflag:s23], $0xFA0  }
0x266: {  	[sflag:s23] =	ssyncset.done $0x0  }
0x267: {  	[sflag:s23] =	ssyncadd.s32 $0xFFFFF060  }
0x268: {  	_ =	swait.ge [sflag:s26], $0xFA0  }
0x269: {  	[sflag:s26] =	ssyncset.done $0x0  }
0x26a: {  	s0 =	simm.s32 $0x0;
	[sflag:s26] =	ssyncadd.s32 $0xFFFFF060  }
0x26b: {  	v0 =	vld [tilespmem:s0+$0xB040]  }
0x26c: {  	v1 =	vld [tilespmem:s0+$0xB000]  }
0x26d: {  	v2 =	vld [tilespmem:s0+$0xD040]  }
0x26e: {  	v4 =	vld [tilespmem:s0+$0xB010]  }
0x26f: {  	v5 =	vld [tilespmem:s0+$0xB020]  }
0x270: {  	v7 =	vld [tilespmem:s0+$0xB030]  }
0x271: {  	v6 =	vld [tilespmem:s0+$0xD000];
	v3 =	vsub.f32 $1.000000000e+00, v0  }
0x272: {  	v8 =	vld [tilespmem:s0+$0xD010]  }
0x273: {  	s29 =	simm.s32 $0x50;
	v10 =	vld [tilespmem:s0+$0xD020];
	v9 =	vsub.f32 $1.000000000e+00, v2;
	v3 =	vmul.f32 $1.111111120e-01, v3  }
0x274: {  	v14 =	vld [tilespmem:s29+$0xB040];
	v0 =	vmul.f32 v2, v0;
	v12 =	vsub.f32 $1.000000000e+00, v4  }
0x275: {  	v15 =	vld [tilespmem:s29+$0xD040];
	v13 =	vsub.f32 $1.000000000e+00, v5;
	v16 =	vsub.f32 $1.000000000e+00, v7;
	v2 =	vmul.f32 v9, v3  }
0x276: {  	v11 =	vld [tilespmem:s0+$0xD030];
	v17 =	vsub.f32 $1.000000000e+00, v6;
	v18 =	vmul.f32 v6, v1;
	v9 =	vsub.f32 $1.000000000e+00, v1  }
0x277: {  	v6 =	vsub.f32 $1.000000000e+00, v8;
	v8 =	vmul.f32 v8, v4;
	v2 =	vadd.f32 v2, v0  }
0x278: {  	v4 =	vsub.f32 $1.000000000e+00, v10;
	v12 =	vmul.f32 $1.111111120e-01, v12;
	v3 =	vld [tilespmem:s29+$0xB000];
	v9 =	vmul.f32 $1.111111120e-01, v9  }
0x279: {  	v19 =	vsub.f32 $1.000000000e+00, v14;
	v13 =	vmul.f32 $1.111111120e-01, v13;
	v16 =	vmul.f32 $1.111111120e-01, v16;
	v0 =	vld [tilespmem:s29+$0xB010];
	[tilespmem:s0+$0xF040] =	vst v2  }
0x27a: {  	v63 =	vsub.f32 $1.000000000e+00, v15;
	v12 =	vmul.f32 v6, v12;
	v9 =	vmul.f32 v17, v9;
	v2 =	vld [tilespmem:s29+$0xB020]  }
0x27b: {  	v13 =	vmul.f32 v4, v13;
	v17 =	vmul.f32 v10, v5;
	v5 =	vsub.f32 $1.000000000e+00, v11;
	v1 =	vld [tilespmem:s29+$0xB030]  }
0x27c: {  	v20 =	vadd.f32 v12, v8;
	v6 =	vld [tilespmem:s29+$0xD000];
	v18 =	vadd.f32 v9, v18;
	v9 =	vmul.f32 v11, v7  }
0x27d: {  	v4 =	vld [tilespmem:s29+$0xD010];
	v7 =	vsub.f32 $1.000000000e+00, v3;
	v10 =	vmul.f32 v5, v16;
	v16 =	vmul.f32 $1.111111120e-01, v19  }
0x27e: {  	v14 =	vmul.f32 v15, v14;
	v5 =	vld [tilespmem:s29+$0xD020];
	v13 =	vadd.f32 v13, v17;
	v11 =	vsub.f32 $1.000000000e+00, v0;
	[tilespmem:s0+$0xF000] =	vst v18  }
0x27f: {  	s2 =	simm.s32 $0xA0;
	s3 =	simm.s32 $0x3C0;
	v8 =	vmul.f32 $1.111111120e-01, v7;
	v15 =	vmul.f32 v63, v16;
	v7 =	vld [tilespmem:s29+$0xD030];
	[tilespmem:s0+$0xF010] =	vst v20;
	v12 =	vsub.f32 $1.000000000e+00, v2  }
.LBB2_18:
0x280: {  	p1 =	sne.s32 s3, $0x3D40;
	v16 =	vld [tilespmem:s2+$0xB040];
	v11 =	vmul.f32 $1.111111120e-01, v11;
	v17 =	vsub.f32 $1.000000000e+00, v1;
	[tilespmem:s0+$0xF020] =	vst v13;
	v9 =	vadd.f32 v10, v9  }
0x281: {  	v13 =	vld [tilespmem:s2+$0xB000];
	v10 =	vsub.f32 $1.000000000e+00, v6;
	v12 =	vmul.f32 $1.111111120e-01, v12;
	v14 =	vadd.f32 v15, v14  }
0x282: {  	v3 =	vmul.f32 v6, v3;
	v15 =	vld [tilespmem:s2+$0xD040];
	v6 =	vsub.f32 $1.000000000e+00, v4;
	v17 =	vmul.f32 $1.111111120e-01, v17;
	[tilespmem:s0+$0xF030] =	vst v9;
	s0 =	smov.u32 s29;
	s29 =	smov.u32 s2  }
0x283: {  	v18 =	vmul.f32 v4, v0;
	v8 =	vmul.f32 v10, v8;
	v0 =	vld [tilespmem:s29+$0xB010];
	v4 =	vsub.f32 $1.000000000e+00, v5;
	[tilespmem:s0+$0xF040] =	vst v14  }
0x284: {  	v14 =	vmul.f32 v5, v2;
	v11 =	vmul.f32 v6, v11;
	v2 =	vld [tilespmem:s29+$0xB020];
	v5 =	vsub.f32 $1.000000000e+00, v7  }
.Ltmp10:
0x285: {  	v9 =	vmul.f32 v7, v1;
	v19 =	vsub.f32 $1.000000000e+00, v16;
	v12 =	vmul.f32 v4, v12;
	v1 =	vld [tilespmem:s29+$0xB030];
	(pc) =	sbr.rel @p1 .LBB2_18-.Ltmp10, $4  }
0x286: {  	v20 =	vadd.f32 v8, v3;
	v6 =	vld [tilespmem:s29+$0xD000];
	v7 =	vsub.f32 $1.000000000e+00, v13;
	v10 =	vmul.f32 v5, v17;
	v3 =	vmovc v13  }
0x287: {  	v18 =	vadd.f32 v11, v18;
	v4 =	vld [tilespmem:s29+$0xD010];
	v17 =	vmul.f32 $1.111111120e-01, v19;
	v19 =	vsub.f32 $1.000000000e+00, v15  }
0x288: {  	v13 =	vadd.f32 v12, v14;
	v8 =	vmul.f32 $1.111111120e-01, v7;
	v11 =	vsub.f32 $1.000000000e+00, v0;
	v5 =	vld [tilespmem:s29+$0xD020];
	[tilespmem:s0+$0xF000] =	vst v20  }
0x289: {  	s2 =	sshra.s32 s3, $0x2;
	s3 =	sadd.s32 $0x140, s3;
	v14 =	vmul.f32 v15, v16;
	v12 =	vsub.f32 $1.000000000e+00, v2;
	v7 =	vld [tilespmem:s29+$0xD030];
	v15 =	vmul.f32 v19, v17;
	[tilespmem:s0+$0xF010] =	vst v18  }
0x28a: {  	v16 =	vld [tilespmem:s2+$0xB040];
	[tilespmem:s0+$0xF020] =	vst v13;
	v9 =	vadd.f32 v10, v9  }
0x28b: {  	v17 =	vsub.f32 $1.000000000e+00, v1;
	v50 =	vld [tilespmem:s2+$0xB000];
	v14 =	vadd.f32 v15, v14  }
0x28c: {  	v51 =	vmul.f32 $1.111111120e-01, v11;
	v13 =	vld [tilespmem:s2+$0xD040];
	v52 =	vsub.f32 $1.000000000e+00, v6;
	v12 =	vmul.f32 $1.111111120e-01, v12;
	[tilespmem:s0+$0xF030] =	vst v9  }
0x28d: {  	v3 =	vmul.f32 v6, v3;
	v6 =	vsub.f32 $1.000000000e+00, v4;
	v17 =	vmul.f32 $1.111111120e-01, v17;
	v53 =	vld [tilespmem:s2+$0xB010];
	[tilespmem:s29+$0xF040] =	vst v14  }
0x28e: {  	v0 =	vmul.f32 v4, v0;
	v8 =	vmul.f32 v52, v8;
	v54 =	vld [tilespmem:s2+$0xB020]  }
0x28f: {  	v4 =	vsub.f32 $1.000000000e+00, v5;
	v2 =	vmul.f32 v5, v2;
	v6 =	vmul.f32 v6, v51;
	v5 =	vld [tilespmem:s2+$0xB030]  }
0x290: {  	v55 =	vsub.f32 $1.000000000e+00, v7;
	v57 =	vld [tilespmem:s2+$0xD000];
	v1 =	vmul.f32 v7, v1;
	v56 =	vsub.f32 $1.000000000e+00, v16  }
0x291: {  	v18 =	vld [tilespmem:s2+$0xD020];
	v4 =	vmul.f32 v4, v12;
	v3 =	vadd.f32 v8, v3;
	v7 =	vsub.f32 $1.000000000e+00, v50  }
0x292: {  	v8 =	vld [tilespmem:s2+$0xD010];
	v9 =	vmul.f32 v55, v17;
	v58 =	vsub.f32 $1.000000000e+00, v13;
	v0 =	vadd.f32 v6, v0  }
0x293: {  	v13 =	vmul.f32 v13, v16;
	v14 =	vmul.f32 $1.111111120e-01, v56;
	[tilespmem:s29+$0xF000] =	vst v3;
	v2 =	vadd.f32 v4, v2  }
0x294: {  	v6 =	vmul.f32 $1.111111120e-01, v7;
	v7 =	vsub.f32 $1.000000000e+00, v53;
	v4 =	vld [tilespmem:s2+$0xD030];
	v1 =	vadd.f32 v9, v1  }
0x295: {  	v3 =	vsub.f32 $1.000000000e+00, v54;
	v14 =	vmul.f32 v58, v14;
	v59 =	vsub.f32 $1.000000000e+00, v5  }
0x296: {  	v60 =	vsub.f32 $1.000000000e+00, v57;
	v10 =	vmul.f32 v57, v50;
	v62 =	vsub.f32 $1.000000000e+00, v18  }
0x297: {  	[tilespmem:s29+$0xF020] =	vst v2;
	v7 =	vmul.f32 $1.111111120e-01, v7;
	v61 =	vsub.f32 $1.000000000e+00, v8;
	v2 =	vmul.f32 v8, v53  }
0x298: {  	v3 =	vmul.f32 $1.111111120e-01, v3;
	v13 =	vadd.f32 v14, v13;
	v6 =	vmul.f32 v60, v6  }
0x299: {  	[tilespmem:s29+$0xF010] =	vst v0;
	v0 =	vmul.f32 $1.111111120e-01, v59;
	v7 =	vmul.f32 v61, v7;
	v8 =	vsub.f32 $1.000000000e+00, v4  }
0x29a: {  	[tilespmem:s29+$0xF030] =	vst v1;
	v1 =	vmul.f32 v18, v54;
	v3 =	vmul.f32 v62, v3;
	v6 =	vadd.f32 v6, v10  }
0x29b: {  	[tilespmem:s2+$0xF040] =	vst v13;
	v4 =	vmul.f32 v4, v5;
	v2 =	vadd.f32 v7, v2;
	v0 =	vmul.f32 v8, v0  }
0x29c: {  	[tilespmem:s2+$0xF000] =	vst v6;
	v1 =	vadd.f32 v3, v1  }
0x29d: {  	[tilespmem:s2+$0xF010] =	vst v2;
	v0 =	vadd.f32 v0, v4  }
0x29e: {  	[tilespmem:s2+$0xF020] =	vst v1  }
0x29f: {  	s3 =	simm.s32 $0x0;
	s29 =	rddreg [dreg:$0x17];
	[tilespmem:s2+$0xF030] =	vst v0  }
0x2a0: {  	[hbm4b:s29+s3] =	stream.linear.scatter [tilespmem:s24], [sflag:$0x5], $0xFA0, $0x38;
	[tilespmem:$0x10000] =	vst v63  }
0x2a1: {  	_ =	swait.ge [sflag:s8], $0xFA0  }
0x2a2: {  	[sflag:s8] =	ssyncset.done $0x0  }
0x2a3: {  	[sflag:s8] =	ssyncadd.s32 $0xFFFFF060  }
0x2a4: {  	_ =	swait.ge [sflag:s8], $0xFA0  }
0x2a5: {  	[sflag:s8] =	ssyncset.done $0x0  }
0x2a6: {  	[sflag:s8] =	ssyncadd.s32 $0xFFFFF060  }
0x2a7: {  	_ =	swait.ge [sflag:s8], $0xFA0  }
0x2a8: {  	[sflag:s8] =	ssyncset.done $0x0  }
0x2a9: {  	s0 =	simm.s32 $0x0;
	[sflag:s8] =	ssyncadd.s32 $0xFFFFF060  }
0x2aa: {  	v0 =	vld [tilespmem:s0+$0x4040]  }
0x2ab: {  	v1 =	vld [tilespmem:s0+$0x4000]  }
0x2ac: {  	v2 =	vld [tilespmem:s0+$0x5040]  }
0x2ad: {  	v3 =	vld [tilespmem:s0+$0x4010]  }
0x2ae: {  	v5 =	vld [tilespmem:s0+$0x4020]  }
0x2af: {  	v4 =	vld [tilespmem:s0+$0x5000];
	v0 =	vmul.u32 $0xA, v0  }
0x2b0: {  	v7 =	vld [tilespmem:s0+$0x4030]  }
0x2b1: {  	v6 =	vld [tilespmem:s0+$0x3000];
	v0 =	vadd.s32 v2, v0  }
0x2b2: {  	v8 =	vld [tilespmem:s0+$0x5010];
	[tilespmem:s0+$0x7040] =	vst v0;
	v0 =	vmul.u32 $0xA, v1  }
0x2b3: {  	v63 =	vld [tilespmem:s0+$0x3010]  }
0x2b4: {  	v2 =	vld [tilespmem:s0+$0x5020];
	v1 =	vadd.s32 v4, v0  }
0x2b5: {  	v0 =	vld [tilespmem:s0+$0x3020];
	[tilespmem:s0+$0x7000] =	vst v1;
	v1 =	vmul.u32 $0xA, v3  }
0x2b6: {  	v4 =	vshll.u32 v6, $0x7;
	v3 =	vld [tilespmem:s0+$0x5030]  }
0x2b7: {  	v6 =	vmul.u32 $0xA, v5;
	[tilespmem:s0+$0x9000] =	vst v4;
	v4 =	vld [tilespmem:s0+$0x3030];
	v1 =	vadd.s32 v8, v1  }
0x2b8: {  	s2 =	simm.s32 $0x50;
	s3 =	simm.s32 $0x280;
	v5 =	vld [tilespmem:s0+$0x3040];
	[tilespmem:s0+$0x7010] =	vst v1;
	v1 =	vmul.u32 $0xA, v7;
	v7 =	vshll.u32 v63, $0x7  }
.LBB2_20:
0x2b9: {  	p1 =	sne.s32 s3, $0x3D40;
	v8 =	vld [tilespmem:s2+$0x4040];
	[tilespmem:s0+$0x9010] =	vst v7;
	v2 =	vadd.s32 v2, v6  }
0x2ba: {  	v6 =	vld [tilespmem:s2+$0x4000];
	[tilespmem:s0+$0x7020] =	vst v2;
	v0 =	vshll.u32 v0, $0x7  }
0x2bb: {  	v2 =	vld [tilespmem:s2+$0x5040];
	[tilespmem:s0+$0x9020] =	vst v0;
	v0 =	vadd.s32 v3, v1  }
0x2bc: {  	v1 =	vld [tilespmem:s2+$0x4010];
	[tilespmem:s0+$0x7030] =	vst v0;
	v0 =	vshll.u32 v4, $0x7  }
0x2bd: {  	v3 =	vld [tilespmem:s2+$0x4020];
	[tilespmem:s0+$0x9030] =	vst v0;
	v0 =	vshll.u32 v5, $0x7  }
0x2be: {  	v4 =	vld [tilespmem:s2+$0x4030];
	v5 =	vmul.u32 $0xA, v8;
	[tilespmem:s0+$0x9040] =	vst v0;
	s0 =	smov.u32 s2  }
0x2bf: {  	v0 =	vmul.u32 $0xA, v6;
	v7 =	vld [tilespmem:s0+$0x5000]  }
0x2c0: {  	v8 =	vld [tilespmem:s0+$0x3000];
	v2 =	vadd.s32 v2, v5  }
0x2c1: {  	v5 =	vmul.u32 $0xA, v1;
	v9 =	vld [tilespmem:s0+$0x5010];
	[tilespmem:s0+$0x7040] =	vst v2  }
0x2c2: {  	v10 =	vld [tilespmem:s0+$0x3010];
	v6 =	vmul.u32 $0xA, v3  }
.Ltmp11:
0x2c3: {  	v2 =	vld [tilespmem:s0+$0x5020];
	v1 =	vmul.u32 $0xA, v4;
	(pc) =	sbr.rel @p1 .LBB2_20-.Ltmp11, $4  }
0x2c4: {  	v3 =	vadd.s32 v7, v0;
	v0 =	vld [tilespmem:s0+$0x3020]  }
0x2c5: {  	[tilespmem:s0+$0x7000] =	vst v3;
	v4 =	vshll.u32 v8, $0x7;
	v3 =	vld [tilespmem:s0+$0x5030]  }
0x2c6: {  	[tilespmem:s0+$0x9000] =	vst v4;
	v5 =	vadd.s32 v9, v5;
	v4 =	vld [tilespmem:s0+$0x3030]  }
0x2c7: {  	s2 =	sshra.s32 s3, $0x2;
	s3 =	sadd.s32 $0x140, s3;
	[tilespmem:s0+$0x7010] =	vst v5;
	v7 =	vshll.u32 v10, $0x7;
	v5 =	vld [tilespmem:s0+$0x3040]  }
0x2c8: {  	v8 =	vld [tilespmem:s2+$0x4040];
	[tilespmem:s0+$0x9010] =	vst v7;
	v2 =	vadd.s32 v2, v6  }
0x2c9: {  	v6 =	vld [tilespmem:s2+$0x4000];
	[tilespmem:s0+$0x7020] =	vst v2;
	v0 =	vshll.u32 v0, $0x7  }
0x2ca: {  	v2 =	vld [tilespmem:s2+$0x5040];
	[tilespmem:s0+$0x9020] =	vst v0;
	v0 =	vadd.s32 v3, v1  }
0x2cb: {  	v1 =	vld [tilespmem:s2+$0x4010];
	[tilespmem:s0+$0x7030] =	vst v0;
	v0 =	vshll.u32 v4, $0x7  }
0x2cc: {  	v3 =	vld [tilespmem:s2+$0x4020];
	[tilespmem:s0+$0x9030] =	vst v0;
	v0 =	vshll.u32 v5, $0x7  }
0x2cd: {  	v4 =	vld [tilespmem:s2+$0x4030];
	[tilespmem:s0+$0x9040] =	vst v0  }
0x2ce: {  	v0 =	vmul.u32 $0xA, v8;
	v5 =	vld [tilespmem:s2+$0x5000];
	_ =	sdelay $0x1  }
0x2cf: {  	v7 =	vld [tilespmem:s2+$0x3000];
	v0 =	vadd.s32 v2, v0  }
0x2d0: {  	v2 =	vld [tilespmem:s2+$0x5010];
	[tilespmem:s2+$0x7040] =	vst v0;
	v0 =	vmul.u32 $0xA, v6  }
0x2d1: {  	v6 =	vld [tilespmem:s2+$0x3010]  }
0x2d2: {  	v8 =	vld [tilespmem:s2+$0x5020];
	v0 =	vadd.s32 v5, v0  }
0x2d3: {  	v5 =	vld [tilespmem:s2+$0x3020];
	[tilespmem:s2+$0x7000] =	vst v0;
	v0 =	vmul.u32 $0xA, v1  }
0x2d4: {  	v1 =	vshll.u32 v7, $0x7;
	v7 =	vld [tilespmem:s2+$0x5030]  }
0x2d5: {  	[tilespmem:s2+$0x9000] =	vst v1;
	v1 =	vld [tilespmem:s2+$0x3030];
	v0 =	vadd.s32 v2, v0;
	v2 =	vmul.u32 $0xA, v3  }
0x2d6: {  	v3 =	vld [tilespmem:s2+$0x3040];
	[tilespmem:s2+$0x7010] =	vst v0;
	v0 =	vshll.u32 v6, $0x7  }
0x2d7: {  	v4 =	vmul.u32 $0xA, v4;
	[tilespmem:s2+$0x9010] =	vst v0;
	v0 =	vadd.s32 v8, v2  }
0x2d8: {  	[tilespmem:s2+$0x7020] =	vst v0;
	v0 =	vshll.u32 v5, $0x7  }
0x2d9: {  	[tilespmem:s2+$0x9020] =	vst v0;
	v0 =	vadd.s32 v7, v4  }
0x2da: {  	[tilespmem:s2+$0x7030] =	vst v0;
	v0 =	vshll.u32 v1, $0x7  }
0x2db: {  	[tilespmem:s2+$0x9030] =	vst v0;
	v0 =	vshll.u32 v3, $0x7  }
0x2dc: {  	[tilespmem:s2+$0x9040] =	vst v0  }
0x2dd: {  	[tilespmem:s18], [sflag:$0x3] =	stream.indirect.gather [hbm4b:s30+s9], $0x1, s17, s9, $0xb8;
	[tilespmem:$0x10000] =	vst v63  }
0x2de: {  	_ = 	snop  }
0x2df: {  	[tilespmem:s20], [sflag:$0x3] =	stream.indirect.gather [hbm4b:s31+s9], $0x1, s19, s9, $0xb8;
	[tilespmem:$0x10000] =	vst v63  }
0x2e0: {  	s3 =	rddreg [dreg:$0x1c];
	s0 =	simm.s32 $0x0  }
0x2e1: {  	[tilespmem:s0], [sflag:$0x1] =	stream.linear.gather [hbm4b:s3+s0], $0xFA0, $0x38;
	[tilespmem:$0x10000] =	vst v63  }
0x2e2: {  	s3 =	rddreg [dreg:$0x1f]  }
0x2e3: {  	[tilespmem:s6], [sflag:$0x1] =	stream.linear.gather [hbm4b:s3+s0], $0xFA0, $0x38;
	[tilespmem:$0x10000] =	vst v63  }
0x2e4: {  	s3 =	sld [smem:$0x7FA];
	_ =	sdelay $0x2  }
0x2e5: {  	[tilespmem:s7], [sflag:$0x1] =	stream.linear.gather [hbm4b:s3+s0], $0xFA0, $0x38;
	[tilespmem:$0x10000] =	vst v63  }
0x2e6: {  	_ =	swait.ge [sflag:s21], $0xFA0  }
0x2e7: {  	[sflag:s21] =	ssyncset.done $0x0  }
0x2e8: {  	[sflag:s21] =	ssyncadd.s32 $0xFFFFF060  }
0x2e9: {  	_ =	swait.ge [sflag:s21], $0xFA0  }
0x2ea: {  	[sflag:s21] =	ssyncset.done $0x0  }
0x2eb: {  	[sflag:s21] =	ssyncadd.s32 $0xFFFFF060  }
0x2ec: {  	_ =	swait.ge [sflag:s25], $0xFA0  }
0x2ed: {  	[sflag:s25] =	ssyncset.done $0x0  }
0x2ee: {  	s0 =	simm.s32 $0x0;
	[sflag:s25] =	ssyncadd.s32 $0xFFFFF060  }
0x2ef: {  	v0 =	vld [tilespmem:s0+$0xA040]  }
0x2f0: {  	v1 =	vld [tilespmem:s0+$0xA000]  }
0x2f1: {  	v2 =	vld [tilespmem:s0+$0xC040]  }
0x2f2: {  	v4 =	vld [tilespmem:s0+$0xA010]  }
0x2f3: {  	v5 =	vld [tilespmem:s0+$0xA020]  }
0x2f4: {  	v7 =	vld [tilespmem:s0+$0xA030]  }
0x2f5: {  	v6 =	vld [tilespmem:s0+$0xC000];
	v3 =	vsub.f32 $1.000000000e+00, v0  }
0x2f6: {  	v8 =	vld [tilespmem:s0+$0xC010]  }
0x2f7: {  	s29 =	simm.s32 $0x50;
	v10 =	vld [tilespmem:s0+$0xC020];
	v9 =	vsub.f32 $1.000000000e+00, v2;
	v3 =	vmul.f32 $1.111111120e-01, v3  }
0x2f8: {  	v14 =	vld [tilespmem:s29+$0xA040];
	v0 =	vmul.f32 v2, v0;
	v12 =	vsub.f32 $1.000000000e+00, v4  }
0x2f9: {  	v15 =	vld [tilespmem:s29+$0xC040];
	v13 =	vsub.f32 $1.000000000e+00, v5;
	v16 =	vsub.f32 $1.000000000e+00, v7;
	v2 =	vmul.f32 v9, v3  }
0x2fa: {  	v11 =	vld [tilespmem:s0+$0xC030];
	v17 =	vsub.f32 $1.000000000e+00, v6;
	v18 =	vmul.f32 v6, v1;
	v9 =	vsub.f32 $1.000000000e+00, v1  }
0x2fb: {  	v6 =	vsub.f32 $1.000000000e+00, v8;
	v8 =	vmul.f32 v8, v4;
	v2 =	vadd.f32 v2, v0  }
0x2fc: {  	v4 =	vsub.f32 $1.000000000e+00, v10;
	v12 =	vmul.f32 $1.111111120e-01, v12;
	v3 =	vld [tilespmem:s29+$0xA000];
	v9 =	vmul.f32 $1.111111120e-01, v9  }
0x2fd: {  	v19 =	vsub.f32 $1.000000000e+00, v14;
	v13 =	vmul.f32 $1.111111120e-01, v13;
	v16 =	vmul.f32 $1.111111120e-01, v16;
	v0 =	vld [tilespmem:s29+$0xA010];
	[tilespmem:s0+$0xE040] =	vst v2  }
0x2fe: {  	v63 =	vsub.f32 $1.000000000e+00, v15;
	v12 =	vmul.f32 v6, v12;
	v9 =	vmul.f32 v17, v9;
	v2 =	vld [tilespmem:s29+$0xA020]  }
0x2ff: {  	v13 =	vmul.f32 v4, v13;
	v17 =	vmul.f32 v10, v5;
	v5 =	vsub.f32 $1.000000000e+00, v11;
	v1 =	vld [tilespmem:s29+$0xA030]  }
0x300: {  	v20 =	vadd.f32 v12, v8;
	v6 =	vld [tilespmem:s29+$0xC000];
	v18 =	vadd.f32 v9, v18;
	v9 =	vmul.f32 v11, v7  }
0x301: {  	v4 =	vld [tilespmem:s29+$0xC010];
	v7 =	vsub.f32 $1.000000000e+00, v3;
	v10 =	vmul.f32 v5, v16;
	v16 =	vmul.f32 $1.111111120e-01, v19  }
0x302: {  	v14 =	vmul.f32 v15, v14;
	v5 =	vld [tilespmem:s29+$0xC020];
	v13 =	vadd.f32 v13, v17;
	v11 =	vsub.f32 $1.000000000e+00, v0;
	[tilespmem:s0+$0xE000] =	vst v18  }
0x303: {  	s2 =	simm.s32 $0xA0;
	s3 =	simm.s32 $0x3C0;
	v8 =	vmul.f32 $1.111111120e-01, v7;
	v15 =	vmul.f32 v63, v16;
	v7 =	vld [tilespmem:s29+$0xC030];
	[tilespmem:s0+$0xE010] =	vst v20;
	v12 =	vsub.f32 $1.000000000e+00, v2  }
.LBB2_22:
0x304: {  	p1 =	sne.s32 s3, $0x3D40;
	v16 =	vld [tilespmem:s2+$0xA040];
	v11 =	vmul.f32 $1.111111120e-01, v11;
	v17 =	vsub.f32 $1.000000000e+00, v1;
	[tilespmem:s0+$0xE020] =	vst v13;
	v9 =	vadd.f32 v10, v9  }
0x305: {  	v13 =	vld [tilespmem:s2+$0xA000];
	v10 =	vsub.f32 $1.000000000e+00, v6;
	v12 =	vmul.f32 $1.111111120e-01, v12;
	v14 =	vadd.f32 v15, v14  }
0x306: {  	v3 =	vmul.f32 v6, v3;
	v15 =	vld [tilespmem:s2+$0xC040];
	v6 =	vsub.f32 $1.000000000e+00, v4;
	v17 =	vmul.f32 $1.111111120e-01, v17;
	[tilespmem:s0+$0xE030] =	vst v9;
	s0 =	smov.u32 s29;
	s29 =	smov.u32 s2  }
0x307: {  	v18 =	vmul.f32 v4, v0;
	v8 =	vmul.f32 v10, v8;
	v0 =	vld [tilespmem:s29+$0xA010];
	v4 =	vsub.f32 $1.000000000e+00, v5;
	[tilespmem:s0+$0xE040] =	vst v14  }
0x308: {  	v14 =	vmul.f32 v5, v2;
	v11 =	vmul.f32 v6, v11;
	v2 =	vld [tilespmem:s29+$0xA020];
	v5 =	vsub.f32 $1.000000000e+00, v7  }
.Ltmp12:
0x309: {  	v9 =	vmul.f32 v7, v1;
	v19 =	vsub.f32 $1.000000000e+00, v16;
	v12 =	vmul.f32 v4, v12;
	v1 =	vld [tilespmem:s29+$0xA030];
	(pc) =	sbr.rel @p1 .LBB2_22-.Ltmp12, $4  }
0x30a: {  	v20 =	vadd.f32 v8, v3;
	v6 =	vld [tilespmem:s29+$0xC000];
	v7 =	vsub.f32 $1.000000000e+00, v13;
	v10 =	vmul.f32 v5, v17;
	v3 =	vmovc v13  }
0x30b: {  	v18 =	vadd.f32 v11, v18;
	v4 =	vld [tilespmem:s29+$0xC010];
	v17 =	vmul.f32 $1.111111120e-01, v19;
	v19 =	vsub.f32 $1.000000000e+00, v15  }
0x30c: {  	v13 =	vadd.f32 v12, v14;
	v8 =	vmul.f32 $1.111111120e-01, v7;
	v11 =	vsub.f32 $1.000000000e+00, v0;
	v5 =	vld [tilespmem:s29+$0xC020];
	[tilespmem:s0+$0xE000] =	vst v20  }
0x30d: {  	s2 =	sshra.s32 s3, $0x2;
	s3 =	sadd.s32 $0x140, s3;
	v14 =	vmul.f32 v15, v16;
	v12 =	vsub.f32 $1.000000000e+00, v2;
	v7 =	vld [tilespmem:s29+$0xC030];
	v15 =	vmul.f32 v19, v17;
	[tilespmem:s0+$0xE010] =	vst v18  }
0x30e: {  	v16 =	vld [tilespmem:s2+$0xA040];
	[tilespmem:s0+$0xE020] =	vst v13;
	v9 =	vadd.f32 v10, v9  }
0x30f: {  	v17 =	vsub.f32 $1.000000000e+00, v1;
	v50 =	vld [tilespmem:s2+$0xA000];
	v14 =	vadd.f32 v15, v14  }
0x310: {  	v51 =	vmul.f32 $1.111111120e-01, v11;
	v13 =	vld [tilespmem:s2+$0xC040];
	v52 =	vsub.f32 $1.000000000e+00, v6;
	v12 =	vmul.f32 $1.111111120e-01, v12;
	[tilespmem:s0+$0xE030] =	vst v9  }
0x311: {  	v3 =	vmul.f32 v6, v3;
	v6 =	vsub.f32 $1.000000000e+00, v4;
	v17 =	vmul.f32 $1.111111120e-01, v17;
	v53 =	vld [tilespmem:s2+$0xA010];
	[tilespmem:s29+$0xE040] =	vst v14  }
0x312: {  	v0 =	vmul.f32 v4, v0;
	v8 =	vmul.f32 v52, v8;
	v54 =	vld [tilespmem:s2+$0xA020]  }
0x313: {  	v4 =	vsub.f32 $1.000000000e+00, v5;
	v2 =	vmul.f32 v5, v2;
	v6 =	vmul.f32 v6, v51;
	v5 =	vld [tilespmem:s2+$0xA030]  }
0x314: {  	v55 =	vsub.f32 $1.000000000e+00, v7;
	v57 =	vld [tilespmem:s2+$0xC000];
	v1 =	vmul.f32 v7, v1;
	v56 =	vsub.f32 $1.000000000e+00, v16  }
0x315: {  	v18 =	vld [tilespmem:s2+$0xC020];
	v4 =	vmul.f32 v4, v12;
	v3 =	vadd.f32 v8, v3;
	v7 =	vsub.f32 $1.000000000e+00, v50  }
0x316: {  	v8 =	vld [tilespmem:s2+$0xC010];
	v9 =	vmul.f32 v55, v17;
	v58 =	vsub.f32 $1.000000000e+00, v13;
	v0 =	vadd.f32 v6, v0  }
0x317: {  	v13 =	vmul.f32 v13, v16;
	v14 =	vmul.f32 $1.111111120e-01, v56;
	[tilespmem:s29+$0xE000] =	vst v3;
	v2 =	vadd.f32 v4, v2  }
0x318: {  	v6 =	vmul.f32 $1.111111120e-01, v7;
	v7 =	vsub.f32 $1.000000000e+00, v53;
	v4 =	vld [tilespmem:s2+$0xC030];
	v1 =	vadd.f32 v9, v1  }
0x319: {  	v3 =	vsub.f32 $1.000000000e+00, v54;
	v14 =	vmul.f32 v58, v14;
	v59 =	vsub.f32 $1.000000000e+00, v5  }
0x31a: {  	v60 =	vsub.f32 $1.000000000e+00, v57;
	v10 =	vmul.f32 v57, v50;
	v62 =	vsub.f32 $1.000000000e+00, v18  }
0x31b: {  	[tilespmem:s29+$0xE020] =	vst v2;
	v7 =	vmul.f32 $1.111111120e-01, v7;
	v61 =	vsub.f32 $1.000000000e+00, v8;
	v2 =	vmul.f32 v8, v53  }
0x31c: {  	v3 =	vmul.f32 $1.111111120e-01, v3;
	v13 =	vadd.f32 v14, v13;
	v6 =	vmul.f32 v60, v6  }
0x31d: {  	[tilespmem:s29+$0xE010] =	vst v0;
	v0 =	vmul.f32 $1.111111120e-01, v59;
	v7 =	vmul.f32 v61, v7;
	v8 =	vsub.f32 $1.000000000e+00, v4  }
0x31e: {  	[tilespmem:s29+$0xE030] =	vst v1;
	v1 =	vmul.f32 v18, v54;
	v3 =	vmul.f32 v62, v3;
	v6 =	vadd.f32 v6, v10  }
0x31f: {  	[tilespmem:s2+$0xE040] =	vst v13;
	v4 =	vmul.f32 v4, v5;
	v2 =	vadd.f32 v7, v2;
	v0 =	vmul.f32 v8, v0  }
0x320: {  	[tilespmem:s2+$0xE000] =	vst v6;
	v1 =	vadd.f32 v3, v1  }
0x321: {  	[tilespmem:s2+$0xE010] =	vst v2;
	v0 =	vadd.f32 v0, v4  }
0x322: {  	[tilespmem:s2+$0xE020] =	vst v1  }
0x323: {  	s3 =	simm.s32 $0x0;
	s29 =	rddreg [dreg:$0x18];
	[tilespmem:s2+$0xE030] =	vst v0  }
0x324: {  	[hbm4b:s29+s3] =	stream.linear.scatter [tilespmem:s22], [sflag:$0x4], $0xFA0, $0x38;
	[tilespmem:$0x10000] =	vst v63  }
0x325: {  	_ =	swait.ge [sflag:s8], $0xFA0  }
0x326: {  	[sflag:s8] =	ssyncset.done $0x0  }
0x327: {  	[sflag:s8] =	ssyncadd.s32 $0xFFFFF060  }
0x328: {  	_ =	swait.ge [sflag:s8], $0xFA0  }
0x329: {  	[sflag:s8] =	ssyncset.done $0x0  }
0x32a: {  	[sflag:s8] =	ssyncadd.s32 $0xFFFFF060  }
0x32b: {  	_ =	swait.ge [sflag:s8], $0xFA0  }
0x32c: {  	[sflag:s8] =	ssyncset.done $0x0  }
0x32d: {  	s0 =	simm.s32 $0x0;
	[sflag:s8] =	ssyncadd.s32 $0xFFFFF060  }
0x32e: {  	v0 =	vld [tilespmem:s0+$0x1040]  }
0x32f: {  	v1 =	vld [tilespmem:s0+$0x1000]  }
0x330: {  	v2 =	vld [tilespmem:s0+$0x2040]  }
0x331: {  	v3 =	vld [tilespmem:s0+$0x1010]  }
0x332: {  	v5 =	vld [tilespmem:s0+$0x1020]  }
0x333: {  	v4 =	vld [tilespmem:s0+$0x2000];
	v0 =	vmul.u32 $0xA, v0  }
0x334: {  	v7 =	vld [tilespmem:s0+$0x1030]  }
0x335: {  	v6 =	vld [tilespmem:s0+$0x0];
	v0 =	vadd.s32 v2, v0  }
0x336: {  	v8 =	vld [tilespmem:s0+$0x2010];
	[tilespmem:s0+$0x6040] =	vst v0;
	v0 =	vmul.u32 $0xA, v1  }
0x337: {  	v63 =	vld [tilespmem:s0+$0x10]  }
0x338: {  	v2 =	vld [tilespmem:s0+$0x2020];
	v1 =	vadd.s32 v4, v0  }
0x339: {  	v0 =	vld [tilespmem:s0+$0x20];
	[tilespmem:s0+$0x6000] =	vst v1;
	v1 =	vmul.u32 $0xA, v3  }
0x33a: {  	v4 =	vshll.u32 v6, $0x7;
	v3 =	vld [tilespmem:s0+$0x2030]  }
0x33b: {  	v6 =	vmul.u32 $0xA, v5;
	[tilespmem:s0+$0x8000] =	vst v4;
	v4 =	vld [tilespmem:s0+$0x30];
	v1 =	vadd.s32 v8, v1  }
0x33c: {  	s2 =	simm.s32 $0x50;
	s3 =	simm.s32 $0x280;
	v5 =	vld [tilespmem:s0+$0x40];
	[tilespmem:s0+$0x6010] =	vst v1;
	v1 =	vmul.u32 $0xA, v7;
	v7 =	vshll.u32 v63, $0x7  }
.LBB2_24:
0x33d: {  	p1 =	sne.s32 s3, $0x3D40;
	v8 =	vld [tilespmem:s2+$0x1040];
	[tilespmem:s0+$0x8010] =	vst v7;
	v2 =	vadd.s32 v2, v6  }
0x33e: {  	v6 =	vld [tilespmem:s2+$0x1000];
	[tilespmem:s0+$0x6020] =	vst v2;
	v0 =	vshll.u32 v0, $0x7  }
0x33f: {  	v2 =	vld [tilespmem:s2+$0x2040];
	[tilespmem:s0+$0x8020] =	vst v0;
	v0 =	vadd.s32 v3, v1  }
0x340: {  	v1 =	vld [tilespmem:s2+$0x1010];
	[tilespmem:s0+$0x6030] =	vst v0;
	v0 =	vshll.u32 v4, $0x7  }
0x341: {  	v3 =	vld [tilespmem:s2+$0x1020];
	[tilespmem:s0+$0x8030] =	vst v0;
	v0 =	vshll.u32 v5, $0x7  }
0x342: {  	v4 =	vld [tilespmem:s2+$0x1030];
	v5 =	vmul.u32 $0xA, v8;
	[tilespmem:s0+$0x8040] =	vst v0;
	s0 =	smov.u32 s2  }
0x343: {  	v0 =	vmul.u32 $0xA, v6;
	v7 =	vld [tilespmem:s0+$0x2000]  }
0x344: {  	v8 =	vld [tilespmem:s0+$0x0];
	v2 =	vadd.s32 v2, v5  }
0x345: {  	v5 =	vmul.u32 $0xA, v1;
	v9 =	vld [tilespmem:s0+$0x2010];
	[tilespmem:s0+$0x6040] =	vst v2  }
0x346: {  	v10 =	vld [tilespmem:s0+$0x10];
	v6 =	vmul.u32 $0xA, v3  }
.Ltmp13:
0x347: {  	v2 =	vld [tilespmem:s0+$0x2020];
	v1 =	vmul.u32 $0xA, v4;
	(pc) =	sbr.rel @p1 .LBB2_24-.Ltmp13, $4  }
0x348: {  	v3 =	vadd.s32 v7, v0;
	v0 =	vld [tilespmem:s0+$0x20]  }
0x349: {  	[tilespmem:s0+$0x6000] =	vst v3;
	v4 =	vshll.u32 v8, $0x7;
	v3 =	vld [tilespmem:s0+$0x2030]  }
0x34a: {  	[tilespmem:s0+$0x8000] =	vst v4;
	v5 =	vadd.s32 v9, v5;
	v4 =	vld [tilespmem:s0+$0x30]  }
0x34b: {  	s2 =	sshra.s32 s3, $0x2;
	s3 =	sadd.s32 $0x140, s3;
	[tilespmem:s0+$0x6010] =	vst v5;
	v7 =	vshll.u32 v10, $0x7;
	v5 =	vld [tilespmem:s0+$0x40]  }
0x34c: {  	v8 =	vld [tilespmem:s2+$0x1040];
	[tilespmem:s0+$0x8010] =	vst v7;
	v2 =	vadd.s32 v2, v6  }
0x34d: {  	v6 =	vld [tilespmem:s2+$0x1000];
	[tilespmem:s0+$0x6020] =	vst v2;
	v0 =	vshll.u32 v0, $0x7  }
0x34e: {  	v2 =	vld [tilespmem:s2+$0x2040];
	[tilespmem:s0+$0x8020] =	vst v0;
	v0 =	vadd.s32 v3, v1  }
0x34f: {  	v1 =	vld [tilespmem:s2+$0x1010];
	[tilespmem:s0+$0x6030] =	vst v0;
	v0 =	vshll.u32 v4, $0x7  }
0x350: {  	v3 =	vld [tilespmem:s2+$0x1020];
	[tilespmem:s0+$0x8030] =	vst v0;
	v0 =	vshll.u32 v5, $0x7  }
0x351: {  	v4 =	vld [tilespmem:s2+$0x1030];
	[tilespmem:s0+$0x8040] =	vst v0  }
0x352: {  	v0 =	vmul.u32 $0xA, v8;
	v5 =	vld [tilespmem:s2+$0x2000];
	_ =	sdelay $0x1  }
0x353: {  	v7 =	vld [tilespmem:s2+$0x0];
	v0 =	vadd.s32 v2, v0  }
0x354: {  	v2 =	vld [tilespmem:s2+$0x2010];
	[tilespmem:s2+$0x6040] =	vst v0;
	v0 =	vmul.u32 $0xA, v6  }
0x355: {  	v6 =	vld [tilespmem:s2+$0x10]  }
0x356: {  	v8 =	vld [tilespmem:s2+$0x2020];
	v0 =	vadd.s32 v5, v0  }
0x357: {  	v5 =	vld [tilespmem:s2+$0x20];
	[tilespmem:s2+$0x6000] =	vst v0;
	v0 =	vmul.u32 $0xA, v1  }
0x358: {  	v1 =	vshll.u32 v7, $0x7;
	v7 =	vld [tilespmem:s2+$0x2030]  }
0x359: {  	[tilespmem:s2+$0x8000] =	vst v1;
	v1 =	vld [tilespmem:s2+$0x30];
	v0 =	vadd.s32 v2, v0;
	v2 =	vmul.u32 $0xA, v3  }
0x35a: {  	v3 =	vld [tilespmem:s2+$0x40];
	[tilespmem:s2+$0x6010] =	vst v0;
	v0 =	vshll.u32 v6, $0x7  }
0x35b: {  	v4 =	vmul.u32 $0xA, v4;
	[tilespmem:s2+$0x8010] =	vst v0;
	v0 =	vadd.s32 v8, v2  }
0x35c: {  	[tilespmem:s2+$0x6020] =	vst v0;
	v0 =	vshll.u32 v5, $0x7  }
0x35d: {  	[tilespmem:s2+$0x8020] =	vst v0;
	v0 =	vadd.s32 v7, v4  }
0x35e: {  	[tilespmem:s2+$0x6030] =	vst v0;
	v0 =	vshll.u32 v1, $0x7  }
0x35f: {  	[tilespmem:s2+$0x8030] =	vst v0;
	v0 =	vshll.u32 v3, $0x7  }
0x360: {  	[tilespmem:s2+$0x8040] =	vst v0  }
0x361: {  	[tilespmem:s11], [sflag:$0x2] =	stream.indirect.gather [hbm4b:s30+s9], $0x1, s10, s9, $0xb8;
	[tilespmem:$0x10000] =	vst v63  }
0x362: {  	_ = 	snop  }
0x363: {  	[tilespmem:s13], [sflag:$0x2] =	stream.indirect.gather [hbm4b:s31+s9], $0x1, s12, s9, $0xb8;
	[tilespmem:$0x10000] =	vst v63  }
0x364: {  	s3 =	rddreg [dreg:$0x1d];
	s0 =	simm.s32 @!p0 $0x0;
	s2 =	simm.s32 @!p0 $0x3000  }
0x365: {  	[tilespmem:s2], [sflag:$0x1] =	stream.linear.gather @!p0 [hbm4b:s3+s0], $0xFA0, $0x38;
	[tilespmem:$0x10000] =	vst v63  }
0x366: {  	s3 =	sld [smem:$0x7F8];
	_ =	sdelay $0x1  }
0x367: {  	s2 =	simm.s32 @!p0 $0x4000  }
0x368: {  	[tilespmem:s2], [sflag:$0x1] =	stream.linear.gather @!p0 [hbm4b:s3+s0], $0xFA0, $0x38;
	[tilespmem:$0x10000] =	vst v63  }
0x369: {  	s3 =	sld [smem:$0x7FB];
	_ =	sdelay $0x1  }
0x36a: {  	s2 =	simm.s32 @!p0 $0x5000  }
0x36b: {  	[tilespmem:s2], [sflag:$0x1] =	stream.linear.gather @!p0 [hbm4b:s3+s0], $0xFA0, $0x38;
	[tilespmem:$0x10000] =	vst v63  }
0x36c: {  	_ =	swait.ge [sflag:s23], $0xFA0  }
0x36d: {  	[sflag:s23] =	ssyncset.done $0x0  }
0x36e: {  	[sflag:s23] =	ssyncadd.s32 $0xFFFFF060  }
0x36f: {  	_ =	swait.ge [sflag:s23], $0xFA0  }
0x370: {  	[sflag:s23] =	ssyncset.done $0x0  }
0x371: {  	[sflag:s23] =	ssyncadd.s32 $0xFFFFF060  }
0x372: {  	_ =	swait.ge [sflag:s26], $0xFA0  }
0x373: {  	[sflag:s26] =	ssyncset.done $0x0  }
0x374: {  	s0 =	simm.s32 $0x0;
	[sflag:s26] =	ssyncadd.s32 $0xFFFFF060  }
0x375: {  	v0 =	vld [tilespmem:s0+$0xB040]  }
0x376: {  	v1 =	vld [tilespmem:s0+$0xB000]  }
0x377: {  	v2 =	vld [tilespmem:s0+$0xD040]  }
0x378: {  	v4 =	vld [tilespmem:s0+$0xB010]  }
0x379: {  	v5 =	vld [tilespmem:s0+$0xB020]  }
0x37a: {  	v7 =	vld [tilespmem:s0+$0xB030]  }
0x37b: {  	v6 =	vld [tilespmem:s0+$0xD000];
	v3 =	vsub.f32 $1.000000000e+00, v0  }
0x37c: {  	v8 =	vld [tilespmem:s0+$0xD010]  }
0x37d: {  	s29 =	simm.s32 $0x50;
	v10 =	vld [tilespmem:s0+$0xD020];
	v9 =	vsub.f32 $1.000000000e+00, v2;
	v3 =	vmul.f32 $1.111111120e-01, v3  }
0x37e: {  	v14 =	vld [tilespmem:s29+$0xB040];
	v0 =	vmul.f32 v2, v0;
	v12 =	vsub.f32 $1.000000000e+00, v4  }
0x37f: {  	v15 =	vld [tilespmem:s29+$0xD040];
	v13 =	vsub.f32 $1.000000000e+00, v5;
	v16 =	vsub.f32 $1.000000000e+00, v7;
	v2 =	vmul.f32 v9, v3  }
0x380: {  	v11 =	vld [tilespmem:s0+$0xD030];
	v17 =	vsub.f32 $1.000000000e+00, v6;
	v18 =	vmul.f32 v6, v1;
	v9 =	vsub.f32 $1.000000000e+00, v1  }
0x381: {  	v6 =	vsub.f32 $1.000000000e+00, v8;
	v8 =	vmul.f32 v8, v4;
	v2 =	vadd.f32 v2, v0  }
0x382: {  	v4 =	vsub.f32 $1.000000000e+00, v10;
	v12 =	vmul.f32 $1.111111120e-01, v12;
	v3 =	vld [tilespmem:s29+$0xB000];
	v9 =	vmul.f32 $1.111111120e-01, v9  }
0x383: {  	v19 =	vsub.f32 $1.000000000e+00, v14;
	v13 =	vmul.f32 $1.111111120e-01, v13;
	v16 =	vmul.f32 $1.111111120e-01, v16;
	v0 =	vld [tilespmem:s29+$0xB010];
	[tilespmem:s0+$0xF040] =	vst v2  }
0x384: {  	v63 =	vsub.f32 $1.000000000e+00, v15;
	v12 =	vmul.f32 v6, v12;
	v9 =	vmul.f32 v17, v9;
	v2 =	vld [tilespmem:s29+$0xB020]  }
0x385: {  	v13 =	vmul.f32 v4, v13;
	v17 =	vmul.f32 v10, v5;
	v5 =	vsub.f32 $1.000000000e+00, v11;
	v1 =	vld [tilespmem:s29+$0xB030]  }
0x386: {  	v20 =	vadd.f32 v12, v8;
	v6 =	vld [tilespmem:s29+$0xD000];
	v18 =	vadd.f32 v9, v18;
	v9 =	vmul.f32 v11, v7  }
0x387: {  	v4 =	vld [tilespmem:s29+$0xD010];
	v7 =	vsub.f32 $1.000000000e+00, v3;
	v10 =	vmul.f32 v5, v16;
	v16 =	vmul.f32 $1.111111120e-01, v19  }
0x388: {  	v14 =	vmul.f32 v15, v14;
	v5 =	vld [tilespmem:s29+$0xD020];
	v13 =	vadd.f32 v13, v17;
	v11 =	vsub.f32 $1.000000000e+00, v0;
	[tilespmem:s0+$0xF000] =	vst v18  }
0x389: {  	s2 =	simm.s32 $0xA0;
	s3 =	simm.s32 $0x3C0;
	v8 =	vmul.f32 $1.111111120e-01, v7;
	v15 =	vmul.f32 v63, v16;
	v7 =	vld [tilespmem:s29+$0xD030];
	[tilespmem:s0+$0xF010] =	vst v20;
	v12 =	vsub.f32 $1.000000000e+00, v2  }
.LBB2_26:
0x38a: {  	p1 =	sne.s32 s3, $0x3D40;
	v16 =	vld [tilespmem:s2+$0xB040];
	v11 =	vmul.f32 $1.111111120e-01, v11;
	v17 =	vsub.f32 $1.000000000e+00, v1;
	[tilespmem:s0+$0xF020] =	vst v13;
	v9 =	vadd.f32 v10, v9  }
0x38b: {  	v13 =	vld [tilespmem:s2+$0xB000];
	v10 =	vsub.f32 $1.000000000e+00, v6;
	v12 =	vmul.f32 $1.111111120e-01, v12;
	v14 =	vadd.f32 v15, v14  }
0x38c: {  	v3 =	vmul.f32 v6, v3;
	v15 =	vld [tilespmem:s2+$0xD040];
	v6 =	vsub.f32 $1.000000000e+00, v4;
	v17 =	vmul.f32 $1.111111120e-01, v17;
	[tilespmem:s0+$0xF030] =	vst v9;
	s0 =	smov.u32 s29;
	s29 =	smov.u32 s2  }
0x38d: {  	v18 =	vmul.f32 v4, v0;
	v8 =	vmul.f32 v10, v8;
	v0 =	vld [tilespmem:s29+$0xB010];
	v4 =	vsub.f32 $1.000000000e+00, v5;
	[tilespmem:s0+$0xF040] =	vst v14  }
0x38e: {  	v14 =	vmul.f32 v5, v2;
	v11 =	vmul.f32 v6, v11;
	v2 =	vld [tilespmem:s29+$0xB020];
	v5 =	vsub.f32 $1.000000000e+00, v7  }
.Ltmp14:
0x38f: {  	v9 =	vmul.f32 v7, v1;
	v19 =	vsub.f32 $1.000000000e+00, v16;
	v12 =	vmul.f32 v4, v12;
	v1 =	vld [tilespmem:s29+$0xB030];
	(pc) =	sbr.rel @p1 .LBB2_26-.Ltmp14, $4  }
0x390: {  	v20 =	vadd.f32 v8, v3;
	v6 =	vld [tilespmem:s29+$0xD000];
	v7 =	vsub.f32 $1.000000000e+00, v13;
	v10 =	vmul.f32 v5, v17;
	v3 =	vmovc v13  }
0x391: {  	v18 =	vadd.f32 v11, v18;
	v4 =	vld [tilespmem:s29+$0xD010];
	v17 =	vmul.f32 $1.111111120e-01, v19;
	v19 =	vsub.f32 $1.000000000e+00, v15  }
0x392: {  	v13 =	vadd.f32 v12, v14;
	v8 =	vmul.f32 $1.111111120e-01, v7;
	v11 =	vsub.f32 $1.000000000e+00, v0;
	v5 =	vld [tilespmem:s29+$0xD020];
	[tilespmem:s0+$0xF000] =	vst v20  }
0x393: {  	s2 =	sshra.s32 s3, $0x2;
	s3 =	sadd.s32 $0x140, s3;
	v14 =	vmul.f32 v15, v16;
	v12 =	vsub.f32 $1.000000000e+00, v2;
	v7 =	vld [tilespmem:s29+$0xD030];
	v15 =	vmul.f32 v19, v17;
	[tilespmem:s0+$0xF010] =	vst v18  }
0x394: {  	v16 =	vld [tilespmem:s2+$0xB040];
	[tilespmem:s0+$0xF020] =	vst v13;
	v9 =	vadd.f32 v10, v9  }
0x395: {  	v17 =	vsub.f32 $1.000000000e+00, v1;
	v37 =	vld [tilespmem:s2+$0xB000];
	v14 =	vadd.f32 v15, v14  }
0x396: {  	v38 =	vmul.f32 $1.111111120e-01, v11;
	v13 =	vld [tilespmem:s2+$0xD040];
	v39 =	vsub.f32 $1.000000000e+00, v6;
	v12 =	vmul.f32 $1.111111120e-01, v12;
	[tilespmem:s0+$0xF030] =	vst v9  }
0x397: {  	v3 =	vmul.f32 v6, v3;
	v41 =	vsub.f32 $1.000000000e+00, v4;
	v17 =	vmul.f32 $1.111111120e-01, v17;
	v40 =	vld [tilespmem:s2+$0xB010];
	[tilespmem:s29+$0xF040] =	vst v14  }
0x398: {  	v0 =	vmul.f32 v4, v0;
	v8 =	vmul.f32 v39, v8;
	v43 =	vld [tilespmem:s2+$0xB020]  }
0x399: {  	v42 =	vsub.f32 $1.000000000e+00, v5;
	v2 =	vmul.f32 v5, v2;
	v6 =	vmul.f32 v41, v38;
	v44 =	vld [tilespmem:s2+$0xB030]  }
0x39a: {  	v45 =	vsub.f32 $1.000000000e+00, v7;
	v47 =	vld [tilespmem:s2+$0xD000];
	v48 =	vmul.f32 v7, v1;
	v46 =	vsub.f32 $1.000000000e+00, v16  }
0x39b: {  	v50 =	vld [tilespmem:s2+$0xD010];
	v4 =	vmul.f32 v42, v12;
	v3 =	vadd.f32 v8, v3;
	v49 =	vsub.f32 $1.000000000e+00, v37  }
0x39c: {  	v18 =	vld [tilespmem:s2+$0xD020];
	v9 =	vmul.f32 v45, v17;
	v51 =	vsub.f32 $1.000000000e+00, v13;
	v0 =	vadd.f32 v6, v0  }
0x39d: {  	v13 =	vmul.f32 v13, v16;
	v14 =	vmul.f32 $1.111111120e-01, v46;
	[tilespmem:s29+$0xF000] =	vst v3;
	v2 =	vadd.f32 v4, v2  }
0x39e: {  	v52 =	vmul.f32 $1.111111120e-01, v49;
	v53 =	vsub.f32 $1.000000000e+00, v40;
	v55 =	vld [tilespmem:s2+$0xD030];
	v1 =	vadd.f32 v9, v48  }
0x39f: {  	v54 =	vsub.f32 $1.000000000e+00, v43;
	v14 =	vmul.f32 v51, v14;
	v56 =	vsub.f32 $1.000000000e+00, v44  }
0x3a0: {  	v57 =	vsub.f32 $1.000000000e+00, v47;
	v10 =	vmul.f32 v47, v37;
	v58 =	vsub.f32 $1.000000000e+00, v50  }
0x3a1: {  	v60 =	vsub.f32 $1.000000000e+00, v18;
	v61 =	vmul.f32 v50, v40;
	v7 =	vmul.f32 $1.111111120e-01, v53  }
0x3a2: {  	[tilespmem:s29+$0xF010] =	vst v0;
	v3 =	vmul.f32 $1.111111120e-01, v54;
	v13 =	vadd.f32 v14, v13;
	v6 =	vmul.f32 v57, v52  }
0x3a3: {  	[tilespmem:s29+$0xF020] =	vst v2;
	v59 =	vmul.f32 $1.111111120e-01, v56;
	v7 =	vmul.f32 v58, v7;
	v62 =	vsub.f32 $1.000000000e+00, v55  }
0x3a4: {  	v63 =	vmul.f32 v18, v43;
	[tilespmem:s29+$0xF030] =	vst v1;
	v3 =	vmul.f32 v60, v3;
	v6 =	vadd.f32 v6, v10  }
0x3a5: {  	[tilespmem:s2+$0xF040] =	vst v13;
	v4 =	vmul.f32 v55, v44;
	v2 =	vadd.f32 v7, v61;
	v0 =	vmul.f32 v62, v59  }
.Ltmp15:
0x3a6: {  	[tilespmem:s2+$0xF000] =	vst v6;
	v1 =	vadd.f32 v3, v63;
	(pc) =	sbr.rel @p0 .LBB2_31-.Ltmp15, $4  }
0x3a7: {  	s29 =	sld [smem:$0x7FC];
	[tilespmem:s2+$0xF010] =	vst v2;
	v0 =	vadd.f32 v0, v4  }
0x3a8: {  	[tilespmem:s2+$0xF020] =	vst v1  }
0x3a9: {  	[tilespmem:s2+$0xF030] =	vst v0  }
0x3aa: {  	[hbm4b:s29+s1] =	stream.linear.scatter [tilespmem:s24], [sflag:$0x5], $0xFA0, $0x38;
	[tilespmem:$0x10000] =	vst v63  }
0x3ab: {  	_ =	swait.ge [sflag:s8], $0xFA0  }
0x3ac: {  	[sflag:s8] =	ssyncset.done $0x0  }
0x3ad: {  	[sflag:s8] =	ssyncadd.s32 $0xFFFFF060  }
0x3ae: {  	_ =	swait.ge [sflag:s8], $0xFA0  }
0x3af: {  	[sflag:s8] =	ssyncset.done $0x0  }
0x3b0: {  	[sflag:s8] =	ssyncadd.s32 $0xFFFFF060  }
0x3b1: {  	_ =	swait.ge [sflag:s8], $0xFA0  }
0x3b2: {  	[sflag:s8] =	ssyncset.done $0x0  }
0x3b3: {  	s0 =	simm.s32 $0x0;
	[sflag:s8] =	ssyncadd.s32 $0xFFFFF060  }
0x3b4: {  	v0 =	vld [tilespmem:s0+$0x4040]  }
0x3b5: {  	v1 =	vld [tilespmem:s0+$0x4000]  }
0x3b6: {  	v2 =	vld [tilespmem:s0+$0x5040]  }
0x3b7: {  	v3 =	vld [tilespmem:s0+$0x4010]  }
0x3b8: {  	v5 =	vld [tilespmem:s0+$0x4020]  }
0x3b9: {  	v4 =	vld [tilespmem:s0+$0x5000];
	v0 =	vmul.u32 $0xA, v0  }
0x3ba: {  	v7 =	vld [tilespmem:s0+$0x4030]  }
0x3bb: {  	v6 =	vld [tilespmem:s0+$0x3000];
	v0 =	vadd.s32 v2, v0  }
0x3bc: {  	v8 =	vld [tilespmem:s0+$0x5010];
	[tilespmem:s0+$0x7040] =	vst v0;
	v0 =	vmul.u32 $0xA, v1  }
0x3bd: {  	v9 =	vld [tilespmem:s0+$0x3010]  }
0x3be: {  	v2 =	vld [tilespmem:s0+$0x5020];
	v1 =	vadd.s32 v4, v0  }
0x3bf: {  	v0 =	vld [tilespmem:s0+$0x3020];
	[tilespmem:s0+$0x7000] =	vst v1;
	v1 =	vmul.u32 $0xA, v3  }
0x3c0: {  	v4 =	vshll.u32 v6, $0x7;
	v3 =	vld [tilespmem:s0+$0x5030]  }
0x3c1: {  	v6 =	vmul.u32 $0xA, v5;
	[tilespmem:s0+$0x9000] =	vst v4;
	v4 =	vld [tilespmem:s0+$0x3030];
	v1 =	vadd.s32 v8, v1  }
0x3c2: {  	s2 =	simm.s32 $0x50;
	s3 =	simm.s32 $0x280;
	v5 =	vld [tilespmem:s0+$0x3040];
	[tilespmem:s0+$0x7010] =	vst v1;
	v1 =	vmul.u32 $0xA, v7;
	v7 =	vshll.u32 v9, $0x7  }
.LBB2_29:
0x3c3: {  	p1 =	sne.s32 s3, $0x3D40;
	v8 =	vld [tilespmem:s2+$0x4040];
	[tilespmem:s0+$0x9010] =	vst v7;
	v2 =	vadd.s32 v2, v6  }
0x3c4: {  	v6 =	vld [tilespmem:s2+$0x4000];
	[tilespmem:s0+$0x7020] =	vst v2;
	v0 =	vshll.u32 v0, $0x7  }
0x3c5: {  	v2 =	vld [tilespmem:s2+$0x5040];
	[tilespmem:s0+$0x9020] =	vst v0;
	v0 =	vadd.s32 v3, v1  }
0x3c6: {  	v1 =	vld [tilespmem:s2+$0x4010];
	[tilespmem:s0+$0x7030] =	vst v0;
	v0 =	vshll.u32 v4, $0x7  }
0x3c7: {  	v3 =	vld [tilespmem:s2+$0x4020];
	[tilespmem:s0+$0x9030] =	vst v0;
	v0 =	vshll.u32 v5, $0x7  }
0x3c8: {  	v4 =	vld [tilespmem:s2+$0x4030];
	v5 =	vmul.u32 $0xA, v8;
	[tilespmem:s0+$0x9040] =	vst v0;
	s0 =	smov.u32 s2  }
0x3c9: {  	v0 =	vmul.u32 $0xA, v6;
	v7 =	vld [tilespmem:s0+$0x5000]  }
0x3ca: {  	v8 =	vld [tilespmem:s0+$0x3000];
	v2 =	vadd.s32 v2, v5  }
0x3cb: {  	v5 =	vmul.u32 $0xA, v1;
	v9 =	vld [tilespmem:s0+$0x5010];
	[tilespmem:s0+$0x7040] =	vst v2  }
0x3cc: {  	v10 =	vld [tilespmem:s0+$0x3010];
	v6 =	vmul.u32 $0xA, v3  }
.Ltmp16:
0x3cd: {  	v2 =	vld [tilespmem:s0+$0x5020];
	v1 =	vmul.u32 $0xA, v4;
	(pc) =	sbr.rel @p1 .LBB2_29-.Ltmp16, $4  }
0x3ce: {  	v3 =	vadd.s32 v7, v0;
	v0 =	vld [tilespmem:s0+$0x3020]  }
0x3cf: {  	[tilespmem:s0+$0x7000] =	vst v3;
	v4 =	vshll.u32 v8, $0x7;
	v3 =	vld [tilespmem:s0+$0x5030]  }
0x3d0: {  	[tilespmem:s0+$0x9000] =	vst v4;
	v5 =	vadd.s32 v9, v5;
	v4 =	vld [tilespmem:s0+$0x3030]  }
0x3d1: {  	s2 =	sshra.s32 s3, $0x2;
	s3 =	sadd.s32 $0x140, s3;
	[tilespmem:s0+$0x7010] =	vst v5;
	v7 =	vshll.u32 v10, $0x7;
	v5 =	vld [tilespmem:s0+$0x3040]  }
0x3d2: {  	v8 =	vld [tilespmem:s2+$0x4040];
	[tilespmem:s0+$0x9010] =	vst v7;
	v2 =	vadd.s32 v2, v6  }
0x3d3: {  	v38 =	vld [tilespmem:s2+$0x4000];
	[tilespmem:s0+$0x7020] =	vst v2;
	v0 =	vshll.u32 v0, $0x7  }
0x3d4: {  	v2 =	vld [tilespmem:s2+$0x5040];
	[tilespmem:s0+$0x9020] =	vst v0;
	v39 =	vadd.s32 v3, v1  }
0x3d5: {  	v40 =	vld [tilespmem:s2+$0x4010];
	[tilespmem:s0+$0x7030] =	vst v39;
	v41 =	vshll.u32 v4, $0x7  }
0x3d6: {  	v42 =	vld [tilespmem:s2+$0x4020];
	[tilespmem:s0+$0x9030] =	vst v41;
	v43 =	vshll.u32 v5, $0x7  }
0x3d7: {  	v44 =	vld [tilespmem:s2+$0x4030];
	[tilespmem:s0+$0x9040] =	vst v43  }
0x3d8: {  	v46 =	vld [tilespmem:s2+$0x5000]  }
0x3d9: {  	v7 =	vld [tilespmem:s2+$0x3000]  }
0x3da: {  	v45 =	vmul.u32 $0xA, v8;
	v49 =	vld [tilespmem:s2+$0x3010]  }
0x3db: {  	v48 =	vmul.u32 $0xA, v38;
	v50 =	vld [tilespmem:s2+$0x5020]  }
0x3dc: {  	v51 =	vld [tilespmem:s2+$0x3020];
	v0 =	vadd.s32 v2, v45  }
0x3dd: {  	v55 =	vld [tilespmem:s2+$0x3030];
	[tilespmem:s2+$0x7040] =	vst v0;
	v0 =	vadd.s32 v46, v48  }
0x3de: {  	v58 =	vld [tilespmem:s2+$0x3040];
	v56 =	vmul.u32 $0xA, v42;
	v53 =	vshll.u32 v7, $0x7;
	[tilespmem:s2+$0x7000] =	vst v0  }
0x3df: {  	v47 =	vld [tilespmem:s2+$0x5010];
	v57 =	vshll.u32 v49, $0x7;
	[tilespmem:s2+$0x9000] =	vst v53  }
0x3e0: {  	v54 =	vld [tilespmem:s2+$0x5030];
	v59 =	vadd.s32 v50, v56;
	[tilespmem:s2+$0x9010] =	vst v57  }
0x3e1: {  	v60 =	vshll.u32 v51, $0x7;
	[tilespmem:s2+$0x7020] =	vst v59  }
0x3e2: {  	v52 =	vmul.u32 $0xA, v40;
	v62 =	vshll.u32 v55, $0x7;
	[tilespmem:s2+$0x9020] =	vst v60  }
0x3e3: {  	v4 =	vmul.u32 $0xA, v44;
	v63 =	vshll.u32 v58, $0x7;
	[tilespmem:s2+$0x9030] =	vst v62  }
0x3e4: {  	v0 =	vadd.s32 v47, v52;
	[tilespmem:s2+$0x9040] =	vst v63  }
0x3e5: {  	v61 =	vadd.s32 v54, v4;
	[tilespmem:s2+$0x7010] =	vst v0  }
0x3e6: {  	[tilespmem:s2+$0x7030] =	vst v61  }
0x3e7: {  	[tilespmem:s18], [sflag:$0x3] =	stream.indirect.gather [hbm4b:s30+s9], $0x1, s17, s9, $0xb8;
	[tilespmem:$0x10000] =	vst v63  }
0x3e8: {  	_ = 	snop  }
0x3e9: {  	[tilespmem:s20], [sflag:$0x3] =	stream.indirect.gather [hbm4b:s31+s9], $0x1, s19, s9, $0xb8;
	[tilespmem:$0x10000] =	vst v63  }
.LBB2_31:
0x3ea: {  	_ =	swait.ge [sflag:s21], $0xFA0  }
0x3eb: {  	[sflag:s21] =	ssyncset.done $0x0  }
0x3ec: {  	[sflag:s21] =	ssyncadd.s32 $0xFFFFF060  }
0x3ed: {  	_ =	swait.ge [sflag:s21], $0xFA0  }
0x3ee: {  	[sflag:s21] =	ssyncset.done $0x0  }
0x3ef: {  	[sflag:s21] =	ssyncadd.s32 $0xFFFFF060  }
0x3f0: {  	_ =	swait.ge [sflag:s25], $0xFA0  }
0x3f1: {  	[sflag:s25] =	ssyncset.done $0x0  }
0x3f2: {  	s0 =	simm.s32 $0x0;
	[sflag:s25] =	ssyncadd.s32 $0xFFFFF060  }
0x3f3: {  	v0 =	vld [tilespmem:s0+$0xA040]  }
0x3f4: {  	v1 =	vld [tilespmem:s0+$0xA000]  }
0x3f5: {  	v2 =	vld [tilespmem:s0+$0xC040]  }
0x3f6: {  	v4 =	vld [tilespmem:s0+$0xA010]  }
0x3f7: {  	v5 =	vld [tilespmem:s0+$0xA020]  }
0x3f8: {  	v7 =	vld [tilespmem:s0+$0xA030]  }
0x3f9: {  	v6 =	vld [tilespmem:s0+$0xC000];
	v3 =	vsub.f32 $1.000000000e+00, v0  }
0x3fa: {  	v8 =	vld [tilespmem:s0+$0xC010]  }
0x3fb: {  	s29 =	simm.s32 $0x50;
	v10 =	vld [tilespmem:s0+$0xC020];
	v9 =	vsub.f32 $1.000000000e+00, v2;
	v3 =	vmul.f32 $1.111111120e-01, v3  }
0x3fc: {  	v14 =	vld [tilespmem:s29+$0xA040];
	v0 =	vmul.f32 v2, v0;
	v12 =	vsub.f32 $1.000000000e+00, v4  }
0x3fd: {  	v15 =	vld [tilespmem:s29+$0xC040];
	v13 =	vsub.f32 $1.000000000e+00, v5;
	v16 =	vsub.f32 $1.000000000e+00, v7;
	v2 =	vmul.f32 v9, v3  }
0x3fe: {  	v11 =	vld [tilespmem:s0+$0xC030];
	v17 =	vsub.f32 $1.000000000e+00, v6;
	v18 =	vmul.f32 v6, v1;
	v9 =	vsub.f32 $1.000000000e+00, v1  }
0x3ff: {  	v6 =	vsub.f32 $1.000000000e+00, v8;
	v8 =	vmul.f32 v8, v4;
	v2 =	vadd.f32 v2, v0  }
0x400: {  	v4 =	vsub.f32 $1.000000000e+00, v10;
	v12 =	vmul.f32 $1.111111120e-01, v12;
	v3 =	vld [tilespmem:s29+$0xA000];
	v9 =	vmul.f32 $1.111111120e-01, v9  }
0x401: {  	v19 =	vsub.f32 $1.000000000e+00, v14;
	v13 =	vmul.f32 $1.111111120e-01, v13;
	v16 =	vmul.f32 $1.111111120e-01, v16;
	v0 =	vld [tilespmem:s29+$0xA010];
	[tilespmem:s0+$0xE040] =	vst v2  }
0x402: {  	v63 =	vsub.f32 $1.000000000e+00, v15;
	v12 =	vmul.f32 v6, v12;
	v9 =	vmul.f32 v17, v9;
	v2 =	vld [tilespmem:s29+$0xA020]  }
0x403: {  	v13 =	vmul.f32 v4, v13;
	v17 =	vmul.f32 v10, v5;
	v5 =	vsub.f32 $1.000000000e+00, v11;
	v1 =	vld [tilespmem:s29+$0xA030]  }
0x404: {  	v20 =	vadd.f32 v12, v8;
	v6 =	vld [tilespmem:s29+$0xC000];
	v18 =	vadd.f32 v9, v18;
	v9 =	vmul.f32 v11, v7  }
0x405: {  	v4 =	vld [tilespmem:s29+$0xC010];
	v7 =	vsub.f32 $1.000000000e+00, v3;
	v10 =	vmul.f32 v5, v16;
	v16 =	vmul.f32 $1.111111120e-01, v19  }
0x406: {  	v14 =	vmul.f32 v15, v14;
	v5 =	vld [tilespmem:s29+$0xC020];
	v13 =	vadd.f32 v13, v17;
	v11 =	vsub.f32 $1.000000000e+00, v0;
	[tilespmem:s0+$0xE000] =	vst v18  }
0x407: {  	s2 =	simm.s32 $0xA0;
	s3 =	simm.s32 $0x3C0;
	v8 =	vmul.f32 $1.111111120e-01, v7;
	v15 =	vmul.f32 v63, v16;
	v7 =	vld [tilespmem:s29+$0xC030];
	[tilespmem:s0+$0xE010] =	vst v20;
	v12 =	vsub.f32 $1.000000000e+00, v2  }
.LBB2_32:
0x408: {  	p1 =	sne.s32 s3, $0x3D40;
	v16 =	vld [tilespmem:s2+$0xA040];
	v11 =	vmul.f32 $1.111111120e-01, v11;
	v17 =	vsub.f32 $1.000000000e+00, v1;
	[tilespmem:s0+$0xE020] =	vst v13;
	v9 =	vadd.f32 v10, v9  }
0x409: {  	v13 =	vld [tilespmem:s2+$0xA000];
	v10 =	vsub.f32 $1.000000000e+00, v6;
	v12 =	vmul.f32 $1.111111120e-01, v12;
	v14 =	vadd.f32 v15, v14  }
0x40a: {  	v3 =	vmul.f32 v6, v3;
	v15 =	vld [tilespmem:s2+$0xC040];
	v6 =	vsub.f32 $1.000000000e+00, v4;
	v17 =	vmul.f32 $1.111111120e-01, v17;
	[tilespmem:s0+$0xE030] =	vst v9;
	s0 =	smov.u32 s29;
	s29 =	smov.u32 s2  }
0x40b: {  	v18 =	vmul.f32 v4, v0;
	v8 =	vmul.f32 v10, v8;
	v0 =	vld [tilespmem:s29+$0xA010];
	v4 =	vsub.f32 $1.000000000e+00, v5;
	[tilespmem:s0+$0xE040] =	vst v14  }
0x40c: {  	v14 =	vmul.f32 v5, v2;
	v11 =	vmul.f32 v6, v11;
	v2 =	vld [tilespmem:s29+$0xA020];
	v5 =	vsub.f32 $1.000000000e+00, v7  }
.Ltmp17:
0x40d: {  	v9 =	vmul.f32 v7, v1;
	v19 =	vsub.f32 $1.000000000e+00, v16;
	v12 =	vmul.f32 v4, v12;
	v1 =	vld [tilespmem:s29+$0xA030];
	(pc) =	sbr.rel @p1 .LBB2_32-.Ltmp17, $4  }
0x40e: {  	v20 =	vadd.f32 v8, v3;
	v6 =	vld [tilespmem:s29+$0xC000];
	v7 =	vsub.f32 $1.000000000e+00, v13;
	v10 =	vmul.f32 v5, v17;
	v3 =	vmovc v13  }
0x40f: {  	v18 =	vadd.f32 v11, v18;
	v4 =	vld [tilespmem:s29+$0xC010];
	v17 =	vmul.f32 $1.111111120e-01, v19;
	v19 =	vsub.f32 $1.000000000e+00, v15  }
0x410: {  	v13 =	vadd.f32 v12, v14;
	v8 =	vmul.f32 $1.111111120e-01, v7;
	v11 =	vsub.f32 $1.000000000e+00, v0;
	v5 =	vld [tilespmem:s29+$0xC020];
	[tilespmem:s0+$0xE000] =	vst v20  }
0x411: {  	s2 =	sshra.s32 s3, $0x2;
	s3 =	sadd.s32 $0x140, s3;
	v14 =	vmul.f32 v15, v16;
	v12 =	vsub.f32 $1.000000000e+00, v2;
	v7 =	vld [tilespmem:s29+$0xC030];
	v15 =	vmul.f32 v19, v17;
	[tilespmem:s0+$0xE010] =	vst v18  }
0x412: {  	v16 =	vld [tilespmem:s2+$0xA040];
	[tilespmem:s0+$0xE020] =	vst v13;
	v9 =	vadd.f32 v10, v9  }
0x413: {  	v17 =	vsub.f32 $1.000000000e+00, v1;
	v37 =	vld [tilespmem:s2+$0xA000];
	v14 =	vadd.f32 v15, v14  }
0x414: {  	v38 =	vmul.f32 $1.111111120e-01, v11;
	v13 =	vld [tilespmem:s2+$0xC040];
	v39 =	vsub.f32 $1.000000000e+00, v6;
	v12 =	vmul.f32 $1.111111120e-01, v12;
	[tilespmem:s0+$0xE030] =	vst v9  }
0x415: {  	v3 =	vmul.f32 v6, v3;
	v41 =	vsub.f32 $1.000000000e+00, v4;
	v17 =	vmul.f32 $1.111111120e-01, v17;
	v40 =	vld [tilespmem:s2+$0xA010];
	[tilespmem:s29+$0xE040] =	vst v14  }
0x416: {  	v0 =	vmul.f32 v4, v0;
	v8 =	vmul.f32 v39, v8;
	v43 =	vld [tilespmem:s2+$0xA020]  }
0x417: {  	v42 =	vsub.f32 $1.000000000e+00, v5;
	v2 =	vmul.f32 v5, v2;
	v6 =	vmul.f32 v41, v38;
	v44 =	vld [tilespmem:s2+$0xA030]  }
0x418: {  	v45 =	vsub.f32 $1.000000000e+00, v7;
	v47 =	vld [tilespmem:s2+$0xC000];
	v48 =	vmul.f32 v7, v1;
	v46 =	vsub.f32 $1.000000000e+00, v16  }
0x419: {  	v50 =	vld [tilespmem:s2+$0xC010];
	v4 =	vmul.f32 v42, v12;
	v3 =	vadd.f32 v8, v3;
	v49 =	vsub.f32 $1.000000000e+00, v37  }
0x41a: {  	v18 =	vld [tilespmem:s2+$0xC020];
	v9 =	vmul.f32 v45, v17;
	v51 =	vsub.f32 $1.000000000e+00, v13;
	v0 =	vadd.f32 v6, v0  }
0x41b: {  	v13 =	vmul.f32 v13, v16;
	v14 =	vmul.f32 $1.111111120e-01, v46;
	[tilespmem:s29+$0xE000] =	vst v3;
	v2 =	vadd.f32 v4, v2  }
0x41c: {  	v52 =	vmul.f32 $1.111111120e-01, v49;
	v53 =	vsub.f32 $1.000000000e+00, v40;
	v55 =	vld [tilespmem:s2+$0xC030];
	v1 =	vadd.f32 v9, v48  }
0x41d: {  	v54 =	vsub.f32 $1.000000000e+00, v43;
	v14 =	vmul.f32 v51, v14;
	v56 =	vsub.f32 $1.000000000e+00, v44  }
0x41e: {  	v57 =	vsub.f32 $1.000000000e+00, v47;
	v10 =	vmul.f32 v47, v37;
	v58 =	vsub.f32 $1.000000000e+00, v50  }
0x41f: {  	v60 =	vsub.f32 $1.000000000e+00, v18;
	v61 =	vmul.f32 v50, v40;
	v7 =	vmul.f32 $1.111111120e-01, v53  }
0x420: {  	[tilespmem:s29+$0xE010] =	vst v0;
	v3 =	vmul.f32 $1.111111120e-01, v54;
	v13 =	vadd.f32 v14, v13;
	v6 =	vmul.f32 v57, v52  }
0x421: {  	[tilespmem:s29+$0xE020] =	vst v2;
	v59 =	vmul.f32 $1.111111120e-01, v56;
	v7 =	vmul.f32 v58, v7;
	v62 =	vsub.f32 $1.000000000e+00, v55  }
0x422: {  	v63 =	vmul.f32 v18, v43;
	[tilespmem:s29+$0xE030] =	vst v1;
	v3 =	vmul.f32 v60, v3;
	v6 =	vadd.f32 v6, v10  }
0x423: {  	[tilespmem:s2+$0xE040] =	vst v13;
	v4 =	vmul.f32 v55, v44;
	v2 =	vadd.f32 v7, v61;
	v0 =	vmul.f32 v62, v59  }
.Ltmp18:
0x424: {  	[tilespmem:s2+$0xE000] =	vst v6;
	v1 =	vadd.f32 v3, v63;
	(pc) =	sbr.rel @p0 .LBB2_37-.Ltmp18, $4  }
0x425: {  	[tilespmem:s2+$0xE010] =	vst v2;
	v0 =	vadd.f32 v0, v4  }
0x426: {  	[tilespmem:s2+$0xE020] =	vst v1  }
0x427: {  	s0 =	simm.s32 $0x4;
	[tilespmem:s2+$0xE030] =	vst v0  }
0x428: {  	[hbm4b:s4+s1] =	stream.linear.scatter [tilespmem:s22], [sflag:$0x4], $0xFA0, $0x38;
	[tilespmem:$0x10000] =	vst v63  }
0x429: {  	_ =	swait.ge [sflag:s23], $0xFA0  }
0x42a: {  	[sflag:s23] =	ssyncset.done $0x0  }
0x42b: {  	[sflag:s23] =	ssyncadd.s32 $0xFFFFF060  }
0x42c: {  	_ =	swait.ge [sflag:s23], $0xFA0  }
0x42d: {  	[sflag:s23] =	ssyncset.done $0x0  }
0x42e: {  	[sflag:s23] =	ssyncadd.s32 $0xFFFFF060  }
0x42f: {  	_ =	swait.ge [sflag:s26], $0xFA0  }
0x430: {  	[sflag:s26] =	ssyncset.done $0x0  }
0x431: {  	s0 =	simm.s32 $0x0;
	[sflag:s26] =	ssyncadd.s32 $0xFFFFF060  }
0x432: {  	v0 =	vld [tilespmem:s0+$0xB040]  }
0x433: {  	v1 =	vld [tilespmem:s0+$0xB000]  }
0x434: {  	v2 =	vld [tilespmem:s0+$0xD040]  }
0x435: {  	v4 =	vld [tilespmem:s0+$0xB010]  }
0x436: {  	v5 =	vld [tilespmem:s0+$0xB020]  }
0x437: {  	v7 =	vld [tilespmem:s0+$0xB030]  }
0x438: {  	v6 =	vld [tilespmem:s0+$0xD000];
	v3 =	vsub.f32 $1.000000000e+00, v0  }
0x439: {  	v8 =	vld [tilespmem:s0+$0xD010]  }
0x43a: {  	s29 =	simm.s32 $0x50;
	v10 =	vld [tilespmem:s0+$0xD020];
	v9 =	vsub.f32 $1.000000000e+00, v2;
	v3 =	vmul.f32 $1.111111120e-01, v3  }
0x43b: {  	v14 =	vld [tilespmem:s29+$0xB040];
	v0 =	vmul.f32 v2, v0;
	v12 =	vsub.f32 $1.000000000e+00, v4  }
0x43c: {  	v15 =	vld [tilespmem:s29+$0xD040];
	v13 =	vsub.f32 $1.000000000e+00, v5;
	v16 =	vsub.f32 $1.000000000e+00, v7;
	v2 =	vmul.f32 v9, v3  }
0x43d: {  	v11 =	vld [tilespmem:s0+$0xD030];
	v17 =	vsub.f32 $1.000000000e+00, v6;
	v18 =	vmul.f32 v6, v1;
	v9 =	vsub.f32 $1.000000000e+00, v1  }
0x43e: {  	v6 =	vsub.f32 $1.000000000e+00, v8;
	v8 =	vmul.f32 v8, v4;
	v2 =	vadd.f32 v2, v0  }
0x43f: {  	v4 =	vsub.f32 $1.000000000e+00, v10;
	v12 =	vmul.f32 $1.111111120e-01, v12;
	v3 =	vld [tilespmem:s29+$0xB000];
	v9 =	vmul.f32 $1.111111120e-01, v9  }
0x440: {  	v19 =	vsub.f32 $1.000000000e+00, v14;
	v13 =	vmul.f32 $1.111111120e-01, v13;
	v16 =	vmul.f32 $1.111111120e-01, v16;
	v0 =	vld [tilespmem:s29+$0xB010];
	[tilespmem:s0+$0xF040] =	vst v2  }
0x441: {  	v63 =	vsub.f32 $1.000000000e+00, v15;
	v12 =	vmul.f32 v6, v12;
	v9 =	vmul.f32 v17, v9;
	v2 =	vld [tilespmem:s29+$0xB020]  }
0x442: {  	v13 =	vmul.f32 v4, v13;
	v17 =	vmul.f32 v10, v5;
	v5 =	vsub.f32 $1.000000000e+00, v11;
	v1 =	vld [tilespmem:s29+$0xB030]  }
0x443: {  	v20 =	vadd.f32 v12, v8;
	v6 =	vld [tilespmem:s29+$0xD000];
	v18 =	vadd.f32 v9, v18;
	v9 =	vmul.f32 v11, v7  }
0x444: {  	v4 =	vld [tilespmem:s29+$0xD010];
	v7 =	vsub.f32 $1.000000000e+00, v3;
	v10 =	vmul.f32 v5, v16;
	v16 =	vmul.f32 $1.111111120e-01, v19  }
0x445: {  	v14 =	vmul.f32 v15, v14;
	v5 =	vld [tilespmem:s29+$0xD020];
	v13 =	vadd.f32 v13, v17;
	v11 =	vsub.f32 $1.000000000e+00, v0;
	[tilespmem:s0+$0xF000] =	vst v18  }
0x446: {  	s2 =	simm.s32 $0xA0;
	s3 =	simm.s32 $0x3C0;
	v8 =	vmul.f32 $1.111111120e-01, v7;
	v15 =	vmul.f32 v63, v16;
	v7 =	vld [tilespmem:s29+$0xD030];
	[tilespmem:s0+$0xF010] =	vst v20;
	v12 =	vsub.f32 $1.000000000e+00, v2  }
.LBB2_35:
0x447: {  	p1 =	sne.s32 s3, $0x3D40;
	v16 =	vld [tilespmem:s2+$0xB040];
	v11 =	vmul.f32 $1.111111120e-01, v11;
	v17 =	vsub.f32 $1.000000000e+00, v1;
	[tilespmem:s0+$0xF020] =	vst v13;
	v9 =	vadd.f32 v10, v9  }
0x448: {  	v10 =	vsub.f32 $1.000000000e+00, v6;
	v12 =	vmul.f32 $1.111111120e-01, v12;
	v14 =	vadd.f32 v15, v14;
	v13 =	vld [tilespmem:s2+$0xB000]  }
0x449: {  	v3 =	vmul.f32 v6, v3;
	v6 =	vsub.f32 $1.000000000e+00, v4;
	v15 =	vld [tilespmem:s2+$0xD040];
	v17 =	vmul.f32 $1.111111120e-01, v17;
	[tilespmem:s0+$0xF030] =	vst v9;
	s0 =	smov.u32 s29;
	s29 =	smov.u32 s2  }
0x44a: {  	v18 =	vmul.f32 v4, v0;
	v4 =	vsub.f32 $1.000000000e+00, v5;
	v8 =	vmul.f32 v10, v8;
	v0 =	vld [tilespmem:s29+$0xB010];
	[tilespmem:s0+$0xF040] =	vst v14  }
0x44b: {  	v11 =	vmul.f32 v6, v11;
	v14 =	vmul.f32 v5, v2;
	v5 =	vsub.f32 $1.000000000e+00, v7;
	v2 =	vld [tilespmem:s29+$0xB020]  }
.Ltmp19:
0x44c: {  	v12 =	vmul.f32 v4, v12;
	v9 =	vmul.f32 v7, v1;
	v19 =	vsub.f32 $1.000000000e+00, v16;
	v1 =	vld [tilespmem:s29+$0xB030];
	(pc) =	sbr.rel @p1 .LBB2_35-.Ltmp19, $4  }
0x44d: {  	v20 =	vadd.f32 v8, v3;
	v10 =	vmul.f32 v5, v17;
	v6 =	vld [tilespmem:s29+$0xD000];
	v7 =	vsub.f32 $1.000000000e+00, v13;
	v3 =	vmovc v13  }
0x44e: {  	v18 =	vadd.f32 v11, v18;
	v4 =	vld [tilespmem:s29+$0xD010];
	v17 =	vmul.f32 $1.111111120e-01, v19;
	v19 =	vsub.f32 $1.000000000e+00, v15  }
0x44f: {  	v13 =	vadd.f32 v12, v14;
	v8 =	vmul.f32 $1.111111120e-01, v7;
	v11 =	vsub.f32 $1.000000000e+00, v0;
	v5 =	vld [tilespmem:s29+$0xD020];
	[tilespmem:s0+$0xF000] =	vst v20  }
0x450: {  	s2 =	sshra.s32 s3, $0x2;
	s3 =	sadd.s32 $0x140, s3;
	v14 =	vmul.f32 v15, v16;
	v12 =	vsub.f32 $1.000000000e+00, v2;
	v7 =	vld [tilespmem:s29+$0xD030];
	v15 =	vmul.f32 v19, v17;
	[tilespmem:s0+$0xF010] =	vst v18  }
.Ltmp20:
0x451: {  	_ = 	snop;
	(pc) =	sbr.rel .LBB2_36-.Ltmp20, $1  }
0x452: {  	_ =	sdelay $0x3  }
.LBB2_38:
0x453: {  	_ =	sfence.sel $0x180000  }
0x454: {  	[bflag:$0x0] =	sbarrier.arrive $0xFFFF  }
0x455: {  	_ =	strace $0x90000047  }
0x456: {  	s0 =	stileid.u32;
	[bflag:$0x2] =	sbarrier.arrive $0xFFFF  }
0x457: {  	p0 =	sne.s32 s0, $0x0;
	s0 =	rddreg [dreg:$0x6]  }
0x458: {  	s0 =	sadd.s32 @!p0 $0x100000, s0  }
0x459: {  	[sflag:s0] =	ssyncadd.tile.s32 @!p0 $0x1;
	_ =	shalt  }
.Lfunc_end2:
_tile_overlayer_lowered:
.L_overlay_start_2:
0x45a: {  	(tag) =	ssettag $0x2  }
0x45b: {  	s0 =	rddreg [dreg:$0x0];
	s2 =	stileid.u32  }
0x45c: {  	s1 =	rddreg [dreg:$0x1];
	p0 =	sne.s32 s2, $0x0  }
0x45d: {  	s3 =	rddreg [dreg:$0x2];
	[bflag:$0x3] =	sbarrier.arrive $0xFFFF;
	s2 =	simm.s32 @!p0 $0x1C06  }
0x45e: {  	[timem:s3], [sflag:s2] =	dma.local @!p0 [hbm:s0], s1  }
0x45f: {  	s0 =	simm.s32 @!p0 $0x6  }
0x460: {  	_ =	swait.ge @!p0 [sflag:s0], s1  }
0x461: {  	s1 =	ssub.s32 @!p0 $0x0, s1;
	[sflag:s0] =	ssyncset.done @!p0 $0x0  }
0x462: {  	[sflag:s0] =	ssyncadd.s32 @!p0 s1  }
0x463: {  	[bflag:$0x3] =	sbarrier.arrive $0xFFFF  }
0x464: {  	_ =	shalt  }

</sc_bundles>
